<compile_context>
chip_gen: v7x
topology: tpu7x:2x2x1
jax: 0.10.2.dev20260603
libtpu: 0.0.44.dev20260713+nightly
codegen_flags: <defaults>
</compile_context>

<pallas_src>
import functools

import jax
import jax.numpy as jnp
from jax import lax
from jax.experimental import pallas as pl
from jax.experimental.pallas import tpu as pltpu
from jax.experimental.pallas import tpu_sc as plsc

N = 10000
E = 160000
D_IN = 256
D_H = 512
G = 64
N_CLS = 6

NSC = 2
NSUB = 16
CH = 128
NPASS = 4
ROWS = 10112
RPS = ROWS // NSUB
KD = 40
E_DEG = 32 * KD * 128
KCA = 48
NCHA = 212
NSLOT = 4
E_AGG = NSUB * NCHA * KCA
RB = 1000
NRB = N // RB

_mesh = plsc.VectorSubcoreMesh(core_axis_name="c", subcore_axis_name="s",
                               num_cores=NSC, num_subcores=NSUB)


@functools.partial(
    pl.kernel,
    out_type=jax.ShapeDtypeStruct((NSC, ROWS, CH), jnp.float32),
    scratch_types=[
        pltpu.VMEM((128,), jnp.int32),
        pltpu.VMEM((128, CH), jnp.float32),
        pltpu.VMEM_SHARED((ROWS, CH), jnp.float32),
    ],
    mesh=_mesh,
)
def _deg_sc(dst_hbm, ones_hbm, zero_hbm, out_hbm, idx_v, ones_v, acc_sh):
    c = lax.axis_index("c")
    s = lax.axis_index("s")
    w = s * NSC + c
    pltpu.sync_copy(ones_hbm, ones_v)
    pltpu.sync_copy(zero_hbm, acc_sh.at[pl.ds(s * RPS, RPS)])
    plsc.subcore_barrier()

    def body(j, carry):
        pltpu.sync_copy(dst_hbm.at[w, j], idx_v)
        pltpu.sync_copy(ones_v, acc_sh.at[idx_v], add=True)
        return carry

    lax.fori_loop(0, KD, body, 0)
    plsc.subcore_barrier()
    pltpu.sync_copy(acc_sh.at[pl.ds(s * RPS, RPS)],
                    out_hbm.at[c, pl.ds(s * RPS, RPS)])


@functools.partial(
    pl.kernel,
    out_type=jax.ShapeDtypeStruct((NPASS, ROWS, CH), jnp.float32),
    scratch_types=(
        [pltpu.VMEM((NCHA * KCA,), jnp.int32),
         pltpu.VMEM((NCHA * KCA,), jnp.int32)]
        + [pltpu.VMEM((KCA, CH), jnp.float32) for _ in range(NSLOT)]
        + [pltpu.VMEM_SHARED((ROWS, CH), jnp.float32)]
        + [pltpu.SemaphoreType.DMA for _ in range(2 * NSLOT)]
    ),
    mesh=_mesh,
)
def _agg_sc(table_hbm, src_hbm, dst_hbm, zero_hbm, out_hbm,
            srcv, dstv, *rest):
    sts = rest[:NSLOT]
    acc_sh = rest[NSLOT]
    gsem = rest[NSLOT + 1:2 * NSLOT + 1]
    ssem = rest[2 * NSLOT + 1:]
    c = lax.axis_index("c")
    s = lax.axis_index("s")
    pltpu.sync_copy(dst_hbm.at[s], dstv)

    def gather(j, b):
        pltpu.async_copy(table_hbm.at[srcv.at[pl.ds(j * KCA, KCA)]],
                         sts[b], gsem[b])

    def gwait(b):
        pltpu.make_async_copy(table_hbm.at[srcv.at[pl.ds(0, KCA)]],
                              sts[b], gsem[b]).wait()

    def scatter(j, b):
        pltpu.async_copy(sts[b], acc_sh.at[dstv.at[pl.ds(j * KCA, KCA)]],
                         ssem[b], add=True)

    def swait(b):
        pltpu.make_async_copy(sts[b], acc_sh.at[dstv.at[pl.ds(0, KCA)]],
                              ssem[b]).wait()

    for k in range(2):
        p = c + 2 * k
        pltpu.sync_copy(src_hbm.at[p, s], srcv)
        pltpu.sync_copy(zero_hbm, acc_sh.at[pl.ds(s * RPS, RPS)])
        plsc.subcore_barrier()

        gather(0, 0)
        gather(1, 1)
        gather(2, 2)
        gwait(0)
        scatter(0, 0)
        gather(3, 3)
        gwait(1)
        scatter(1, 1)

        def body(tt, cc):
            for v in range(NSLOT):
                j = 2 + NSLOT * tt + v
                swait(v)
                gather(j + 2, v)
                gwait((2 + v) % NSLOT)
                scatter(j, (2 + v) % NSLOT)
            return cc

        lax.fori_loop(0, (NCHA - 4) // NSLOT, body, 0)
        gwait((NCHA - 2) % NSLOT)
        scatter(NCHA - 2, (NCHA - 2) % NSLOT)
        gwait((NCHA - 1) % NSLOT)
        scatter(NCHA - 1, (NCHA - 1) % NSLOT)
        for b in range(NSLOT):
            swait(b)
        plsc.subcore_barrier()
        pltpu.sync_copy(acc_sh.at[pl.ds(s * RPS, RPS)],
                        out_hbm.at[p, pl.ds(s * RPS, RPS)])
        if k == 0:
            plsc.subcore_barrier()


def _p0_body(x_ref, w_ref, deg_ref, hp_ref, dinv_ref):
    deg = deg_ref[0, :, 0:1] + deg_ref[1, :, 0:1] + 1.0
    dinv = lax.rsqrt(deg)
    h = jnp.dot(x_ref[...], w_ref[...], preferred_element_type=jnp.float32)
    hp = h * dinv
    dinv_ref[...] = dinv
    for ci in range(NPASS):
        hp_ref[ci] = hp[:, ci * CH:(ci + 1) * CH]


def _p12_body(agg_ref, hp_ref, dinv_ref, b_ref, w_ref, out_ref):
    dinv = dinv_ref[...]
    parts = []
    for ci in range(NPASS):
        t = dinv * (agg_ref[ci] + hp_ref[ci]) + b_ref[0:1, ci * CH:(ci + 1) * CH]
        parts.append(jnp.maximum(t, 0.0))
    t_full = jnp.concatenate(parts, axis=1)
    h = jnp.dot(t_full, w_ref[...], preferred_element_type=jnp.float32)
    hp = h * dinv
    for ci in range(NPASS):
        out_ref[ci] = hp[:, ci * CH:(ci + 1) * CH]


def _p3_body(agg_ref, hp_ref, dinv_ref, b_ref, batch_ref, wl_ref, bl_ref,
             hg_ref, lsm_ref, acc_ref, cnt_ref):
    i = pl.program_id(0)
    dinv = dinv_ref[...]
    parts = []
    for ci in range(NPASS):
        parts.append(dinv * (agg_ref[ci] + hp_ref[ci])
                     + b_ref[0:1, ci * CH:(ci + 1) * CH])
    h = jnp.concatenate(parts, axis=1)
    rows = lax.broadcasted_iota(jnp.int32, (G, RB), 0)
    oh = jnp.where(rows == batch_ref[0], 1.0, 0.0)
    pooled = jnp.dot(oh, h, preferred_element_type=jnp.float32)
    cnt = jnp.sum(oh, axis=1, keepdims=True)

    @pl.when(i == 0)
    def _init():
        acc_ref[...] = jnp.zeros((G, D_H), jnp.float32)
        cnt_ref[...] = jnp.zeros((G, 128), jnp.float32)

    acc_ref[...] += pooled
    cnt_ref[...] += jnp.broadcast_to(cnt, (G, 128))

    @pl.when(i == NRB - 1)
    def _fin():
        counts = cnt_ref[:, 0:1]
        hg = acc_ref[...] / jnp.maximum(counts, 1.0)
        hg_ref[...] = hg
        logits = jnp.dot(hg, wl_ref[...],
                         preferred_element_type=jnp.float32) + bl_ref[...]
        m = jnp.max(logits, axis=1, keepdims=True)
        ex = jnp.exp(logits - m)
        lsm_ref[...] = (logits - m) - jnp.log(jnp.sum(ex, axis=1, keepdims=True))


_f32 = jnp.float32

_p0 = pl.pallas_call(
    _p0_body,
    grid=(NRB,),
    in_specs=[
        pl.BlockSpec((RB, D_IN), lambda i: (i, 0)),
        pl.BlockSpec((D_IN, D_H), lambda i: (0, 0)),
        pl.BlockSpec((NSC, RB, CH), lambda i: (0, i, 0)),
    ],
    out_specs=[
        pl.BlockSpec((NPASS, RB, CH), lambda i: (0, i, 0)),
        pl.BlockSpec((RB, 1), lambda i: (i, 0)),
    ],
    out_shape=[
        jax.ShapeDtypeStruct((NPASS, N, CH), _f32),
        jax.ShapeDtypeStruct((N, 1), _f32),
    ],
)

_p12 = pl.pallas_call(
    _p12_body,
    grid=(NRB,),
    in_specs=[
        pl.BlockSpec((NPASS, RB, CH), lambda i: (0, i, 0)),
        pl.BlockSpec((NPASS, RB, CH), lambda i: (0, i, 0)),
        pl.BlockSpec((RB, 1), lambda i: (i, 0)),
        pl.BlockSpec((1, D_H), lambda i: (0, 0)),
        pl.BlockSpec((D_H, D_H), lambda i: (0, 0)),
    ],
    out_specs=[pl.BlockSpec((NPASS, RB, CH), lambda i: (0, i, 0))],
    out_shape=[jax.ShapeDtypeStruct((NPASS, N, CH), _f32)],
)

_p3 = pl.pallas_call(
    _p3_body,
    grid=(NRB,),
    in_specs=[
        pl.BlockSpec((NPASS, RB, CH), lambda i: (0, i, 0)),
        pl.BlockSpec((NPASS, RB, CH), lambda i: (0, i, 0)),
        pl.BlockSpec((RB, 1), lambda i: (i, 0)),
        pl.BlockSpec((1, D_H), lambda i: (0, 0)),
        pl.BlockSpec((1, 1, RB), lambda i: (i, 0, 0)),
        pl.BlockSpec((D_H, N_CLS), lambda i: (0, 0)),
        pl.BlockSpec((1, N_CLS), lambda i: (0, 0)),
    ],
    out_specs=[
        pl.BlockSpec((G, D_H), lambda i: (0, 0)),
        pl.BlockSpec((G, N_CLS), lambda i: (0, 0)),
    ],
    out_shape=[
        jax.ShapeDtypeStruct((G, D_H), _f32),
        jax.ShapeDtypeStruct((G, N_CLS), _f32),
    ],
    scratch_shapes=[
        pltpu.VMEM((G, D_H), _f32),
        pltpu.VMEM((G, 128), _f32),
    ],
)


def kernel(x, edge_index, batch, W1, b1, W2, b2, W3, b3, Wl, bl):
    src0 = edge_index[0]
    dst0 = edge_index[1]

    pad_d = jnp.full((E_DEG - E,), N, jnp.int32)
    dst_deg = jnp.concatenate([dst0, pad_d]).reshape(32, KD, 128)
    src_pad = jnp.concatenate([src0, jnp.zeros((E_AGG - E,), jnp.int32)])
    src_agg = (src_pad[None, :] + (jnp.arange(NPASS, dtype=jnp.int32) * N)[:, None]
               ).reshape(NPASS, NSUB, NCHA * KCA)
    dst_agg = jnp.concatenate(
        [dst0, jnp.full((E_AGG - E,), N, jnp.int32)]).reshape(NSUB, NCHA * KCA)

    ones128 = jnp.ones((128, CH), _f32)
    zero_agg = jnp.zeros((RPS, CH), _f32)

    degp = _deg_sc(dst_deg, ones128, zero_agg)

    h1p, dinv = _p0(x, W1, degp)
    agg1 = _agg_sc(h1p.reshape(NPASS * N, CH), src_agg, dst_agg, zero_agg)
    h2p, = _p12(agg1, h1p, dinv, b1.reshape(1, D_H), W2)
    agg2 = _agg_sc(h2p.reshape(NPASS * N, CH), src_agg, dst_agg, zero_agg)
    h3p, = _p12(agg2, h2p, dinv, b2.reshape(1, D_H), W3)
    agg3 = _agg_sc(h3p.reshape(NPASS * N, CH), src_agg, dst_agg, zero_agg)
    hg, lsm = _p3(agg3, h3p, dinv, b3.reshape(1, D_H),
                  batch.reshape(NRB, 1, RB), Wl, bl.reshape(1, N_CLS))
    return (hg, lsm)

# --- scband reference (transcript-rebuilt; emitter-appended) ---
"""Pipeline reference for scband-prot-gcn-85066122264965 (READ-ONLY COPY).

The authoritative reference and input builder live on the scoring server;
editing this copy changes nothing except your own understanding.
"""

import jax, jax.numpy as jnp
import numpy as np

N = 10000
E = 160000
G = 64
D_IN = 256
D_H = 512
N_CLS = 6


def _glorot(key, shape):
    fan_in = shape[0]
    return jax.random.normal(key, shape, dtype=jnp.float32) * (1.0 / np.sqrt(fan_in))


def setup_inputs(seed: int = 0) -> dict:
    key = jax.random.key(seed)
    ks = jax.random.split(key, 12)
    x = jax.random.normal(ks[0], (N, D_IN), dtype=jnp.float32)
    edge_index = jax.random.randint(ks[1], (2, E), 0, N, dtype=jnp.int32)
    batch = jnp.sort(jax.random.randint(ks[2], (N,), 0, G, dtype=jnp.int32))
    W1 = _glorot(ks[3], (D_IN, D_H)); b1 = jnp.zeros((D_H,), jnp.float32)
    W2 = _glorot(ks[4], (D_H, D_H)); b2 = jnp.zeros((D_H,), jnp.float32)
    W3 = _glorot(ks[5], (D_H, D_H)); b3 = jnp.zeros((D_H,), jnp.float32)
    Wl = _glorot(ks[6], (D_H, N_CLS)); bl = jnp.zeros((N_CLS,), jnp.float32)
    return {"x": x, "edge_index": edge_index, "batch": batch,
            "W1": W1, "b1": b1, "W2": W2, "b2": b2, "W3": W3, "b3": b3,
            "Wl": Wl, "bl": bl}


def _gcn_conv(h, W, b, src, dst, norm):
    # GCNConv: linear transform, normalized message, scatter-add aggregation, bias
    h = h @ W
    msg = h[src] * norm[:, None]
    out = jax.ops.segment_sum(msg, dst, num_segments=N)
    return out + b


def reference(x, edge_index, batch, W1, b1, W2, b2, W3, b3, Wl, bl):
    # add self-loops (PyG GCNConv default)
    src0, dst0 = edge_index[0], edge_index[1]
    loop = jnp.arange(N, dtype=src0.dtype)
    src = jnp.concatenate([src0, loop])
    dst = jnp.concatenate([dst0, loop])
    # symmetric normalization deg^-1/2 A_hat deg^-1/2
    deg = jax.ops.segment_sum(jnp.ones(src.shape, jnp.float32), dst, num_segments=N)
    dinv = jnp.where(deg > 0, 1.0 / jnp.sqrt(deg), 0.0)
    norm = dinv[src] * dinv[dst]
    h = jax.nn.relu(_gcn_conv(x, W1, b1, src, dst, norm))
    h = jax.nn.relu(_gcn_conv(h, W2, b2, src, dst, norm))
    h = _gcn_conv(h, W3, b3, src, dst, norm)
    # global_mean_pool over batch segment ids
    counts = jax.ops.segment_sum(jnp.ones((N,), jnp.float32), batch, num_segments=G)
    hG = jax.ops.segment_sum(h, batch, num_segments=G) / jnp.maximum(counts, 1.0)[:, None]
    # dropout p=0.5 is identity in eval mode (training=False)
    logits = hG @ Wl + bl
    return (hG, jax.nn.log_softmax(logits, axis=1))

if __name__ == "__main__":
    import jax
    _d = setup_inputs()
    print(jax.jit(kernel)(*tuple(_d.values())))

</pallas_src>

<mosaic_0001>
#map = affine_map<(d0, d1) -> (0, 0, 0)>
#map1 = affine_map<(d0, d1) -> (0, 0)>
module attributes {stable_mosaic.version = 14 : i64} {
  func.func @_deg_sc(%arg0: i32, %arg1: i32, %arg2: memref<32x40x128xi32, #tpu.memory_space<hbm>>, %arg3: memref<128x128xf32, #tpu.memory_space<hbm>>, %arg4: memref<632x128xf32, #tpu.memory_space<hbm>>, %arg5: memref<2x10112x128xf32, #tpu.memory_space<hbm>>, %arg6: memref<128xi32, #tpu.memory_space<vmem>>, %arg7: memref<128x128xf32, #tpu.memory_space<vmem>>, %arg8: memref<10112x128xf32, #tpu.memory_space<vmem_shared>>) attributes {dimension_semantics = [#tpu.dimension_semantics<core_parallel>, #tpu.dimension_semantics<subcore_parallel>], iteration_bounds = array<i64: 2, 16>, scalar_prefetch = 0 : i64, scratch_operands = 3 : i64, tpu.core_type = #tpu.core_type<sc_vector_subcore>, window_params = [{transform_indices = #map}, {transform_indices = #map1}, {transform_indices = #map1}, {transform_indices = #map}]} {
    %mul3A = arith.constant 2 : i32
    %mul3A_0 = arith.muli %arg1, %mul3A : i32
    %add3A = arith.addi %mul3A_0, %arg0 : i32
    "tpu.region"() ({
      %run_scoped3A = tpu.sem_alloc : memref<!tpu.dma_semaphore, #tpu.memory_space<semaphore_mem>>
      tpu.enqueue_dma source(%arg3 : memref<128x128xf32, #tpu.memory_space<hbm>>) target(%arg7 : memref<128x128xf32, #tpu.memory_space<vmem>>) target_semaphore(%run_scoped3A : memref<!tpu.dma_semaphore, #tpu.memory_space<semaphore_mem>>)
      tpu.wait_dma2 semaphore(%run_scoped3A : memref<!tpu.dma_semaphore, #tpu.memory_space<semaphore_mem>>) src(%arg3 : memref<128x128xf32, #tpu.memory_space<hbm>>) dst(%arg7 : memref<128x128xf32, #tpu.memory_space<vmem>>)
      tpu.yield
    }) : () -> ()
    %mul3A_1 = arith.constant 632 : i32
    %mul3A_2 = arith.muli %arg1, %mul3A_1 : i32
    "tpu.region"() ({
      %run_scoped3A = tpu.sem_alloc : memref<!tpu.dma_semaphore, #tpu.memory_space<semaphore_mem>>
      %dma_start3A = arith.constant 0 : i32
      %dma_start3A_13 = tpu.memref_slice %arg8[%mul3A_2, %dma_start3A] : memref<10112x128xf32, #tpu.memory_space<vmem_shared>> -> memref<632x128xf32, #tpu.memory_space<vmem_shared>>
      tpu.enqueue_dma source(%arg4 : memref<632x128xf32, #tpu.memory_space<hbm>>) target(%dma_start3A_13 : memref<632x128xf32, #tpu.memory_space<vmem_shared>>) target_semaphore(%run_scoped3A : memref<!tpu.dma_semaphore, #tpu.memory_space<semaphore_mem>>)
      %dma_wait3A = arith.constant 0 : i32
      %dma_wait3A_14 = tpu.memref_slice %arg8[%mul3A_2, %dma_wait3A] : memref<10112x128xf32, #tpu.memory_space<vmem_shared>> -> memref<632x128xf32, #tpu.memory_space<vmem_shared>>
      tpu.wait_dma2 semaphore(%run_scoped3A : memref<!tpu.dma_semaphore, #tpu.memory_space<semaphore_mem>>) src(%arg4 : memref<632x128xf32, #tpu.memory_space<hbm>>) dst(%dma_wait3A_14 : memref<632x128xf32, #tpu.memory_space<vmem_shared>>)
      tpu.yield
    }) : () -> ()
    %barrier3A = arith.constant 0 : index
    tpu.barrier barrier_id(%barrier3A)
    %scan3A = arith.constant 0 : i32
    %scan3A_3 = arith.constant 0 : i32
    %scan3A_4 = arith.constant 40 : i32
    %scan3A_5 = arith.addi %scan3A_3, %scan3A_4 : i32
    %scan3A_6 = arith.constant 1 : i32
    scf.for %scan3A_13 = %scan3A_3 to %scan3A_5 step %scan3A_6  : i32 {
      "tpu.region"() ({
        %run_scoped3A = tpu.sem_alloc : memref<!tpu.dma_semaphore, #tpu.memory_space<semaphore_mem>>
        %dma_start3A = arith.constant 0 : i32
        %dma_start3A_14 = tpu.memref_slice %arg2[%add3A, %scan3A_13, %dma_start3A] : memref<32x40x128xi32, #tpu.memory_space<hbm>> -> memref<1x1x128xi32, #tpu.memory_space<hbm>>
        %dma_start3A_15 = tpu.memref_squeeze %dma_start3A_14 : memref<1x1x128xi32, #tpu.memory_space<hbm>> -> memref<128xi32, #tpu.memory_space<hbm>>
        %dma_start3A_16 = arith.constant 0 : i32
        %dma_start3A_17 = tpu.memref_slice %arg2[%add3A, %scan3A_13, %dma_start3A_16] : memref<32x40x128xi32, #tpu.memory_space<hbm>> -> memref<1x1x128xi32, #tpu.memory_space<hbm>>
        %dma_start3A_18 = tpu.memref_squeeze %dma_start3A_17 : memref<1x1x128xi32, #tpu.memory_space<hbm>> -> memref<128xi32, #tpu.memory_space<hbm>>
        tpu.enqueue_dma source(%dma_start3A_18 : memref<128xi32, #tpu.memory_space<hbm>>) target(%arg6 : memref<128xi32, #tpu.memory_space<vmem>>) target_semaphore(%run_scoped3A : memref<!tpu.dma_semaphore, #tpu.memory_space<semaphore_mem>>)
        %dma_wait3A = arith.constant 0 : i32
        %dma_wait3A_19 = tpu.memref_slice %arg2[%add3A, %scan3A_13, %dma_wait3A] : memref<32x40x128xi32, #tpu.memory_space<hbm>> -> memref<1x1x128xi32, #tpu.memory_space<hbm>>
        %dma_wait3A_20 = tpu.memref_squeeze %dma_wait3A_19 : memref<1x1x128xi32, #tpu.memory_space<hbm>> -> memref<128xi32, #tpu.memory_space<hbm>>
        %dma_wait3A_21 = arith.constant 0 : i32
        %dma_wait3A_22 = tpu.memref_slice %arg2[%add3A, %scan3A_13, %dma_wait3A_21] : memref<32x40x128xi32, #tpu.memory_space<hbm>> -> memref<1x1x128xi32, #tpu.memory_space<hbm>>
        %dma_wait3A_23 = tpu.memref_squeeze %dma_wait3A_22 : memref<1x1x128xi32, #tpu.memory_space<hbm>> -> memref<128xi32, #tpu.memory_space<hbm>>
        tpu.wait_dma2 semaphore(%run_scoped3A : memref<!tpu.dma_semaphore, #tpu.memory_space<semaphore_mem>>) src(%dma_wait3A_23 : memref<128xi32, #tpu.memory_space<hbm>>) dst(%arg6 : memref<128xi32, #tpu.memory_space<vmem>>)
        tpu.yield
      }) : () -> ()
      "tpu.region"() ({
        %run_scoped3A = tpu.sem_alloc : memref<!tpu.dma_semaphore, #tpu.memory_space<semaphore_mem>>
        %dma_start3A = arith.constant 0 : i32
        %dma_start3A_14 = arith.constant 0 : i32
        %dma_start3A_15 = tpu.memref_slice %arg8[%dma_start3A, %dma_start3A_14] : memref<10112x128xf32, #tpu.memory_space<vmem_shared>> -> memref<10112x128xf32, #tpu.memory_space<vmem_shared>>
        tpu.enqueue_indirect_dma source(%arg7 : memref<128x128xf32, #tpu.memory_space<vmem>>) target(%dma_start3A_15 : memref<10112x128xf32, #tpu.memory_space<vmem_shared>>) offsets(%arg6 : memref<128xi32, #tpu.memory_space<vmem>>) semaphore(%run_scoped3A : memref<!tpu.dma_semaphore, #tpu.memory_space<semaphore_mem>>) {add = true}
        %dma_wait3A = arith.constant 0 : i32
        %dma_wait3A_16 = arith.constant 0 : i32
        %dma_wait3A_17 = tpu.memref_slice %arg8[%dma_wait3A, %dma_wait3A_16] : memref<10112x128xf32, #tpu.memory_space<vmem_shared>> -> memref<10112x128xf32, #tpu.memory_space<vmem_shared>>
        tpu.wait_indirect_dma semaphore(%run_scoped3A : memref<!tpu.dma_semaphore, #tpu.memory_space<semaphore_mem>>) src(%arg7 : memref<128x128xf32, #tpu.memory_space<vmem>>) dst(%dma_wait3A_17 : memref<10112x128xf32, #tpu.memory_space<vmem_shared>>)
        tpu.yield
      }) : () -> ()
    }
    %scan3A_7 = arith.constant 40 : i32
    %barrier3A_8 = arith.constant 0 : index
    tpu.barrier barrier_id(%barrier3A_8)
    %mul3A_9 = arith.constant 632 : i32
    %mul3A_10 = arith.muli %arg1, %mul3A_9 : i32
    %mul3A_11 = arith.constant 632 : i32
    %mul3A_12 = arith.muli %arg1, %mul3A_11 : i32
    "tpu.region"() ({
      %run_scoped3A = tpu.sem_alloc : memref<!tpu.dma_semaphore, #tpu.memory_space<semaphore_mem>>
      %dma_start3A = arith.constant 0 : i32
      %dma_start3A_13 = tpu.memref_slice %arg5[%arg0, %mul3A_12, %dma_start3A] : memref<2x10112x128xf32, #tpu.memory_space<hbm>> -> memref<1x632x128xf32, #tpu.memory_space<hbm>>
      %dma_start3A_14 = tpu.memref_squeeze %dma_start3A_13 : memref<1x632x128xf32, #tpu.memory_space<hbm>> -> memref<632x128xf32, #tpu.memory_space<hbm>>
      %dma_start3A_15 = arith.constant 0 : i32
      %dma_start3A_16 = tpu.memref_slice %arg8[%mul3A_10, %dma_start3A_15] : memref<10112x128xf32, #tpu.memory_space<vmem_shared>> -> memref<632x128xf32, #tpu.memory_space<vmem_shared>>
      tpu.enqueue_dma source(%dma_start3A_16 : memref<632x128xf32, #tpu.memory_space<vmem_shared>>) target(%dma_start3A_14 : memref<632x128xf32, #tpu.memory_space<hbm>>) target_semaphore(%run_scoped3A : memref<!tpu.dma_semaphore, #tpu.memory_space<semaphore_mem>>)
      %dma_wait3A = arith.constant 0 : i32
      %dma_wait3A_17 = tpu.memref_slice %arg5[%arg0, %mul3A_12, %dma_wait3A] : memref<2x10112x128xf32, #tpu.memory_space<hbm>> -> memref<1x632x128xf32, #tpu.memory_space<hbm>>
      %dma_wait3A_18 = tpu.memref_squeeze %dma_wait3A_17 : memref<1x632x128xf32, #tpu.memory_space<hbm>> -> memref<632x128xf32, #tpu.memory_space<hbm>>
      %dma_wait3A_19 = arith.constant 0 : i32
      %dma_wait3A_20 = tpu.memref_slice %arg8[%mul3A_10, %dma_wait3A_19] : memref<10112x128xf32, #tpu.memory_space<vmem_shared>> -> memref<632x128xf32, #tpu.memory_space<vmem_shared>>
      tpu.wait_dma2 semaphore(%run_scoped3A : memref<!tpu.dma_semaphore, #tpu.memory_space<semaphore_mem>>) src(%dma_wait3A_20 : memref<632x128xf32, #tpu.memory_space<vmem_shared>>) dst(%dma_wait3A_18 : memref<632x128xf32, #tpu.memory_space<hbm>>)
      tpu.yield
    }) : () -> ()
    return
  }
}

#map = affine_map<(d0, d1) -> (0, 0)>
#map1 = affine_map<(d0, d1) -> (0, 0, 0)>
module attributes {stable_mosaic.version = 14 : i64} {
  func.func @_agg_sc(%arg0: i32, %arg1: i32, %arg2: memref<40000x128xf32, #tpu.memory_space<hbm>>, %arg3: memref<4x16x10176xi32, #tpu.memory_space<hbm>>, %arg4: memref<16x10176xi32, #tpu.memory_space<hbm>>, %arg5: memref<632x128xf32, #tpu.memory_space<hbm>>, %arg6: memref<4x10112x128xf32, #tpu.memory_space<hbm>>, %arg7: memref<10176xi32, #tpu.memory_space<vmem>>, %arg8: memref<10176xi32, #tpu.memory_space<vmem>>, %arg9: memref<48x128xf32, #tpu.memory_space<vmem>>, %arg10: memref<48x128xf32, #tpu.memory_space<vmem>>, %arg11: memref<48x128xf32, #tpu.memory_space<vmem>>, %arg12: memref<48x128xf32, #tpu.memory_space<vmem>>, %arg13: memref<10112x128xf32, #tpu.memory_space<vmem_shared>>, %arg14: memref<!tpu.dma_semaphore, #tpu.memory_space<semaphore_mem>>, %arg15: memref<!tpu.dma_semaphore, #tpu.memory_space<semaphore_mem>>, %arg16: memref<!tpu.dma_semaphore, #tpu.memory_space<semaphore_mem>>, %arg17: memref<!tpu.dma_semaphore, #tpu.memory_space<semaphore_mem>>, %arg18: memref<!tpu.dma_semaphore, #tpu.memory_space<semaphore_mem>>, %arg19: memref<!tpu.dma_semaphore, #tpu.memory_space<semaphore_mem>>, %arg20: memref<!tpu.dma_semaphore, #tpu.memory_space<semaphore_mem>>, %arg21: memref<!tpu.dma_semaphore, #tpu.memory_space<semaphore_mem>>) attributes {dimension_semantics = [#tpu.dimension_semantics<core_parallel>, #tpu.dimension_semantics<subcore_parallel>], iteration_bounds = array<i64: 2, 16>, scalar_prefetch = 0 : i64, scratch_operands = 15 : i64, tpu.core_type = #tpu.core_type<sc_vector_subcore>, window_params = [{transform_indices = #map}, {transform_indices = #map1}, {transform_indices = #map}, {transform_indices = #map}, {transform_indices = #map1}]} {
    "tpu.region"() ({
      %run_scoped3A = tpu.sem_alloc : memref<!tpu.dma_semaphore, #tpu.memory_space<semaphore_mem>>
      %dma_start3A_187 = arith.constant 0 : i32
      %dma_start3A_188 = tpu.memref_slice %arg4[%arg1, %dma_start3A_187] : memref<16x10176xi32, #tpu.memory_space<hbm>> -> memref<1x10176xi32, #tpu.memory_space<hbm>>
      %dma_start3A_189 = tpu.memref_squeeze %dma_start3A_188 : memref<1x10176xi32, #tpu.memory_space<hbm>> -> memref<10176xi32, #tpu.memory_space<hbm>>
      %dma_start3A_190 = arith.constant 0 : i32
      %dma_start3A_191 = tpu.memref_slice %arg4[%arg1, %dma_start3A_190] : memref<16x10176xi32, #tpu.memory_space<hbm>> -> memref<1x10176xi32, #tpu.memory_space<hbm>>
      %dma_start3A_192 = tpu.memref_squeeze %dma_start3A_191 : memref<1x10176xi32, #tpu.memory_space<hbm>> -> memref<10176xi32, #tpu.memory_space<hbm>>
      tpu.enqueue_dma source(%dma_start3A_192 : memref<10176xi32, #tpu.memory_space<hbm>>) target(%arg8 : memref<10176xi32, #tpu.memory_space<vmem>>) target_semaphore(%run_scoped3A : memref<!tpu.dma_semaphore, #tpu.memory_space<semaphore_mem>>)
      %dma_wait3A_193 = arith.constant 0 : i32
      %dma_wait3A_194 = tpu.memref_slice %arg4[%arg1, %dma_wait3A_193] : memref<16x10176xi32, #tpu.memory_space<hbm>> -> memref<1x10176xi32, #tpu.memory_space<hbm>>
      %dma_wait3A_195 = tpu.memref_squeeze %dma_wait3A_194 : memref<1x10176xi32, #tpu.memory_space<hbm>> -> memref<10176xi32, #tpu.memory_space<hbm>>
      %dma_wait3A_196 = arith.constant 0 : i32
      %dma_wait3A_197 = tpu.memref_slice %arg4[%arg1, %dma_wait3A_196] : memref<16x10176xi32, #tpu.memory_space<hbm>> -> memref<1x10176xi32, #tpu.memory_space<hbm>>
      %dma_wait3A_198 = tpu.memref_squeeze %dma_wait3A_197 : memref<1x10176xi32, #tpu.memory_space<hbm>> -> memref<10176xi32, #tpu.memory_space<hbm>>
      tpu.wait_dma2 semaphore(%run_scoped3A : memref<!tpu.dma_semaphore, #tpu.memory_space<semaphore_mem>>) src(%dma_wait3A_198 : memref<10176xi32, #tpu.memory_space<hbm>>) dst(%arg8 : memref<10176xi32, #tpu.memory_space<vmem>>)
      tpu.yield
    }) : () -> ()
    %add3A = arith.constant 0 : i32
    %add3A_0 = arith.addi %arg0, %add3A : i32
    "tpu.region"() ({
      %run_scoped3A = tpu.sem_alloc : memref<!tpu.dma_semaphore, #tpu.memory_space<semaphore_mem>>
      %dma_start3A_187 = arith.constant 0 : i32
      %dma_start3A_188 = tpu.memref_slice %arg3[%add3A_0, %arg1, %dma_start3A_187] : memref<4x16x10176xi32, #tpu.memory_space<hbm>> -> memref<1x1x10176xi32, #tpu.memory_space<hbm>>
      %dma_start3A_189 = tpu.memref_squeeze %dma_start3A_188 : memref<1x1x10176xi32, #tpu.memory_space<hbm>> -> memref<10176xi32, #tpu.memory_space<hbm>>
      %dma_start3A_190 = arith.constant 0 : i32
      %dma_start3A_191 = tpu.memref_slice %arg3[%add3A_0, %arg1, %dma_start3A_190] : memref<4x16x10176xi32, #tpu.memory_space<hbm>> -> memref<1x1x10176xi32, #tpu.memory_space<hbm>>
      %dma_start3A_192 = tpu.memref_squeeze %dma_start3A_191 : memref<1x1x10176xi32, #tpu.memory_space<hbm>> -> memref<10176xi32, #tpu.memory_space<hbm>>
      tpu.enqueue_dma source(%dma_start3A_192 : memref<10176xi32, #tpu.memory_space<hbm>>) target(%arg7 : memref<10176xi32, #tpu.memory_space<vmem>>) target_semaphore(%run_scoped3A : memref<!tpu.dma_semaphore, #tpu.memory_space<semaphore_mem>>)
      %dma_wait3A_193 = arith.constant 0 : i32
      %dma_wait3A_194 = tpu.memref_slice %arg3[%add3A_0, %arg1, %dma_wait3A_193] : memref<4x16x10176xi32, #tpu.memory_space<hbm>> -> memref<1x1x10176xi32, #tpu.memory_space<hbm>>
      %dma_wait3A_195 = tpu.memref_squeeze %dma_wait3A_194 : memref<1x1x10176xi32, #tpu.memory_space<hbm>> -> memref<10176xi32, #tpu.memory_space<hbm>>
      %dma_wait3A_196 = arith.constant 0 : i32
      %dma_wait3A_197 = tpu.memref_slice %arg3[%add3A_0, %arg1, %dma_wait3A_196] : memref<4x16x10176xi32, #tpu.memory_space<hbm>> -> memref<1x1x10176xi32, #tpu.memory_space<hbm>>
      %dma_wait3A_198 = tpu.memref_squeeze %dma_wait3A_197 : memref<1x1x10176xi32, #tpu.memory_space<hbm>> -> memref<10176xi32, #tpu.memory_space<hbm>>
      tpu.wait_dma2 semaphore(%run_scoped3A : memref<!tpu.dma_semaphore, #tpu.memory_space<semaphore_mem>>) src(%dma_wait3A_198 : memref<10176xi32, #tpu.memory_space<hbm>>) dst(%arg7 : memref<10176xi32, #tpu.memory_space<vmem>>)
      tpu.yield
    }) : () -> ()
    %mul3A = arith.constant 632 : i32
    %mul3A_1 = arith.muli %arg1, %mul3A : i32
    "tpu.region"() ({
      %run_scoped3A = tpu.sem_alloc : memref<!tpu.dma_semaphore, #tpu.memory_space<semaphore_mem>>
      %dma_start3A_187 = arith.constant 0 : i32
      %dma_start3A_188 = tpu.memref_slice %arg13[%mul3A_1, %dma_start3A_187] : memref<10112x128xf32, #tpu.memory_space<vmem_shared>> -> memref<632x128xf32, #tpu.memory_space<vmem_shared>>
      tpu.enqueue_dma source(%arg5 : memref<632x128xf32, #tpu.memory_space<hbm>>) target(%dma_start3A_188 : memref<632x128xf32, #tpu.memory_space<vmem_shared>>) target_semaphore(%run_scoped3A : memref<!tpu.dma_semaphore, #tpu.memory_space<semaphore_mem>>)
      %dma_wait3A_189 = arith.constant 0 : i32
      %dma_wait3A_190 = tpu.memref_slice %arg13[%mul3A_1, %dma_wait3A_189] : memref<10112x128xf32, #tpu.memory_space<vmem_shared>> -> memref<632x128xf32, #tpu.memory_space<vmem_shared>>
      tpu.wait_dma2 semaphore(%run_scoped3A : memref<!tpu.dma_semaphore, #tpu.memory_space<semaphore_mem>>) src(%arg5 : memref<632x128xf32, #tpu.memory_space<hbm>>) dst(%dma_wait3A_190 : memref<632x128xf32, #tpu.memory_space<vmem_shared>>)
      tpu.yield
    }) : () -> ()
    %barrier3A = arith.constant 0 : index
    tpu.barrier barrier_id(%barrier3A)
    %dma_start3A = arith.constant 0 : i32
    %dma_start3A_2 = tpu.memref_slice %arg7[%dma_start3A] : memref<10176xi32, #tpu.memory_space<vmem>> -> memref<48xi32, #tpu.memory_space<vmem>>
    %dma_start3A_3 = arith.constant 0 : i32
    %dma_start3A_4 = arith.constant 0 : i32
    %dma_start3A_5 = tpu.memref_slice %arg2[%dma_start3A_3, %dma_start3A_4] : memref<40000x128xf32, #tpu.memory_space<hbm>> -> memref<40000x128xf32, #tpu.memory_space<hbm>>
    tpu.enqueue_indirect_dma source(%dma_start3A_5 : memref<40000x128xf32, #tpu.memory_space<hbm>>) target(%arg9 : memref<48x128xf32, #tpu.memory_space<vmem>>) offsets(%dma_start3A_2 : memref<48xi32, #tpu.memory_space<vmem>>) semaphore(%arg14 : memref<!tpu.dma_semaphore, #tpu.memory_space<semaphore_mem>>)
    %dma_start3A_6 = arith.constant 48 : i32
    %dma_start3A_7 = tpu.memref_slice %arg7[%dma_start3A_6] : memref<10176xi32, #tpu.memory_space<vmem>> -> memref<48xi32, #tpu.memory_space<vmem>>
    %dma_start3A_8 = arith.constant 0 : i32
    %dma_start3A_9 = arith.constant 0 : i32
    %dma_start3A_10 = tpu.memref_slice %arg2[%dma_start3A_8, %dma_start3A_9] : memref<40000x128xf32, #tpu.memory_space<hbm>> -> memref<40000x128xf32, #tpu.memory_space<hbm>>
    tpu.enqueue_indirect_dma source(%dma_start3A_10 : memref<40000x128xf32, #tpu.memory_space<hbm>>) target(%arg10 : memref<48x128xf32, #tpu.memory_space<vmem>>) offsets(%dma_start3A_7 : memref<48xi32, #tpu.memory_space<vmem>>) semaphore(%arg15 : memref<!tpu.dma_semaphore, #tpu.memory_space<semaphore_mem>>)
    %dma_start3A_11 = arith.constant 96 : i32
    %dma_start3A_12 = tpu.memref_slice %arg7[%dma_start3A_11] : memref<10176xi32, #tpu.memory_space<vmem>> -> memref<48xi32, #tpu.memory_space<vmem>>
    %dma_start3A_13 = arith.constant 0 : i32
    %dma_start3A_14 = arith.constant 0 : i32
    %dma_start3A_15 = tpu.memref_slice %arg2[%dma_start3A_13, %dma_start3A_14] : memref<40000x128xf32, #tpu.memory_space<hbm>> -> memref<40000x128xf32, #tpu.memory_space<hbm>>
    tpu.enqueue_indirect_dma source(%dma_start3A_15 : memref<40000x128xf32, #tpu.memory_space<hbm>>) target(%arg11 : memref<48x128xf32, #tpu.memory_space<vmem>>) offsets(%dma_start3A_12 : memref<48xi32, #tpu.memory_space<vmem>>) semaphore(%arg16 : memref<!tpu.dma_semaphore, #tpu.memory_space<semaphore_mem>>)
    %dma_wait3A = arith.constant 0 : i32
    %dma_wait3A_16 = tpu.memref_slice %arg7[%dma_wait3A] : memref<10176xi32, #tpu.memory_space<vmem>> -> memref<48xi32, #tpu.memory_space<vmem>>
    %dma_wait3A_17 = arith.constant 0 : i32
    %dma_wait3A_18 = arith.constant 0 : i32
    %dma_wait3A_19 = tpu.memref_slice %arg2[%dma_wait3A_17, %dma_wait3A_18] : memref<40000x128xf32, #tpu.memory_space<hbm>> -> memref<40000x128xf32, #tpu.memory_space<hbm>>
    tpu.wait_indirect_dma semaphore(%arg14 : memref<!tpu.dma_semaphore, #tpu.memory_space<semaphore_mem>>) src(%dma_wait3A_19 : memref<40000x128xf32, #tpu.memory_space<hbm>>) dst(%arg9 : memref<48x128xf32, #tpu.memory_space<vmem>>)
    %dma_start3A_20 = arith.constant 0 : i32
    %dma_start3A_21 = tpu.memref_slice %arg8[%dma_start3A_20] : memref<10176xi32, #tpu.memory_space<vmem>> -> memref<48xi32, #tpu.memory_space<vmem>>
    %dma_start3A_22 = arith.constant 0 : i32
    %dma_start3A_23 = arith.constant 0 : i32
    %dma_start3A_24 = tpu.memref_slice %arg13[%dma_start3A_22, %dma_start3A_23] : memref<10112x128xf32, #tpu.memory_space<vmem_shared>> -> memref<10112x128xf32, #tpu.memory_space<vmem_shared>>
    tpu.enqueue_indirect_dma source(%arg9 : memref<48x128xf32, #tpu.memory_space<vmem>>) target(%dma_start3A_24 : memref<10112x128xf32, #tpu.memory_space<vmem_shared>>) offsets(%dma_start3A_21 : memref<48xi32, #tpu.memory_space<vmem>>) semaphore(%arg18 : memref<!tpu.dma_semaphore, #tpu.memory_space<semaphore_mem>>) {add = true}
    %dma_start3A_25 = arith.constant 144 : i32
    %dma_start3A_26 = tpu.memref_slice %arg7[%dma_start3A_25] : memref<10176xi32, #tpu.memory_space<vmem>> -> memref<48xi32, #tpu.memory_space<vmem>>
    %dma_start3A_27 = arith.constant 0 : i32
    %dma_start3A_28 = arith.constant 0 : i32
    %dma_start3A_29 = tpu.memref_slice %arg2[%dma_start3A_27, %dma_start3A_28] : memref<40000x128xf32, #tpu.memory_space<hbm>> -> memref<40000x128xf32, #tpu.memory_space<hbm>>
    tpu.enqueue_indirect_dma source(%dma_start3A_29 : memref<40000x128xf32, #tpu.memory_space<hbm>>) target(%arg12 : memref<48x128xf32, #tpu.memory_space<vmem>>) offsets(%dma_start3A_26 : memref<48xi32, #tpu.memory_space<vmem>>) semaphore(%arg17 : memref<!tpu.dma_semaphore, #tpu.memory_space<semaphore_mem>>)
    %dma_wait3A_30 = arith.constant 0 : i32
    %dma_wait3A_31 = tpu.memref_slice %arg7[%dma_wait3A_30] : memref<10176xi32, #tpu.memory_space<vmem>> -> memref<48xi32, #tpu.memory_space<vmem>>
    %dma_wait3A_32 = arith.constant 0 : i32
    %dma_wait3A_33 = arith.constant 0 : i32
    %dma_wait3A_34 = tpu.memref_slice %arg2[%dma_wait3A_32, %dma_wait3A_33] : memref<40000x128xf32, #tpu.memory_space<hbm>> -> memref<40000x128xf32, #tpu.memory_space<hbm>>
    tpu.wait_indirect_dma semaphore(%arg15 : memref<!tpu.dma_semaphore, #tpu.memory_space<semaphore_mem>>) src(%dma_wait3A_34 : memref<40000x128xf32, #tpu.memory_space<hbm>>) dst(%arg10 : memref<48x128xf32, #tpu.memory_space<vmem>>)
    %dma_start3A_35 = arith.constant 48 : i32
    %dma_start3A_36 = tpu.memref_slice %arg8[%dma_start3A_35] : memref<10176xi32, #tpu.memory_space<vmem>> -> memref<48xi32, #tpu.memory_space<vmem>>
    %dma_start3A_37 = arith.constant 0 : i32
    %dma_start3A_38 = arith.constant 0 : i32
    %dma_start3A_39 = tpu.memref_slice %arg13[%dma_start3A_37, %dma_start3A_38] : memref<10112x128xf32, #tpu.memory_space<vmem_shared>> -> memref<10112x128xf32, #tpu.memory_space<vmem_shared>>
    tpu.enqueue_indirect_dma source(%arg10 : memref<48x128xf32, #tpu.memory_space<vmem>>) target(%dma_start3A_39 : memref<10112x128xf32, #tpu.memory_space<vmem_shared>>) offsets(%dma_start3A_36 : memref<48xi32, #tpu.memory_space<vmem>>) semaphore(%arg19 : memref<!tpu.dma_semaphore, #tpu.memory_space<semaphore_mem>>) {add = true}
    %scan3A = arith.constant 0 : i32
    %scan3A_40 = arith.constant 0 : i32
    %scan3A_41 = arith.constant 52 : i32
    %scan3A_42 = arith.addi %scan3A_40, %scan3A_41 : i32
    %scan3A_43 = arith.constant 1 : i32
    scf.for %scan3A_187 = %scan3A_40 to %scan3A_42 step %scan3A_43  : i32 {
      %mul3A_188 = arith.constant 4 : i32
      %mul3A_189 = arith.muli %mul3A_188, %scan3A_187 : i32
      %add3A_190 = arith.constant 2 : i32
      %add3A_191 = arith.addi %add3A_190, %mul3A_189 : i32
      %add3A_192 = arith.constant 0 : i32
      %add3A_193 = arith.addi %add3A_191, %add3A_192 : i32
      %dma_wait3A_194 = arith.constant 0 : i32
      %dma_wait3A_195 = tpu.memref_slice %arg8[%dma_wait3A_194] : memref<10176xi32, #tpu.memory_space<vmem>> -> memref<48xi32, #tpu.memory_space<vmem>>
      %dma_wait3A_196 = arith.constant 0 : i32
      %dma_wait3A_197 = arith.constant 0 : i32
      %dma_wait3A_198 = tpu.memref_slice %arg13[%dma_wait3A_196, %dma_wait3A_197] : memref<10112x128xf32, #tpu.memory_space<vmem_shared>> -> memref<10112x128xf32, #tpu.memory_space<vmem_shared>>
      tpu.wait_indirect_dma semaphore(%arg18 : memref<!tpu.dma_semaphore, #tpu.memory_space<semaphore_mem>>) src(%arg9 : memref<48x128xf32, #tpu.memory_space<vmem>>) dst(%dma_wait3A_198 : memref<10112x128xf32, #tpu.memory_space<vmem_shared>>)
      %add3A_199 = arith.constant 2 : i32
      %add3A_200 = arith.addi %add3A_193, %add3A_199 : i32
      %mul3A_201 = arith.constant 48 : i32
      %mul3A_202 = arith.muli %add3A_200, %mul3A_201 : i32
      %dma_start3A_203 = tpu.memref_slice %arg7[%mul3A_202] : memref<10176xi32, #tpu.memory_space<vmem>> -> memref<48xi32, #tpu.memory_space<vmem>>
      %dma_start3A_204 = arith.constant 0 : i32
      %dma_start3A_205 = arith.constant 0 : i32
      %dma_start3A_206 = tpu.memref_slice %arg2[%dma_start3A_204, %dma_start3A_205] : memref<40000x128xf32, #tpu.memory_space<hbm>> -> memref<40000x128xf32, #tpu.memory_space<hbm>>
      tpu.enqueue_indirect_dma source(%dma_start3A_206 : memref<40000x128xf32, #tpu.memory_space<hbm>>) target(%arg9 : memref<48x128xf32, #tpu.memory_space<vmem>>) offsets(%dma_start3A_203 : memref<48xi32, #tpu.memory_space<vmem>>) semaphore(%arg14 : memref<!tpu.dma_semaphore, #tpu.memory_space<semaphore_mem>>)
      %dma_wait3A_207 = arith.constant 0 : i32
      %dma_wait3A_208 = tpu.memref_slice %arg7[%dma_wait3A_207] : memref<10176xi32, #tpu.memory_space<vmem>> -> memref<48xi32, #tpu.memory_space<vmem>>
      %dma_wait3A_209 = arith.constant 0 : i32
      %dma_wait3A_210 = arith.constant 0 : i32
      %dma_wait3A_211 = tpu.memref_slice %arg2[%dma_wait3A_209, %dma_wait3A_210] : memref<40000x128xf32, #tpu.memory_space<hbm>> -> memref<40000x128xf32, #tpu.memory_space<hbm>>
      tpu.wait_indirect_dma semaphore(%arg16 : memref<!tpu.dma_semaphore, #tpu.memory_space<semaphore_mem>>) src(%dma_wait3A_211 : memref<40000x128xf32, #tpu.memory_space<hbm>>) dst(%arg11 : memref<48x128xf32, #tpu.memory_space<vmem>>)
      %mul3A_212 = arith.constant 48 : i32
      %mul3A_213 = arith.muli %add3A_193, %mul3A_212 : i32
      %dma_start3A_214 = tpu.memref_slice %arg8[%mul3A_213] : memref<10176xi32, #tpu.memory_space<vmem>> -> memref<48xi32, #tpu.memory_space<vmem>>
      %dma_start3A_215 = arith.constant 0 : i32
      %dma_start3A_216 = arith.constant 0 : i32
      %dma_start3A_217 = tpu.memref_slice %arg13[%dma_start3A_215, %dma_start3A_216] : memref<10112x128xf32, #tpu.memory_space<vmem_shared>> -> memref<10112x128xf32, #tpu.memory_space<vmem_shared>>
      tpu.enqueue_indirect_dma source(%arg11 : memref<48x128xf32, #tpu.memory_space<vmem>>) target(%dma_start3A_217 : memref<10112x128xf32, #tpu.memory_space<vmem_shared>>) offsets(%dma_start3A_214 : memref<48xi32, #tpu.memory_space<vmem>>) semaphore(%arg20 : memref<!tpu.dma_semaphore, #tpu.memory_space<semaphore_mem>>) {add = true}
      %mul3A_218 = arith.constant 4 : i32
      %mul3A_219 = arith.muli %mul3A_218, %scan3A_187 : i32
      %add3A_220 = arith.constant 2 : i32
      %add3A_221 = arith.addi %add3A_220, %mul3A_219 : i32
      %add3A_222 = arith.constant 1 : i32
      %add3A_223 = arith.addi %add3A_221, %add3A_222 : i32
      %dma_wait3A_224 = arith.constant 0 : i32
      %dma_wait3A_225 = tpu.memref_slice %arg8[%dma_wait3A_224] : memref<10176xi32, #tpu.memory_space<vmem>> -> memref<48xi32, #tpu.memory_space<vmem>>
      %dma_wait3A_226 = arith.constant 0 : i32
      %dma_wait3A_227 = arith.constant 0 : i32
      %dma_wait3A_228 = tpu.memref_slice %arg13[%dma_wait3A_226, %dma_wait3A_227] : memref<10112x128xf32, #tpu.memory_space<vmem_shared>> -> memref<10112x128xf32, #tpu.memory_space<vmem_shared>>
      tpu.wait_indirect_dma semaphore(%arg19 : memref<!tpu.dma_semaphore, #tpu.memory_space<semaphore_mem>>) src(%arg10 : memref<48x128xf32, #tpu.memory_space<vmem>>) dst(%dma_wait3A_228 : memref<10112x128xf32, #tpu.memory_space<vmem_shared>>)
      %add3A_229 = arith.constant 2 : i32
      %add3A_230 = arith.addi %add3A_223, %add3A_229 : i32
      %mul3A_231 = arith.constant 48 : i32
      %mul3A_232 = arith.muli %add3A_230, %mul3A_231 : i32
      %dma_start3A_233 = tpu.memref_slice %arg7[%mul3A_232] : memref<10176xi32, #tpu.memory_space<vmem>> -> memref<48xi32, #tpu.memory_space<vmem>>
      %dma_start3A_234 = arith.constant 0 : i32
      %dma_start3A_235 = arith.constant 0 : i32
      %dma_start3A_236 = tpu.memref_slice %arg2[%dma_start3A_234, %dma_start3A_235] : memref<40000x128xf32, #tpu.memory_space<hbm>> -> memref<40000x128xf32, #tpu.memory_space<hbm>>
      tpu.enqueue_indirect_dma source(%dma_start3A_236 : memref<40000x128xf32, #tpu.memory_space<hbm>>) target(%arg10 : memref<48x128xf32, #tpu.memory_space<vmem>>) offsets(%dma_start3A_233 : memref<48xi32, #tpu.memory_space<vmem>>) semaphore(%arg15 : memref<!tpu.dma_semaphore, #tpu.memory_space<semaphore_mem>>)
      %dma_wait3A_237 = arith.constant 0 : i32
      %dma_wait3A_238 = tpu.memref_slice %arg7[%dma_wait3A_237] : memref<10176xi32, #tpu.memory_space<vmem>> -> memref<48xi32, #tpu.memory_space<vmem>>
      %dma_wait3A_239 = arith.constant 0 : i32
      %dma_wait3A_240 = arith.constant 0 : i32
      %dma_wait3A_241 = tpu.memref_slice %arg2[%dma_wait3A_239, %dma_wait3A_240] : memref<40000x128xf32, #tpu.memory_space<hbm>> -> memref<40000x128xf32, #tpu.memory_space<hbm>>
      tpu.wait_indirect_dma semaphore(%arg17 : memref<!tpu.dma_semaphore, #tpu.memory_space<semaphore_mem>>) src(%dma_wait3A_241 : memref<40000x128xf32, #tpu.memory_space<hbm>>) dst(%arg12 : memref<48x128xf32, #tpu.memory_space<vmem>>)
      %mul3A_242 = arith.constant 48 : i32
      %mul3A_243 = arith.muli %add3A_223, %mul3A_242 : i32
      %dma_start3A_244 = tpu.memref_slice %arg8[%mul3A_243] : memref<10176xi32, #tpu.memory_space<vmem>> -> memref<48xi32, #tpu.memory_space<vmem>>
      %dma_start3A_245 = arith.constant 0 : i32
      %dma_start3A_246 = arith.constant 0 : i32
      %dma_start3A_247 = tpu.memref_slice %arg13[%dma_start3A_245, %dma_start3A_246] : memref<10112x128xf32, #tpu.memory_space<vmem_shared>> -> memref<10112x128xf32, #tpu.memory_space<vmem_shared>>
      tpu.enqueue_indirect_dma source(%arg12 : memref<48x128xf32, #tpu.memory_space<vmem>>) target(%dma_start3A_247 : memref<10112x128xf32, #tpu.memory_space<vmem_shared>>) offsets(%dma_start3A_244 : memref<48xi32, #tpu.memory_space<vmem>>) semaphore(%arg21 : memref<!tpu.dma_semaphore, #tpu.memory_space<semaphore_mem>>) {add = true}
      %mul3A_248 = arith.constant 4 : i32
      %mul3A_249 = arith.muli %mul3A_248, %scan3A_187 : i32
      %add3A_250 = arith.constant 2 : i32
      %add3A_251 = arith.addi %add3A_250, %mul3A_249 : i32
      %add3A_252 = arith.constant 2 : i32
      %add3A_253 = arith.addi %add3A_251, %add3A_252 : i32
      %dma_wait3A_254 = arith.constant 0 : i32
      %dma_wait3A_255 = tpu.memref_slice %arg8[%dma_wait3A_254] : memref<10176xi32, #tpu.memory_space<vmem>> -> memref<48xi32, #tpu.memory_space<vmem>>
      %dma_wait3A_256 = arith.constant 0 : i32
      %dma_wait3A_257 = arith.constant 0 : i32
      %dma_wait3A_258 = tpu.memref_slice %arg13[%dma_wait3A_256, %dma_wait3A_257] : memref<10112x128xf32, #tpu.memory_space<vmem_shared>> -> memref<10112x128xf32, #tpu.memory_space<vmem_shared>>
      tpu.wait_indirect_dma semaphore(%arg20 : memref<!tpu.dma_semaphore, #tpu.memory_space<semaphore_mem>>) src(%arg11 : memref<48x128xf32, #tpu.memory_space<vmem>>) dst(%dma_wait3A_258 : memref<10112x128xf32, #tpu.memory_space<vmem_shared>>)
      %add3A_259 = arith.constant 2 : i32
      %add3A_260 = arith.addi %add3A_253, %add3A_259 : i32
      %mul3A_261 = arith.constant 48 : i32
      %mul3A_262 = arith.muli %add3A_260, %mul3A_261 : i32
      %dma_start3A_263 = tpu.memref_slice %arg7[%mul3A_262] : memref<10176xi32, #tpu.memory_space<vmem>> -> memref<48xi32, #tpu.memory_space<vmem>>
      %dma_start3A_264 = arith.constant 0 : i32
      %dma_start3A_265 = arith.constant 0 : i32
      %dma_start3A_266 = tpu.memref_slice %arg2[%dma_start3A_264, %dma_start3A_265] : memref<40000x128xf32, #tpu.memory_space<hbm>> -> memref<40000x128xf32, #tpu.memory_space<hbm>>
      tpu.enqueue_indirect_dma source(%dma_start3A_266 : memref<40000x128xf32, #tpu.memory_space<hbm>>) target(%arg11 : memref<48x128xf32, #tpu.memory_space<vmem>>) offsets(%dma_start3A_263 : memref<48xi32, #tpu.memory_space<vmem>>) semaphore(%arg16 : memref<!tpu.dma_semaphore, #tpu.memory_space<semaphore_mem>>)
      %dma_wait3A_267 = arith.constant 0 : i32
      %dma_wait3A_268 = tpu.memref_slice %arg7[%dma_wait3A_267] : memref<10176xi32, #tpu.memory_space<vmem>> -> memref<48xi32, #tpu.memory_space<vmem>>
      %dma_wait3A_269 = arith.constant 0 : i32
      %dma_wait3A_270 = arith.constant 0 : i32
      %dma_wait3A_271 = tpu.memref_slice %arg2[%dma_wait3A_269, %dma_wait3A_270] : memref<40000x128xf32, #tpu.memory_space<hbm>> -> memref<40000x128xf32, #tpu.memory_space<hbm>>
      tpu.wait_indirect_dma semaphore(%arg14 : memref<!tpu.dma_semaphore, #tpu.memory_space<semaphore_mem>>) src(%dma_wait3A_271 : memref<40000x128xf32, #tpu.memory_space<hbm>>) dst(%arg9 : memref<48x128xf32, #tpu.memory_space<vmem>>)
      %mul3A_272 = arith.constant 48 : i32
      %mul3A_273 = arith.muli %add3A_253, %mul3A_272 : i32
      %dma_start3A_274 = tpu.memref_slice %arg8[%mul3A_273] : memref<10176xi32, #tpu.memory_space<vmem>> -> memref<48xi32, #tpu.memory_space<vmem>>
      %dma_start3A_275 = arith.constant 0 : i32
      %dma_start3A_276 = arith.constant 0 : i32
      %dma_start3A_277 = tpu.memref_slice %arg13[%dma_start3A_275, %dma_start3A_276] : memref<10112x128xf32, #tpu.memory_space<vmem_shared>> -> memref<10112x128xf32, #tpu.memory_space<vmem_shared>>
      tpu.enqueue_indirect_dma source(%arg9 : memref<48x128xf32, #tpu.memory_space<vmem>>) target(%dma_start3A_277 : memref<10112x128xf32, #tpu.memory_space<vmem_shared>>) offsets(%dma_start3A_274 : memref<48xi32, #tpu.memory_space<vmem>>) semaphore(%arg18 : memref<!tpu.dma_semaphore, #tpu.memory_space<semaphore_mem>>) {add = true}
      %mul3A_278 = arith.constant 4 : i32
      %mul3A_279 = arith.muli %mul3A_278, %scan3A_187 : i32
      %add3A_280 = arith.constant 2 : i32
      %add3A_281 = arith.addi %add3A_280, %mul3A_279 : i32
      %add3A_282 = arith.constant 3 : i32
      %add3A_283 = arith.addi %add3A_281, %add3A_282 : i32
      %dma_wait3A_284 = arith.constant 0 : i32
      %dma_wait3A_285 = tpu.memref_slice %arg8[%dma_wait3A_284] : memref<10176xi32, #tpu.memory_space<vmem>> -> memref<48xi32, #tpu.memory_space<vmem>>
      %dma_wait3A_286 = arith.constant 0 : i32
      %dma_wait3A_287 = arith.constant 0 : i32
      %dma_wait3A_288 = tpu.memref_slice %arg13[%dma_wait3A_286, %dma_wait3A_287] : memref<10112x128xf32, #tpu.memory_space<vmem_shared>> -> memref<10112x128xf32, #tpu.memory_space<vmem_shared>>
      tpu.wait_indirect_dma semaphore(%arg21 : memref<!tpu.dma_semaphore, #tpu.memory_space<semaphore_mem>>) src(%arg12 : memref<48x128xf32, #tpu.memory_space<vmem>>) dst(%dma_wait3A_288 : memref<10112x128xf32, #tpu.memory_space<vmem_shared>>)
      %add3A_289 = arith.constant 2 : i32
      %add3A_290 = arith.addi %add3A_283, %add3A_289 : i32
      %mul3A_291 = arith.constant 48 : i32
      %mul3A_292 = arith.muli %add3A_290, %mul3A_291 : i32
      %dma_start3A_293 = tpu.memref_slice %arg7[%mul3A_292] : memref<10176xi32, #tpu.memory_space<vmem>> -> memref<48xi32, #tpu.memory_space<vmem>>
      %dma_start3A_294 = arith.constant 0 : i32
      %dma_start3A_295 = arith.constant 0 : i32
      %dma_start3A_296 = tpu.memref_slice %arg2[%dma_start3A_294, %dma_start3A_295] : memref<40000x128xf32, #tpu.memory_space<hbm>> -> memref<40000x128xf32, #tpu.memory_space<hbm>>
      tpu.enqueue_indirect_dma source(%dma_start3A_296 : memref<40000x128xf32, #tpu.memory_space<hbm>>) target(%arg12 : memref<48x128xf32, #tpu.memory_space<vmem>>) offsets(%dma_start3A_293 : memref<48xi32, #tpu.memory_space<vmem>>) semaphore(%arg17 : memref<!tpu.dma_semaphore, #tpu.memory_space<semaphore_mem>>)
      %dma_wait3A_297 = arith.constant 0 : i32
      %dma_wait3A_298 = tpu.memref_slice %arg7[%dma_wait3A_297] : memref<10176xi32, #tpu.memory_space<vmem>> -> memref<48xi32, #tpu.memory_space<vmem>>
      %dma_wait3A_299 = arith.constant 0 : i32
      %dma_wait3A_300 = arith.constant 0 : i32
      %dma_wait3A_301 = tpu.memref_slice %arg2[%dma_wait3A_299, %dma_wait3A_300] : memref<40000x128xf32, #tpu.memory_space<hbm>> -> memref<40000x128xf32, #tpu.memory_space<hbm>>
      tpu.wait_indirect_dma semaphore(%arg15 : memref<!tpu.dma_semaphore, #tpu.memory_space<semaphore_mem>>) src(%dma_wait3A_301 : memref<40000x128xf32, #tpu.memory_space<hbm>>) dst(%arg10 : memref<48x128xf32, #tpu.memory_space<vmem>>)
      %mul3A_302 = arith.constant 48 : i32
      %mul3A_303 = arith.muli %add3A_283, %mul3A_302 : i32
      %dma_start3A_304 = tpu.memref_slice %arg8[%mul3A_303] : memref<10176xi32, #tpu.memory_space<vmem>> -> memref<48xi32, #tpu.memory_space<vmem>>
      %dma_start3A_305 = arith.constant 0 : i32
      %dma_start3A_306 = arith.constant 0 : i32
      %dma_start3A_307 = tpu.memref_slice %arg13[%dma_start3A_305, %dma_start3A_306] : memref<10112x128xf32, #tpu.memory_space<vmem_shared>> -> memref<10112x128xf32, #tpu.memory_space<vmem_shared>>
      tpu.enqueue_indirect_dma source(%arg10 : memref<48x128xf32, #tpu.memory_space<vmem>>) target(%dma_start3A_307 : memref<10112x128xf32, #tpu.memory_space<vmem_shared>>) offsets(%dma_start3A_304 : memref<48xi32, #tpu.memory_space<vmem>>) semaphore(%arg19 : memref<!tpu.dma_semaphore, #tpu.memory_space<semaphore_mem>>) {add = true}
    }
    %scan3A_44 = arith.constant 52 : i32
    %dma_wait3A_45 = arith.constant 0 : i32
    %dma_wait3A_46 = tpu.memref_slice %arg7[%dma_wait3A_45] : memref<10176xi32, #tpu.memory_space<vmem>> -> memref<48xi32, #tpu.memory_space<vmem>>
    %dma_wait3A_47 = arith.constant 0 : i32
    %dma_wait3A_48 = arith.constant 0 : i32
    %dma_wait3A_49 = tpu.memref_slice %arg2[%dma_wait3A_47, %dma_wait3A_48] : memref<40000x128xf32, #tpu.memory_space<hbm>> -> memref<40000x128xf32, #tpu.memory_space<hbm>>
    tpu.wait_indirect_dma semaphore(%arg16 : memref<!tpu.dma_semaphore, #tpu.memory_space<semaphore_mem>>) src(%dma_wait3A_49 : memref<40000x128xf32, #tpu.memory_space<hbm>>) dst(%arg11 : memref<48x128xf32, #tpu.memory_space<vmem>>)
    %dma_start3A_50 = arith.constant 10080 : i32
    %dma_start3A_51 = tpu.memref_slice %arg8[%dma_start3A_50] : memref<10176xi32, #tpu.memory_space<vmem>> -> memref<48xi32, #tpu.memory_space<vmem>>
    %dma_start3A_52 = arith.constant 0 : i32
    %dma_start3A_53 = arith.constant 0 : i32
    %dma_start3A_54 = tpu.memref_slice %arg13[%dma_start3A_52, %dma_start3A_53] : memref<10112x128xf32, #tpu.memory_space<vmem_shared>> -> memref<10112x128xf32, #tpu.memory_space<vmem_shared>>
    tpu.enqueue_indirect_dma source(%arg11 : memref<48x128xf32, #tpu.memory_space<vmem>>) target(%dma_start3A_54 : memref<10112x128xf32, #tpu.memory_space<vmem_shared>>) offsets(%dma_start3A_51 : memref<48xi32, #tpu.memory_space<vmem>>) semaphore(%arg20 : memref<!tpu.dma_semaphore, #tpu.memory_space<semaphore_mem>>) {add = true}
    %dma_wait3A_55 = arith.constant 0 : i32
    %dma_wait3A_56 = tpu.memref_slice %arg7[%dma_wait3A_55] : memref<10176xi32, #tpu.memory_space<vmem>> -> memref<48xi32, #tpu.memory_space<vmem>>
    %dma_wait3A_57 = arith.constant 0 : i32
    %dma_wait3A_58 = arith.constant 0 : i32
    %dma_wait3A_59 = tpu.memref_slice %arg2[%dma_wait3A_57, %dma_wait3A_58] : memref<40000x128xf32, #tpu.memory_space<hbm>> -> memref<40000x128xf32, #tpu.memory_space<hbm>>
    tpu.wait_indirect_dma semaphore(%arg17 : memref<!tpu.dma_semaphore, #tpu.memory_space<semaphore_mem>>) src(%dma_wait3A_59 : memref<40000x128xf32, #tpu.memory_space<hbm>>) dst(%arg12 : memref<48x128xf32, #tpu.memory_space<vmem>>)
    %dma_start3A_60 = arith.constant 10128 : i32
    %dma_start3A_61 = tpu.memref_slice %arg8[%dma_start3A_60] : memref<10176xi32, #tpu.memory_space<vmem>> -> memref<48xi32, #tpu.memory_space<vmem>>
    %dma_start3A_62 = arith.constant 0 : i32
    %dma_start3A_63 = arith.constant 0 : i32
    %dma_start3A_64 = tpu.memref_slice %arg13[%dma_start3A_62, %dma_start3A_63] : memref<10112x128xf32, #tpu.memory_space<vmem_shared>> -> memref<10112x128xf32, #tpu.memory_space<vmem_shared>>
    tpu.enqueue_indirect_dma source(%arg12 : memref<48x128xf32, #tpu.memory_space<vmem>>) target(%dma_start3A_64 : memref<10112x128xf32, #tpu.memory_space<vmem_shared>>) offsets(%dma_start3A_61 : memref<48xi32, #tpu.memory_space<vmem>>) semaphore(%arg21 : memref<!tpu.dma_semaphore, #tpu.memory_space<semaphore_mem>>) {add = true}
    %dma_wait3A_65 = arith.constant 0 : i32
    %dma_wait3A_66 = tpu.memref_slice %arg8[%dma_wait3A_65] : memref<10176xi32, #tpu.memory_space<vmem>> -> memref<48xi32, #tpu.memory_space<vmem>>
    %dma_wait3A_67 = arith.constant 0 : i32
    %dma_wait3A_68 = arith.constant 0 : i32
    %dma_wait3A_69 = tpu.memref_slice %arg13[%dma_wait3A_67, %dma_wait3A_68] : memref<10112x128xf32, #tpu.memory_space<vmem_shared>> -> memref<10112x128xf32, #tpu.memory_space<vmem_shared>>
    tpu.wait_indirect_dma semaphore(%arg18 : memref<!tpu.dma_semaphore, #tpu.memory_space<semaphore_mem>>) src(%arg9 : memref<48x128xf32, #tpu.memory_space<vmem>>) dst(%dma_wait3A_69 : memref<10112x128xf32, #tpu.memory_space<vmem_shared>>)
    %dma_wait3A_70 = arith.constant 0 : i32
    %dma_wait3A_71 = tpu.memref_slice %arg8[%dma_wait3A_70] : memref<10176xi32, #tpu.memory_space<vmem>> -> memref<48xi32, #tpu.memory_space<vmem>>
    %dma_wait3A_72 = arith.constant 0 : i32
    %dma_wait3A_73 = arith.constant 0 : i32
    %dma_wait3A_74 = tpu.memref_slice %arg13[%dma_wait3A_72, %dma_wait3A_73] : memref<10112x128xf32, #tpu.memory_space<vmem_shared>> -> memref<10112x128xf32, #tpu.memory_space<vmem_shared>>
    tpu.wait_indirect_dma semaphore(%arg19 : memref<!tpu.dma_semaphore, #tpu.memory_space<semaphore_mem>>) src(%arg10 : memref<48x128xf32, #tpu.memory_space<vmem>>) dst(%dma_wait3A_74 : memref<10112x128xf32, #tpu.memory_space<vmem_shared>>)
    %dma_wait3A_75 = arith.constant 0 : i32
    %dma_wait3A_76 = tpu.memref_slice %arg8[%dma_wait3A_75] : memref<10176xi32, #tpu.memory_space<vmem>> -> memref<48xi32, #tpu.memory_space<vmem>>
    %dma_wait3A_77 = arith.constant 0 : i32
    %dma_wait3A_78 = arith.constant 0 : i32
    %dma_wait3A_79 = tpu.memref_slice %arg13[%dma_wait3A_77, %dma_wait3A_78] : memref<10112x128xf32, #tpu.memory_space<vmem_shared>> -> memref<10112x128xf32, #tpu.memory_space<vmem_shared>>
    tpu.wait_indirect_dma semaphore(%arg20 : memref<!tpu.dma_semaphore, #tpu.memory_space<semaphore_mem>>) src(%arg11 : memref<48x128xf32, #tpu.memory_space<vmem>>) dst(%dma_wait3A_79 : memref<10112x128xf32, #tpu.memory_space<vmem_shared>>)
    %dma_wait3A_80 = arith.constant 0 : i32
    %dma_wait3A_81 = tpu.memref_slice %arg8[%dma_wait3A_80] : memref<10176xi32, #tpu.memory_space<vmem>> -> memref<48xi32, #tpu.memory_space<vmem>>
    %dma_wait3A_82 = arith.constant 0 : i32
    %dma_wait3A_83 = arith.constant 0 : i32
    %dma_wait3A_84 = tpu.memref_slice %arg13[%dma_wait3A_82, %dma_wait3A_83] : memref<10112x128xf32, #tpu.memory_space<vmem_shared>> -> memref<10112x128xf32, #tpu.memory_space<vmem_shared>>
    tpu.wait_indirect_dma semaphore(%arg21 : memref<!tpu.dma_semaphore, #tpu.memory_space<semaphore_mem>>) src(%arg12 : memref<48x128xf32, #tpu.memory_space<vmem>>) dst(%dma_wait3A_84 : memref<10112x128xf32, #tpu.memory_space<vmem_shared>>)
    %barrier3A_85 = arith.constant 0 : index
    tpu.barrier barrier_id(%barrier3A_85)
    %mul3A_86 = arith.constant 632 : i32
    %mul3A_87 = arith.muli %arg1, %mul3A_86 : i32
    %mul3A_88 = arith.constant 632 : i32
    %mul3A_89 = arith.muli %arg1, %mul3A_88 : i32
    "tpu.region"() ({
      %run_scoped3A = tpu.sem_alloc : memref<!tpu.dma_semaphore, #tpu.memory_space<semaphore_mem>>
      %dma_start3A_187 = arith.constant 0 : i32
      %dma_start3A_188 = tpu.memref_slice %arg6[%add3A_0, %mul3A_89, %dma_start3A_187] : memref<4x10112x128xf32, #tpu.memory_space<hbm>> -> memref<1x632x128xf32, #tpu.memory_space<hbm>>
      %dma_start3A_189 = tpu.memref_squeeze %dma_start3A_188 : memref<1x632x128xf32, #tpu.memory_space<hbm>> -> memref<632x128xf32, #tpu.memory_space<hbm>>
      %dma_start3A_190 = arith.constant 0 : i32
      %dma_start3A_191 = tpu.memref_slice %arg13[%mul3A_87, %dma_start3A_190] : memref<10112x128xf32, #tpu.memory_space<vmem_shared>> -> memref<632x128xf32, #tpu.memory_space<vmem_shared>>
      tpu.enqueue_dma source(%dma_start3A_191 : memref<632x128xf32, #tpu.memory_space<vmem_shared>>) target(%dma_start3A_189 : memref<632x128xf32, #tpu.memory_space<hbm>>) target_semaphore(%run_scoped3A : memref<!tpu.dma_semaphore, #tpu.memory_space<semaphore_mem>>)
      %dma_wait3A_192 = arith.constant 0 : i32
      %dma_wait3A_193 = tpu.memref_slice %arg6[%add3A_0, %mul3A_89, %dma_wait3A_192] : memref<4x10112x128xf32, #tpu.memory_space<hbm>> -> memref<1x632x128xf32, #tpu.memory_space<hbm>>
      %dma_wait3A_194 = tpu.memref_squeeze %dma_wait3A_193 : memref<1x632x128xf32, #tpu.memory_space<hbm>> -> memref<632x128xf32, #tpu.memory_space<hbm>>
      %dma_wait3A_195 = arith.constant 0 : i32
      %dma_wait3A_196 = tpu.memref_slice %arg13[%mul3A_87, %dma_wait3A_195] : memref<10112x128xf32, #tpu.memory_space<vmem_shared>> -> memref<632x128xf32, #tpu.memory_space<vmem_shared>>
      tpu.wait_dma2 semaphore(%run_scoped3A : memref<!tpu.dma_semaphore, #tpu.memory_space<semaphore_mem>>) src(%dma_wait3A_196 : memref<632x128xf32, #tpu.memory_space<vmem_shared>>) dst(%dma_wait3A_194 : memref<632x128xf32, #tpu.memory_space<hbm>>)
      tpu.yield
    }) : () -> ()
    %barrier3A_90 = arith.constant 0 : index
    tpu.barrier barrier_id(%barrier3A_90)
    %add3A_91 = arith.constant 2 : i32
    %add3A_92 = arith.addi %arg0, %add3A_91 : i32
    "tpu.region"() ({
      %run_scoped3A = tpu.sem_alloc : memref<!tpu.dma_semaphore, #tpu.memory_space<semaphore_mem>>
      %dma_start3A_187 = arith.constant 0 : i32
      %dma_start3A_188 = tpu.memref_slice %arg3[%add3A_92, %arg1, %dma_start3A_187] : memref<4x16x10176xi32, #tpu.memory_space<hbm>> -> memref<1x1x10176xi32, #tpu.memory_space<hbm>>
      %dma_start3A_189 = tpu.memref_squeeze %dma_start3A_188 : memref<1x1x10176xi32, #tpu.memory_space<hbm>> -> memref<10176xi32, #tpu.memory_space<hbm>>
      %dma_start3A_190 = arith.constant 0 : i32
      %dma_start3A_191 = tpu.memref_slice %arg3[%add3A_92, %arg1, %dma_start3A_190] : memref<4x16x10176xi32, #tpu.memory_space<hbm>> -> memref<1x1x10176xi32, #tpu.memory_space<hbm>>
      %dma_start3A_192 = tpu.memref_squeeze %dma_start3A_191 : memref<1x1x10176xi32, #tpu.memory_space<hbm>> -> memref<10176xi32, #tpu.memory_space<hbm>>
      tpu.enqueue_dma source(%dma_start3A_192 : memref<10176xi32, #tpu.memory_space<hbm>>) target(%arg7 : memref<10176xi32, #tpu.memory_space<vmem>>) target_semaphore(%run_scoped3A : memref<!tpu.dma_semaphore, #tpu.memory_space<semaphore_mem>>)
      %dma_wait3A_193 = arith.constant 0 : i32
      %dma_wait3A_194 = tpu.memref_slice %arg3[%add3A_92, %arg1, %dma_wait3A_193] : memref<4x16x10176xi32, #tpu.memory_space<hbm>> -> memref<1x1x10176xi32, #tpu.memory_space<hbm>>
      %dma_wait3A_195 = tpu.memref_squeeze %dma_wait3A_194 : memref<1x1x10176xi32, #tpu.memory_space<hbm>> -> memref<10176xi32, #tpu.memory_space<hbm>>
      %dma_wait3A_196 = arith.constant 0 : i32
      %dma_wait3A_197 = tpu.memref_slice %arg3[%add3A_92, %arg1, %dma_wait3A_196] : memref<4x16x10176xi32, #tpu.memory_space<hbm>> -> memref<1x1x10176xi32, #tpu.memory_space<hbm>>
      %dma_wait3A_198 = tpu.memref_squeeze %dma_wait3A_197 : memref<1x1x10176xi32, #tpu.memory_space<hbm>> -> memref<10176xi32, #tpu.memory_space<hbm>>
      tpu.wait_dma2 semaphore(%run_scoped3A : memref<!tpu.dma_semaphore, #tpu.memory_space<semaphore_mem>>) src(%dma_wait3A_198 : memref<10176xi32, #tpu.memory_space<hbm>>) dst(%arg7 : memref<10176xi32, #tpu.memory_space<vmem>>)
      tpu.yield
    }) : () -> ()
    %mul3A_93 = arith.constant 632 : i32
    %mul3A_94 = arith.muli %arg1, %mul3A_93 : i32
    "tpu.region"() ({
      %run_scoped3A = tpu.sem_alloc : memref<!tpu.dma_semaphore, #tpu.memory_space<semaphore_mem>>
      %dma_start3A_187 = arith.constant 0 : i32
      %dma_start3A_188 = tpu.memref_slice %arg13[%mul3A_94, %dma_start3A_187] : memref<10112x128xf32, #tpu.memory_space<vmem_shared>> -> memref<632x128xf32, #tpu.memory_space<vmem_shared>>
      tpu.enqueue_dma source(%arg5 : memref<632x128xf32, #tpu.memory_space<hbm>>) target(%dma_start3A_188 : memref<632x128xf32, #tpu.memory_space<vmem_shared>>) target_semaphore(%run_scoped3A : memref<!tpu.dma_semaphore, #tpu.memory_space<semaphore_mem>>)
      %dma_wait3A_189 = arith.constant 0 : i32
      %dma_wait3A_190 = tpu.memref_slice %arg13[%mul3A_94, %dma_wait3A_189] : memref<10112x128xf32, #tpu.memory_space<vmem_shared>> -> memref<632x128xf32, #tpu.memory_space<vmem_shared>>
      tpu.wait_dma2 semaphore(%run_scoped3A : memref<!tpu.dma_semaphore, #tpu.memory_space<semaphore_mem>>) src(%arg5 : memref<632x128xf32, #tpu.memory_space<hbm>>) dst(%dma_wait3A_190 : memref<632x128xf32, #tpu.memory_space<vmem_shared>>)
      tpu.yield
    }) : () -> ()
    %barrier3A_95 = arith.constant 0 : index
    tpu.barrier barrier_id(%barrier3A_95)
    %dma_start3A_96 = arith.constant 0 : i32
    %dma_start3A_97 = tpu.memref_slice %arg7[%dma_start3A_96] : memref<10176xi32, #tpu.memory_space<vmem>> -> memref<48xi32, #tpu.memory_space<vmem>>
    %dma_start3A_98 = arith.constant 0 : i32
    %dma_start3A_99 = arith.constant 0 : i32
    %dma_start3A_100 = tpu.memref_slice %arg2[%dma_start3A_98, %dma_start3A_99] : memref<40000x128xf32, #tpu.memory_space<hbm>> -> memref<40000x128xf32, #tpu.memory_space<hbm>>
    tpu.enqueue_indirect_dma source(%dma_start3A_100 : memref<40000x128xf32, #tpu.memory_space<hbm>>) target(%arg9 : memref<48x128xf32, #tpu.memory_space<vmem>>) offsets(%dma_start3A_97 : memref<48xi32, #tpu.memory_space<vmem>>) semaphore(%arg14 : memref<!tpu.dma_semaphore, #tpu.memory_space<semaphore_mem>>)
    %dma_start3A_101 = arith.constant 48 : i32
    %dma_start3A_102 = tpu.memref_slice %arg7[%dma_start3A_101] : memref<10176xi32, #tpu.memory_space<vmem>> -> memref<48xi32, #tpu.memory_space<vmem>>
    %dma_start3A_103 = arith.constant 0 : i32
    %dma_start3A_104 = arith.constant 0 : i32
    %dma_start3A_105 = tpu.memref_slice %arg2[%dma_start3A_103, %dma_start3A_104] : memref<40000x128xf32, #tpu.memory_space<hbm>> -> memref<40000x128xf32, #tpu.memory_space<hbm>>
    tpu.enqueue_indirect_dma source(%dma_start3A_105 : memref<40000x128xf32, #tpu.memory_space<hbm>>) target(%arg10 : memref<48x128xf32, #tpu.memory_space<vmem>>) offsets(%dma_start3A_102 : memref<48xi32, #tpu.memory_space<vmem>>) semaphore(%arg15 : memref<!tpu.dma_semaphore, #tpu.memory_space<semaphore_mem>>)
    %dma_start3A_106 = arith.constant 96 : i32
    %dma_start3A_107 = tpu.memref_slice %arg7[%dma_start3A_106] : memref<10176xi32, #tpu.memory_space<vmem>> -> memref<48xi32, #tpu.memory_space<vmem>>
    %dma_start3A_108 = arith.constant 0 : i32
    %dma_start3A_109 = arith.constant 0 : i32
    %dma_start3A_110 = tpu.memref_slice %arg2[%dma_start3A_108, %dma_start3A_109] : memref<40000x128xf32, #tpu.memory_space<hbm>> -> memref<40000x128xf32, #tpu.memory_space<hbm>>
    tpu.enqueue_indirect_dma source(%dma_start3A_110 : memref<40000x128xf32, #tpu.memory_space<hbm>>) target(%arg11 : memref<48x128xf32, #tpu.memory_space<vmem>>) offsets(%dma_start3A_107 : memref<48xi32, #tpu.memory_space<vmem>>) semaphore(%arg16 : memref<!tpu.dma_semaphore, #tpu.memory_space<semaphore_mem>>)
    %dma_wait3A_111 = arith.constant 0 : i32
    %dma_wait3A_112 = tpu.memref_slice %arg7[%dma_wait3A_111] : memref<10176xi32, #tpu.memory_space<vmem>> -> memref<48xi32, #tpu.memory_space<vmem>>
    %dma_wait3A_113 = arith.constant 0 : i32
    %dma_wait3A_114 = arith.constant 0 : i32
    %dma_wait3A_115 = tpu.memref_slice %arg2[%dma_wait3A_113, %dma_wait3A_114] : memref<40000x128xf32, #tpu.memory_space<hbm>> -> memref<40000x128xf32, #tpu.memory_space<hbm>>
    tpu.wait_indirect_dma semaphore(%arg14 : memref<!tpu.dma_semaphore, #tpu.memory_space<semaphore_mem>>) src(%dma_wait3A_115 : memref<40000x128xf32, #tpu.memory_space<hbm>>) dst(%arg9 : memref<48x128xf32, #tpu.memory_space<vmem>>)
    %dma_start3A_116 = arith.constant 0 : i32
    %dma_start3A_117 = tpu.memref_slice %arg8[%dma_start3A_116] : memref<10176xi32, #tpu.memory_space<vmem>> -> memref<48xi32, #tpu.memory_space<vmem>>
    %dma_start3A_118 = arith.constant 0 : i32
    %dma_start3A_119 = arith.constant 0 : i32
    %dma_start3A_120 = tpu.memref_slice %arg13[%dma_start3A_118, %dma_start3A_119] : memref<10112x128xf32, #tpu.memory_space<vmem_shared>> -> memref<10112x128xf32, #tpu.memory_space<vmem_shared>>
    tpu.enqueue_indirect_dma source(%arg9 : memref<48x128xf32, #tpu.memory_space<vmem>>) target(%dma_start3A_120 : memref<10112x128xf32, #tpu.memory_space<vmem_shared>>) offsets(%dma_start3A_117 : memref<48xi32, #tpu.memory_space<vmem>>) semaphore(%arg18 : memref<!tpu.dma_semaphore, #tpu.memory_space<semaphore_mem>>) {add = true}
    %dma_start3A_121 = arith.constant 144 : i32
    %dma_start3A_122 = tpu.memref_slice %arg7[%dma_start3A_121] : memref<10176xi32, #tpu.memory_space<vmem>> -> memref<48xi32, #tpu.memory_space<vmem>>
    %dma_start3A_123 = arith.constant 0 : i32
    %dma_start3A_124 = arith.constant 0 : i32
    %dma_start3A_125 = tpu.memref_slice %arg2[%dma_start3A_123, %dma_start3A_124] : memref<40000x128xf32, #tpu.memory_space<hbm>> -> memref<40000x128xf32, #tpu.memory_space<hbm>>
    tpu.enqueue_indirect_dma source(%dma_start3A_125 : memref<40000x128xf32, #tpu.memory_space<hbm>>) target(%arg12 : memref<48x128xf32, #tpu.memory_space<vmem>>) offsets(%dma_start3A_122 : memref<48xi32, #tpu.memory_space<vmem>>) semaphore(%arg17 : memref<!tpu.dma_semaphore, #tpu.memory_space<semaphore_mem>>)
    %dma_wait3A_126 = arith.constant 0 : i32
    %dma_wait3A_127 = tpu.memref_slice %arg7[%dma_wait3A_126] : memref<10176xi32, #tpu.memory_space<vmem>> -> memref<48xi32, #tpu.memory_space<vmem>>
    %dma_wait3A_128 = arith.constant 0 : i32
    %dma_wait3A_129 = arith.constant 0 : i32
    %dma_wait3A_130 = tpu.memref_slice %arg2[%dma_wait3A_128, %dma_wait3A_129] : memref<40000x128xf32, #tpu.memory_space<hbm>> -> memref<40000x128xf32, #tpu.memory_space<hbm>>
    tpu.wait_indirect_dma semaphore(%arg15 : memref<!tpu.dma_semaphore, #tpu.memory_space<semaphore_mem>>) src(%dma_wait3A_130 : memref<40000x128xf32, #tpu.memory_space<hbm>>) dst(%arg10 : memref<48x128xf32, #tpu.memory_space<vmem>>)
    %dma_start3A_131 = arith.constant 48 : i32
    %dma_start3A_132 = tpu.memref_slice %arg8[%dma_start3A_131] : memref<10176xi32, #tpu.memory_space<vmem>> -> memref<48xi32, #tpu.memory_space<vmem>>
    %dma_start3A_133 = arith.constant 0 : i32
    %dma_start3A_134 = arith.constant 0 : i32
    %dma_start3A_135 = tpu.memref_slice %arg13[%dma_start3A_133, %dma_start3A_134] : memref<10112x128xf32, #tpu.memory_space<vmem_shared>> -> memref<10112x128xf32, #tpu.memory_space<vmem_shared>>
    tpu.enqueue_indirect_dma source(%arg10 : memref<48x128xf32, #tpu.memory_space<vmem>>) target(%dma_start3A_135 : memref<10112x128xf32, #tpu.memory_space<vmem_shared>>) offsets(%dma_start3A_132 : memref<48xi32, #tpu.memory_space<vmem>>) semaphore(%arg19 : memref<!tpu.dma_semaphore, #tpu.memory_space<semaphore_mem>>) {add = true}
    %scan3A_136 = arith.constant 0 : i32
    %scan3A_137 = arith.constant 0 : i32
    %scan3A_138 = arith.constant 52 : i32
    %scan3A_139 = arith.addi %scan3A_137, %scan3A_138 : i32
    %scan3A_140 = arith.constant 1 : i32
    scf.for %scan3A_187 = %scan3A_137 to %scan3A_139 step %scan3A_140  : i32 {
      %mul3A_188 = arith.constant 4 : i32
      %mul3A_189 = arith.muli %mul3A_188, %scan3A_187 : i32
      %add3A_190 = arith.constant 2 : i32
      %add3A_191 = arith.addi %add3A_190, %mul3A_189 : i32
      %add3A_192 = arith.constant 0 : i32
      %add3A_193 = arith.addi %add3A_191, %add3A_192 : i32
      %dma_wait3A_194 = arith.constant 0 : i32
      %dma_wait3A_195 = tpu.memref_slice %arg8[%dma_wait3A_194] : memref<10176xi32, #tpu.memory_space<vmem>> -> memref<48xi32, #tpu.memory_space<vmem>>
      %dma_wait3A_196 = arith.constant 0 : i32
      %dma_wait3A_197 = arith.constant 0 : i32
      %dma_wait3A_198 = tpu.memref_slice %arg13[%dma_wait3A_196, %dma_wait3A_197] : memref<10112x128xf32, #tpu.memory_space<vmem_shared>> -> memref<10112x128xf32, #tpu.memory_space<vmem_shared>>
      tpu.wait_indirect_dma semaphore(%arg18 : memref<!tpu.dma_semaphore, #tpu.memory_space<semaphore_mem>>) src(%arg9 : memref<48x128xf32, #tpu.memory_space<vmem>>) dst(%dma_wait3A_198 : memref<10112x128xf32, #tpu.memory_space<vmem_shared>>)
      %add3A_199 = arith.constant 2 : i32
      %add3A_200 = arith.addi %add3A_193, %add3A_199 : i32
      %mul3A_201 = arith.constant 48 : i32
      %mul3A_202 = arith.muli %add3A_200, %mul3A_201 : i32
      %dma_start3A_203 = tpu.memref_slice %arg7[%mul3A_202] : memref<10176xi32, #tpu.memory_space<vmem>> -> memref<48xi32, #tpu.memory_space<vmem>>
      %dma_start3A_204 = arith.constant 0 : i32
      %dma_start3A_205 = arith.constant 0 : i32
      %dma_start3A_206 = tpu.memref_slice %arg2[%dma_start3A_204, %dma_start3A_205] : memref<40000x128xf32, #tpu.memory_space<hbm>> -> memref<40000x128xf32, #tpu.memory_space<hbm>>
      tpu.enqueue_indirect_dma source(%dma_start3A_206 : memref<40000x128xf32, #tpu.memory_space<hbm>>) target(%arg9 : memref<48x128xf32, #tpu.memory_space<vmem>>) offsets(%dma_start3A_203 : memref<48xi32, #tpu.memory_space<vmem>>) semaphore(%arg14 : memref<!tpu.dma_semaphore, #tpu.memory_space<semaphore_mem>>)
      %dma_wait3A_207 = arith.constant 0 : i32
      %dma_wait3A_208 = tpu.memref_slice %arg7[%dma_wait3A_207] : memref<10176xi32, #tpu.memory_space<vmem>> -> memref<48xi32, #tpu.memory_space<vmem>>
      %dma_wait3A_209 = arith.constant 0 : i32
      %dma_wait3A_210 = arith.constant 0 : i32
      %dma_wait3A_211 = tpu.memref_slice %arg2[%dma_wait3A_209, %dma_wait3A_210] : memref<40000x128xf32, #tpu.memory_space<hbm>> -> memref<40000x128xf32, #tpu.memory_space<hbm>>
      tpu.wait_indirect_dma semaphore(%arg16 : memref<!tpu.dma_semaphore, #tpu.memory_space<semaphore_mem>>) src(%dma_wait3A_211 : memref<40000x128xf32, #tpu.memory_space<hbm>>) dst(%arg11 : memref<48x128xf32, #tpu.memory_space<vmem>>)
      %mul3A_212 = arith.constant 48 : i32
      %mul3A_213 = arith.muli %add3A_193, %mul3A_212 : i32
      %dma_start3A_214 = tpu.memref_slice %arg8[%mul3A_213] : memref<10176xi32, #tpu.memory_space<vmem>> -> memref<48xi32, #tpu.memory_space<vmem>>
      %dma_start3A_215 = arith.constant 0 : i32
      %dma_start3A_216 = arith.constant 0 : i32
      %dma_start3A_217 = tpu.memref_slice %arg13[%dma_start3A_215, %dma_start3A_216] : memref<10112x128xf32, #tpu.memory_space<vmem_shared>> -> memref<10112x128xf32, #tpu.memory_space<vmem_shared>>
      tpu.enqueue_indirect_dma source(%arg11 : memref<48x128xf32, #tpu.memory_space<vmem>>) target(%dma_start3A_217 : memref<10112x128xf32, #tpu.memory_space<vmem_shared>>) offsets(%dma_start3A_214 : memref<48xi32, #tpu.memory_space<vmem>>) semaphore(%arg20 : memref<!tpu.dma_semaphore, #tpu.memory_space<semaphore_mem>>) {add = true}
      %mul3A_218 = arith.constant 4 : i32
      %mul3A_219 = arith.muli %mul3A_218, %scan3A_187 : i32
      %add3A_220 = arith.constant 2 : i32
      %add3A_221 = arith.addi %add3A_220, %mul3A_219 : i32
      %add3A_222 = arith.constant 1 : i32
      %add3A_223 = arith.addi %add3A_221, %add3A_222 : i32
      %dma_wait3A_224 = arith.constant 0 : i32
      %dma_wait3A_225 = tpu.memref_slice %arg8[%dma_wait3A_224] : memref<10176xi32, #tpu.memory_space<vmem>> -> memref<48xi32, #tpu.memory_space<vmem>>
      %dma_wait3A_226 = arith.constant 0 : i32
      %dma_wait3A_227 = arith.constant 0 : i32
      %dma_wait3A_228 = tpu.memref_slice %arg13[%dma_wait3A_226, %dma_wait3A_227] : memref<10112x128xf32, #tpu.memory_space<vmem_shared>> -> memref<10112x128xf32, #tpu.memory_space<vmem_shared>>
      tpu.wait_indirect_dma semaphore(%arg19 : memref<!tpu.dma_semaphore, #tpu.memory_space<semaphore_mem>>) src(%arg10 : memref<48x128xf32, #tpu.memory_space<vmem>>) dst(%dma_wait3A_228 : memref<10112x128xf32, #tpu.memory_space<vmem_shared>>)
      %add3A_229 = arith.constant 2 : i32
      %add3A_230 = arith.addi %add3A_223, %add3A_229 : i32
      %mul3A_231 = arith.constant 48 : i32
      %mul3A_232 = arith.muli %add3A_230, %mul3A_231 : i32
      %dma_start3A_233 = tpu.memref_slice %arg7[%mul3A_232] : memref<10176xi32, #tpu.memory_space<vmem>> -> memref<48xi32, #tpu.memory_space<vmem>>
      %dma_start3A_234 = arith.constant 0 : i32
      %dma_start3A_235 = arith.constant 0 : i32
      %dma_start3A_236 = tpu.memref_slice %arg2[%dma_start3A_234, %dma_start3A_235] : memref<40000x128xf32, #tpu.memory_space<hbm>> -> memref<40000x128xf32, #tpu.memory_space<hbm>>
      tpu.enqueue_indirect_dma source(%dma_start3A_236 : memref<40000x128xf32, #tpu.memory_space<hbm>>) target(%arg10 : memref<48x128xf32, #tpu.memory_space<vmem>>) offsets(%dma_start3A_233 : memref<48xi32, #tpu.memory_space<vmem>>) semaphore(%arg15 : memref<!tpu.dma_semaphore, #tpu.memory_space<semaphore_mem>>)
      %dma_wait3A_237 = arith.constant 0 : i32
      %dma_wait3A_238 = tpu.memref_slice %arg7[%dma_wait3A_237] : memref<10176xi32, #tpu.memory_space<vmem>> -> memref<48xi32, #tpu.memory_space<vmem>>
      %dma_wait3A_239 = arith.constant 0 : i32
      %dma_wait3A_240 = arith.constant 0 : i32
      %dma_wait3A_241 = tpu.memref_slice %arg2[%dma_wait3A_239, %dma_wait3A_240] : memref<40000x128xf32, #tpu.memory_space<hbm>> -> memref<40000x128xf32, #tpu.memory_space<hbm>>
      tpu.wait_indirect_dma semaphore(%arg17 : memref<!tpu.dma_semaphore, #tpu.memory_space<semaphore_mem>>) src(%dma_wait3A_241 : memref<40000x128xf32, #tpu.memory_space<hbm>>) dst(%arg12 : memref<48x128xf32, #tpu.memory_space<vmem>>)
      %mul3A_242 = arith.constant 48 : i32
      %mul3A_243 = arith.muli %add3A_223, %mul3A_242 : i32
      %dma_start3A_244 = tpu.memref_slice %arg8[%mul3A_243] : memref<10176xi32, #tpu.memory_space<vmem>> -> memref<48xi32, #tpu.memory_space<vmem>>
      %dma_start3A_245 = arith.constant 0 : i32
      %dma_start3A_246 = arith.constant 0 : i32
      %dma_start3A_247 = tpu.memref_slice %arg13[%dma_start3A_245, %dma_start3A_246] : memref<10112x128xf32, #tpu.memory_space<vmem_shared>> -> memref<10112x128xf32, #tpu.memory_space<vmem_shared>>
      tpu.enqueue_indirect_dma source(%arg12 : memref<48x128xf32, #tpu.memory_space<vmem>>) target(%dma_start3A_247 : memref<10112x128xf32, #tpu.memory_space<vmem_shared>>) offsets(%dma_start3A_244 : memref<48xi32, #tpu.memory_space<vmem>>) semaphore(%arg21 : memref<!tpu.dma_semaphore, #tpu.memory_space<semaphore_mem>>) {add = true}
      %mul3A_248 = arith.constant 4 : i32
      %mul3A_249 = arith.muli %mul3A_248, %scan3A_187 : i32
      %add3A_250 = arith.constant 2 : i32
      %add3A_251 = arith.addi %add3A_250, %mul3A_249 : i32
      %add3A_252 = arith.constant 2 : i32
      %add3A_253 = arith.addi %add3A_251, %add3A_252 : i32
      %dma_wait3A_254 = arith.constant 0 : i32
      %dma_wait3A_255 = tpu.memref_slice %arg8[%dma_wait3A_254] : memref<10176xi32, #tpu.memory_space<vmem>> -> memref<48xi32, #tpu.memory_space<vmem>>
      %dma_wait3A_256 = arith.constant 0 : i32
      %dma_wait3A_257 = arith.constant 0 : i32
      %dma_wait3A_258 = tpu.memref_slice %arg13[%dma_wait3A_256, %dma_wait3A_257] : memref<10112x128xf32, #tpu.memory_space<vmem_shared>> -> memref<10112x128xf32, #tpu.memory_space<vmem_shared>>
      tpu.wait_indirect_dma semaphore(%arg20 : memref<!tpu.dma_semaphore, #tpu.memory_space<semaphore_mem>>) src(%arg11 : memref<48x128xf32, #tpu.memory_space<vmem>>) dst(%dma_wait3A_258 : memref<10112x128xf32, #tpu.memory_space<vmem_shared>>)
      %add3A_259 = arith.constant 2 : i32
      %add3A_260 = arith.addi %add3A_253, %add3A_259 : i32
      %mul3A_261 = arith.constant 48 : i32
      %mul3A_262 = arith.muli %add3A_260, %mul3A_261 : i32
      %dma_start3A_263 = tpu.memref_slice %arg7[%mul3A_262] : memref<10176xi32, #tpu.memory_space<vmem>> -> memref<48xi32, #tpu.memory_space<vmem>>
      %dma_start3A_264 = arith.constant 0 : i32
      %dma_start3A_265 = arith.constant 0 : i32
      %dma_start3A_266 = tpu.memref_slice %arg2[%dma_start3A_264, %dma_start3A_265] : memref<40000x128xf32, #tpu.memory_space<hbm>> -> memref<40000x128xf32, #tpu.memory_space<hbm>>
      tpu.enqueue_indirect_dma source(%dma_start3A_266 : memref<40000x128xf32, #tpu.memory_space<hbm>>) target(%arg11 : memref<48x128xf32, #tpu.memory_space<vmem>>) offsets(%dma_start3A_263 : memref<48xi32, #tpu.memory_space<vmem>>) semaphore(%arg16 : memref<!tpu.dma_semaphore, #tpu.memory_space<semaphore_mem>>)
      %dma_wait3A_267 = arith.constant 0 : i32
      %dma_wait3A_268 = tpu.memref_slice %arg7[%dma_wait3A_267] : memref<10176xi32, #tpu.memory_space<vmem>> -> memref<48xi32, #tpu.memory_space<vmem>>
      %dma_wait3A_269 = arith.constant 0 : i32
      %dma_wait3A_270 = arith.constant 0 : i32
      %dma_wait3A_271 = tpu.memref_slice %arg2[%dma_wait3A_269, %dma_wait3A_270] : memref<40000x128xf32, #tpu.memory_space<hbm>> -> memref<40000x128xf32, #tpu.memory_space<hbm>>
      tpu.wait_indirect_dma semaphore(%arg14 : memref<!tpu.dma_semaphore, #tpu.memory_space<semaphore_mem>>) src(%dma_wait3A_271 : memref<40000x128xf32, #tpu.memory_space<hbm>>) dst(%arg9 : memref<48x128xf32, #tpu.memory_space<vmem>>)
      %mul3A_272 = arith.constant 48 : i32
      %mul3A_273 = arith.muli %add3A_253, %mul3A_272 : i32
      %dma_start3A_274 = tpu.memref_slice %arg8[%mul3A_273] : memref<10176xi32, #tpu.memory_space<vmem>> -> memref<48xi32, #tpu.memory_space<vmem>>
      %dma_start3A_275 = arith.constant 0 : i32
      %dma_start3A_276 = arith.constant 0 : i32
      %dma_start3A_277 = tpu.memref_slice %arg13[%dma_start3A_275, %dma_start3A_276] : memref<10112x128xf32, #tpu.memory_space<vmem_shared>> -> memref<10112x128xf32, #tpu.memory_space<vmem_shared>>
      tpu.enqueue_indirect_dma source(%arg9 : memref<48x128xf32, #tpu.memory_space<vmem>>) target(%dma_start3A_277 : memref<10112x128xf32, #tpu.memory_space<vmem_shared>>) offsets(%dma_start3A_274 : memref<48xi32, #tpu.memory_space<vmem>>) semaphore(%arg18 : memref<!tpu.dma_semaphore, #tpu.memory_space<semaphore_mem>>) {add = true}
      %mul3A_278 = arith.constant 4 : i32
      %mul3A_279 = arith.muli %mul3A_278, %scan3A_187 : i32
      %add3A_280 = arith.constant 2 : i32
      %add3A_281 = arith.addi %add3A_280, %mul3A_279 : i32
      %add3A_282 = arith.constant 3 : i32
      %add3A_283 = arith.addi %add3A_281, %add3A_282 : i32
      %dma_wait3A_284 = arith.constant 0 : i32
      %dma_wait3A_285 = tpu.memref_slice %arg8[%dma_wait3A_284] : memref<10176xi32, #tpu.memory_space<vmem>> -> memref<48xi32, #tpu.memory_space<vmem>>
      %dma_wait3A_286 = arith.constant 0 : i32
      %dma_wait3A_287 = arith.constant 0 : i32
      %dma_wait3A_288 = tpu.memref_slice %arg13[%dma_wait3A_286, %dma_wait3A_287] : memref<10112x128xf32, #tpu.memory_space<vmem_shared>> -> memref<10112x128xf32, #tpu.memory_space<vmem_shared>>
      tpu.wait_indirect_dma semaphore(%arg21 : memref<!tpu.dma_semaphore, #tpu.memory_space<semaphore_mem>>) src(%arg12 : memref<48x128xf32, #tpu.memory_space<vmem>>) dst(%dma_wait3A_288 : memref<10112x128xf32, #tpu.memory_space<vmem_shared>>)
      %add3A_289 = arith.constant 2 : i32
      %add3A_290 = arith.addi %add3A_283, %add3A_289 : i32
      %mul3A_291 = arith.constant 48 : i32
      %mul3A_292 = arith.muli %add3A_290, %mul3A_291 : i32
      %dma_start3A_293 = tpu.memref_slice %arg7[%mul3A_292] : memref<10176xi32, #tpu.memory_space<vmem>> -> memref<48xi32, #tpu.memory_space<vmem>>
      %dma_start3A_294 = arith.constant 0 : i32
      %dma_start3A_295 = arith.constant 0 : i32
      %dma_start3A_296 = tpu.memref_slice %arg2[%dma_start3A_294, %dma_start3A_295] : memref<40000x128xf32, #tpu.memory_space<hbm>> -> memref<40000x128xf32, #tpu.memory_space<hbm>>
      tpu.enqueue_indirect_dma source(%dma_start3A_296 : memref<40000x128xf32, #tpu.memory_space<hbm>>) target(%arg12 : memref<48x128xf32, #tpu.memory_space<vmem>>) offsets(%dma_start3A_293 : memref<48xi32, #tpu.memory_space<vmem>>) semaphore(%arg17 : memref<!tpu.dma_semaphore, #tpu.memory_space<semaphore_mem>>)
      %dma_wait3A_297 = arith.constant 0 : i32
      %dma_wait3A_298 = tpu.memref_slice %arg7[%dma_wait3A_297] : memref<10176xi32, #tpu.memory_space<vmem>> -> memref<48xi32, #tpu.memory_space<vmem>>
      %dma_wait3A_299 = arith.constant 0 : i32
      %dma_wait3A_300 = arith.constant 0 : i32
      %dma_wait3A_301 = tpu.memref_slice %arg2[%dma_wait3A_299, %dma_wait3A_300] : memref<40000x128xf32, #tpu.memory_space<hbm>> -> memref<40000x128xf32, #tpu.memory_space<hbm>>
      tpu.wait_indirect_dma semaphore(%arg15 : memref<!tpu.dma_semaphore, #tpu.memory_space<semaphore_mem>>) src(%dma_wait3A_301 : memref<40000x128xf32, #tpu.memory_space<hbm>>) dst(%arg10 : memref<48x128xf32, #tpu.memory_space<vmem>>)
      %mul3A_302 = arith.constant 48 : i32
      %mul3A_303 = arith.muli %add3A_283, %mul3A_302 : i32
      %dma_start3A_304 = tpu.memref_slice %arg8[%mul3A_303] : memref<10176xi32, #tpu.memory_space<vmem>> -> memref<48xi32, #tpu.memory_space<vmem>>
      %dma_start3A_305 = arith.constant 0 : i32
      %dma_start3A_306 = arith.constant 0 : i32
      %dma_start3A_307 = tpu.memref_slice %arg13[%dma_start3A_305, %dma_start3A_306] : memref<10112x128xf32, #tpu.memory_space<vmem_shared>> -> memref<10112x128xf32, #tpu.memory_space<vmem_shared>>
      tpu.enqueue_indirect_dma source(%arg10 : memref<48x128xf32, #tpu.memory_space<vmem>>) target(%dma_start3A_307 : memref<10112x128xf32, #tpu.memory_space<vmem_shared>>) offsets(%dma_start3A_304 : memref<48xi32, #tpu.memory_space<vmem>>) semaphore(%arg19 : memref<!tpu.dma_semaphore, #tpu.memory_space<semaphore_mem>>) {add = true}
    }
    %scan3A_141 = arith.constant 52 : i32
    %dma_wait3A_142 = arith.constant 0 : i32
    %dma_wait3A_143 = tpu.memref_slice %arg7[%dma_wait3A_142] : memref<10176xi32, #tpu.memory_space<vmem>> -> memref<48xi32, #tpu.memory_space<vmem>>
    %dma_wait3A_144 = arith.constant 0 : i32
    %dma_wait3A_145 = arith.constant 0 : i32
    %dma_wait3A_146 = tpu.memref_slice %arg2[%dma_wait3A_144, %dma_wait3A_145] : memref<40000x128xf32, #tpu.memory_space<hbm>> -> memref<40000x128xf32, #tpu.memory_space<hbm>>
    tpu.wait_indirect_dma semaphore(%arg16 : memref<!tpu.dma_semaphore, #tpu.memory_space<semaphore_mem>>) src(%dma_wait3A_146 : memref<40000x128xf32, #tpu.memory_space<hbm>>) dst(%arg11 : memref<48x128xf32, #tpu.memory_space<vmem>>)
    %dma_start3A_147 = arith.constant 10080 : i32
    %dma_start3A_148 = tpu.memref_slice %arg8[%dma_start3A_147] : memref<10176xi32, #tpu.memory_space<vmem>> -> memref<48xi32, #tpu.memory_space<vmem>>
    %dma_start3A_149 = arith.constant 0 : i32
    %dma_start3A_150 = arith.constant 0 : i32
    %dma_start3A_151 = tpu.memref_slice %arg13[%dma_start3A_149, %dma_start3A_150] : memref<10112x128xf32, #tpu.memory_space<vmem_shared>> -> memref<10112x128xf32, #tpu.memory_space<vmem_shared>>
    tpu.enqueue_indirect_dma source(%arg11 : memref<48x128xf32, #tpu.memory_space<vmem>>) target(%dma_start3A_151 : memref<10112x128xf32, #tpu.memory_space<vmem_shared>>) offsets(%dma_start3A_148 : memref<48xi32, #tpu.memory_space<vmem>>) semaphore(%arg20 : memref<!tpu.dma_semaphore, #tpu.memory_space<semaphore_mem>>) {add = true}
    %dma_wait3A_152 = arith.constant 0 : i32
    %dma_wait3A_153 = tpu.memref_slice %arg7[%dma_wait3A_152] : memref<10176xi32, #tpu.memory_space<vmem>> -> memref<48xi32, #tpu.memory_space<vmem>>
    %dma_wait3A_154 = arith.constant 0 : i32
    %dma_wait3A_155 = arith.constant 0 : i32
    %dma_wait3A_156 = tpu.memref_slice %arg2[%dma_wait3A_154, %dma_wait3A_155] : memref<40000x128xf32, #tpu.memory_space<hbm>> -> memref<40000x128xf32, #tpu.memory_space<hbm>>
    tpu.wait_indirect_dma semaphore(%arg17 : memref<!tpu.dma_semaphore, #tpu.memory_space<semaphore_mem>>) src(%dma_wait3A_156 : memref<40000x128xf32, #tpu.memory_space<hbm>>) dst(%arg12 : memref<48x128xf32, #tpu.memory_space<vmem>>)
    %dma_start3A_157 = arith.constant 10128 : i32
    %dma_start3A_158 = tpu.memref_slice %arg8[%dma_start3A_157] : memref<10176xi32, #tpu.memory_space<vmem>> -> memref<48xi32, #tpu.memory_space<vmem>>
    %dma_start3A_159 = arith.constant 0 : i32
    %dma_start3A_160 = arith.constant 0 : i32
    %dma_start3A_161 = tpu.memref_slice %arg13[%dma_start3A_159, %dma_start3A_160] : memref<10112x128xf32, #tpu.memory_space<vmem_shared>> -> memref<10112x128xf32, #tpu.memory_space<vmem_shared>>
    tpu.enqueue_indirect_dma source(%arg12 : memref<48x128xf32, #tpu.memory_space<vmem>>) target(%dma_start3A_161 : memref<10112x128xf32, #tpu.memory_space<vmem_shared>>) offsets(%dma_start3A_158 : memref<48xi32, #tpu.memory_space<vmem>>) semaphore(%arg21 : memref<!tpu.dma_semaphore, #tpu.memory_space<semaphore_mem>>) {add = true}
    %dma_wait3A_162 = arith.constant 0 : i32
    %dma_wait3A_163 = tpu.memref_slice %arg8[%dma_wait3A_162] : memref<10176xi32, #tpu.memory_space<vmem>> -> memref<48xi32, #tpu.memory_space<vmem>>
    %dma_wait3A_164 = arith.constant 0 : i32
    %dma_wait3A_165 = arith.constant 0 : i32
    %dma_wait3A_166 = tpu.memref_slice %arg13[%dma_wait3A_164, %dma_wait3A_165] : memref<10112x128xf32, #tpu.memory_space<vmem_shared>> -> memref<10112x128xf32, #tpu.memory_space<vmem_shared>>
    tpu.wait_indirect_dma semaphore(%arg18 : memref<!tpu.dma_semaphore, #tpu.memory_space<semaphore_mem>>) src(%arg9 : memref<48x128xf32, #tpu.memory_space<vmem>>) dst(%dma_wait3A_166 : memref<10112x128xf32, #tpu.memory_space<vmem_shared>>)
    %dma_wait3A_167 = arith.constant 0 : i32
    %dma_wait3A_168 = tpu.memref_slice %arg8[%dma_wait3A_167] : memref<10176xi32, #tpu.memory_space<vmem>> -> memref<48xi32, #tpu.memory_space<vmem>>
    %dma_wait3A_169 = arith.constant 0 : i32
    %dma_wait3A_170 = arith.constant 0 : i32
    %dma_wait3A_171 = tpu.memref_slice %arg13[%dma_wait3A_169, %dma_wait3A_170] : memref<10112x128xf32, #tpu.memory_space<vmem_shared>> -> memref<10112x128xf32, #tpu.memory_space<vmem_shared>>
    tpu.wait_indirect_dma semaphore(%arg19 : memref<!tpu.dma_semaphore, #tpu.memory_space<semaphore_mem>>) src(%arg10 : memref<48x128xf32, #tpu.memory_space<vmem>>) dst(%dma_wait3A_171 : memref<10112x128xf32, #tpu.memory_space<vmem_shared>>)
    %dma_wait3A_172 = arith.constant 0 : i32
    %dma_wait3A_173 = tpu.memref_slice %arg8[%dma_wait3A_172] : memref<10176xi32, #tpu.memory_space<vmem>> -> memref<48xi32, #tpu.memory_space<vmem>>
    %dma_wait3A_174 = arith.constant 0 : i32
    %dma_wait3A_175 = arith.constant 0 : i32
    %dma_wait3A_176 = tpu.memref_slice %arg13[%dma_wait3A_174, %dma_wait3A_175] : memref<10112x128xf32, #tpu.memory_space<vmem_shared>> -> memref<10112x128xf32, #tpu.memory_space<vmem_shared>>
    tpu.wait_indirect_dma semaphore(%arg20 : memref<!tpu.dma_semaphore, #tpu.memory_space<semaphore_mem>>) src(%arg11 : memref<48x128xf32, #tpu.memory_space<vmem>>) dst(%dma_wait3A_176 : memref<10112x128xf32, #tpu.memory_space<vmem_shared>>)
    %dma_wait3A_177 = arith.constant 0 : i32
    %dma_wait3A_178 = tpu.memref_slice %arg8[%dma_wait3A_177] : memref<10176xi32, #tpu.memory_space<vmem>> -> memref<48xi32, #tpu.memory_space<vmem>>
    %dma_wait3A_179 = arith.constant 0 : i32
    %dma_wait3A_180 = arith.constant 0 : i32
    %dma_wait3A_181 = tpu.memref_slice %arg13[%dma_wait3A_179, %dma_wait3A_180] : memref<10112x128xf32, #tpu.memory_space<vmem_shared>> -> memref<10112x128xf32, #tpu.memory_space<vmem_shared>>
    tpu.wait_indirect_dma semaphore(%arg21 : memref<!tpu.dma_semaphore, #tpu.memory_space<semaphore_mem>>) src(%arg12 : memref<48x128xf32, #tpu.memory_space<vmem>>) dst(%dma_wait3A_181 : memref<10112x128xf32, #tpu.memory_space<vmem_shared>>)
    %barrier3A_182 = arith.constant 0 : index
    tpu.barrier barrier_id(%barrier3A_182)
    %mul3A_183 = arith.constant 632 : i32
    %mul3A_184 = arith.muli %arg1, %mul3A_183 : i32
    %mul3A_185 = arith.constant 632 : i32
    %mul3A_186 = arith.muli %arg1, %mul3A_185 : i32
    "tpu.region"() ({
      %run_scoped3A = tpu.sem_alloc : memref<!tpu.dma_semaphore, #tpu.memory_space<semaphore_mem>>
      %dma_start3A_187 = arith.constant 0 : i32
      %dma_start3A_188 = tpu.memref_slice %arg6[%add3A_92, %mul3A_186, %dma_start3A_187] : memref<4x10112x128xf32, #tpu.memory_space<hbm>> -> memref<1x632x128xf32, #tpu.memory_space<hbm>>
      %dma_start3A_189 = tpu.memref_squeeze %dma_start3A_188 : memref<1x632x128xf32, #tpu.memory_space<hbm>> -> memref<632x128xf32, #tpu.memory_space<hbm>>
      %dma_start3A_190 = arith.constant 0 : i32
      %dma_start3A_191 = tpu.memref_slice %arg13[%mul3A_184, %dma_start3A_190] : memref<10112x128xf32, #tpu.memory_space<vmem_shared>> -> memref<632x128xf32, #tpu.memory_space<vmem_shared>>
      tpu.enqueue_dma source(%dma_start3A_191 : memref<632x128xf32, #tpu.memory_space<vmem_shared>>) target(%dma_start3A_189 : memref<632x128xf32, #tpu.memory_space<hbm>>) target_semaphore(%run_scoped3A : memref<!tpu.dma_semaphore, #tpu.memory_space<semaphore_mem>>)
      %dma_wait3A_192 = arith.constant 0 : i32
      %dma_wait3A_193 = tpu.memref_slice %arg6[%add3A_92, %mul3A_186, %dma_wait3A_192] : memref<4x10112x128xf32, #tpu.memory_space<hbm>> -> memref<1x632x128xf32, #tpu.memory_space<hbm>>
      %dma_wait3A_194 = tpu.memref_squeeze %dma_wait3A_193 : memref<1x632x128xf32, #tpu.memory_space<hbm>> -> memref<632x128xf32, #tpu.memory_space<hbm>>
      %dma_wait3A_195 = arith.constant 0 : i32
      %dma_wait3A_196 = tpu.memref_slice %arg13[%mul3A_184, %dma_wait3A_195] : memref<10112x128xf32, #tpu.memory_space<vmem_shared>> -> memref<632x128xf32, #tpu.memory_space<vmem_shared>>
      tpu.wait_dma2 semaphore(%run_scoped3A : memref<!tpu.dma_semaphore, #tpu.memory_space<semaphore_mem>>) src(%dma_wait3A_196 : memref<632x128xf32, #tpu.memory_space<vmem_shared>>) dst(%dma_wait3A_194 : memref<632x128xf32, #tpu.memory_space<hbm>>)
      tpu.yield
    }) : () -> ()
    return
  }
}

#map = affine_map<(d0, d1) -> (0, 0)>
#map1 = affine_map<(d0, d1) -> (0, 0, 0)>
module attributes {stable_mosaic.version = 14 : i64} {
  func.func @_agg_sc(%arg0: i32, %arg1: i32, %arg2: memref<40000x128xf32, #tpu.memory_space<hbm>>, %arg3: memref<4x16x10176xi32, #tpu.memory_space<hbm>>, %arg4: memref<16x10176xi32, #tpu.memory_space<hbm>>, %arg5: memref<632x128xf32, #tpu.memory_space<hbm>>, %arg6: memref<4x10112x128xf32, #tpu.memory_space<hbm>>, %arg7: memref<10176xi32, #tpu.memory_space<vmem>>, %arg8: memref<10176xi32, #tpu.memory_space<vmem>>, %arg9: memref<48x128xf32, #tpu.memory_space<vmem>>, %arg10: memref<48x128xf32, #tpu.memory_space<vmem>>, %arg11: memref<48x128xf32, #tpu.memory_space<vmem>>, %arg12: memref<48x128xf32, #tpu.memory_space<vmem>>, %arg13: memref<10112x128xf32, #tpu.memory_space<vmem_shared>>, %arg14: memref<!tpu.dma_semaphore, #tpu.memory_space<semaphore_mem>>, %arg15: memref<!tpu.dma_semaphore, #tpu.memory_space<semaphore_mem>>, %arg16: memref<!tpu.dma_semaphore, #tpu.memory_space<semaphore_mem>>, %arg17: memref<!tpu.dma_semaphore, #tpu.memory_space<semaphore_mem>>, %arg18: memref<!tpu.dma_semaphore, #tpu.memory_space<semaphore_mem>>, %arg19: memref<!tpu.dma_semaphore, #tpu.memory_space<semaphore_mem>>, %arg20: memref<!tpu.dma_semaphore, #tpu.memory_space<semaphore_mem>>, %arg21: memref<!tpu.dma_semaphore, #tpu.memory_space<semaphore_mem>>) attributes {dimension_semantics = [#tpu.dimension_semantics<core_parallel>, #tpu.dimension_semantics<subcore_parallel>], iteration_bounds = array<i64: 2, 16>, scalar_prefetch = 0 : i64, scratch_operands = 15 : i64, tpu.core_type = #tpu.core_type<sc_vector_subcore>, window_params = [{transform_indices = #map}, {transform_indices = #map1}, {transform_indices = #map}, {transform_indices = #map}, {transform_indices = #map1}]} {
    "tpu.region"() ({
      %run_scoped3A = tpu.sem_alloc : memref<!tpu.dma_semaphore, #tpu.memory_space<semaphore_mem>>
      %dma_start3A_187 = arith.constant 0 : i32
      %dma_start3A_188 = tpu.memref_slice %arg4[%arg1, %dma_start3A_187] : memref<16x10176xi32, #tpu.memory_space<hbm>> -> memref<1x10176xi32, #tpu.memory_space<hbm>>
      %dma_start3A_189 = tpu.memref_squeeze %dma_start3A_188 : memref<1x10176xi32, #tpu.memory_space<hbm>> -> memref<10176xi32, #tpu.memory_space<hbm>>
      %dma_start3A_190 = arith.constant 0 : i32
      %dma_start3A_191 = tpu.memref_slice %arg4[%arg1, %dma_start3A_190] : memref<16x10176xi32, #tpu.memory_space<hbm>> -> memref<1x10176xi32, #tpu.memory_space<hbm>>
      %dma_start3A_192 = tpu.memref_squeeze %dma_start3A_191 : memref<1x10176xi32, #tpu.memory_space<hbm>> -> memref<10176xi32, #tpu.memory_space<hbm>>
      tpu.enqueue_dma source(%dma_start3A_192 : memref<10176xi32, #tpu.memory_space<hbm>>) target(%arg8 : memref<10176xi32, #tpu.memory_space<vmem>>) target_semaphore(%run_scoped3A : memref<!tpu.dma_semaphore, #tpu.memory_space<semaphore_mem>>)
      %dma_wait3A_193 = arith.constant 0 : i32
      %dma_wait3A_194 = tpu.memref_slice %arg4[%arg1, %dma_wait3A_193] : memref<16x10176xi32, #tpu.memory_space<hbm>> -> memref<1x10176xi32, #tpu.memory_space<hbm>>
      %dma_wait3A_195 = tpu.memref_squeeze %dma_wait3A_194 : memref<1x10176xi32, #tpu.memory_space<hbm>> -> memref<10176xi32, #tpu.memory_space<hbm>>
      %dma_wait3A_196 = arith.constant 0 : i32
      %dma_wait3A_197 = tpu.memref_slice %arg4[%arg1, %dma_wait3A_196] : memref<16x10176xi32, #tpu.memory_space<hbm>> -> memref<1x10176xi32, #tpu.memory_space<hbm>>
      %dma_wait3A_198 = tpu.memref_squeeze %dma_wait3A_197 : memref<1x10176xi32, #tpu.memory_space<hbm>> -> memref<10176xi32, #tpu.memory_space<hbm>>
      tpu.wait_dma2 semaphore(%run_scoped3A : memref<!tpu.dma_semaphore, #tpu.memory_space<semaphore_mem>>) src(%dma_wait3A_198 : memref<10176xi32, #tpu.memory_space<hbm>>) dst(%arg8 : memref<10176xi32, #tpu.memory_space<vmem>>)
      tpu.yield
    }) : () -> ()
    %add3A = arith.constant 0 : i32
    %add3A_0 = arith.addi %arg0, %add3A : i32
    "tpu.region"() ({
      %run_scoped3A = tpu.sem_alloc : memref<!tpu.dma_semaphore, #tpu.memory_space<semaphore_mem>>
      %dma_start3A_187 = arith.constant 0 : i32
      %dma_start3A_188 = tpu.memref_slice %arg3[%add3A_0, %arg1, %dma_start3A_187] : memref<4x16x10176xi32, #tpu.memory_space<hbm>> -> memref<1x1x10176xi32, #tpu.memory_space<hbm>>
      %dma_start3A_189 = tpu.memref_squeeze %dma_start3A_188 : memref<1x1x10176xi32, #tpu.memory_space<hbm>> -> memref<10176xi32, #tpu.memory_space<hbm>>
      %dma_start3A_190 = arith.constant 0 : i32
      %dma_start3A_191 = tpu.memref_slice %arg3[%add3A_0, %arg1, %dma_start3A_190] : memref<4x16x10176xi32, #tpu.memory_space<hbm>> -> memref<1x1x10176xi32, #tpu.memory_space<hbm>>
      %dma_start3A_192 = tpu.memref_squeeze %dma_start3A_191 : memref<1x1x10176xi32, #tpu.memory_space<hbm>> -> memref<10176xi32, #tpu.memory_space<hbm>>
      tpu.enqueue_dma source(%dma_start3A_192 : memref<10176xi32, #tpu.memory_space<hbm>>) target(%arg7 : memref<10176xi32, #tpu.memory_space<vmem>>) target_semaphore(%run_scoped3A : memref<!tpu.dma_semaphore, #tpu.memory_space<semaphore_mem>>)
      %dma_wait3A_193 = arith.constant 0 : i32
      %dma_wait3A_194 = tpu.memref_slice %arg3[%add3A_0, %arg1, %dma_wait3A_193] : memref<4x16x10176xi32, #tpu.memory_space<hbm>> -> memref<1x1x10176xi32, #tpu.memory_space<hbm>>
      %dma_wait3A_195 = tpu.memref_squeeze %dma_wait3A_194 : memref<1x1x10176xi32, #tpu.memory_space<hbm>> -> memref<10176xi32, #tpu.memory_space<hbm>>
      %dma_wait3A_196 = arith.constant 0 : i32
      %dma_wait3A_197 = tpu.memref_slice %arg3[%add3A_0, %arg1, %dma_wait3A_196] : memref<4x16x10176xi32, #tpu.memory_space<hbm>> -> memref<1x1x10176xi32, #tpu.memory_space<hbm>>
      %dma_wait3A_198 = tpu.memref_squeeze %dma_wait3A_197 : memref<1x1x10176xi32, #tpu.memory_space<hbm>> -> memref<10176xi32, #tpu.memory_space<hbm>>
      tpu.wait_dma2 semaphore(%run_scoped3A : memref<!tpu.dma_semaphore, #tpu.memory_space<semaphore_mem>>) src(%dma_wait3A_198 : memref<10176xi32, #tpu.memory_space<hbm>>) dst(%arg7 : memref<10176xi32, #tpu.memory_space<vmem>>)
      tpu.yield
    }) : () -> ()
    %mul3A = arith.constant 632 : i32
    %mul3A_1 = arith.muli %arg1, %mul3A : i32
    "tpu.region"() ({
      %run_scoped3A = tpu.sem_alloc : memref<!tpu.dma_semaphore, #tpu.memory_space<semaphore_mem>>
      %dma_start3A_187 = arith.constant 0 : i32
      %dma_start3A_188 = tpu.memref_slice %arg13[%mul3A_1, %dma_start3A_187] : memref<10112x128xf32, #tpu.memory_space<vmem_shared>> -> memref<632x128xf32, #tpu.memory_space<vmem_shared>>
      tpu.enqueue_dma source(%arg5 : memref<632x128xf32, #tpu.memory_space<hbm>>) target(%dma_start3A_188 : memref<632x128xf32, #tpu.memory_space<vmem_shared>>) target_semaphore(%run_scoped3A : memref<!tpu.dma_semaphore, #tpu.memory_space<semaphore_mem>>)
      %dma_wait3A_189 = arith.constant 0 : i32
      %dma_wait3A_190 = tpu.memref_slice %arg13[%mul3A_1, %dma_wait3A_189] : memref<10112x128xf32, #tpu.memory_space<vmem_shared>> -> memref<632x128xf32, #tpu.memory_space<vmem_shared>>
      tpu.wait_dma2 semaphore(%run_scoped3A : memref<!tpu.dma_semaphore, #tpu.memory_space<semaphore_mem>>) src(%arg5 : memref<632x128xf32, #tpu.memory_space<hbm>>) dst(%dma_wait3A_190 : memref<632x128xf32, #tpu.memory_space<vmem_shared>>)
      tpu.yield
    }) : () -> ()
    %barrier3A = arith.constant 0 : index
    tpu.barrier barrier_id(%barrier3A)
    %dma_start3A = arith.constant 0 : i32
    %dma_start3A_2 = tpu.memref_slice %arg7[%dma_start3A] : memref<10176xi32, #tpu.memory_space<vmem>> -> memref<48xi32, #tpu.memory_space<vmem>>
    %dma_start3A_3 = arith.constant 0 : i32
    %dma_start3A_4 = arith.constant 0 : i32
    %dma_start3A_5 = tpu.memref_slice %arg2[%dma_start3A_3, %dma_start3A_4] : memref<40000x128xf32, #tpu.memory_space<hbm>> -> memref<40000x128xf32, #tpu.memory_space<hbm>>
    tpu.enqueue_indirect_dma source(%dma_start3A_5 : memref<40000x128xf32, #tpu.memory_space<hbm>>) target(%arg9 : memref<48x128xf32, #tpu.memory_space<vmem>>) offsets(%dma_start3A_2 : memref<48xi32, #tpu.memory_space<vmem>>) semaphore(%arg14 : memref<!tpu.dma_semaphore, #tpu.memory_space<semaphore_mem>>)
    %dma_start3A_6 = arith.constant 48 : i32
    %dma_start3A_7 = tpu.memref_slice %arg7[%dma_start3A_6] : memref<10176xi32, #tpu.memory_space<vmem>> -> memref<48xi32, #tpu.memory_space<vmem>>
    %dma_start3A_8 = arith.constant 0 : i32
    %dma_start3A_9 = arith.constant 0 : i32
    %dma_start3A_10 = tpu.memref_slice %arg2[%dma_start3A_8, %dma_start3A_9] : memref<40000x128xf32, #tpu.memory_space<hbm>> -> memref<40000x128xf32, #tpu.memory_space<hbm>>
    tpu.enqueue_indirect_dma source(%dma_start3A_10 : memref<40000x128xf32, #tpu.memory_space<hbm>>) target(%arg10 : memref<48x128xf32, #tpu.memory_space<vmem>>) offsets(%dma_start3A_7 : memref<48xi32, #tpu.memory_space<vmem>>) semaphore(%arg15 : memref<!tpu.dma_semaphore, #tpu.memory_space<semaphore_mem>>)
    %dma_start3A_11 = arith.constant 96 : i32
    %dma_start3A_12 = tpu.memref_slice %arg7[%dma_start3A_11] : memref<10176xi32, #tpu.memory_space<vmem>> -> memref<48xi32, #tpu.memory_space<vmem>>
    %dma_start3A_13 = arith.constant 0 : i32
    %dma_start3A_14 = arith.constant 0 : i32
    %dma_start3A_15 = tpu.memref_slice %arg2[%dma_start3A_13, %dma_start3A_14] : memref<40000x128xf32, #tpu.memory_space<hbm>> -> memref<40000x128xf32, #tpu.memory_space<hbm>>
    tpu.enqueue_indirect_dma source(%dma_start3A_15 : memref<40000x128xf32, #tpu.memory_space<hbm>>) target(%arg11 : memref<48x128xf32, #tpu.memory_space<vmem>>) offsets(%dma_start3A_12 : memref<48xi32, #tpu.memory_space<vmem>>) semaphore(%arg16 : memref<!tpu.dma_semaphore, #tpu.memory_space<semaphore_mem>>)
    %dma_wait3A = arith.constant 0 : i32
    %dma_wait3A_16 = tpu.memref_slice %arg7[%dma_wait3A] : memref<10176xi32, #tpu.memory_space<vmem>> -> memref<48xi32, #tpu.memory_space<vmem>>
    %dma_wait3A_17 = arith.constant 0 : i32
    %dma_wait3A_18 = arith.constant 0 : i32
    %dma_wait3A_19 = tpu.memref_slice %arg2[%dma_wait3A_17, %dma_wait3A_18] : memref<40000x128xf32, #tpu.memory_space<hbm>> -> memref<40000x128xf32, #tpu.memory_space<hbm>>
    tpu.wait_indirect_dma semaphore(%arg14 : memref<!tpu.dma_semaphore, #tpu.memory_space<semaphore_mem>>) src(%dma_wait3A_19 : memref<40000x128xf32, #tpu.memory_space<hbm>>) dst(%arg9 : memref<48x128xf32, #tpu.memory_space<vmem>>)
    %dma_start3A_20 = arith.constant 0 : i32
    %dma_start3A_21 = tpu.memref_slice %arg8[%dma_start3A_20] : memref<10176xi32, #tpu.memory_space<vmem>> -> memref<48xi32, #tpu.memory_space<vmem>>
    %dma_start3A_22 = arith.constant 0 : i32
    %dma_start3A_23 = arith.constant 0 : i32
    %dma_start3A_24 = tpu.memref_slice %arg13[%dma_start3A_22, %dma_start3A_23] : memref<10112x128xf32, #tpu.memory_space<vmem_shared>> -> memref<10112x128xf32, #tpu.memory_space<vmem_shared>>
    tpu.enqueue_indirect_dma source(%arg9 : memref<48x128xf32, #tpu.memory_space<vmem>>) target(%dma_start3A_24 : memref<10112x128xf32, #tpu.memory_space<vmem_shared>>) offsets(%dma_start3A_21 : memref<48xi32, #tpu.memory_space<vmem>>) semaphore(%arg18 : memref<!tpu.dma_semaphore, #tpu.memory_space<semaphore_mem>>) {add = true}
    %dma_start3A_25 = arith.constant 144 : i32
    %dma_start3A_26 = tpu.memref_slice %arg7[%dma_start3A_25] : memref<10176xi32, #tpu.memory_space<vmem>> -> memref<48xi32, #tpu.memory_space<vmem>>
    %dma_start3A_27 = arith.constant 0 : i32
    %dma_start3A_28 = arith.constant 0 : i32
    %dma_start3A_29 = tpu.memref_slice %arg2[%dma_start3A_27, %dma_start3A_28] : memref<40000x128xf32, #tpu.memory_space<hbm>> -> memref<40000x128xf32, #tpu.memory_space<hbm>>
    tpu.enqueue_indirect_dma source(%dma_start3A_29 : memref<40000x128xf32, #tpu.memory_space<hbm>>) target(%arg12 : memref<48x128xf32, #tpu.memory_space<vmem>>) offsets(%dma_start3A_26 : memref<48xi32, #tpu.memory_space<vmem>>) semaphore(%arg17 : memref<!tpu.dma_semaphore, #tpu.memory_space<semaphore_mem>>)
    %dma_wait3A_30 = arith.constant 0 : i32
    %dma_wait3A_31 = tpu.memref_slice %arg7[%dma_wait3A_30] : memref<10176xi32, #tpu.memory_space<vmem>> -> memref<48xi32, #tpu.memory_space<vmem>>
    %dma_wait3A_32 = arith.constant 0 : i32
    %dma_wait3A_33 = arith.constant 0 : i32
    %dma_wait3A_34 = tpu.memref_slice %arg2[%dma_wait3A_32, %dma_wait3A_33] : memref<40000x128xf32, #tpu.memory_space<hbm>> -> memref<40000x128xf32, #tpu.memory_space<hbm>>
    tpu.wait_indirect_dma semaphore(%arg15 : memref<!tpu.dma_semaphore, #tpu.memory_space<semaphore_mem>>) src(%dma_wait3A_34 : memref<40000x128xf32, #tpu.memory_space<hbm>>) dst(%arg10 : memref<48x128xf32, #tpu.memory_space<vmem>>)
    %dma_start3A_35 = arith.constant 48 : i32
    %dma_start3A_36 = tpu.memref_slice %arg8[%dma_start3A_35] : memref<10176xi32, #tpu.memory_space<vmem>> -> memref<48xi32, #tpu.memory_space<vmem>>
    %dma_start3A_37 = arith.constant 0 : i32
    %dma_start3A_38 = arith.constant 0 : i32
    %dma_start3A_39 = tpu.memref_slice %arg13[%dma_start3A_37, %dma_start3A_38] : memref<10112x128xf32, #tpu.memory_space<vmem_shared>> -> memref<10112x128xf32, #tpu.memory_space<vmem_shared>>
    tpu.enqueue_indirect_dma source(%arg10 : memref<48x128xf32, #tpu.memory_space<vmem>>) target(%dma_start3A_39 : memref<10112x128xf32, #tpu.memory_space<vmem_shared>>) offsets(%dma_start3A_36 : memref<48xi32, #tpu.memory_space<vmem>>) semaphore(%arg19 : memref<!tpu.dma_semaphore, #tpu.memory_space<semaphore_mem>>) {add = true}
    %scan3A = arith.constant 0 : i32
    %scan3A_40 = arith.constant 0 : i32
    %scan3A_41 = arith.constant 52 : i32
    %scan3A_42 = arith.addi %scan3A_40, %scan3A_41 : i32
    %scan3A_43 = arith.constant 1 : i32
    scf.for %scan3A_187 = %scan3A_40 to %scan3A_42 step %scan3A_43  : i32 {
      %mul3A_188 = arith.constant 4 : i32
      %mul3A_189 = arith.muli %mul3A_188, %scan3A_187 : i32
      %add3A_190 = arith.constant 2 : i32
      %add3A_191 = arith.addi %add3A_190, %mul3A_189 : i32
      %add3A_192 = arith.constant 0 : i32
      %add3A_193 = arith.addi %add3A_191, %add3A_192 : i32
      %dma_wait3A_194 = arith.constant 0 : i32
      %dma_wait3A_195 = tpu.memref_slice %arg8[%dma_wait3A_194] : memref<10176xi32, #tpu.memory_space<vmem>> -> memref<48xi32, #tpu.memory_space<vmem>>
      %dma_wait3A_196 = arith.constant 0 : i32
      %dma_wait3A_197 = arith.constant 0 : i32
      %dma_wait3A_198 = tpu.memref_slice %arg13[%dma_wait3A_196, %dma_wait3A_197] : memref<10112x128xf32, #tpu.memory_space<vmem_shared>> -> memref<10112x128xf32, #tpu.memory_space<vmem_shared>>
      tpu.wait_indirect_dma semaphore(%arg18 : memref<!tpu.dma_semaphore, #tpu.memory_space<semaphore_mem>>) src(%arg9 : memref<48x128xf32, #tpu.memory_space<vmem>>) dst(%dma_wait3A_198 : memref<10112x128xf32, #tpu.memory_space<vmem_shared>>)
      %add3A_199 = arith.constant 2 : i32
      %add3A_200 = arith.addi %add3A_193, %add3A_199 : i32
      %mul3A_201 = arith.constant 48 : i32
      %mul3A_202 = arith.muli %add3A_200, %mul3A_201 : i32
      %dma_start3A_203 = tpu.memref_slice %arg7[%mul3A_202] : memref<10176xi32, #tpu.memory_space<vmem>> -> memref<48xi32, #tpu.memory_space<vmem>>
      %dma_start3A_204 = arith.constant 0 : i32
      %dma_start3A_205 = arith.constant 0 : i32
      %dma_start3A_206 = tpu.memref_slice %arg2[%dma_start3A_204, %dma_start3A_205] : memref<40000x128xf32, #tpu.memory_space<hbm>> -> memref<40000x128xf32, #tpu.memory_space<hbm>>
      tpu.enqueue_indirect_dma source(%dma_start3A_206 : memref<40000x128xf32, #tpu.memory_space<hbm>>) target(%arg9 : memref<48x128xf32, #tpu.memory_space<vmem>>) offsets(%dma_start3A_203 : memref<48xi32, #tpu.memory_space<vmem>>) semaphore(%arg14 : memref<!tpu.dma_semaphore, #tpu.memory_space<semaphore_mem>>)
      %dma_wait3A_207 = arith.constant 0 : i32
      %dma_wait3A_208 = tpu.memref_slice %arg7[%dma_wait3A_207] : memref<10176xi32, #tpu.memory_space<vmem>> -> memref<48xi32, #tpu.memory_space<vmem>>
      %dma_wait3A_209 = arith.constant 0 : i32
      %dma_wait3A_210 = arith.constant 0 : i32
      %dma_wait3A_211 = tpu.memref_slice %arg2[%dma_wait3A_209, %dma_wait3A_210] : memref<40000x128xf32, #tpu.memory_space<hbm>> -> memref<40000x128xf32, #tpu.memory_space<hbm>>
      tpu.wait_indirect_dma semaphore(%arg16 : memref<!tpu.dma_semaphore, #tpu.memory_space<semaphore_mem>>) src(%dma_wait3A_211 : memref<40000x128xf32, #tpu.memory_space<hbm>>) dst(%arg11 : memref<48x128xf32, #tpu.memory_space<vmem>>)
      %mul3A_212 = arith.constant 48 : i32
      %mul3A_213 = arith.muli %add3A_193, %mul3A_212 : i32
      %dma_start3A_214 = tpu.memref_slice %arg8[%mul3A_213] : memref<10176xi32, #tpu.memory_space<vmem>> -> memref<48xi32, #tpu.memory_space<vmem>>
      %dma_start3A_215 = arith.constant 0 : i32
      %dma_start3A_216 = arith.constant 0 : i32
      %dma_start3A_217 = tpu.memref_slice %arg13[%dma_start3A_215, %dma_start3A_216] : memref<10112x128xf32, #tpu.memory_space<vmem_shared>> -> memref<10112x128xf32, #tpu.memory_space<vmem_shared>>
      tpu.enqueue_indirect_dma source(%arg11 : memref<48x128xf32, #tpu.memory_space<vmem>>) target(%dma_start3A_217 : memref<10112x128xf32, #tpu.memory_space<vmem_shared>>) offsets(%dma_start3A_214 : memref<48xi32, #tpu.memory_space<vmem>>) semaphore(%arg20 : memref<!tpu.dma_semaphore, #tpu.memory_space<semaphore_mem>>) {add = true}
      %mul3A_218 = arith.constant 4 : i32
      %mul3A_219 = arith.muli %mul3A_218, %scan3A_187 : i32
      %add3A_220 = arith.constant 2 : i32
      %add3A_221 = arith.addi %add3A_220, %mul3A_219 : i32
      %add3A_222 = arith.constant 1 : i32
      %add3A_223 = arith.addi %add3A_221, %add3A_222 : i32
      %dma_wait3A_224 = arith.constant 0 : i32
      %dma_wait3A_225 = tpu.memref_slice %arg8[%dma_wait3A_224] : memref<10176xi32, #tpu.memory_space<vmem>> -> memref<48xi32, #tpu.memory_space<vmem>>
      %dma_wait3A_226 = arith.constant 0 : i32
      %dma_wait3A_227 = arith.constant 0 : i32
      %dma_wait3A_228 = tpu.memref_slice %arg13[%dma_wait3A_226, %dma_wait3A_227] : memref<10112x128xf32, #tpu.memory_space<vmem_shared>> -> memref<10112x128xf32, #tpu.memory_space<vmem_shared>>
      tpu.wait_indirect_dma semaphore(%arg19 : memref<!tpu.dma_semaphore, #tpu.memory_space<semaphore_mem>>) src(%arg10 : memref<48x128xf32, #tpu.memory_space<vmem>>) dst(%dma_wait3A_228 : memref<10112x128xf32, #tpu.memory_space<vmem_shared>>)
      %add3A_229 = arith.constant 2 : i32
      %add3A_230 = arith.addi %add3A_223, %add3A_229 : i32
      %mul3A_231 = arith.constant 48 : i32
      %mul3A_232 = arith.muli %add3A_230, %mul3A_231 : i32
      %dma_start3A_233 = tpu.memref_slice %arg7[%mul3A_232] : memref<10176xi32, #tpu.memory_space<vmem>> -> memref<48xi32, #tpu.memory_space<vmem>>
      %dma_start3A_234 = arith.constant 0 : i32
      %dma_start3A_235 = arith.constant 0 : i32
      %dma_start3A_236 = tpu.memref_slice %arg2[%dma_start3A_234, %dma_start3A_235] : memref<40000x128xf32, #tpu.memory_space<hbm>> -> memref<40000x128xf32, #tpu.memory_space<hbm>>
      tpu.enqueue_indirect_dma source(%dma_start3A_236 : memref<40000x128xf32, #tpu.memory_space<hbm>>) target(%arg10 : memref<48x128xf32, #tpu.memory_space<vmem>>) offsets(%dma_start3A_233 : memref<48xi32, #tpu.memory_space<vmem>>) semaphore(%arg15 : memref<!tpu.dma_semaphore, #tpu.memory_space<semaphore_mem>>)
      %dma_wait3A_237 = arith.constant 0 : i32
      %dma_wait3A_238 = tpu.memref_slice %arg7[%dma_wait3A_237] : memref<10176xi32, #tpu.memory_space<vmem>> -> memref<48xi32, #tpu.memory_space<vmem>>
      %dma_wait3A_239 = arith.constant 0 : i32
      %dma_wait3A_240 = arith.constant 0 : i32
      %dma_wait3A_241 = tpu.memref_slice %arg2[%dma_wait3A_239, %dma_wait3A_240] : memref<40000x128xf32, #tpu.memory_space<hbm>> -> memref<40000x128xf32, #tpu.memory_space<hbm>>
      tpu.wait_indirect_dma semaphore(%arg17 : memref<!tpu.dma_semaphore, #tpu.memory_space<semaphore_mem>>) src(%dma_wait3A_241 : memref<40000x128xf32, #tpu.memory_space<hbm>>) dst(%arg12 : memref<48x128xf32, #tpu.memory_space<vmem>>)
      %mul3A_242 = arith.constant 48 : i32
      %mul3A_243 = arith.muli %add3A_223, %mul3A_242 : i32
      %dma_start3A_244 = tpu.memref_slice %arg8[%mul3A_243] : memref<10176xi32, #tpu.memory_space<vmem>> -> memref<48xi32, #tpu.memory_space<vmem>>
      %dma_start3A_245 = arith.constant 0 : i32
      %dma_start3A_246 = arith.constant 0 : i32
      %dma_start3A_247 = tpu.memref_slice %arg13[%dma_start3A_245, %dma_start3A_246] : memref<10112x128xf32, #tpu.memory_space<vmem_shared>> -> memref<10112x128xf32, #tpu.memory_space<vmem_shared>>
      tpu.enqueue_indirect_dma source(%arg12 : memref<48x128xf32, #tpu.memory_space<vmem>>) target(%dma_start3A_247 : memref<10112x128xf32, #tpu.memory_space<vmem_shared>>) offsets(%dma_start3A_244 : memref<48xi32, #tpu.memory_space<vmem>>) semaphore(%arg21 : memref<!tpu.dma_semaphore, #tpu.memory_space<semaphore_mem>>) {add = true}
      %mul3A_248 = arith.constant 4 : i32
      %mul3A_249 = arith.muli %mul3A_248, %scan3A_187 : i32
      %add3A_250 = arith.constant 2 : i32
      %add3A_251 = arith.addi %add3A_250, %mul3A_249 : i32
      %add3A_252 = arith.constant 2 : i32
      %add3A_253 = arith.addi %add3A_251, %add3A_252 : i32
      %dma_wait3A_254 = arith.constant 0 : i32
      %dma_wait3A_255 = tpu.memref_slice %arg8[%dma_wait3A_254] : memref<10176xi32, #tpu.memory_space<vmem>> -> memref<48xi32, #tpu.memory_space<vmem>>
      %dma_wait3A_256 = arith.constant 0 : i32
      %dma_wait3A_257 = arith.constant 0 : i32
      %dma_wait3A_258 = tpu.memref_slice %arg13[%dma_wait3A_256, %dma_wait3A_257] : memref<10112x128xf32, #tpu.memory_space<vmem_shared>> -> memref<10112x128xf32, #tpu.memory_space<vmem_shared>>
      tpu.wait_indirect_dma semaphore(%arg20 : memref<!tpu.dma_semaphore, #tpu.memory_space<semaphore_mem>>) src(%arg11 : memref<48x128xf32, #tpu.memory_space<vmem>>) dst(%dma_wait3A_258 : memref<10112x128xf32, #tpu.memory_space<vmem_shared>>)
      %add3A_259 = arith.constant 2 : i32
      %add3A_260 = arith.addi %add3A_253, %add3A_259 : i32
      %mul3A_261 = arith.constant 48 : i32
      %mul3A_262 = arith.muli %add3A_260, %mul3A_261 : i32
      %dma_start3A_263 = tpu.memref_slice %arg7[%mul3A_262] : memref<10176xi32, #tpu.memory_space<vmem>> -> memref<48xi32, #tpu.memory_space<vmem>>
      %dma_start3A_264 = arith.constant 0 : i32
      %dma_start3A_265 = arith.constant 0 : i32
      %dma_start3A_266 = tpu.memref_slice %arg2[%dma_start3A_264, %dma_start3A_265] : memref<40000x128xf32, #tpu.memory_space<hbm>> -> memref<40000x128xf32, #tpu.memory_space<hbm>>
      tpu.enqueue_indirect_dma source(%dma_start3A_266 : memref<40000x128xf32, #tpu.memory_space<hbm>>) target(%arg11 : memref<48x128xf32, #tpu.memory_space<vmem>>) offsets(%dma_start3A_263 : memref<48xi32, #tpu.memory_space<vmem>>) semaphore(%arg16 : memref<!tpu.dma_semaphore, #tpu.memory_space<semaphore_mem>>)
      %dma_wait3A_267 = arith.constant 0 : i32
      %dma_wait3A_268 = tpu.memref_slice %arg7[%dma_wait3A_267] : memref<10176xi32, #tpu.memory_space<vmem>> -> memref<48xi32, #tpu.memory_space<vmem>>
      %dma_wait3A_269 = arith.constant 0 : i32
      %dma_wait3A_270 = arith.constant 0 : i32
      %dma_wait3A_271 = tpu.memref_slice %arg2[%dma_wait3A_269, %dma_wait3A_270] : memref<40000x128xf32, #tpu.memory_space<hbm>> -> memref<40000x128xf32, #tpu.memory_space<hbm>>
      tpu.wait_indirect_dma semaphore(%arg14 : memref<!tpu.dma_semaphore, #tpu.memory_space<semaphore_mem>>) src(%dma_wait3A_271 : memref<40000x128xf32, #tpu.memory_space<hbm>>) dst(%arg9 : memref<48x128xf32, #tpu.memory_space<vmem>>)
      %mul3A_272 = arith.constant 48 : i32
      %mul3A_273 = arith.muli %add3A_253, %mul3A_272 : i32
      %dma_start3A_274 = tpu.memref_slice %arg8[%mul3A_273] : memref<10176xi32, #tpu.memory_space<vmem>> -> memref<48xi32, #tpu.memory_space<vmem>>
      %dma_start3A_275 = arith.constant 0 : i32
      %dma_start3A_276 = arith.constant 0 : i32
      %dma_start3A_277 = tpu.memref_slice %arg13[%dma_start3A_275, %dma_start3A_276] : memref<10112x128xf32, #tpu.memory_space<vmem_shared>> -> memref<10112x128xf32, #tpu.memory_space<vmem_shared>>
      tpu.enqueue_indirect_dma source(%arg9 : memref<48x128xf32, #tpu.memory_space<vmem>>) target(%dma_start3A_277 : memref<10112x128xf32, #tpu.memory_space<vmem_shared>>) offsets(%dma_start3A_274 : memref<48xi32, #tpu.memory_space<vmem>>) semaphore(%arg18 : memref<!tpu.dma_semaphore, #tpu.memory_space<semaphore_mem>>) {add = true}
      %mul3A_278 = arith.constant 4 : i32
      %mul3A_279 = arith.muli %mul3A_278, %scan3A_187 : i32
      %add3A_280 = arith.constant 2 : i32
      %add3A_281 = arith.addi %add3A_280, %mul3A_279 : i32
      %add3A_282 = arith.constant 3 : i32
      %add3A_283 = arith.addi %add3A_281, %add3A_282 : i32
      %dma_wait3A_284 = arith.constant 0 : i32
      %dma_wait3A_285 = tpu.memref_slice %arg8[%dma_wait3A_284] : memref<10176xi32, #tpu.memory_space<vmem>> -> memref<48xi32, #tpu.memory_space<vmem>>
      %dma_wait3A_286 = arith.constant 0 : i32
      %dma_wait3A_287 = arith.constant 0 : i32
      %dma_wait3A_288 = tpu.memref_slice %arg13[%dma_wait3A_286, %dma_wait3A_287] : memref<10112x128xf32, #tpu.memory_space<vmem_shared>> -> memref<10112x128xf32, #tpu.memory_space<vmem_shared>>
      tpu.wait_indirect_dma semaphore(%arg21 : memref<!tpu.dma_semaphore, #tpu.memory_space<semaphore_mem>>) src(%arg12 : memref<48x128xf32, #tpu.memory_space<vmem>>) dst(%dma_wait3A_288 : memref<10112x128xf32, #tpu.memory_space<vmem_shared>>)
      %add3A_289 = arith.constant 2 : i32
      %add3A_290 = arith.addi %add3A_283, %add3A_289 : i32
      %mul3A_291 = arith.constant 48 : i32
      %mul3A_292 = arith.muli %add3A_290, %mul3A_291 : i32
      %dma_start3A_293 = tpu.memref_slice %arg7[%mul3A_292] : memref<10176xi32, #tpu.memory_space<vmem>> -> memref<48xi32, #tpu.memory_space<vmem>>
      %dma_start3A_294 = arith.constant 0 : i32
      %dma_start3A_295 = arith.constant 0 : i32
      %dma_start3A_296 = tpu.memref_slice %arg2[%dma_start3A_294, %dma_start3A_295] : memref<40000x128xf32, #tpu.memory_space<hbm>> -> memref<40000x128xf32, #tpu.memory_space<hbm>>
      tpu.enqueue_indirect_dma source(%dma_start3A_296 : memref<40000x128xf32, #tpu.memory_space<hbm>>) target(%arg12 : memref<48x128xf32, #tpu.memory_space<vmem>>) offsets(%dma_start3A_293 : memref<48xi32, #tpu.memory_space<vmem>>) semaphore(%arg17 : memref<!tpu.dma_semaphore, #tpu.memory_space<semaphore_mem>>)
      %dma_wait3A_297 = arith.constant 0 : i32
      %dma_wait3A_298 = tpu.memref_slice %arg7[%dma_wait3A_297] : memref<10176xi32, #tpu.memory_space<vmem>> -> memref<48xi32, #tpu.memory_space<vmem>>
      %dma_wait3A_299 = arith.constant 0 : i32
      %dma_wait3A_300 = arith.constant 0 : i32
      %dma_wait3A_301 = tpu.memref_slice %arg2[%dma_wait3A_299, %dma_wait3A_300] : memref<40000x128xf32, #tpu.memory_space<hbm>> -> memref<40000x128xf32, #tpu.memory_space<hbm>>
      tpu.wait_indirect_dma semaphore(%arg15 : memref<!tpu.dma_semaphore, #tpu.memory_space<semaphore_mem>>) src(%dma_wait3A_301 : memref<40000x128xf32, #tpu.memory_space<hbm>>) dst(%arg10 : memref<48x128xf32, #tpu.memory_space<vmem>>)
      %mul3A_302 = arith.constant 48 : i32
      %mul3A_303 = arith.muli %add3A_283, %mul3A_302 : i32
      %dma_start3A_304 = tpu.memref_slice %arg8[%mul3A_303] : memref<10176xi32, #tpu.memory_space<vmem>> -> memref<48xi32, #tpu.memory_space<vmem>>
      %dma_start3A_305 = arith.constant 0 : i32
      %dma_start3A_306 = arith.constant 0 : i32
      %dma_start3A_307 = tpu.memref_slice %arg13[%dma_start3A_305, %dma_start3A_306] : memref<10112x128xf32, #tpu.memory_space<vmem_shared>> -> memref<10112x128xf32, #tpu.memory_space<vmem_shared>>
      tpu.enqueue_indirect_dma source(%arg10 : memref<48x128xf32, #tpu.memory_space<vmem>>) target(%dma_start3A_307 : memref<10112x128xf32, #tpu.memory_space<vmem_shared>>) offsets(%dma_start3A_304 : memref<48xi32, #tpu.memory_space<vmem>>) semaphore(%arg19 : memref<!tpu.dma_semaphore, #tpu.memory_space<semaphore_mem>>) {add = true}
    }
    %scan3A_44 = arith.constant 52 : i32
    %dma_wait3A_45 = arith.constant 0 : i32
    %dma_wait3A_46 = tpu.memref_slice %arg7[%dma_wait3A_45] : memref<10176xi32, #tpu.memory_space<vmem>> -> memref<48xi32, #tpu.memory_space<vmem>>
    %dma_wait3A_47 = arith.constant 0 : i32
    %dma_wait3A_48 = arith.constant 0 : i32
    %dma_wait3A_49 = tpu.memref_slice %arg2[%dma_wait3A_47, %dma_wait3A_48] : memref<40000x128xf32, #tpu.memory_space<hbm>> -> memref<40000x128xf32, #tpu.memory_space<hbm>>
    tpu.wait_indirect_dma semaphore(%arg16 : memref<!tpu.dma_semaphore, #tpu.memory_space<semaphore_mem>>) src(%dma_wait3A_49 : memref<40000x128xf32, #tpu.memory_space<hbm>>) dst(%arg11 : memref<48x128xf32, #tpu.memory_space<vmem>>)
    %dma_start3A_50 = arith.constant 10080 : i32
    %dma_start3A_51 = tpu.memref_slice %arg8[%dma_start3A_50] : memref<10176xi32, #tpu.memory_space<vmem>> -> memref<48xi32, #tpu.memory_space<vmem>>
    %dma_start3A_52 = arith.constant 0 : i32
    %dma_start3A_53 = arith.constant 0 : i32
    %dma_start3A_54 = tpu.memref_slice %arg13[%dma_start3A_52, %dma_start3A_53] : memref<10112x128xf32, #tpu.memory_space<vmem_shared>> -> memref<10112x128xf32, #tpu.memory_space<vmem_shared>>
    tpu.enqueue_indirect_dma source(%arg11 : memref<48x128xf32, #tpu.memory_space<vmem>>) target(%dma_start3A_54 : memref<10112x128xf32, #tpu.memory_space<vmem_shared>>) offsets(%dma_start3A_51 : memref<48xi32, #tpu.memory_space<vmem>>) semaphore(%arg20 : memref<!tpu.dma_semaphore, #tpu.memory_space<semaphore_mem>>) {add = true}
    %dma_wait3A_55 = arith.constant 0 : i32
    %dma_wait3A_56 = tpu.memref_slice %arg7[%dma_wait3A_55] : memref<10176xi32, #tpu.memory_space<vmem>> -> memref<48xi32, #tpu.memory_space<vmem>>
    %dma_wait3A_57 = arith.constant 0 : i32
    %dma_wait3A_58 = arith.constant 0 : i32
    %dma_wait3A_59 = tpu.memref_slice %arg2[%dma_wait3A_57, %dma_wait3A_58] : memref<40000x128xf32, #tpu.memory_space<hbm>> -> memref<40000x128xf32, #tpu.memory_space<hbm>>
    tpu.wait_indirect_dma semaphore(%arg17 : memref<!tpu.dma_semaphore, #tpu.memory_space<semaphore_mem>>) src(%dma_wait3A_59 : memref<40000x128xf32, #tpu.memory_space<hbm>>) dst(%arg12 : memref<48x128xf32, #tpu.memory_space<vmem>>)
    %dma_start3A_60 = arith.constant 10128 : i32
    %dma_start3A_61 = tpu.memref_slice %arg8[%dma_start3A_60] : memref<10176xi32, #tpu.memory_space<vmem>> -> memref<48xi32, #tpu.memory_space<vmem>>
    %dma_start3A_62 = arith.constant 0 : i32
    %dma_start3A_63 = arith.constant 0 : i32
    %dma_start3A_64 = tpu.memref_slice %arg13[%dma_start3A_62, %dma_start3A_63] : memref<10112x128xf32, #tpu.memory_space<vmem_shared>> -> memref<10112x128xf32, #tpu.memory_space<vmem_shared>>
    tpu.enqueue_indirect_dma source(%arg12 : memref<48x128xf32, #tpu.memory_space<vmem>>) target(%dma_start3A_64 : memref<10112x128xf32, #tpu.memory_space<vmem_shared>>) offsets(%dma_start3A_61 : memref<48xi32, #tpu.memory_space<vmem>>) semaphore(%arg21 : memref<!tpu.dma_semaphore, #tpu.memory_space<semaphore_mem>>) {add = true}
    %dma_wait3A_65 = arith.constant 0 : i32
    %dma_wait3A_66 = tpu.memref_slice %arg8[%dma_wait3A_65] : memref<10176xi32, #tpu.memory_space<vmem>> -> memref<48xi32, #tpu.memory_space<vmem>>
    %dma_wait3A_67 = arith.constant 0 : i32
    %dma_wait3A_68 = arith.constant 0 : i32
    %dma_wait3A_69 = tpu.memref_slice %arg13[%dma_wait3A_67, %dma_wait3A_68] : memref<10112x128xf32, #tpu.memory_space<vmem_shared>> -> memref<10112x128xf32, #tpu.memory_space<vmem_shared>>
    tpu.wait_indirect_dma semaphore(%arg18 : memref<!tpu.dma_semaphore, #tpu.memory_space<semaphore_mem>>) src(%arg9 : memref<48x128xf32, #tpu.memory_space<vmem>>) dst(%dma_wait3A_69 : memref<10112x128xf32, #tpu.memory_space<vmem_shared>>)
    %dma_wait3A_70 = arith.constant 0 : i32
    %dma_wait3A_71 = tpu.memref_slice %arg8[%dma_wait3A_70] : memref<10176xi32, #tpu.memory_space<vmem>> -> memref<48xi32, #tpu.memory_space<vmem>>
    %dma_wait3A_72 = arith.constant 0 : i32
    %dma_wait3A_73 = arith.constant 0 : i32
    %dma_wait3A_74 = tpu.memref_slice %arg13[%dma_wait3A_72, %dma_wait3A_73] : memref<10112x128xf32, #tpu.memory_space<vmem_shared>> -> memref<10112x128xf32, #tpu.memory_space<vmem_shared>>
    tpu.wait_indirect_dma semaphore(%arg19 : memref<!tpu.dma_semaphore, #tpu.memory_space<semaphore_mem>>) src(%arg10 : memref<48x128xf32, #tpu.memory_space<vmem>>) dst(%dma_wait3A_74 : memref<10112x128xf32, #tpu.memory_space<vmem_shared>>)
    %dma_wait3A_75 = arith.constant 0 : i32
    %dma_wait3A_76 = tpu.memref_slice %arg8[%dma_wait3A_75] : memref<10176xi32, #tpu.memory_space<vmem>> -> memref<48xi32, #tpu.memory_space<vmem>>
    %dma_wait3A_77 = arith.constant 0 : i32
    %dma_wait3A_78 = arith.constant 0 : i32
    %dma_wait3A_79 = tpu.memref_slice %arg13[%dma_wait3A_77, %dma_wait3A_78] : memref<10112x128xf32, #tpu.memory_space<vmem_shared>> -> memref<10112x128xf32, #tpu.memory_space<vmem_shared>>
    tpu.wait_indirect_dma semaphore(%arg20 : memref<!tpu.dma_semaphore, #tpu.memory_space<semaphore_mem>>) src(%arg11 : memref<48x128xf32, #tpu.memory_space<vmem>>) dst(%dma_wait3A_79 : memref<10112x128xf32, #tpu.memory_space<vmem_shared>>)
    %dma_wait3A_80 = arith.constant 0 : i32
    %dma_wait3A_81 = tpu.memref_slice %arg8[%dma_wait3A_80] : memref<10176xi32, #tpu.memory_space<vmem>> -> memref<48xi32, #tpu.memory_space<vmem>>
    %dma_wait3A_82 = arith.constant 0 : i32
    %dma_wait3A_83 = arith.constant 0 : i32
    %dma_wait3A_84 = tpu.memref_slice %arg13[%dma_wait3A_82, %dma_wait3A_83] : memref<10112x128xf32, #tpu.memory_space<vmem_shared>> -> memref<10112x128xf32, #tpu.memory_space<vmem_shared>>
    tpu.wait_indirect_dma semaphore(%arg21 : memref<!tpu.dma_semaphore, #tpu.memory_space<semaphore_mem>>) src(%arg12 : memref<48x128xf32, #tpu.memory_space<vmem>>) dst(%dma_wait3A_84 : memref<10112x128xf32, #tpu.memory_space<vmem_shared>>)
    %barrier3A_85 = arith.constant 0 : index
    tpu.barrier barrier_id(%barrier3A_85)
    %mul3A_86 = arith.constant 632 : i32
    %mul3A_87 = arith.muli %arg1, %mul3A_86 : i32
    %mul3A_88 = arith.constant 632 : i32
    %mul3A_89 = arith.muli %arg1, %mul3A_88 : i32
    "tpu.region"() ({
      %run_scoped3A = tpu.sem_alloc : memref<!tpu.dma_semaphore, #tpu.memory_space<semaphore_mem>>
      %dma_start3A_187 = arith.constant 0 : i32
      %dma_start3A_188 = tpu.memref_slice %arg6[%add3A_0, %mul3A_89, %dma_start3A_187] : memref<4x10112x128xf32, #tpu.memory_space<hbm>> -> memref<1x632x128xf32, #tpu.memory_space<hbm>>
      %dma_start3A_189 = tpu.memref_squeeze %dma_start3A_188 : memref<1x632x128xf32, #tpu.memory_space<hbm>> -> memref<632x128xf32, #tpu.memory_space<hbm>>
      %dma_start3A_190 = arith.constant 0 : i32
      %dma_start3A_191 = tpu.memref_slice %arg13[%mul3A_87, %dma_start3A_190] : memref<10112x128xf32, #tpu.memory_space<vmem_shared>> -> memref<632x128xf32, #tpu.memory_space<vmem_shared>>
      tpu.enqueue_dma source(%dma_start3A_191 : memref<632x128xf32, #tpu.memory_space<vmem_shared>>) target(%dma_start3A_189 : memref<632x128xf32, #tpu.memory_space<hbm>>) target_semaphore(%run_scoped3A : memref<!tpu.dma_semaphore, #tpu.memory_space<semaphore_mem>>)
      %dma_wait3A_192 = arith.constant 0 : i32
      %dma_wait3A_193 = tpu.memref_slice %arg6[%add3A_0, %mul3A_89, %dma_wait3A_192] : memref<4x10112x128xf32, #tpu.memory_space<hbm>> -> memref<1x632x128xf32, #tpu.memory_space<hbm>>
      %dma_wait3A_194 = tpu.memref_squeeze %dma_wait3A_193 : memref<1x632x128xf32, #tpu.memory_space<hbm>> -> memref<632x128xf32, #tpu.memory_space<hbm>>
      %dma_wait3A_195 = arith.constant 0 : i32
      %dma_wait3A_196 = tpu.memref_slice %arg13[%mul3A_87, %dma_wait3A_195] : memref<10112x128xf32, #tpu.memory_space<vmem_shared>> -> memref<632x128xf32, #tpu.memory_space<vmem_shared>>
      tpu.wait_dma2 semaphore(%run_scoped3A : memref<!tpu.dma_semaphore, #tpu.memory_space<semaphore_mem>>) src(%dma_wait3A_196 : memref<632x128xf32, #tpu.memory_space<vmem_shared>>) dst(%dma_wait3A_194 : memref<632x128xf32, #tpu.memory_space<hbm>>)
      tpu.yield
    }) : () -> ()
    %barrier3A_90 = arith.constant 0 : index
    tpu.barrier barrier_id(%barrier3A_90)
    %add3A_91 = arith.constant 2 : i32
    %add3A_92 = arith.addi %arg0, %add3A_91 : i32
    "tpu.region"() ({
      %run_scoped3A = tpu.sem_alloc : memref<!tpu.dma_semaphore, #tpu.memory_space<semaphore_mem>>
      %dma_start3A_187 = arith.constant 0 : i32
      %dma_start3A_188 = tpu.memref_slice %arg3[%add3A_92, %arg1, %dma_start3A_187] : memref<4x16x10176xi32, #tpu.memory_space<hbm>> -> memref<1x1x10176xi32, #tpu.memory_space<hbm>>
      %dma_start3A_189 = tpu.memref_squeeze %dma_start3A_188 : memref<1x1x10176xi32, #tpu.memory_space<hbm>> -> memref<10176xi32, #tpu.memory_space<hbm>>
      %dma_start3A_190 = arith.constant 0 : i32
      %dma_start3A_191 = tpu.memref_slice %arg3[%add3A_92, %arg1, %dma_start3A_190] : memref<4x16x10176xi32, #tpu.memory_space<hbm>> -> memref<1x1x10176xi32, #tpu.memory_space<hbm>>
      %dma_start3A_192 = tpu.memref_squeeze %dma_start3A_191 : memref<1x1x10176xi32, #tpu.memory_space<hbm>> -> memref<10176xi32, #tpu.memory_space<hbm>>
      tpu.enqueue_dma source(%dma_start3A_192 : memref<10176xi32, #tpu.memory_space<hbm>>) target(%arg7 : memref<10176xi32, #tpu.memory_space<vmem>>) target_semaphore(%run_scoped3A : memref<!tpu.dma_semaphore, #tpu.memory_space<semaphore_mem>>)
      %dma_wait3A_193 = arith.constant 0 : i32
      %dma_wait3A_194 = tpu.memref_slice %arg3[%add3A_92, %arg1, %dma_wait3A_193] : memref<4x16x10176xi32, #tpu.memory_space<hbm>> -> memref<1x1x10176xi32, #tpu.memory_space<hbm>>
      %dma_wait3A_195 = tpu.memref_squeeze %dma_wait3A_194 : memref<1x1x10176xi32, #tpu.memory_space<hbm>> -> memref<10176xi32, #tpu.memory_space<hbm>>
      %dma_wait3A_196 = arith.constant 0 : i32
      %dma_wait3A_197 = tpu.memref_slice %arg3[%add3A_92, %arg1, %dma_wait3A_196] : memref<4x16x10176xi32, #tpu.memory_space<hbm>> -> memref<1x1x10176xi32, #tpu.memory_space<hbm>>
      %dma_wait3A_198 = tpu.memref_squeeze %dma_wait3A_197 : memref<1x1x10176xi32, #tpu.memory_space<hbm>> -> memref<10176xi32, #tpu.memory_space<hbm>>
      tpu.wait_dma2 semaphore(%run_scoped3A : memref<!tpu.dma_semaphore, #tpu.memory_space<semaphore_mem>>) src(%dma_wait3A_198 : memref<10176xi32, #tpu.memory_space<hbm>>) dst(%arg7 : memref<10176xi32, #tpu.memory_space<vmem>>)
      tpu.yield
    }) : () -> ()
    %mul3A_93 = arith.constant 632 : i32
    %mul3A_94 = arith.muli %arg1, %mul3A_93 : i32
    "tpu.region"() ({
      %run_scoped3A = tpu.sem_alloc : memref<!tpu.dma_semaphore, #tpu.memory_space<semaphore_mem>>
      %dma_start3A_187 = arith.constant 0 : i32
      %dma_start3A_188 = tpu.memref_slice %arg13[%mul3A_94, %dma_start3A_187] : memref<10112x128xf32, #tpu.memory_space<vmem_shared>> -> memref<632x128xf32, #tpu.memory_space<vmem_shared>>
      tpu.enqueue_dma source(%arg5 : memref<632x128xf32, #tpu.memory_space<hbm>>) target(%dma_start3A_188 : memref<632x128xf32, #tpu.memory_space<vmem_shared>>) target_semaphore(%run_scoped3A : memref<!tpu.dma_semaphore, #tpu.memory_space<semaphore_mem>>)
      %dma_wait3A_189 = arith.constant 0 : i32
      %dma_wait3A_190 = tpu.memref_slice %arg13[%mul3A_94, %dma_wait3A_189] : memref<10112x128xf32, #tpu.memory_space<vmem_shared>> -> memref<632x128xf32, #tpu.memory_space<vmem_shared>>
      tpu.wait_dma2 semaphore(%run_scoped3A : memref<!tpu.dma_semaphore, #tpu.memory_space<semaphore_mem>>) src(%arg5 : memref<632x128xf32, #tpu.memory_space<hbm>>) dst(%dma_wait3A_190 : memref<632x128xf32, #tpu.memory_space<vmem_shared>>)
      tpu.yield
    }) : () -> ()
    %barrier3A_95 = arith.constant 0 : index
    tpu.barrier barrier_id(%barrier3A_95)
    %dma_start3A_96 = arith.constant 0 : i32
    %dma_start3A_97 = tpu.memref_slice %arg7[%dma_start3A_96] : memref<10176xi32, #tpu.memory_space<vmem>> -> memref<48xi32, #tpu.memory_space<vmem>>
    %dma_start3A_98 = arith.constant 0 : i32
    %dma_start3A_99 = arith.constant 0 : i32
    %dma_start3A_100 = tpu.memref_slice %arg2[%dma_start3A_98, %dma_start3A_99] : memref<40000x128xf32, #tpu.memory_space<hbm>> -> memref<40000x128xf32, #tpu.memory_space<hbm>>
    tpu.enqueue_indirect_dma source(%dma_start3A_100 : memref<40000x128xf32, #tpu.memory_space<hbm>>) target(%arg9 : memref<48x128xf32, #tpu.memory_space<vmem>>) offsets(%dma_start3A_97 : memref<48xi32, #tpu.memory_space<vmem>>) semaphore(%arg14 : memref<!tpu.dma_semaphore, #tpu.memory_space<semaphore_mem>>)
    %dma_start3A_101 = arith.constant 48 : i32
    %dma_start3A_102 = tpu.memref_slice %arg7[%dma_start3A_101] : memref<10176xi32, #tpu.memory_space<vmem>> -> memref<48xi32, #tpu.memory_space<vmem>>
    %dma_start3A_103 = arith.constant 0 : i32
    %dma_start3A_104 = arith.constant 0 : i32
    %dma_start3A_105 = tpu.memref_slice %arg2[%dma_start3A_103, %dma_start3A_104] : memref<40000x128xf32, #tpu.memory_space<hbm>> -> memref<40000x128xf32, #tpu.memory_space<hbm>>
    tpu.enqueue_indirect_dma source(%dma_start3A_105 : memref<40000x128xf32, #tpu.memory_space<hbm>>) target(%arg10 : memref<48x128xf32, #tpu.memory_space<vmem>>) offsets(%dma_start3A_102 : memref<48xi32, #tpu.memory_space<vmem>>) semaphore(%arg15 : memref<!tpu.dma_semaphore, #tpu.memory_space<semaphore_mem>>)
    %dma_start3A_106 = arith.constant 96 : i32
    %dma_start3A_107 = tpu.memref_slice %arg7[%dma_start3A_106] : memref<10176xi32, #tpu.memory_space<vmem>> -> memref<48xi32, #tpu.memory_space<vmem>>
    %dma_start3A_108 = arith.constant 0 : i32
    %dma_start3A_109 = arith.constant 0 : i32
    %dma_start3A_110 = tpu.memref_slice %arg2[%dma_start3A_108, %dma_start3A_109] : memref<40000x128xf32, #tpu.memory_space<hbm>> -> memref<40000x128xf32, #tpu.memory_space<hbm>>
    tpu.enqueue_indirect_dma source(%dma_start3A_110 : memref<40000x128xf32, #tpu.memory_space<hbm>>) target(%arg11 : memref<48x128xf32, #tpu.memory_space<vmem>>) offsets(%dma_start3A_107 : memref<48xi32, #tpu.memory_space<vmem>>) semaphore(%arg16 : memref<!tpu.dma_semaphore, #tpu.memory_space<semaphore_mem>>)
    %dma_wait3A_111 = arith.constant 0 : i32
    %dma_wait3A_112 = tpu.memref_slice %arg7[%dma_wait3A_111] : memref<10176xi32, #tpu.memory_space<vmem>> -> memref<48xi32, #tpu.memory_space<vmem>>
    %dma_wait3A_113 = arith.constant 0 : i32
    %dma_wait3A_114 = arith.constant 0 : i32
    %dma_wait3A_115 = tpu.memref_slice %arg2[%dma_wait3A_113, %dma_wait3A_114] : memref<40000x128xf32, #tpu.memory_space<hbm>> -> memref<40000x128xf32, #tpu.memory_space<hbm>>
    tpu.wait_indirect_dma semaphore(%arg14 : memref<!tpu.dma_semaphore, #tpu.memory_space<semaphore_mem>>) src(%dma_wait3A_115 : memref<40000x128xf32, #tpu.memory_space<hbm>>) dst(%arg9 : memref<48x128xf32, #tpu.memory_space<vmem>>)
    %dma_start3A_116 = arith.constant 0 : i32
    %dma_start3A_117 = tpu.memref_slice %arg8[%dma_start3A_116] : memref<10176xi32, #tpu.memory_space<vmem>> -> memref<48xi32, #tpu.memory_space<vmem>>
    %dma_start3A_118 = arith.constant 0 : i32
    %dma_start3A_119 = arith.constant 0 : i32
    %dma_start3A_120 = tpu.memref_slice %arg13[%dma_start3A_118, %dma_start3A_119] : memref<10112x128xf32, #tpu.memory_space<vmem_shared>> -> memref<10112x128xf32, #tpu.memory_space<vmem_shared>>
    tpu.enqueue_indirect_dma source(%arg9 : memref<48x128xf32, #tpu.memory_space<vmem>>) target(%dma_start3A_120 : memref<10112x128xf32, #tpu.memory_space<vmem_shared>>) offsets(%dma_start3A_117 : memref<48xi32, #tpu.memory_space<vmem>>) semaphore(%arg18 : memref<!tpu.dma_semaphore, #tpu.memory_space<semaphore_mem>>) {add = true}
    %dma_start3A_121 = arith.constant 144 : i32
    %dma_start3A_122 = tpu.memref_slice %arg7[%dma_start3A_121] : memref<10176xi32, #tpu.memory_space<vmem>> -> memref<48xi32, #tpu.memory_space<vmem>>
    %dma_start3A_123 = arith.constant 0 : i32
    %dma_start3A_124 = arith.constant 0 : i32
    %dma_start3A_125 = tpu.memref_slice %arg2[%dma_start3A_123, %dma_start3A_124] : memref<40000x128xf32, #tpu.memory_space<hbm>> -> memref<40000x128xf32, #tpu.memory_space<hbm>>
    tpu.enqueue_indirect_dma source(%dma_start3A_125 : memref<40000x128xf32, #tpu.memory_space<hbm>>) target(%arg12 : memref<48x128xf32, #tpu.memory_space<vmem>>) offsets(%dma_start3A_122 : memref<48xi32, #tpu.memory_space<vmem>>) semaphore(%arg17 : memref<!tpu.dma_semaphore, #tpu.memory_space<semaphore_mem>>)
    %dma_wait3A_126 = arith.constant 0 : i32
    %dma_wait3A_127 = tpu.memref_slice %arg7[%dma_wait3A_126] : memref<10176xi32, #tpu.memory_space<vmem>> -> memref<48xi32, #tpu.memory_space<vmem>>
    %dma_wait3A_128 = arith.constant 0 : i32
    %dma_wait3A_129 = arith.constant 0 : i32
    %dma_wait3A_130 = tpu.memref_slice %arg2[%dma_wait3A_128, %dma_wait3A_129] : memref<40000x128xf32, #tpu.memory_space<hbm>> -> memref<40000x128xf32, #tpu.memory_space<hbm>>
    tpu.wait_indirect_dma semaphore(%arg15 : memref<!tpu.dma_semaphore, #tpu.memory_space<semaphore_mem>>) src(%dma_wait3A_130 : memref<40000x128xf32, #tpu.memory_space<hbm>>) dst(%arg10 : memref<48x128xf32, #tpu.memory_space<vmem>>)
    %dma_start3A_131 = arith.constant 48 : i32
    %dma_start3A_132 = tpu.memref_slice %arg8[%dma_start3A_131] : memref<10176xi32, #tpu.memory_space<vmem>> -> memref<48xi32, #tpu.memory_space<vmem>>
    %dma_start3A_133 = arith.constant 0 : i32
    %dma_start3A_134 = arith.constant 0 : i32
    %dma_start3A_135 = tpu.memref_slice %arg13[%dma_start3A_133, %dma_start3A_134] : memref<10112x128xf32, #tpu.memory_space<vmem_shared>> -> memref<10112x128xf32, #tpu.memory_space<vmem_shared>>
    tpu.enqueue_indirect_dma source(%arg10 : memref<48x128xf32, #tpu.memory_space<vmem>>) target(%dma_start3A_135 : memref<10112x128xf32, #tpu.memory_space<vmem_shared>>) offsets(%dma_start3A_132 : memref<48xi32, #tpu.memory_space<vmem>>) semaphore(%arg19 : memref<!tpu.dma_semaphore, #tpu.memory_space<semaphore_mem>>) {add = true}
    %scan3A_136 = arith.constant 0 : i32
    %scan3A_137 = arith.constant 0 : i32
    %scan3A_138 = arith.constant 52 : i32
    %scan3A_139 = arith.addi %scan3A_137, %scan3A_138 : i32
    %scan3A_140 = arith.constant 1 : i32
    scf.for %scan3A_187 = %scan3A_137 to %scan3A_139 step %scan3A_140  : i32 {
      %mul3A_188 = arith.constant 4 : i32
      %mul3A_189 = arith.muli %mul3A_188, %scan3A_187 : i32
      %add3A_190 = arith.constant 2 : i32
      %add3A_191 = arith.addi %add3A_190, %mul3A_189 : i32
      %add3A_192 = arith.constant 0 : i32
      %add3A_193 = arith.addi %add3A_191, %add3A_192 : i32
      %dma_wait3A_194 = arith.constant 0 : i32
      %dma_wait3A_195 = tpu.memref_slice %arg8[%dma_wait3A_194] : memref<10176xi32, #tpu.memory_space<vmem>> -> memref<48xi32, #tpu.memory_space<vmem>>
      %dma_wait3A_196 = arith.constant 0 : i32
      %dma_wait3A_197 = arith.constant 0 : i32
      %dma_wait3A_198 = tpu.memref_slice %arg13[%dma_wait3A_196, %dma_wait3A_197] : memref<10112x128xf32, #tpu.memory_space<vmem_shared>> -> memref<10112x128xf32, #tpu.memory_space<vmem_shared>>
      tpu.wait_indirect_dma semaphore(%arg18 : memref<!tpu.dma_semaphore, #tpu.memory_space<semaphore_mem>>) src(%arg9 : memref<48x128xf32, #tpu.memory_space<vmem>>) dst(%dma_wait3A_198 : memref<10112x128xf32, #tpu.memory_space<vmem_shared>>)
      %add3A_199 = arith.constant 2 : i32
      %add3A_200 = arith.addi %add3A_193, %add3A_199 : i32
      %mul3A_201 = arith.constant 48 : i32
      %mul3A_202 = arith.muli %add3A_200, %mul3A_201 : i32
      %dma_start3A_203 = tpu.memref_slice %arg7[%mul3A_202] : memref<10176xi32, #tpu.memory_space<vmem>> -> memref<48xi32, #tpu.memory_space<vmem>>
      %dma_start3A_204 = arith.constant 0 : i32
      %dma_start3A_205 = arith.constant 0 : i32
      %dma_start3A_206 = tpu.memref_slice %arg2[%dma_start3A_204, %dma_start3A_205] : memref<40000x128xf32, #tpu.memory_space<hbm>> -> memref<40000x128xf32, #tpu.memory_space<hbm>>
      tpu.enqueue_indirect_dma source(%dma_start3A_206 : memref<40000x128xf32, #tpu.memory_space<hbm>>) target(%arg9 : memref<48x128xf32, #tpu.memory_space<vmem>>) offsets(%dma_start3A_203 : memref<48xi32, #tpu.memory_space<vmem>>) semaphore(%arg14 : memref<!tpu.dma_semaphore, #tpu.memory_space<semaphore_mem>>)
      %dma_wait3A_207 = arith.constant 0 : i32
      %dma_wait3A_208 = tpu.memref_slice %arg7[%dma_wait3A_207] : memref<10176xi32, #tpu.memory_space<vmem>> -> memref<48xi32, #tpu.memory_space<vmem>>
      %dma_wait3A_209 = arith.constant 0 : i32
      %dma_wait3A_210 = arith.constant 0 : i32
      %dma_wait3A_211 = tpu.memref_slice %arg2[%dma_wait3A_209, %dma_wait3A_210] : memref<40000x128xf32, #tpu.memory_space<hbm>> -> memref<40000x128xf32, #tpu.memory_space<hbm>>
      tpu.wait_indirect_dma semaphore(%arg16 : memref<!tpu.dma_semaphore, #tpu.memory_space<semaphore_mem>>) src(%dma_wait3A_211 : memref<40000x128xf32, #tpu.memory_space<hbm>>) dst(%arg11 : memref<48x128xf32, #tpu.memory_space<vmem>>)
      %mul3A_212 = arith.constant 48 : i32
      %mul3A_213 = arith.muli %add3A_193, %mul3A_212 : i32
      %dma_start3A_214 = tpu.memref_slice %arg8[%mul3A_213] : memref<10176xi32, #tpu.memory_space<vmem>> -> memref<48xi32, #tpu.memory_space<vmem>>
      %dma_start3A_215 = arith.constant 0 : i32
      %dma_start3A_216 = arith.constant 0 : i32
      %dma_start3A_217 = tpu.memref_slice %arg13[%dma_start3A_215, %dma_start3A_216] : memref<10112x128xf32, #tpu.memory_space<vmem_shared>> -> memref<10112x128xf32, #tpu.memory_space<vmem_shared>>
      tpu.enqueue_indirect_dma source(%arg11 : memref<48x128xf32, #tpu.memory_space<vmem>>) target(%dma_start3A_217 : memref<10112x128xf32, #tpu.memory_space<vmem_shared>>) offsets(%dma_start3A_214 : memref<48xi32, #tpu.memory_space<vmem>>) semaphore(%arg20 : memref<!tpu.dma_semaphore, #tpu.memory_space<semaphore_mem>>) {add = true}
      %mul3A_218 = arith.constant 4 : i32
      %mul3A_219 = arith.muli %mul3A_218, %scan3A_187 : i32
      %add3A_220 = arith.constant 2 : i32
      %add3A_221 = arith.addi %add3A_220, %mul3A_219 : i32
      %add3A_222 = arith.constant 1 : i32
      %add3A_223 = arith.addi %add3A_221, %add3A_222 : i32
      %dma_wait3A_224 = arith.constant 0 : i32
      %dma_wait3A_225 = tpu.memref_slice %arg8[%dma_wait3A_224] : memref<10176xi32, #tpu.memory_space<vmem>> -> memref<48xi32, #tpu.memory_space<vmem>>
      %dma_wait3A_226 = arith.constant 0 : i32
      %dma_wait3A_227 = arith.constant 0 : i32
      %dma_wait3A_228 = tpu.memref_slice %arg13[%dma_wait3A_226, %dma_wait3A_227] : memref<10112x128xf32, #tpu.memory_space<vmem_shared>> -> memref<10112x128xf32, #tpu.memory_space<vmem_shared>>
      tpu.wait_indirect_dma semaphore(%arg19 : memref<!tpu.dma_semaphore, #tpu.memory_space<semaphore_mem>>) src(%arg10 : memref<48x128xf32, #tpu.memory_space<vmem>>) dst(%dma_wait3A_228 : memref<10112x128xf32, #tpu.memory_space<vmem_shared>>)
      %add3A_229 = arith.constant 2 : i32
      %add3A_230 = arith.addi %add3A_223, %add3A_229 : i32
      %mul3A_231 = arith.constant 48 : i32
      %mul3A_232 = arith.muli %add3A_230, %mul3A_231 : i32
      %dma_start3A_233 = tpu.memref_slice %arg7[%mul3A_232] : memref<10176xi32, #tpu.memory_space<vmem>> -> memref<48xi32, #tpu.memory_space<vmem>>
      %dma_start3A_234 = arith.constant 0 : i32
      %dma_start3A_235 = arith.constant 0 : i32
      %dma_start3A_236 = tpu.memref_slice %arg2[%dma_start3A_234, %dma_start3A_235] : memref<40000x128xf32, #tpu.memory_space<hbm>> -> memref<40000x128xf32, #tpu.memory_space<hbm>>
      tpu.enqueue_indirect_dma source(%dma_start3A_236 : memref<40000x128xf32, #tpu.memory_space<hbm>>) target(%arg10 : memref<48x128xf32, #tpu.memory_space<vmem>>) offsets(%dma_start3A_233 : memref<48xi32, #tpu.memory_space<vmem>>) semaphore(%arg15 : memref<!tpu.dma_semaphore, #tpu.memory_space<semaphore_mem>>)
      %dma_wait3A_237 = arith.constant 0 : i32
      %dma_wait3A_238 = tpu.memref_slice %arg7[%dma_wait3A_237] : memref<10176xi32, #tpu.memory_space<vmem>> -> memref<48xi32, #tpu.memory_space<vmem>>
      %dma_wait3A_239 = arith.constant 0 : i32
      %dma_wait3A_240 = arith.constant 0 : i32
      %dma_wait3A_241 = tpu.memref_slice %arg2[%dma_wait3A_239, %dma_wait3A_240] : memref<40000x128xf32, #tpu.memory_space<hbm>> -> memref<40000x128xf32, #tpu.memory_space<hbm>>
      tpu.wait_indirect_dma semaphore(%arg17 : memref<!tpu.dma_semaphore, #tpu.memory_space<semaphore_mem>>) src(%dma_wait3A_241 : memref<40000x128xf32, #tpu.memory_space<hbm>>) dst(%arg12 : memref<48x128xf32, #tpu.memory_space<vmem>>)
      %mul3A_242 = arith.constant 48 : i32
      %mul3A_243 = arith.muli %add3A_223, %mul3A_242 : i32
      %dma_start3A_244 = tpu.memref_slice %arg8[%mul3A_243] : memref<10176xi32, #tpu.memory_space<vmem>> -> memref<48xi32, #tpu.memory_space<vmem>>
      %dma_start3A_245 = arith.constant 0 : i32
      %dma_start3A_246 = arith.constant 0 : i32
      %dma_start3A_247 = tpu.memref_slice %arg13[%dma_start3A_245, %dma_start3A_246] : memref<10112x128xf32, #tpu.memory_space<vmem_shared>> -> memref<10112x128xf32, #tpu.memory_space<vmem_shared>>
      tpu.enqueue_indirect_dma source(%arg12 : memref<48x128xf32, #tpu.memory_space<vmem>>) target(%dma_start3A_247 : memref<10112x128xf32, #tpu.memory_space<vmem_shared>>) offsets(%dma_start3A_244 : memref<48xi32, #tpu.memory_space<vmem>>) semaphore(%arg21 : memref<!tpu.dma_semaphore, #tpu.memory_space<semaphore_mem>>) {add = true}
      %mul3A_248 = arith.constant 4 : i32
      %mul3A_249 = arith.muli %mul3A_248, %scan3A_187 : i32
      %add3A_250 = arith.constant 2 : i32
      %add3A_251 = arith.addi %add3A_250, %mul3A_249 : i32
      %add3A_252 = arith.constant 2 : i32
      %add3A_253 = arith.addi %add3A_251, %add3A_252 : i32
      %dma_wait3A_254 = arith.constant 0 : i32
      %dma_wait3A_255 = tpu.memref_slice %arg8[%dma_wait3A_254] : memref<10176xi32, #tpu.memory_space<vmem>> -> memref<48xi32, #tpu.memory_space<vmem>>
      %dma_wait3A_256 = arith.constant 0 : i32
      %dma_wait3A_257 = arith.constant 0 : i32
      %dma_wait3A_258 = tpu.memref_slice %arg13[%dma_wait3A_256, %dma_wait3A_257] : memref<10112x128xf32, #tpu.memory_space<vmem_shared>> -> memref<10112x128xf32, #tpu.memory_space<vmem_shared>>
      tpu.wait_indirect_dma semaphore(%arg20 : memref<!tpu.dma_semaphore, #tpu.memory_space<semaphore_mem>>) src(%arg11 : memref<48x128xf32, #tpu.memory_space<vmem>>) dst(%dma_wait3A_258 : memref<10112x128xf32, #tpu.memory_space<vmem_shared>>)
      %add3A_259 = arith.constant 2 : i32
      %add3A_260 = arith.addi %add3A_253, %add3A_259 : i32
      %mul3A_261 = arith.constant 48 : i32
      %mul3A_262 = arith.muli %add3A_260, %mul3A_261 : i32
      %dma_start3A_263 = tpu.memref_slice %arg7[%mul3A_262] : memref<10176xi32, #tpu.memory_space<vmem>> -> memref<48xi32, #tpu.memory_space<vmem>>
      %dma_start3A_264 = arith.constant 0 : i32
      %dma_start3A_265 = arith.constant 0 : i32
      %dma_start3A_266 = tpu.memref_slice %arg2[%dma_start3A_264, %dma_start3A_265] : memref<40000x128xf32, #tpu.memory_space<hbm>> -> memref<40000x128xf32, #tpu.memory_space<hbm>>
      tpu.enqueue_indirect_dma source(%dma_start3A_266 : memref<40000x128xf32, #tpu.memory_space<hbm>>) target(%arg11 : memref<48x128xf32, #tpu.memory_space<vmem>>) offsets(%dma_start3A_263 : memref<48xi32, #tpu.memory_space<vmem>>) semaphore(%arg16 : memref<!tpu.dma_semaphore, #tpu.memory_space<semaphore_mem>>)
      %dma_wait3A_267 = arith.constant 0 : i32
      %dma_wait3A_268 = tpu.memref_slice %arg7[%dma_wait3A_267] : memref<10176xi32, #tpu.memory_space<vmem>> -> memref<48xi32, #tpu.memory_space<vmem>>
      %dma_wait3A_269 = arith.constant 0 : i32
      %dma_wait3A_270 = arith.constant 0 : i32
      %dma_wait3A_271 = tpu.memref_slice %arg2[%dma_wait3A_269, %dma_wait3A_270] : memref<40000x128xf32, #tpu.memory_space<hbm>> -> memref<40000x128xf32, #tpu.memory_space<hbm>>
      tpu.wait_indirect_dma semaphore(%arg14 : memref<!tpu.dma_semaphore, #tpu.memory_space<semaphore_mem>>) src(%dma_wait3A_271 : memref<40000x128xf32, #tpu.memory_space<hbm>>) dst(%arg9 : memref<48x128xf32, #tpu.memory_space<vmem>>)
      %mul3A_272 = arith.constant 48 : i32
      %mul3A_273 = arith.muli %add3A_253, %mul3A_272 : i32
      %dma_start3A_274 = tpu.memref_slice %arg8[%mul3A_273] : memref<10176xi32, #tpu.memory_space<vmem>> -> memref<48xi32, #tpu.memory_space<vmem>>
      %dma_start3A_275 = arith.constant 0 : i32
      %dma_start3A_276 = arith.constant 0 : i32
      %dma_start3A_277 = tpu.memref_slice %arg13[%dma_start3A_275, %dma_start3A_276] : memref<10112x128xf32, #tpu.memory_space<vmem_shared>> -> memref<10112x128xf32, #tpu.memory_space<vmem_shared>>
      tpu.enqueue_indirect_dma source(%arg9 : memref<48x128xf32, #tpu.memory_space<vmem>>) target(%dma_start3A_277 : memref<10112x128xf32, #tpu.memory_space<vmem_shared>>) offsets(%dma_start3A_274 : memref<48xi32, #tpu.memory_space<vmem>>) semaphore(%arg18 : memref<!tpu.dma_semaphore, #tpu.memory_space<semaphore_mem>>) {add = true}
      %mul3A_278 = arith.constant 4 : i32
      %mul3A_279 = arith.muli %mul3A_278, %scan3A_187 : i32
      %add3A_280 = arith.constant 2 : i32
      %add3A_281 = arith.addi %add3A_280, %mul3A_279 : i32
      %add3A_282 = arith.constant 3 : i32
      %add3A_283 = arith.addi %add3A_281, %add3A_282 : i32
      %dma_wait3A_284 = arith.constant 0 : i32
      %dma_wait3A_285 = tpu.memref_slice %arg8[%dma_wait3A_284] : memref<10176xi32, #tpu.memory_space<vmem>> -> memref<48xi32, #tpu.memory_space<vmem>>
      %dma_wait3A_286 = arith.constant 0 : i32
      %dma_wait3A_287 = arith.constant 0 : i32
      %dma_wait3A_288 = tpu.memref_slice %arg13[%dma_wait3A_286, %dma_wait3A_287] : memref<10112x128xf32, #tpu.memory_space<vmem_shared>> -> memref<10112x128xf32, #tpu.memory_space<vmem_shared>>
      tpu.wait_indirect_dma semaphore(%arg21 : memref<!tpu.dma_semaphore, #tpu.memory_space<semaphore_mem>>) src(%arg12 : memref<48x128xf32, #tpu.memory_space<vmem>>) dst(%dma_wait3A_288 : memref<10112x128xf32, #tpu.memory_space<vmem_shared>>)
      %add3A_289 = arith.constant 2 : i32
      %add3A_290 = arith.addi %add3A_283, %add3A_289 : i32
      %mul3A_291 = arith.constant 48 : i32
      %mul3A_292 = arith.muli %add3A_290, %mul3A_291 : i32
      %dma_start3A_293 = tpu.memref_slice %arg7[%mul3A_292] : memref<10176xi32, #tpu.memory_space<vmem>> -> memref<48xi32, #tpu.memory_space<vmem>>
      %dma_start3A_294 = arith.constant 0 : i32
      %dma_start3A_295 = arith.constant 0 : i32
      %dma_start3A_296 = tpu.memref_slice %arg2[%dma_start3A_294, %dma_start3A_295] : memref<40000x128xf32, #tpu.memory_space<hbm>> -> memref<40000x128xf32, #tpu.memory_space<hbm>>
      tpu.enqueue_indirect_dma source(%dma_start3A_296 : memref<40000x128xf32, #tpu.memory_space<hbm>>) target(%arg12 : memref<48x128xf32, #tpu.memory_space<vmem>>) offsets(%dma_start3A_293 : memref<48xi32, #tpu.memory_space<vmem>>) semaphore(%arg17 : memref<!tpu.dma_semaphore, #tpu.memory_space<semaphore_mem>>)
      %dma_wait3A_297 = arith.constant 0 : i32
      %dma_wait3A_298 = tpu.memref_slice %arg7[%dma_wait3A_297] : memref<10176xi32, #tpu.memory_space<vmem>> -> memref<48xi32, #tpu.memory_space<vmem>>
      %dma_wait3A_299 = arith.constant 0 : i32
      %dma_wait3A_300 = arith.constant 0 : i32
      %dma_wait3A_301 = tpu.memref_slice %arg2[%dma_wait3A_299, %dma_wait3A_300] : memref<40000x128xf32, #tpu.memory_space<hbm>> -> memref<40000x128xf32, #tpu.memory_space<hbm>>
      tpu.wait_indirect_dma semaphore(%arg15 : memref<!tpu.dma_semaphore, #tpu.memory_space<semaphore_mem>>) src(%dma_wait3A_301 : memref<40000x128xf32, #tpu.memory_space<hbm>>) dst(%arg10 : memref<48x128xf32, #tpu.memory_space<vmem>>)
      %mul3A_302 = arith.constant 48 : i32
      %mul3A_303 = arith.muli %add3A_283, %mul3A_302 : i32
      %dma_start3A_304 = tpu.memref_slice %arg8[%mul3A_303] : memref<10176xi32, #tpu.memory_space<vmem>> -> memref<48xi32, #tpu.memory_space<vmem>>
      %dma_start3A_305 = arith.constant 0 : i32
      %dma_start3A_306 = arith.constant 0 : i32
      %dma_start3A_307 = tpu.memref_slice %arg13[%dma_start3A_305, %dma_start3A_306] : memref<10112x128xf32, #tpu.memory_space<vmem_shared>> -> memref<10112x128xf32, #tpu.memory_space<vmem_shared>>
      tpu.enqueue_indirect_dma source(%arg10 : memref<48x128xf32, #tpu.memory_space<vmem>>) target(%dma_start3A_307 : memref<10112x128xf32, #tpu.memory_space<vmem_shared>>) offsets(%dma_start3A_304 : memref<48xi32, #tpu.memory_space<vmem>>) semaphore(%arg19 : memref<!tpu.dma_semaphore, #tpu.memory_space<semaphore_mem>>) {add = true}
    }
    %scan3A_141 = arith.constant 52 : i32
    %dma_wait3A_142 = arith.constant 0 : i32
    %dma_wait3A_143 = tpu.memref_slice %arg7[%dma_wait3A_142] : memref<10176xi32, #tpu.memory_space<vmem>> -> memref<48xi32, #tpu.memory_space<vmem>>
    %dma_wait3A_144 = arith.constant 0 : i32
    %dma_wait3A_145 = arith.constant 0 : i32
    %dma_wait3A_146 = tpu.memref_slice %arg2[%dma_wait3A_144, %dma_wait3A_145] : memref<40000x128xf32, #tpu.memory_space<hbm>> -> memref<40000x128xf32, #tpu.memory_space<hbm>>
    tpu.wait_indirect_dma semaphore(%arg16 : memref<!tpu.dma_semaphore, #tpu.memory_space<semaphore_mem>>) src(%dma_wait3A_146 : memref<40000x128xf32, #tpu.memory_space<hbm>>) dst(%arg11 : memref<48x128xf32, #tpu.memory_space<vmem>>)
    %dma_start3A_147 = arith.constant 10080 : i32
    %dma_start3A_148 = tpu.memref_slice %arg8[%dma_start3A_147] : memref<10176xi32, #tpu.memory_space<vmem>> -> memref<48xi32, #tpu.memory_space<vmem>>
    %dma_start3A_149 = arith.constant 0 : i32
    %dma_start3A_150 = arith.constant 0 : i32
    %dma_start3A_151 = tpu.memref_slice %arg13[%dma_start3A_149, %dma_start3A_150] : memref<10112x128xf32, #tpu.memory_space<vmem_shared>> -> memref<10112x128xf32, #tpu.memory_space<vmem_shared>>
    tpu.enqueue_indirect_dma source(%arg11 : memref<48x128xf32, #tpu.memory_space<vmem>>) target(%dma_start3A_151 : memref<10112x128xf32, #tpu.memory_space<vmem_shared>>) offsets(%dma_start3A_148 : memref<48xi32, #tpu.memory_space<vmem>>) semaphore(%arg20 : memref<!tpu.dma_semaphore, #tpu.memory_space<semaphore_mem>>) {add = true}
    %dma_wait3A_152 = arith.constant 0 : i32
    %dma_wait3A_153 = tpu.memref_slice %arg7[%dma_wait3A_152] : memref<10176xi32, #tpu.memory_space<vmem>> -> memref<48xi32, #tpu.memory_space<vmem>>
    %dma_wait3A_154 = arith.constant 0 : i32
    %dma_wait3A_155 = arith.constant 0 : i32
    %dma_wait3A_156 = tpu.memref_slice %arg2[%dma_wait3A_154, %dma_wait3A_155] : memref<40000x128xf32, #tpu.memory_space<hbm>> -> memref<40000x128xf32, #tpu.memory_space<hbm>>
    tpu.wait_indirect_dma semaphore(%arg17 : memref<!tpu.dma_semaphore, #tpu.memory_space<semaphore_mem>>) src(%dma_wait3A_156 : memref<40000x128xf32, #tpu.memory_space<hbm>>) dst(%arg12 : memref<48x128xf32, #tpu.memory_space<vmem>>)
    %dma_start3A_157 = arith.constant 10128 : i32
    %dma_start3A_158 = tpu.memref_slice %arg8[%dma_start3A_157] : memref<10176xi32, #tpu.memory_space<vmem>> -> memref<48xi32, #tpu.memory_space<vmem>>
    %dma_start3A_159 = arith.constant 0 : i32
    %dma_start3A_160 = arith.constant 0 : i32
    %dma_start3A_161 = tpu.memref_slice %arg13[%dma_start3A_159, %dma_start3A_160] : memref<10112x128xf32, #tpu.memory_space<vmem_shared>> -> memref<10112x128xf32, #tpu.memory_space<vmem_shared>>
    tpu.enqueue_indirect_dma source(%arg12 : memref<48x128xf32, #tpu.memory_space<vmem>>) target(%dma_start3A_161 : memref<10112x128xf32, #tpu.memory_space<vmem_shared>>) offsets(%dma_start3A_158 : memref<48xi32, #tpu.memory_space<vmem>>) semaphore(%arg21 : memref<!tpu.dma_semaphore, #tpu.memory_space<semaphore_mem>>) {add = true}
    %dma_wait3A_162 = arith.constant 0 : i32
    %dma_wait3A_163 = tpu.memref_slice %arg8[%dma_wait3A_162] : memref<10176xi32, #tpu.memory_space<vmem>> -> memref<48xi32, #tpu.memory_space<vmem>>
    %dma_wait3A_164 = arith.constant 0 : i32
    %dma_wait3A_165 = arith.constant 0 : i32
    %dma_wait3A_166 = tpu.memref_slice %arg13[%dma_wait3A_164, %dma_wait3A_165] : memref<10112x128xf32, #tpu.memory_space<vmem_shared>> -> memref<10112x128xf32, #tpu.memory_space<vmem_shared>>
    tpu.wait_indirect_dma semaphore(%arg18 : memref<!tpu.dma_semaphore, #tpu.memory_space<semaphore_mem>>) src(%arg9 : memref<48x128xf32, #tpu.memory_space<vmem>>) dst(%dma_wait3A_166 : memref<10112x128xf32, #tpu.memory_space<vmem_shared>>)
    %dma_wait3A_167 = arith.constant 0 : i32
    %dma_wait3A_168 = tpu.memref_slice %arg8[%dma_wait3A_167] : memref<10176xi32, #tpu.memory_space<vmem>> -> memref<48xi32, #tpu.memory_space<vmem>>
    %dma_wait3A_169 = arith.constant 0 : i32
    %dma_wait3A_170 = arith.constant 0 : i32
    %dma_wait3A_171 = tpu.memref_slice %arg13[%dma_wait3A_169, %dma_wait3A_170] : memref<10112x128xf32, #tpu.memory_space<vmem_shared>> -> memref<10112x128xf32, #tpu.memory_space<vmem_shared>>
    tpu.wait_indirect_dma semaphore(%arg19 : memref<!tpu.dma_semaphore, #tpu.memory_space<semaphore_mem>>) src(%arg10 : memref<48x128xf32, #tpu.memory_space<vmem>>) dst(%dma_wait3A_171 : memref<10112x128xf32, #tpu.memory_space<vmem_shared>>)
    %dma_wait3A_172 = arith.constant 0 : i32
    %dma_wait3A_173 = tpu.memref_slice %arg8[%dma_wait3A_172] : memref<10176xi32, #tpu.memory_space<vmem>> -> memref<48xi32, #tpu.memory_space<vmem>>
    %dma_wait3A_174 = arith.constant 0 : i32
    %dma_wait3A_175 = arith.constant 0 : i32
    %dma_wait3A_176 = tpu.memref_slice %arg13[%dma_wait3A_174, %dma_wait3A_175] : memref<10112x128xf32, #tpu.memory_space<vmem_shared>> -> memref<10112x128xf32, #tpu.memory_space<vmem_shared>>
    tpu.wait_indirect_dma semaphore(%arg20 : memref<!tpu.dma_semaphore, #tpu.memory_space<semaphore_mem>>) src(%arg11 : memref<48x128xf32, #tpu.memory_space<vmem>>) dst(%dma_wait3A_176 : memref<10112x128xf32, #tpu.memory_space<vmem_shared>>)
    %dma_wait3A_177 = arith.constant 0 : i32
    %dma_wait3A_178 = tpu.memref_slice %arg8[%dma_wait3A_177] : memref<10176xi32, #tpu.memory_space<vmem>> -> memref<48xi32, #tpu.memory_space<vmem>>
    %dma_wait3A_179 = arith.constant 0 : i32
    %dma_wait3A_180 = arith.constant 0 : i32
    %dma_wait3A_181 = tpu.memref_slice %arg13[%dma_wait3A_179, %dma_wait3A_180] : memref<10112x128xf32, #tpu.memory_space<vmem_shared>> -> memref<10112x128xf32, #tpu.memory_space<vmem_shared>>
    tpu.wait_indirect_dma semaphore(%arg21 : memref<!tpu.dma_semaphore, #tpu.memory_space<semaphore_mem>>) src(%arg12 : memref<48x128xf32, #tpu.memory_space<vmem>>) dst(%dma_wait3A_181 : memref<10112x128xf32, #tpu.memory_space<vmem_shared>>)
    %barrier3A_182 = arith.constant 0 : index
    tpu.barrier barrier_id(%barrier3A_182)
    %mul3A_183 = arith.constant 632 : i32
    %mul3A_184 = arith.muli %arg1, %mul3A_183 : i32
    %mul3A_185 = arith.constant 632 : i32
    %mul3A_186 = arith.muli %arg1, %mul3A_185 : i32
    "tpu.region"() ({
      %run_scoped3A = tpu.sem_alloc : memref<!tpu.dma_semaphore, #tpu.memory_space<semaphore_mem>>
      %dma_start3A_187 = arith.constant 0 : i32
      %dma_start3A_188 = tpu.memref_slice %arg6[%add3A_92, %mul3A_186, %dma_start3A_187] : memref<4x10112x128xf32, #tpu.memory_space<hbm>> -> memref<1x632x128xf32, #tpu.memory_space<hbm>>
      %dma_start3A_189 = tpu.memref_squeeze %dma_start3A_188 : memref<1x632x128xf32, #tpu.memory_space<hbm>> -> memref<632x128xf32, #tpu.memory_space<hbm>>
      %dma_start3A_190 = arith.constant 0 : i32
      %dma_start3A_191 = tpu.memref_slice %arg13[%mul3A_184, %dma_start3A_190] : memref<10112x128xf32, #tpu.memory_space<vmem_shared>> -> memref<632x128xf32, #tpu.memory_space<vmem_shared>>
      tpu.enqueue_dma source(%dma_start3A_191 : memref<632x128xf32, #tpu.memory_space<vmem_shared>>) target(%dma_start3A_189 : memref<632x128xf32, #tpu.memory_space<hbm>>) target_semaphore(%run_scoped3A : memref<!tpu.dma_semaphore, #tpu.memory_space<semaphore_mem>>)
      %dma_wait3A_192 = arith.constant 0 : i32
      %dma_wait3A_193 = tpu.memref_slice %arg6[%add3A_92, %mul3A_186, %dma_wait3A_192] : memref<4x10112x128xf32, #tpu.memory_space<hbm>> -> memref<1x632x128xf32, #tpu.memory_space<hbm>>
      %dma_wait3A_194 = tpu.memref_squeeze %dma_wait3A_193 : memref<1x632x128xf32, #tpu.memory_space<hbm>> -> memref<632x128xf32, #tpu.memory_space<hbm>>
      %dma_wait3A_195 = arith.constant 0 : i32
      %dma_wait3A_196 = tpu.memref_slice %arg13[%mul3A_184, %dma_wait3A_195] : memref<10112x128xf32, #tpu.memory_space<vmem_shared>> -> memref<632x128xf32, #tpu.memory_space<vmem_shared>>
      tpu.wait_dma2 semaphore(%run_scoped3A : memref<!tpu.dma_semaphore, #tpu.memory_space<semaphore_mem>>) src(%dma_wait3A_196 : memref<632x128xf32, #tpu.memory_space<vmem_shared>>) dst(%dma_wait3A_194 : memref<632x128xf32, #tpu.memory_space<hbm>>)
      tpu.yield
    }) : () -> ()
    return
  }
}

#map = affine_map<(d0, d1) -> (0, 0)>
#map1 = affine_map<(d0, d1) -> (0, 0, 0)>
module attributes {stable_mosaic.version = 14 : i64} {
  func.func @_agg_sc(%arg0: i32, %arg1: i32, %arg2: memref<40000x128xf32, #tpu.memory_space<hbm>>, %arg3: memref<4x16x10176xi32, #tpu.memory_space<hbm>>, %arg4: memref<16x10176xi32, #tpu.memory_space<hbm>>, %arg5: memref<632x128xf32, #tpu.memory_space<hbm>>, %arg6: memref<4x10112x128xf32, #tpu.memory_space<hbm>>, %arg7: memref<10176xi32, #tpu.memory_space<vmem>>, %arg8: memref<10176xi32, #tpu.memory_space<vmem>>, %arg9: memref<48x128xf32, #tpu.memory_space<vmem>>, %arg10: memref<48x128xf32, #tpu.memory_space<vmem>>, %arg11: memref<48x128xf32, #tpu.memory_space<vmem>>, %arg12: memref<48x128xf32, #tpu.memory_space<vmem>>, %arg13: memref<10112x128xf32, #tpu.memory_space<vmem_shared>>, %arg14: memref<!tpu.dma_semaphore, #tpu.memory_space<semaphore_mem>>, %arg15: memref<!tpu.dma_semaphore, #tpu.memory_space<semaphore_mem>>, %arg16: memref<!tpu.dma_semaphore, #tpu.memory_space<semaphore_mem>>, %arg17: memref<!tpu.dma_semaphore, #tpu.memory_space<semaphore_mem>>, %arg18: memref<!tpu.dma_semaphore, #tpu.memory_space<semaphore_mem>>, %arg19: memref<!tpu.dma_semaphore, #tpu.memory_space<semaphore_mem>>, %arg20: memref<!tpu.dma_semaphore, #tpu.memory_space<semaphore_mem>>, %arg21: memref<!tpu.dma_semaphore, #tpu.memory_space<semaphore_mem>>) attributes {dimension_semantics = [#tpu.dimension_semantics<core_parallel>, #tpu.dimension_semantics<subcore_parallel>], iteration_bounds = array<i64: 2, 16>, scalar_prefetch = 0 : i64, scratch_operands = 15 : i64, tpu.core_type = #tpu.core_type<sc_vector_subcore>, window_params = [{transform_indices = #map}, {transform_indices = #map1}, {transform_indices = #map}, {transform_indices = #map}, {transform_indices = #map1}]} {
    "tpu.region"() ({
      %run_scoped3A = tpu.sem_alloc : memref<!tpu.dma_semaphore, #tpu.memory_space<semaphore_mem>>
      %dma_start3A_187 = arith.constant 0 : i32
      %dma_start3A_188 = tpu.memref_slice %arg4[%arg1, %dma_start3A_187] : memref<16x10176xi32, #tpu.memory_space<hbm>> -> memref<1x10176xi32, #tpu.memory_space<hbm>>
      %dma_start3A_189 = tpu.memref_squeeze %dma_start3A_188 : memref<1x10176xi32, #tpu.memory_space<hbm>> -> memref<10176xi32, #tpu.memory_space<hbm>>
      %dma_start3A_190 = arith.constant 0 : i32
      %dma_start3A_191 = tpu.memref_slice %arg4[%arg1, %dma_start3A_190] : memref<16x10176xi32, #tpu.memory_space<hbm>> -> memref<1x10176xi32, #tpu.memory_space<hbm>>
      %dma_start3A_192 = tpu.memref_squeeze %dma_start3A_191 : memref<1x10176xi32, #tpu.memory_space<hbm>> -> memref<10176xi32, #tpu.memory_space<hbm>>
      tpu.enqueue_dma source(%dma_start3A_192 : memref<10176xi32, #tpu.memory_space<hbm>>) target(%arg8 : memref<10176xi32, #tpu.memory_space<vmem>>) target_semaphore(%run_scoped3A : memref<!tpu.dma_semaphore, #tpu.memory_space<semaphore_mem>>)
      %dma_wait3A_193 = arith.constant 0 : i32
      %dma_wait3A_194 = tpu.memref_slice %arg4[%arg1, %dma_wait3A_193] : memref<16x10176xi32, #tpu.memory_space<hbm>> -> memref<1x10176xi32, #tpu.memory_space<hbm>>
      %dma_wait3A_195 = tpu.memref_squeeze %dma_wait3A_194 : memref<1x10176xi32, #tpu.memory_space<hbm>> -> memref<10176xi32, #tpu.memory_space<hbm>>
      %dma_wait3A_196 = arith.constant 0 : i32
      %dma_wait3A_197 = tpu.memref_slice %arg4[%arg1, %dma_wait3A_196] : memref<16x10176xi32, #tpu.memory_space<hbm>> -> memref<1x10176xi32, #tpu.memory_space<hbm>>
      %dma_wait3A_198 = tpu.memref_squeeze %dma_wait3A_197 : memref<1x10176xi32, #tpu.memory_space<hbm>> -> memref<10176xi32, #tpu.memory_space<hbm>>
      tpu.wait_dma2 semaphore(%run_scoped3A : memref<!tpu.dma_semaphore, #tpu.memory_space<semaphore_mem>>) src(%dma_wait3A_198 : memref<10176xi32, #tpu.memory_space<hbm>>) dst(%arg8 : memref<10176xi32, #tpu.memory_space<vmem>>)
      tpu.yield
    }) : () -> ()
    %add3A = arith.constant 0 : i32
    %add3A_0 = arith.addi %arg0, %add3A : i32
    "tpu.region"() ({
      %run_scoped3A = tpu.sem_alloc : memref<!tpu.dma_semaphore, #tpu.memory_space<semaphore_mem>>
      %dma_start3A_187 = arith.constant 0 : i32
      %dma_start3A_188 = tpu.memref_slice %arg3[%add3A_0, %arg1, %dma_start3A_187] : memref<4x16x10176xi32, #tpu.memory_space<hbm>> -> memref<1x1x10176xi32, #tpu.memory_space<hbm>>
      %dma_start3A_189 = tpu.memref_squeeze %dma_start3A_188 : memref<1x1x10176xi32, #tpu.memory_space<hbm>> -> memref<10176xi32, #tpu.memory_space<hbm>>
      %dma_start3A_190 = arith.constant 0 : i32
      %dma_start3A_191 = tpu.memref_slice %arg3[%add3A_0, %arg1, %dma_start3A_190] : memref<4x16x10176xi32, #tpu.memory_space<hbm>> -> memref<1x1x10176xi32, #tpu.memory_space<hbm>>
      %dma_start3A_192 = tpu.memref_squeeze %dma_start3A_191 : memref<1x1x10176xi32, #tpu.memory_space<hbm>> -> memref<10176xi32, #tpu.memory_space<hbm>>
      tpu.enqueue_dma source(%dma_start3A_192 : memref<10176xi32, #tpu.memory_space<hbm>>) target(%arg7 : memref<10176xi32, #tpu.memory_space<vmem>>) target_semaphore(%run_scoped3A : memref<!tpu.dma_semaphore, #tpu.memory_space<semaphore_mem>>)
      %dma_wait3A_193 = arith.constant 0 : i32
      %dma_wait3A_194 = tpu.memref_slice %arg3[%add3A_0, %arg1, %dma_wait3A_193] : memref<4x16x10176xi32, #tpu.memory_space<hbm>> -> memref<1x1x10176xi32, #tpu.memory_space<hbm>>
      %dma_wait3A_195 = tpu.memref_squeeze %dma_wait3A_194 : memref<1x1x10176xi32, #tpu.memory_space<hbm>> -> memref<10176xi32, #tpu.memory_space<hbm>>
      %dma_wait3A_196 = arith.constant 0 : i32
      %dma_wait3A_197 = tpu.memref_slice %arg3[%add3A_0, %arg1, %dma_wait3A_196] : memref<4x16x10176xi32, #tpu.memory_space<hbm>> -> memref<1x1x10176xi32, #tpu.memory_space<hbm>>
      %dma_wait3A_198 = tpu.memref_squeeze %dma_wait3A_197 : memref<1x1x10176xi32, #tpu.memory_space<hbm>> -> memref<10176xi32, #tpu.memory_space<hbm>>
      tpu.wait_dma2 semaphore(%run_scoped3A : memref<!tpu.dma_semaphore, #tpu.memory_space<semaphore_mem>>) src(%dma_wait3A_198 : memref<10176xi32, #tpu.memory_space<hbm>>) dst(%arg7 : memref<10176xi32, #tpu.memory_space<vmem>>)
      tpu.yield
    }) : () -> ()
    %mul3A = arith.constant 632 : i32
    %mul3A_1 = arith.muli %arg1, %mul3A : i32
    "tpu.region"() ({
      %run_scoped3A = tpu.sem_alloc : memref<!tpu.dma_semaphore, #tpu.memory_space<semaphore_mem>>
      %dma_start3A_187 = arith.constant 0 : i32
      %dma_start3A_188 = tpu.memref_slice %arg13[%mul3A_1, %dma_start3A_187] : memref<10112x128xf32, #tpu.memory_space<vmem_shared>> -> memref<632x128xf32, #tpu.memory_space<vmem_shared>>
      tpu.enqueue_dma source(%arg5 : memref<632x128xf32, #tpu.memory_space<hbm>>) target(%dma_start3A_188 : memref<632x128xf32, #tpu.memory_space<vmem_shared>>) target_semaphore(%run_scoped3A : memref<!tpu.dma_semaphore, #tpu.memory_space<semaphore_mem>>)
      %dma_wait3A_189 = arith.constant 0 : i32
      %dma_wait3A_190 = tpu.memref_slice %arg13[%mul3A_1, %dma_wait3A_189] : memref<10112x128xf32, #tpu.memory_space<vmem_shared>> -> memref<632x128xf32, #tpu.memory_space<vmem_shared>>
      tpu.wait_dma2 semaphore(%run_scoped3A : memref<!tpu.dma_semaphore, #tpu.memory_space<semaphore_mem>>) src(%arg5 : memref<632x128xf32, #tpu.memory_space<hbm>>) dst(%dma_wait3A_190 : memref<632x128xf32, #tpu.memory_space<vmem_shared>>)
      tpu.yield
    }) : () -> ()
    %barrier3A = arith.constant 0 : index
    tpu.barrier barrier_id(%barrier3A)
    %dma_start3A = arith.constant 0 : i32
    %dma_start3A_2 = tpu.memref_slice %arg7[%dma_start3A] : memref<10176xi32, #tpu.memory_space<vmem>> -> memref<48xi32, #tpu.memory_space<vmem>>
    %dma_start3A_3 = arith.constant 0 : i32
    %dma_start3A_4 = arith.constant 0 : i32
    %dma_start3A_5 = tpu.memref_slice %arg2[%dma_start3A_3, %dma_start3A_4] : memref<40000x128xf32, #tpu.memory_space<hbm>> -> memref<40000x128xf32, #tpu.memory_space<hbm>>
    tpu.enqueue_indirect_dma source(%dma_start3A_5 : memref<40000x128xf32, #tpu.memory_space<hbm>>) target(%arg9 : memref<48x128xf32, #tpu.memory_space<vmem>>) offsets(%dma_start3A_2 : memref<48xi32, #tpu.memory_space<vmem>>) semaphore(%arg14 : memref<!tpu.dma_semaphore, #tpu.memory_space<semaphore_mem>>)
    %dma_start3A_6 = arith.constant 48 : i32
    %dma_start3A_7 = tpu.memref_slice %arg7[%dma_start3A_6] : memref<10176xi32, #tpu.memory_space<vmem>> -> memref<48xi32, #tpu.memory_space<vmem>>
    %dma_start3A_8 = arith.constant 0 : i32
    %dma_start3A_9 = arith.constant 0 : i32
    %dma_start3A_10 = tpu.memref_slice %arg2[%dma_start3A_8, %dma_start3A_9] : memref<40000x128xf32, #tpu.memory_space<hbm>> -> memref<40000x128xf32, #tpu.memory_space<hbm>>
    tpu.enqueue_indirect_dma source(%dma_start3A_10 : memref<40000x128xf32, #tpu.memory_space<hbm>>) target(%arg10 : memref<48x128xf32, #tpu.memory_space<vmem>>) offsets(%dma_start3A_7 : memref<48xi32, #tpu.memory_space<vmem>>) semaphore(%arg15 : memref<!tpu.dma_semaphore, #tpu.memory_space<semaphore_mem>>)
    %dma_start3A_11 = arith.constant 96 : i32
    %dma_start3A_12 = tpu.memref_slice %arg7[%dma_start3A_11] : memref<10176xi32, #tpu.memory_space<vmem>> -> memref<48xi32, #tpu.memory_space<vmem>>
    %dma_start3A_13 = arith.constant 0 : i32
    %dma_start3A_14 = arith.constant 0 : i32
    %dma_start3A_15 = tpu.memref_slice %arg2[%dma_start3A_13, %dma_start3A_14] : memref<40000x128xf32, #tpu.memory_space<hbm>> -> memref<40000x128xf32, #tpu.memory_space<hbm>>
    tpu.enqueue_indirect_dma source(%dma_start3A_15 : memref<40000x128xf32, #tpu.memory_space<hbm>>) target(%arg11 : memref<48x128xf32, #tpu.memory_space<vmem>>) offsets(%dma_start3A_12 : memref<48xi32, #tpu.memory_space<vmem>>) semaphore(%arg16 : memref<!tpu.dma_semaphore, #tpu.memory_space<semaphore_mem>>)
    %dma_wait3A = arith.constant 0 : i32
    %dma_wait3A_16 = tpu.memref_slice %arg7[%dma_wait3A] : memref<10176xi32, #tpu.memory_space<vmem>> -> memref<48xi32, #tpu.memory_space<vmem>>
    %dma_wait3A_17 = arith.constant 0 : i32
    %dma_wait3A_18 = arith.constant 0 : i32
    %dma_wait3A_19 = tpu.memref_slice %arg2[%dma_wait3A_17, %dma_wait3A_18] : memref<40000x128xf32, #tpu.memory_space<hbm>> -> memref<40000x128xf32, #tpu.memory_space<hbm>>
    tpu.wait_indirect_dma semaphore(%arg14 : memref<!tpu.dma_semaphore, #tpu.memory_space<semaphore_mem>>) src(%dma_wait3A_19 : memref<40000x128xf32, #tpu.memory_space<hbm>>) dst(%arg9 : memref<48x128xf32, #tpu.memory_space<vmem>>)
    %dma_start3A_20 = arith.constant 0 : i32
    %dma_start3A_21 = tpu.memref_slice %arg8[%dma_start3A_20] : memref<10176xi32, #tpu.memory_space<vmem>> -> memref<48xi32, #tpu.memory_space<vmem>>
    %dma_start3A_22 = arith.constant 0 : i32
    %dma_start3A_23 = arith.constant 0 : i32
    %dma_start3A_24 = tpu.memref_slice %arg13[%dma_start3A_22, %dma_start3A_23] : memref<10112x128xf32, #tpu.memory_space<vmem_shared>> -> memref<10112x128xf32, #tpu.memory_space<vmem_shared>>
    tpu.enqueue_indirect_dma source(%arg9 : memref<48x128xf32, #tpu.memory_space<vmem>>) target(%dma_start3A_24 : memref<10112x128xf32, #tpu.memory_space<vmem_shared>>) offsets(%dma_start3A_21 : memref<48xi32, #tpu.memory_space<vmem>>) semaphore(%arg18 : memref<!tpu.dma_semaphore, #tpu.memory_space<semaphore_mem>>) {add = true}
    %dma_start3A_25 = arith.constant 144 : i32
    %dma_start3A_26 = tpu.memref_slice %arg7[%dma_start3A_25] : memref<10176xi32, #tpu.memory_space<vmem>> -> memref<48xi32, #tpu.memory_space<vmem>>
    %dma_start3A_27 = arith.constant 0 : i32
    %dma_start3A_28 = arith.constant 0 : i32
    %dma_start3A_29 = tpu.memref_slice %arg2[%dma_start3A_27, %dma_start3A_28] : memref<40000x128xf32, #tpu.memory_space<hbm>> -> memref<40000x128xf32, #tpu.memory_space<hbm>>
    tpu.enqueue_indirect_dma source(%dma_start3A_29 : memref<40000x128xf32, #tpu.memory_space<hbm>>) target(%arg12 : memref<48x128xf32, #tpu.memory_space<vmem>>) offsets(%dma_start3A_26 : memref<48xi32, #tpu.memory_space<vmem>>) semaphore(%arg17 : memref<!tpu.dma_semaphore, #tpu.memory_space<semaphore_mem>>)
    %dma_wait3A_30 = arith.constant 0 : i32
    %dma_wait3A_31 = tpu.memref_slice %arg7[%dma_wait3A_30] : memref<10176xi32, #tpu.memory_space<vmem>> -> memref<48xi32, #tpu.memory_space<vmem>>
    %dma_wait3A_32 = arith.constant 0 : i32
    %dma_wait3A_33 = arith.constant 0 : i32
    %dma_wait3A_34 = tpu.memref_slice %arg2[%dma_wait3A_32, %dma_wait3A_33] : memref<40000x128xf32, #tpu.memory_space<hbm>> -> memref<40000x128xf32, #tpu.memory_space<hbm>>
    tpu.wait_indirect_dma semaphore(%arg15 : memref<!tpu.dma_semaphore, #tpu.memory_space<semaphore_mem>>) src(%dma_wait3A_34 : memref<40000x128xf32, #tpu.memory_space<hbm>>) dst(%arg10 : memref<48x128xf32, #tpu.memory_space<vmem>>)
    %dma_start3A_35 = arith.constant 48 : i32
    %dma_start3A_36 = tpu.memref_slice %arg8[%dma_start3A_35] : memref<10176xi32, #tpu.memory_space<vmem>> -> memref<48xi32, #tpu.memory_space<vmem>>
    %dma_start3A_37 = arith.constant 0 : i32
    %dma_start3A_38 = arith.constant 0 : i32
    %dma_start3A_39 = tpu.memref_slice %arg13[%dma_start3A_37, %dma_start3A_38] : memref<10112x128xf32, #tpu.memory_space<vmem_shared>> -> memref<10112x128xf32, #tpu.memory_space<vmem_shared>>
    tpu.enqueue_indirect_dma source(%arg10 : memref<48x128xf32, #tpu.memory_space<vmem>>) target(%dma_start3A_39 : memref<10112x128xf32, #tpu.memory_space<vmem_shared>>) offsets(%dma_start3A_36 : memref<48xi32, #tpu.memory_space<vmem>>) semaphore(%arg19 : memref<!tpu.dma_semaphore, #tpu.memory_space<semaphore_mem>>) {add = true}
    %scan3A = arith.constant 0 : i32
    %scan3A_40 = arith.constant 0 : i32
    %scan3A_41 = arith.constant 52 : i32
    %scan3A_42 = arith.addi %scan3A_40, %scan3A_41 : i32
    %scan3A_43 = arith.constant 1 : i32
    scf.for %scan3A_187 = %scan3A_40 to %scan3A_42 step %scan3A_43  : i32 {
      %mul3A_188 = arith.constant 4 : i32
      %mul3A_189 = arith.muli %mul3A_188, %scan3A_187 : i32
      %add3A_190 = arith.constant 2 : i32
      %add3A_191 = arith.addi %add3A_190, %mul3A_189 : i32
      %add3A_192 = arith.constant 0 : i32
      %add3A_193 = arith.addi %add3A_191, %add3A_192 : i32
      %dma_wait3A_194 = arith.constant 0 : i32
      %dma_wait3A_195 = tpu.memref_slice %arg8[%dma_wait3A_194] : memref<10176xi32, #tpu.memory_space<vmem>> -> memref<48xi32, #tpu.memory_space<vmem>>
      %dma_wait3A_196 = arith.constant 0 : i32
      %dma_wait3A_197 = arith.constant 0 : i32
      %dma_wait3A_198 = tpu.memref_slice %arg13[%dma_wait3A_196, %dma_wait3A_197] : memref<10112x128xf32, #tpu.memory_space<vmem_shared>> -> memref<10112x128xf32, #tpu.memory_space<vmem_shared>>
      tpu.wait_indirect_dma semaphore(%arg18 : memref<!tpu.dma_semaphore, #tpu.memory_space<semaphore_mem>>) src(%arg9 : memref<48x128xf32, #tpu.memory_space<vmem>>) dst(%dma_wait3A_198 : memref<10112x128xf32, #tpu.memory_space<vmem_shared>>)
      %add3A_199 = arith.constant 2 : i32
      %add3A_200 = arith.addi %add3A_193, %add3A_199 : i32
      %mul3A_201 = arith.constant 48 : i32
      %mul3A_202 = arith.muli %add3A_200, %mul3A_201 : i32
      %dma_start3A_203 = tpu.memref_slice %arg7[%mul3A_202] : memref<10176xi32, #tpu.memory_space<vmem>> -> memref<48xi32, #tpu.memory_space<vmem>>
      %dma_start3A_204 = arith.constant 0 : i32
      %dma_start3A_205 = arith.constant 0 : i32
      %dma_start3A_206 = tpu.memref_slice %arg2[%dma_start3A_204, %dma_start3A_205] : memref<40000x128xf32, #tpu.memory_space<hbm>> -> memref<40000x128xf32, #tpu.memory_space<hbm>>
      tpu.enqueue_indirect_dma source(%dma_start3A_206 : memref<40000x128xf32, #tpu.memory_space<hbm>>) target(%arg9 : memref<48x128xf32, #tpu.memory_space<vmem>>) offsets(%dma_start3A_203 : memref<48xi32, #tpu.memory_space<vmem>>) semaphore(%arg14 : memref<!tpu.dma_semaphore, #tpu.memory_space<semaphore_mem>>)
      %dma_wait3A_207 = arith.constant 0 : i32
      %dma_wait3A_208 = tpu.memref_slice %arg7[%dma_wait3A_207] : memref<10176xi32, #tpu.memory_space<vmem>> -> memref<48xi32, #tpu.memory_space<vmem>>
      %dma_wait3A_209 = arith.constant 0 : i32
      %dma_wait3A_210 = arith.constant 0 : i32
      %dma_wait3A_211 = tpu.memref_slice %arg2[%dma_wait3A_209, %dma_wait3A_210] : memref<40000x128xf32, #tpu.memory_space<hbm>> -> memref<40000x128xf32, #tpu.memory_space<hbm>>
      tpu.wait_indirect_dma semaphore(%arg16 : memref<!tpu.dma_semaphore, #tpu.memory_space<semaphore_mem>>) src(%dma_wait3A_211 : memref<40000x128xf32, #tpu.memory_space<hbm>>) dst(%arg11 : memref<48x128xf32, #tpu.memory_space<vmem>>)
      %mul3A_212 = arith.constant 48 : i32
      %mul3A_213 = arith.muli %add3A_193, %mul3A_212 : i32
      %dma_start3A_214 = tpu.memref_slice %arg8[%mul3A_213] : memref<10176xi32, #tpu.memory_space<vmem>> -> memref<48xi32, #tpu.memory_space<vmem>>
      %dma_start3A_215 = arith.constant 0 : i32
      %dma_start3A_216 = arith.constant 0 : i32
      %dma_start3A_217 = tpu.memref_slice %arg13[%dma_start3A_215, %dma_start3A_216] : memref<10112x128xf32, #tpu.memory_space<vmem_shared>> -> memref<10112x128xf32, #tpu.memory_space<vmem_shared>>
      tpu.enqueue_indirect_dma source(%arg11 : memref<48x128xf32, #tpu.memory_space<vmem>>) target(%dma_start3A_217 : memref<10112x128xf32, #tpu.memory_space<vmem_shared>>) offsets(%dma_start3A_214 : memref<48xi32, #tpu.memory_space<vmem>>) semaphore(%arg20 : memref<!tpu.dma_semaphore, #tpu.memory_space<semaphore_mem>>) {add = true}
      %mul3A_218 = arith.constant 4 : i32
      %mul3A_219 = arith.muli %mul3A_218, %scan3A_187 : i32
      %add3A_220 = arith.constant 2 : i32
      %add3A_221 = arith.addi %add3A_220, %mul3A_219 : i32
      %add3A_222 = arith.constant 1 : i32
      %add3A_223 = arith.addi %add3A_221, %add3A_222 : i32
      %dma_wait3A_224 = arith.constant 0 : i32
      %dma_wait3A_225 = tpu.memref_slice %arg8[%dma_wait3A_224] : memref<10176xi32, #tpu.memory_space<vmem>> -> memref<48xi32, #tpu.memory_space<vmem>>
      %dma_wait3A_226 = arith.constant 0 : i32
      %dma_wait3A_227 = arith.constant 0 : i32
      %dma_wait3A_228 = tpu.memref_slice %arg13[%dma_wait3A_226, %dma_wait3A_227] : memref<10112x128xf32, #tpu.memory_space<vmem_shared>> -> memref<10112x128xf32, #tpu.memory_space<vmem_shared>>
      tpu.wait_indirect_dma semaphore(%arg19 : memref<!tpu.dma_semaphore, #tpu.memory_space<semaphore_mem>>) src(%arg10 : memref<48x128xf32, #tpu.memory_space<vmem>>) dst(%dma_wait3A_228 : memref<10112x128xf32, #tpu.memory_space<vmem_shared>>)
      %add3A_229 = arith.constant 2 : i32
      %add3A_230 = arith.addi %add3A_223, %add3A_229 : i32
      %mul3A_231 = arith.constant 48 : i32
      %mul3A_232 = arith.muli %add3A_230, %mul3A_231 : i32
      %dma_start3A_233 = tpu.memref_slice %arg7[%mul3A_232] : memref<10176xi32, #tpu.memory_space<vmem>> -> memref<48xi32, #tpu.memory_space<vmem>>
      %dma_start3A_234 = arith.constant 0 : i32
      %dma_start3A_235 = arith.constant 0 : i32
      %dma_start3A_236 = tpu.memref_slice %arg2[%dma_start3A_234, %dma_start3A_235] : memref<40000x128xf32, #tpu.memory_space<hbm>> -> memref<40000x128xf32, #tpu.memory_space<hbm>>
      tpu.enqueue_indirect_dma source(%dma_start3A_236 : memref<40000x128xf32, #tpu.memory_space<hbm>>) target(%arg10 : memref<48x128xf32, #tpu.memory_space<vmem>>) offsets(%dma_start3A_233 : memref<48xi32, #tpu.memory_space<vmem>>) semaphore(%arg15 : memref<!tpu.dma_semaphore, #tpu.memory_space<semaphore_mem>>)
      %dma_wait3A_237 = arith.constant 0 : i32
      %dma_wait3A_238 = tpu.memref_slice %arg7[%dma_wait3A_237] : memref<10176xi32, #tpu.memory_space<vmem>> -> memref<48xi32, #tpu.memory_space<vmem>>
      %dma_wait3A_239 = arith.constant 0 : i32
      %dma_wait3A_240 = arith.constant 0 : i32
      %dma_wait3A_241 = tpu.memref_slice %arg2[%dma_wait3A_239, %dma_wait3A_240] : memref<40000x128xf32, #tpu.memory_space<hbm>> -> memref<40000x128xf32, #tpu.memory_space<hbm>>
      tpu.wait_indirect_dma semaphore(%arg17 : memref<!tpu.dma_semaphore, #tpu.memory_space<semaphore_mem>>) src(%dma_wait3A_241 : memref<40000x128xf32, #tpu.memory_space<hbm>>) dst(%arg12 : memref<48x128xf32, #tpu.memory_space<vmem>>)
      %mul3A_242 = arith.constant 48 : i32
      %mul3A_243 = arith.muli %add3A_223, %mul3A_242 : i32
      %dma_start3A_244 = tpu.memref_slice %arg8[%mul3A_243] : memref<10176xi32, #tpu.memory_space<vmem>> -> memref<48xi32, #tpu.memory_space<vmem>>
      %dma_start3A_245 = arith.constant 0 : i32
      %dma_start3A_246 = arith.constant 0 : i32
      %dma_start3A_247 = tpu.memref_slice %arg13[%dma_start3A_245, %dma_start3A_246] : memref<10112x128xf32, #tpu.memory_space<vmem_shared>> -> memref<10112x128xf32, #tpu.memory_space<vmem_shared>>
      tpu.enqueue_indirect_dma source(%arg12 : memref<48x128xf32, #tpu.memory_space<vmem>>) target(%dma_start3A_247 : memref<10112x128xf32, #tpu.memory_space<vmem_shared>>) offsets(%dma_start3A_244 : memref<48xi32, #tpu.memory_space<vmem>>) semaphore(%arg21 : memref<!tpu.dma_semaphore, #tpu.memory_space<semaphore_mem>>) {add = true}
      %mul3A_248 = arith.constant 4 : i32
      %mul3A_249 = arith.muli %mul3A_248, %scan3A_187 : i32
      %add3A_250 = arith.constant 2 : i32
      %add3A_251 = arith.addi %add3A_250, %mul3A_249 : i32
      %add3A_252 = arith.constant 2 : i32
      %add3A_253 = arith.addi %add3A_251, %add3A_252 : i32
      %dma_wait3A_254 = arith.constant 0 : i32
      %dma_wait3A_255 = tpu.memref_slice %arg8[%dma_wait3A_254] : memref<10176xi32, #tpu.memory_space<vmem>> -> memref<48xi32, #tpu.memory_space<vmem>>
      %dma_wait3A_256 = arith.constant 0 : i32
      %dma_wait3A_257 = arith.constant 0 : i32
      %dma_wait3A_258 = tpu.memref_slice %arg13[%dma_wait3A_256, %dma_wait3A_257] : memref<10112x128xf32, #tpu.memory_space<vmem_shared>> -> memref<10112x128xf32, #tpu.memory_space<vmem_shared>>
      tpu.wait_indirect_dma semaphore(%arg20 : memref<!tpu.dma_semaphore, #tpu.memory_space<semaphore_mem>>) src(%arg11 : memref<48x128xf32, #tpu.memory_space<vmem>>) dst(%dma_wait3A_258 : memref<10112x128xf32, #tpu.memory_space<vmem_shared>>)
      %add3A_259 = arith.constant 2 : i32
      %add3A_260 = arith.addi %add3A_253, %add3A_259 : i32
      %mul3A_261 = arith.constant 48 : i32
      %mul3A_262 = arith.muli %add3A_260, %mul3A_261 : i32
      %dma_start3A_263 = tpu.memref_slice %arg7[%mul3A_262] : memref<10176xi32, #tpu.memory_space<vmem>> -> memref<48xi32, #tpu.memory_space<vmem>>
      %dma_start3A_264 = arith.constant 0 : i32
      %dma_start3A_265 = arith.constant 0 : i32
      %dma_start3A_266 = tpu.memref_slice %arg2[%dma_start3A_264, %dma_start3A_265] : memref<40000x128xf32, #tpu.memory_space<hbm>> -> memref<40000x128xf32, #tpu.memory_space<hbm>>
      tpu.enqueue_indirect_dma source(%dma_start3A_266 : memref<40000x128xf32, #tpu.memory_space<hbm>>) target(%arg11 : memref<48x128xf32, #tpu.memory_space<vmem>>) offsets(%dma_start3A_263 : memref<48xi32, #tpu.memory_space<vmem>>) semaphore(%arg16 : memref<!tpu.dma_semaphore, #tpu.memory_space<semaphore_mem>>)
      %dma_wait3A_267 = arith.constant 0 : i32
      %dma_wait3A_268 = tpu.memref_slice %arg7[%dma_wait3A_267] : memref<10176xi32, #tpu.memory_space<vmem>> -> memref<48xi32, #tpu.memory_space<vmem>>
      %dma_wait3A_269 = arith.constant 0 : i32
      %dma_wait3A_270 = arith.constant 0 : i32
      %dma_wait3A_271 = tpu.memref_slice %arg2[%dma_wait3A_269, %dma_wait3A_270] : memref<40000x128xf32, #tpu.memory_space<hbm>> -> memref<40000x128xf32, #tpu.memory_space<hbm>>
      tpu.wait_indirect_dma semaphore(%arg14 : memref<!tpu.dma_semaphore, #tpu.memory_space<semaphore_mem>>) src(%dma_wait3A_271 : memref<40000x128xf32, #tpu.memory_space<hbm>>) dst(%arg9 : memref<48x128xf32, #tpu.memory_space<vmem>>)
      %mul3A_272 = arith.constant 48 : i32
      %mul3A_273 = arith.muli %add3A_253, %mul3A_272 : i32
      %dma_start3A_274 = tpu.memref_slice %arg8[%mul3A_273] : memref<10176xi32, #tpu.memory_space<vmem>> -> memref<48xi32, #tpu.memory_space<vmem>>
      %dma_start3A_275 = arith.constant 0 : i32
      %dma_start3A_276 = arith.constant 0 : i32
      %dma_start3A_277 = tpu.memref_slice %arg13[%dma_start3A_275, %dma_start3A_276] : memref<10112x128xf32, #tpu.memory_space<vmem_shared>> -> memref<10112x128xf32, #tpu.memory_space<vmem_shared>>
      tpu.enqueue_indirect_dma source(%arg9 : memref<48x128xf32, #tpu.memory_space<vmem>>) target(%dma_start3A_277 : memref<10112x128xf32, #tpu.memory_space<vmem_shared>>) offsets(%dma_start3A_274 : memref<48xi32, #tpu.memory_space<vmem>>) semaphore(%arg18 : memref<!tpu.dma_semaphore, #tpu.memory_space<semaphore_mem>>) {add = true}
      %mul3A_278 = arith.constant 4 : i32
      %mul3A_279 = arith.muli %mul3A_278, %scan3A_187 : i32
      %add3A_280 = arith.constant 2 : i32
      %add3A_281 = arith.addi %add3A_280, %mul3A_279 : i32
      %add3A_282 = arith.constant 3 : i32
      %add3A_283 = arith.addi %add3A_281, %add3A_282 : i32
      %dma_wait3A_284 = arith.constant 0 : i32
      %dma_wait3A_285 = tpu.memref_slice %arg8[%dma_wait3A_284] : memref<10176xi32, #tpu.memory_space<vmem>> -> memref<48xi32, #tpu.memory_space<vmem>>
      %dma_wait3A_286 = arith.constant 0 : i32
      %dma_wait3A_287 = arith.constant 0 : i32
      %dma_wait3A_288 = tpu.memref_slice %arg13[%dma_wait3A_286, %dma_wait3A_287] : memref<10112x128xf32, #tpu.memory_space<vmem_shared>> -> memref<10112x128xf32, #tpu.memory_space<vmem_shared>>
      tpu.wait_indirect_dma semaphore(%arg21 : memref<!tpu.dma_semaphore, #tpu.memory_space<semaphore_mem>>) src(%arg12 : memref<48x128xf32, #tpu.memory_space<vmem>>) dst(%dma_wait3A_288 : memref<10112x128xf32, #tpu.memory_space<vmem_shared>>)
      %add3A_289 = arith.constant 2 : i32
      %add3A_290 = arith.addi %add3A_283, %add3A_289 : i32
      %mul3A_291 = arith.constant 48 : i32
      %mul3A_292 = arith.muli %add3A_290, %mul3A_291 : i32
      %dma_start3A_293 = tpu.memref_slice %arg7[%mul3A_292] : memref<10176xi32, #tpu.memory_space<vmem>> -> memref<48xi32, #tpu.memory_space<vmem>>
      %dma_start3A_294 = arith.constant 0 : i32
      %dma_start3A_295 = arith.constant 0 : i32
      %dma_start3A_296 = tpu.memref_slice %arg2[%dma_start3A_294, %dma_start3A_295] : memref<40000x128xf32, #tpu.memory_space<hbm>> -> memref<40000x128xf32, #tpu.memory_space<hbm>>
      tpu.enqueue_indirect_dma source(%dma_start3A_296 : memref<40000x128xf32, #tpu.memory_space<hbm>>) target(%arg12 : memref<48x128xf32, #tpu.memory_space<vmem>>) offsets(%dma_start3A_293 : memref<48xi32, #tpu.memory_space<vmem>>) semaphore(%arg17 : memref<!tpu.dma_semaphore, #tpu.memory_space<semaphore_mem>>)
      %dma_wait3A_297 = arith.constant 0 : i32
      %dma_wait3A_298 = tpu.memref_slice %arg7[%dma_wait3A_297] : memref<10176xi32, #tpu.memory_space<vmem>> -> memref<48xi32, #tpu.memory_space<vmem>>
      %dma_wait3A_299 = arith.constant 0 : i32
      %dma_wait3A_300 = arith.constant 0 : i32
      %dma_wait3A_301 = tpu.memref_slice %arg2[%dma_wait3A_299, %dma_wait3A_300] : memref<40000x128xf32, #tpu.memory_space<hbm>> -> memref<40000x128xf32, #tpu.memory_space<hbm>>
      tpu.wait_indirect_dma semaphore(%arg15 : memref<!tpu.dma_semaphore, #tpu.memory_space<semaphore_mem>>) src(%dma_wait3A_301 : memref<40000x128xf32, #tpu.memory_space<hbm>>) dst(%arg10 : memref<48x128xf32, #tpu.memory_space<vmem>>)
      %mul3A_302 = arith.constant 48 : i32
      %mul3A_303 = arith.muli %add3A_283, %mul3A_302 : i32
      %dma_start3A_304 = tpu.memref_slice %arg8[%mul3A_303] : memref<10176xi32, #tpu.memory_space<vmem>> -> memref<48xi32, #tpu.memory_space<vmem>>
      %dma_start3A_305 = arith.constant 0 : i32
      %dma_start3A_306 = arith.constant 0 : i32
      %dma_start3A_307 = tpu.memref_slice %arg13[%dma_start3A_305, %dma_start3A_306] : memref<10112x128xf32, #tpu.memory_space<vmem_shared>> -> memref<10112x128xf32, #tpu.memory_space<vmem_shared>>
      tpu.enqueue_indirect_dma source(%arg10 : memref<48x128xf32, #tpu.memory_space<vmem>>) target(%dma_start3A_307 : memref<10112x128xf32, #tpu.memory_space<vmem_shared>>) offsets(%dma_start3A_304 : memref<48xi32, #tpu.memory_space<vmem>>) semaphore(%arg19 : memref<!tpu.dma_semaphore, #tpu.memory_space<semaphore_mem>>) {add = true}
    }
    %scan3A_44 = arith.constant 52 : i32
    %dma_wait3A_45 = arith.constant 0 : i32
    %dma_wait3A_46 = tpu.memref_slice %arg7[%dma_wait3A_45] : memref<10176xi32, #tpu.memory_space<vmem>> -> memref<48xi32, #tpu.memory_space<vmem>>
    %dma_wait3A_47 = arith.constant 0 : i32
    %dma_wait3A_48 = arith.constant 0 : i32
    %dma_wait3A_49 = tpu.memref_slice %arg2[%dma_wait3A_47, %dma_wait3A_48] : memref<40000x128xf32, #tpu.memory_space<hbm>> -> memref<40000x128xf32, #tpu.memory_space<hbm>>
    tpu.wait_indirect_dma semaphore(%arg16 : memref<!tpu.dma_semaphore, #tpu.memory_space<semaphore_mem>>) src(%dma_wait3A_49 : memref<40000x128xf32, #tpu.memory_space<hbm>>) dst(%arg11 : memref<48x128xf32, #tpu.memory_space<vmem>>)
    %dma_start3A_50 = arith.constant 10080 : i32
    %dma_start3A_51 = tpu.memref_slice %arg8[%dma_start3A_50] : memref<10176xi32, #tpu.memory_space<vmem>> -> memref<48xi32, #tpu.memory_space<vmem>>
    %dma_start3A_52 = arith.constant 0 : i32
    %dma_start3A_53 = arith.constant 0 : i32
    %dma_start3A_54 = tpu.memref_slice %arg13[%dma_start3A_52, %dma_start3A_53] : memref<10112x128xf32, #tpu.memory_space<vmem_shared>> -> memref<10112x128xf32, #tpu.memory_space<vmem_shared>>
    tpu.enqueue_indirect_dma source(%arg11 : memref<48x128xf32, #tpu.memory_space<vmem>>) target(%dma_start3A_54 : memref<10112x128xf32, #tpu.memory_space<vmem_shared>>) offsets(%dma_start3A_51 : memref<48xi32, #tpu.memory_space<vmem>>) semaphore(%arg20 : memref<!tpu.dma_semaphore, #tpu.memory_space<semaphore_mem>>) {add = true}
    %dma_wait3A_55 = arith.constant 0 : i32
    %dma_wait3A_56 = tpu.memref_slice %arg7[%dma_wait3A_55] : memref<10176xi32, #tpu.memory_space<vmem>> -> memref<48xi32, #tpu.memory_space<vmem>>
    %dma_wait3A_57 = arith.constant 0 : i32
    %dma_wait3A_58 = arith.constant 0 : i32
    %dma_wait3A_59 = tpu.memref_slice %arg2[%dma_wait3A_57, %dma_wait3A_58] : memref<40000x128xf32, #tpu.memory_space<hbm>> -> memref<40000x128xf32, #tpu.memory_space<hbm>>
    tpu.wait_indirect_dma semaphore(%arg17 : memref<!tpu.dma_semaphore, #tpu.memory_space<semaphore_mem>>) src(%dma_wait3A_59 : memref<40000x128xf32, #tpu.memory_space<hbm>>) dst(%arg12 : memref<48x128xf32, #tpu.memory_space<vmem>>)
    %dma_start3A_60 = arith.constant 10128 : i32
    %dma_start3A_61 = tpu.memref_slice %arg8[%dma_start3A_60] : memref<10176xi32, #tpu.memory_space<vmem>> -> memref<48xi32, #tpu.memory_space<vmem>>
    %dma_start3A_62 = arith.constant 0 : i32
    %dma_start3A_63 = arith.constant 0 : i32
    %dma_start3A_64 = tpu.memref_slice %arg13[%dma_start3A_62, %dma_start3A_63] : memref<10112x128xf32, #tpu.memory_space<vmem_shared>> -> memref<10112x128xf32, #tpu.memory_space<vmem_shared>>
    tpu.enqueue_indirect_dma source(%arg12 : memref<48x128xf32, #tpu.memory_space<vmem>>) target(%dma_start3A_64 : memref<10112x128xf32, #tpu.memory_space<vmem_shared>>) offsets(%dma_start3A_61 : memref<48xi32, #tpu.memory_space<vmem>>) semaphore(%arg21 : memref<!tpu.dma_semaphore, #tpu.memory_space<semaphore_mem>>) {add = true}
    %dma_wait3A_65 = arith.constant 0 : i32
    %dma_wait3A_66 = tpu.memref_slice %arg8[%dma_wait3A_65] : memref<10176xi32, #tpu.memory_space<vmem>> -> memref<48xi32, #tpu.memory_space<vmem>>
    %dma_wait3A_67 = arith.constant 0 : i32
    %dma_wait3A_68 = arith.constant 0 : i32
    %dma_wait3A_69 = tpu.memref_slice %arg13[%dma_wait3A_67, %dma_wait3A_68] : memref<10112x128xf32, #tpu.memory_space<vmem_shared>> -> memref<10112x128xf32, #tpu.memory_space<vmem_shared>>
    tpu.wait_indirect_dma semaphore(%arg18 : memref<!tpu.dma_semaphore, #tpu.memory_space<semaphore_mem>>) src(%arg9 : memref<48x128xf32, #tpu.memory_space<vmem>>) dst(%dma_wait3A_69 : memref<10112x128xf32, #tpu.memory_space<vmem_shared>>)
    %dma_wait3A_70 = arith.constant 0 : i32
    %dma_wait3A_71 = tpu.memref_slice %arg8[%dma_wait3A_70] : memref<10176xi32, #tpu.memory_space<vmem>> -> memref<48xi32, #tpu.memory_space<vmem>>
    %dma_wait3A_72 = arith.constant 0 : i32
    %dma_wait3A_73 = arith.constant 0 : i32
    %dma_wait3A_74 = tpu.memref_slice %arg13[%dma_wait3A_72, %dma_wait3A_73] : memref<10112x128xf32, #tpu.memory_space<vmem_shared>> -> memref<10112x128xf32, #tpu.memory_space<vmem_shared>>
    tpu.wait_indirect_dma semaphore(%arg19 : memref<!tpu.dma_semaphore, #tpu.memory_space<semaphore_mem>>) src(%arg10 : memref<48x128xf32, #tpu.memory_space<vmem>>) dst(%dma_wait3A_74 : memref<10112x128xf32, #tpu.memory_space<vmem_shared>>)
    %dma_wait3A_75 = arith.constant 0 : i32
    %dma_wait3A_76 = tpu.memref_slice %arg8[%dma_wait3A_75] : memref<10176xi32, #tpu.memory_space<vmem>> -> memref<48xi32, #tpu.memory_space<vmem>>
    %dma_wait3A_77 = arith.constant 0 : i32
    %dma_wait3A_78 = arith.constant 0 : i32
    %dma_wait3A_79 = tpu.memref_slice %arg13[%dma_wait3A_77, %dma_wait3A_78] : memref<10112x128xf32, #tpu.memory_space<vmem_shared>> -> memref<10112x128xf32, #tpu.memory_space<vmem_shared>>
    tpu.wait_indirect_dma semaphore(%arg20 : memref<!tpu.dma_semaphore, #tpu.memory_space<semaphore_mem>>) src(%arg11 : memref<48x128xf32, #tpu.memory_space<vmem>>) dst(%dma_wait3A_79 : memref<10112x128xf32, #tpu.memory_space<vmem_shared>>)
    %dma_wait3A_80 = arith.constant 0 : i32
    %dma_wait3A_81 = tpu.memref_slice %arg8[%dma_wait3A_80] : memref<10176xi32, #tpu.memory_space<vmem>> -> memref<48xi32, #tpu.memory_space<vmem>>
    %dma_wait3A_82 = arith.constant 0 : i32
    %dma_wait3A_83 = arith.constant 0 : i32
    %dma_wait3A_84 = tpu.memref_slice %arg13[%dma_wait3A_82, %dma_wait3A_83] : memref<10112x128xf32, #tpu.memory_space<vmem_shared>> -> memref<10112x128xf32, #tpu.memory_space<vmem_shared>>
    tpu.wait_indirect_dma semaphore(%arg21 : memref<!tpu.dma_semaphore, #tpu.memory_space<semaphore_mem>>) src(%arg12 : memref<48x128xf32, #tpu.memory_space<vmem>>) dst(%dma_wait3A_84 : memref<10112x128xf32, #tpu.memory_space<vmem_shared>>)
    %barrier3A_85 = arith.constant 0 : index
    tpu.barrier barrier_id(%barrier3A_85)
    %mul3A_86 = arith.constant 632 : i32
    %mul3A_87 = arith.muli %arg1, %mul3A_86 : i32
    %mul3A_88 = arith.constant 632 : i32
    %mul3A_89 = arith.muli %arg1, %mul3A_88 : i32
    "tpu.region"() ({
      %run_scoped3A = tpu.sem_alloc : memref<!tpu.dma_semaphore, #tpu.memory_space<semaphore_mem>>
      %dma_start3A_187 = arith.constant 0 : i32
      %dma_start3A_188 = tpu.memref_slice %arg6[%add3A_0, %mul3A_89, %dma_start3A_187] : memref<4x10112x128xf32, #tpu.memory_space<hbm>> -> memref<1x632x128xf32, #tpu.memory_space<hbm>>
      %dma_start3A_189 = tpu.memref_squeeze %dma_start3A_188 : memref<1x632x128xf32, #tpu.memory_space<hbm>> -> memref<632x128xf32, #tpu.memory_space<hbm>>
      %dma_start3A_190 = arith.constant 0 : i32
      %dma_start3A_191 = tpu.memref_slice %arg13[%mul3A_87, %dma_start3A_190] : memref<10112x128xf32, #tpu.memory_space<vmem_shared>> -> memref<632x128xf32, #tpu.memory_space<vmem_shared>>
      tpu.enqueue_dma source(%dma_start3A_191 : memref<632x128xf32, #tpu.memory_space<vmem_shared>>) target(%dma_start3A_189 : memref<632x128xf32, #tpu.memory_space<hbm>>) target_semaphore(%run_scoped3A : memref<!tpu.dma_semaphore, #tpu.memory_space<semaphore_mem>>)
      %dma_wait3A_192 = arith.constant 0 : i32
      %dma_wait3A_193 = tpu.memref_slice %arg6[%add3A_0, %mul3A_89, %dma_wait3A_192] : memref<4x10112x128xf32, #tpu.memory_space<hbm>> -> memref<1x632x128xf32, #tpu.memory_space<hbm>>
      %dma_wait3A_194 = tpu.memref_squeeze %dma_wait3A_193 : memref<1x632x128xf32, #tpu.memory_space<hbm>> -> memref<632x128xf32, #tpu.memory_space<hbm>>
      %dma_wait3A_195 = arith.constant 0 : i32
      %dma_wait3A_196 = tpu.memref_slice %arg13[%mul3A_87, %dma_wait3A_195] : memref<10112x128xf32, #tpu.memory_space<vmem_shared>> -> memref<632x128xf32, #tpu.memory_space<vmem_shared>>
      tpu.wait_dma2 semaphore(%run_scoped3A : memref<!tpu.dma_semaphore, #tpu.memory_space<semaphore_mem>>) src(%dma_wait3A_196 : memref<632x128xf32, #tpu.memory_space<vmem_shared>>) dst(%dma_wait3A_194 : memref<632x128xf32, #tpu.memory_space<hbm>>)
      tpu.yield
    }) : () -> ()
    %barrier3A_90 = arith.constant 0 : index
    tpu.barrier barrier_id(%barrier3A_90)
    %add3A_91 = arith.constant 2 : i32
    %add3A_92 = arith.addi %arg0, %add3A_91 : i32
    "tpu.region"() ({
      %run_scoped3A = tpu.sem_alloc : memref<!tpu.dma_semaphore, #tpu.memory_space<semaphore_mem>>
      %dma_start3A_187 = arith.constant 0 : i32
      %dma_start3A_188 = tpu.memref_slice %arg3[%add3A_92, %arg1, %dma_start3A_187] : memref<4x16x10176xi32, #tpu.memory_space<hbm>> -> memref<1x1x10176xi32, #tpu.memory_space<hbm>>
      %dma_start3A_189 = tpu.memref_squeeze %dma_start3A_188 : memref<1x1x10176xi32, #tpu.memory_space<hbm>> -> memref<10176xi32, #tpu.memory_space<hbm>>
      %dma_start3A_190 = arith.constant 0 : i32
      %dma_start3A_191 = tpu.memref_slice %arg3[%add3A_92, %arg1, %dma_start3A_190] : memref<4x16x10176xi32, #tpu.memory_space<hbm>> -> memref<1x1x10176xi32, #tpu.memory_space<hbm>>
      %dma_start3A_192 = tpu.memref_squeeze %dma_start3A_191 : memref<1x1x10176xi32, #tpu.memory_space<hbm>> -> memref<10176xi32, #tpu.memory_space<hbm>>
      tpu.enqueue_dma source(%dma_start3A_192 : memref<10176xi32, #tpu.memory_space<hbm>>) target(%arg7 : memref<10176xi32, #tpu.memory_space<vmem>>) target_semaphore(%run_scoped3A : memref<!tpu.dma_semaphore, #tpu.memory_space<semaphore_mem>>)
      %dma_wait3A_193 = arith.constant 0 : i32
      %dma_wait3A_194 = tpu.memref_slice %arg3[%add3A_92, %arg1, %dma_wait3A_193] : memref<4x16x10176xi32, #tpu.memory_space<hbm>> -> memref<1x1x10176xi32, #tpu.memory_space<hbm>>
      %dma_wait3A_195 = tpu.memref_squeeze %dma_wait3A_194 : memref<1x1x10176xi32, #tpu.memory_space<hbm>> -> memref<10176xi32, #tpu.memory_space<hbm>>
      %dma_wait3A_196 = arith.constant 0 : i32
      %dma_wait3A_197 = tpu.memref_slice %arg3[%add3A_92, %arg1, %dma_wait3A_196] : memref<4x16x10176xi32, #tpu.memory_space<hbm>> -> memref<1x1x10176xi32, #tpu.memory_space<hbm>>
      %dma_wait3A_198 = tpu.memref_squeeze %dma_wait3A_197 : memref<1x1x10176xi32, #tpu.memory_space<hbm>> -> memref<10176xi32, #tpu.memory_space<hbm>>
      tpu.wait_dma2 semaphore(%run_scoped3A : memref<!tpu.dma_semaphore, #tpu.memory_space<semaphore_mem>>) src(%dma_wait3A_198 : memref<10176xi32, #tpu.memory_space<hbm>>) dst(%arg7 : memref<10176xi32, #tpu.memory_space<vmem>>)
      tpu.yield
    }) : () -> ()
    %mul3A_93 = arith.constant 632 : i32
    %mul3A_94 = arith.muli %arg1, %mul3A_93 : i32
    "tpu.region"() ({
      %run_scoped3A = tpu.sem_alloc : memref<!tpu.dma_semaphore, #tpu.memory_space<semaphore_mem>>
      %dma_start3A_187 = arith.constant 0 : i32
      %dma_start3A_188 = tpu.memref_slice %arg13[%mul3A_94, %dma_start3A_187] : memref<10112x128xf32, #tpu.memory_space<vmem_shared>> -> memref<632x128xf32, #tpu.memory_space<vmem_shared>>
      tpu.enqueue_dma source(%arg5 : memref<632x128xf32, #tpu.memory_space<hbm>>) target(%dma_start3A_188 : memref<632x128xf32, #tpu.memory_space<vmem_shared>>) target_semaphore(%run_scoped3A : memref<!tpu.dma_semaphore, #tpu.memory_space<semaphore_mem>>)
      %dma_wait3A_189 = arith.constant 0 : i32
      %dma_wait3A_190 = tpu.memref_slice %arg13[%mul3A_94, %dma_wait3A_189] : memref<10112x128xf32, #tpu.memory_space<vmem_shared>> -> memref<632x128xf32, #tpu.memory_space<vmem_shared>>
      tpu.wait_dma2 semaphore(%run_scoped3A : memref<!tpu.dma_semaphore, #tpu.memory_space<semaphore_mem>>) src(%arg5 : memref<632x128xf32, #tpu.memory_space<hbm>>) dst(%dma_wait3A_190 : memref<632x128xf32, #tpu.memory_space<vmem_shared>>)
      tpu.yield
    }) : () -> ()
    %barrier3A_95 = arith.constant 0 : index
    tpu.barrier barrier_id(%barrier3A_95)
    %dma_start3A_96 = arith.constant 0 : i32
    %dma_start3A_97 = tpu.memref_slice %arg7[%dma_start3A_96] : memref<10176xi32, #tpu.memory_space<vmem>> -> memref<48xi32, #tpu.memory_space<vmem>>
    %dma_start3A_98 = arith.constant 0 : i32
    %dma_start3A_99 = arith.constant 0 : i32
    %dma_start3A_100 = tpu.memref_slice %arg2[%dma_start3A_98, %dma_start3A_99] : memref<40000x128xf32, #tpu.memory_space<hbm>> -> memref<40000x128xf32, #tpu.memory_space<hbm>>
    tpu.enqueue_indirect_dma source(%dma_start3A_100 : memref<40000x128xf32, #tpu.memory_space<hbm>>) target(%arg9 : memref<48x128xf32, #tpu.memory_space<vmem>>) offsets(%dma_start3A_97 : memref<48xi32, #tpu.memory_space<vmem>>) semaphore(%arg14 : memref<!tpu.dma_semaphore, #tpu.memory_space<semaphore_mem>>)
    %dma_start3A_101 = arith.constant 48 : i32
    %dma_start3A_102 = tpu.memref_slice %arg7[%dma_start3A_101] : memref<10176xi32, #tpu.memory_space<vmem>> -> memref<48xi32, #tpu.memory_space<vmem>>
    %dma_start3A_103 = arith.constant 0 : i32
    %dma_start3A_104 = arith.constant 0 : i32
    %dma_start3A_105 = tpu.memref_slice %arg2[%dma_start3A_103, %dma_start3A_104] : memref<40000x128xf32, #tpu.memory_space<hbm>> -> memref<40000x128xf32, #tpu.memory_space<hbm>>
    tpu.enqueue_indirect_dma source(%dma_start3A_105 : memref<40000x128xf32, #tpu.memory_space<hbm>>) target(%arg10 : memref<48x128xf32, #tpu.memory_space<vmem>>) offsets(%dma_start3A_102 : memref<48xi32, #tpu.memory_space<vmem>>) semaphore(%arg15 : memref<!tpu.dma_semaphore, #tpu.memory_space<semaphore_mem>>)
    %dma_start3A_106 = arith.constant 96 : i32
    %dma_start3A_107 = tpu.memref_slice %arg7[%dma_start3A_106] : memref<10176xi32, #tpu.memory_space<vmem>> -> memref<48xi32, #tpu.memory_space<vmem>>
    %dma_start3A_108 = arith.constant 0 : i32
    %dma_start3A_109 = arith.constant 0 : i32
    %dma_start3A_110 = tpu.memref_slice %arg2[%dma_start3A_108, %dma_start3A_109] : memref<40000x128xf32, #tpu.memory_space<hbm>> -> memref<40000x128xf32, #tpu.memory_space<hbm>>
    tpu.enqueue_indirect_dma source(%dma_start3A_110 : memref<40000x128xf32, #tpu.memory_space<hbm>>) target(%arg11 : memref<48x128xf32, #tpu.memory_space<vmem>>) offsets(%dma_start3A_107 : memref<48xi32, #tpu.memory_space<vmem>>) semaphore(%arg16 : memref<!tpu.dma_semaphore, #tpu.memory_space<semaphore_mem>>)
    %dma_wait3A_111 = arith.constant 0 : i32
    %dma_wait3A_112 = tpu.memref_slice %arg7[%dma_wait3A_111] : memref<10176xi32, #tpu.memory_space<vmem>> -> memref<48xi32, #tpu.memory_space<vmem>>
    %dma_wait3A_113 = arith.constant 0 : i32
    %dma_wait3A_114 = arith.constant 0 : i32
    %dma_wait3A_115 = tpu.memref_slice %arg2[%dma_wait3A_113, %dma_wait3A_114] : memref<40000x128xf32, #tpu.memory_space<hbm>> -> memref<40000x128xf32, #tpu.memory_space<hbm>>
    tpu.wait_indirect_dma semaphore(%arg14 : memref<!tpu.dma_semaphore, #tpu.memory_space<semaphore_mem>>) src(%dma_wait3A_115 : memref<40000x128xf32, #tpu.memory_space<hbm>>) dst(%arg9 : memref<48x128xf32, #tpu.memory_space<vmem>>)
    %dma_start3A_116 = arith.constant 0 : i32
    %dma_start3A_117 = tpu.memref_slice %arg8[%dma_start3A_116] : memref<10176xi32, #tpu.memory_space<vmem>> -> memref<48xi32, #tpu.memory_space<vmem>>
    %dma_start3A_118 = arith.constant 0 : i32
    %dma_start3A_119 = arith.constant 0 : i32
    %dma_start3A_120 = tpu.memref_slice %arg13[%dma_start3A_118, %dma_start3A_119] : memref<10112x128xf32, #tpu.memory_space<vmem_shared>> -> memref<10112x128xf32, #tpu.memory_space<vmem_shared>>
    tpu.enqueue_indirect_dma source(%arg9 : memref<48x128xf32, #tpu.memory_space<vmem>>) target(%dma_start3A_120 : memref<10112x128xf32, #tpu.memory_space<vmem_shared>>) offsets(%dma_start3A_117 : memref<48xi32, #tpu.memory_space<vmem>>) semaphore(%arg18 : memref<!tpu.dma_semaphore, #tpu.memory_space<semaphore_mem>>) {add = true}
    %dma_start3A_121 = arith.constant 144 : i32
    %dma_start3A_122 = tpu.memref_slice %arg7[%dma_start3A_121] : memref<10176xi32, #tpu.memory_space<vmem>> -> memref<48xi32, #tpu.memory_space<vmem>>
    %dma_start3A_123 = arith.constant 0 : i32
    %dma_start3A_124 = arith.constant 0 : i32
    %dma_start3A_125 = tpu.memref_slice %arg2[%dma_start3A_123, %dma_start3A_124] : memref<40000x128xf32, #tpu.memory_space<hbm>> -> memref<40000x128xf32, #tpu.memory_space<hbm>>
    tpu.enqueue_indirect_dma source(%dma_start3A_125 : memref<40000x128xf32, #tpu.memory_space<hbm>>) target(%arg12 : memref<48x128xf32, #tpu.memory_space<vmem>>) offsets(%dma_start3A_122 : memref<48xi32, #tpu.memory_space<vmem>>) semaphore(%arg17 : memref<!tpu.dma_semaphore, #tpu.memory_space<semaphore_mem>>)
    %dma_wait3A_126 = arith.constant 0 : i32
    %dma_wait3A_127 = tpu.memref_slice %arg7[%dma_wait3A_126] : memref<10176xi32, #tpu.memory_space<vmem>> -> memref<48xi32, #tpu.memory_space<vmem>>
    %dma_wait3A_128 = arith.constant 0 : i32
    %dma_wait3A_129 = arith.constant 0 : i32
    %dma_wait3A_130 = tpu.memref_slice %arg2[%dma_wait3A_128, %dma_wait3A_129] : memref<40000x128xf32, #tpu.memory_space<hbm>> -> memref<40000x128xf32, #tpu.memory_space<hbm>>
    tpu.wait_indirect_dma semaphore(%arg15 : memref<!tpu.dma_semaphore, #tpu.memory_space<semaphore_mem>>) src(%dma_wait3A_130 : memref<40000x128xf32, #tpu.memory_space<hbm>>) dst(%arg10 : memref<48x128xf32, #tpu.memory_space<vmem>>)
    %dma_start3A_131 = arith.constant 48 : i32
    %dma_start3A_132 = tpu.memref_slice %arg8[%dma_start3A_131] : memref<10176xi32, #tpu.memory_space<vmem>> -> memref<48xi32, #tpu.memory_space<vmem>>
    %dma_start3A_133 = arith.constant 0 : i32
    %dma_start3A_134 = arith.constant 0 : i32
    %dma_start3A_135 = tpu.memref_slice %arg13[%dma_start3A_133, %dma_start3A_134] : memref<10112x128xf32, #tpu.memory_space<vmem_shared>> -> memref<10112x128xf32, #tpu.memory_space<vmem_shared>>
    tpu.enqueue_indirect_dma source(%arg10 : memref<48x128xf32, #tpu.memory_space<vmem>>) target(%dma_start3A_135 : memref<10112x128xf32, #tpu.memory_space<vmem_shared>>) offsets(%dma_start3A_132 : memref<48xi32, #tpu.memory_space<vmem>>) semaphore(%arg19 : memref<!tpu.dma_semaphore, #tpu.memory_space<semaphore_mem>>) {add = true}
    %scan3A_136 = arith.constant 0 : i32
    %scan3A_137 = arith.constant 0 : i32
    %scan3A_138 = arith.constant 52 : i32
    %scan3A_139 = arith.addi %scan3A_137, %scan3A_138 : i32
    %scan3A_140 = arith.constant 1 : i32
    scf.for %scan3A_187 = %scan3A_137 to %scan3A_139 step %scan3A_140  : i32 {
      %mul3A_188 = arith.constant 4 : i32
      %mul3A_189 = arith.muli %mul3A_188, %scan3A_187 : i32
      %add3A_190 = arith.constant 2 : i32
      %add3A_191 = arith.addi %add3A_190, %mul3A_189 : i32
      %add3A_192 = arith.constant 0 : i32
      %add3A_193 = arith.addi %add3A_191, %add3A_192 : i32
      %dma_wait3A_194 = arith.constant 0 : i32
      %dma_wait3A_195 = tpu.memref_slice %arg8[%dma_wait3A_194] : memref<10176xi32, #tpu.memory_space<vmem>> -> memref<48xi32, #tpu.memory_space<vmem>>
      %dma_wait3A_196 = arith.constant 0 : i32
      %dma_wait3A_197 = arith.constant 0 : i32
      %dma_wait3A_198 = tpu.memref_slice %arg13[%dma_wait3A_196, %dma_wait3A_197] : memref<10112x128xf32, #tpu.memory_space<vmem_shared>> -> memref<10112x128xf32, #tpu.memory_space<vmem_shared>>
      tpu.wait_indirect_dma semaphore(%arg18 : memref<!tpu.dma_semaphore, #tpu.memory_space<semaphore_mem>>) src(%arg9 : memref<48x128xf32, #tpu.memory_space<vmem>>) dst(%dma_wait3A_198 : memref<10112x128xf32, #tpu.memory_space<vmem_shared>>)
      %add3A_199 = arith.constant 2 : i32
      %add3A_200 = arith.addi %add3A_193, %add3A_199 : i32
      %mul3A_201 = arith.constant 48 : i32
      %mul3A_202 = arith.muli %add3A_200, %mul3A_201 : i32
      %dma_start3A_203 = tpu.memref_slice %arg7[%mul3A_202] : memref<10176xi32, #tpu.memory_space<vmem>> -> memref<48xi32, #tpu.memory_space<vmem>>
      %dma_start3A_204 = arith.constant 0 : i32
      %dma_start3A_205 = arith.constant 0 : i32
      %dma_start3A_206 = tpu.memref_slice %arg2[%dma_start3A_204, %dma_start3A_205] : memref<40000x128xf32, #tpu.memory_space<hbm>> -> memref<40000x128xf32, #tpu.memory_space<hbm>>
      tpu.enqueue_indirect_dma source(%dma_start3A_206 : memref<40000x128xf32, #tpu.memory_space<hbm>>) target(%arg9 : memref<48x128xf32, #tpu.memory_space<vmem>>) offsets(%dma_start3A_203 : memref<48xi32, #tpu.memory_space<vmem>>) semaphore(%arg14 : memref<!tpu.dma_semaphore, #tpu.memory_space<semaphore_mem>>)
      %dma_wait3A_207 = arith.constant 0 : i32
      %dma_wait3A_208 = tpu.memref_slice %arg7[%dma_wait3A_207] : memref<10176xi32, #tpu.memory_space<vmem>> -> memref<48xi32, #tpu.memory_space<vmem>>
      %dma_wait3A_209 = arith.constant 0 : i32
      %dma_wait3A_210 = arith.constant 0 : i32
      %dma_wait3A_211 = tpu.memref_slice %arg2[%dma_wait3A_209, %dma_wait3A_210] : memref<40000x128xf32, #tpu.memory_space<hbm>> -> memref<40000x128xf32, #tpu.memory_space<hbm>>
      tpu.wait_indirect_dma semaphore(%arg16 : memref<!tpu.dma_semaphore, #tpu.memory_space<semaphore_mem>>) src(%dma_wait3A_211 : memref<40000x128xf32, #tpu.memory_space<hbm>>) dst(%arg11 : memref<48x128xf32, #tpu.memory_space<vmem>>)
      %mul3A_212 = arith.constant 48 : i32
      %mul3A_213 = arith.muli %add3A_193, %mul3A_212 : i32
      %dma_start3A_214 = tpu.memref_slice %arg8[%mul3A_213] : memref<10176xi32, #tpu.memory_space<vmem>> -> memref<48xi32, #tpu.memory_space<vmem>>
      %dma_start3A_215 = arith.constant 0 : i32
      %dma_start3A_216 = arith.constant 0 : i32
      %dma_start3A_217 = tpu.memref_slice %arg13[%dma_start3A_215, %dma_start3A_216] : memref<10112x128xf32, #tpu.memory_space<vmem_shared>> -> memref<10112x128xf32, #tpu.memory_space<vmem_shared>>
      tpu.enqueue_indirect_dma source(%arg11 : memref<48x128xf32, #tpu.memory_space<vmem>>) target(%dma_start3A_217 : memref<10112x128xf32, #tpu.memory_space<vmem_shared>>) offsets(%dma_start3A_214 : memref<48xi32, #tpu.memory_space<vmem>>) semaphore(%arg20 : memref<!tpu.dma_semaphore, #tpu.memory_space<semaphore_mem>>) {add = true}
      %mul3A_218 = arith.constant 4 : i32
      %mul3A_219 = arith.muli %mul3A_218, %scan3A_187 : i32
      %add3A_220 = arith.constant 2 : i32
      %add3A_221 = arith.addi %add3A_220, %mul3A_219 : i32
      %add3A_222 = arith.constant 1 : i32
      %add3A_223 = arith.addi %add3A_221, %add3A_222 : i32
      %dma_wait3A_224 = arith.constant 0 : i32
      %dma_wait3A_225 = tpu.memref_slice %arg8[%dma_wait3A_224] : memref<10176xi32, #tpu.memory_space<vmem>> -> memref<48xi32, #tpu.memory_space<vmem>>
      %dma_wait3A_226 = arith.constant 0 : i32
      %dma_wait3A_227 = arith.constant 0 : i32
      %dma_wait3A_228 = tpu.memref_slice %arg13[%dma_wait3A_226, %dma_wait3A_227] : memref<10112x128xf32, #tpu.memory_space<vmem_shared>> -> memref<10112x128xf32, #tpu.memory_space<vmem_shared>>
      tpu.wait_indirect_dma semaphore(%arg19 : memref<!tpu.dma_semaphore, #tpu.memory_space<semaphore_mem>>) src(%arg10 : memref<48x128xf32, #tpu.memory_space<vmem>>) dst(%dma_wait3A_228 : memref<10112x128xf32, #tpu.memory_space<vmem_shared>>)
      %add3A_229 = arith.constant 2 : i32
      %add3A_230 = arith.addi %add3A_223, %add3A_229 : i32
      %mul3A_231 = arith.constant 48 : i32
      %mul3A_232 = arith.muli %add3A_230, %mul3A_231 : i32
      %dma_start3A_233 = tpu.memref_slice %arg7[%mul3A_232] : memref<10176xi32, #tpu.memory_space<vmem>> -> memref<48xi32, #tpu.memory_space<vmem>>
      %dma_start3A_234 = arith.constant 0 : i32
      %dma_start3A_235 = arith.constant 0 : i32
      %dma_start3A_236 = tpu.memref_slice %arg2[%dma_start3A_234, %dma_start3A_235] : memref<40000x128xf32, #tpu.memory_space<hbm>> -> memref<40000x128xf32, #tpu.memory_space<hbm>>
      tpu.enqueue_indirect_dma source(%dma_start3A_236 : memref<40000x128xf32, #tpu.memory_space<hbm>>) target(%arg10 : memref<48x128xf32, #tpu.memory_space<vmem>>) offsets(%dma_start3A_233 : memref<48xi32, #tpu.memory_space<vmem>>) semaphore(%arg15 : memref<!tpu.dma_semaphore, #tpu.memory_space<semaphore_mem>>)
      %dma_wait3A_237 = arith.constant 0 : i32
      %dma_wait3A_238 = tpu.memref_slice %arg7[%dma_wait3A_237] : memref<10176xi32, #tpu.memory_space<vmem>> -> memref<48xi32, #tpu.memory_space<vmem>>
      %dma_wait3A_239 = arith.constant 0 : i32
      %dma_wait3A_240 = arith.constant 0 : i32
      %dma_wait3A_241 = tpu.memref_slice %arg2[%dma_wait3A_239, %dma_wait3A_240] : memref<40000x128xf32, #tpu.memory_space<hbm>> -> memref<40000x128xf32, #tpu.memory_space<hbm>>
      tpu.wait_indirect_dma semaphore(%arg17 : memref<!tpu.dma_semaphore, #tpu.memory_space<semaphore_mem>>) src(%dma_wait3A_241 : memref<40000x128xf32, #tpu.memory_space<hbm>>) dst(%arg12 : memref<48x128xf32, #tpu.memory_space<vmem>>)
      %mul3A_242 = arith.constant 48 : i32
      %mul3A_243 = arith.muli %add3A_223, %mul3A_242 : i32
      %dma_start3A_244 = tpu.memref_slice %arg8[%mul3A_243] : memref<10176xi32, #tpu.memory_space<vmem>> -> memref<48xi32, #tpu.memory_space<vmem>>
      %dma_start3A_245 = arith.constant 0 : i32
      %dma_start3A_246 = arith.constant 0 : i32
      %dma_start3A_247 = tpu.memref_slice %arg13[%dma_start3A_245, %dma_start3A_246] : memref<10112x128xf32, #tpu.memory_space<vmem_shared>> -> memref<10112x128xf32, #tpu.memory_space<vmem_shared>>
      tpu.enqueue_indirect_dma source(%arg12 : memref<48x128xf32, #tpu.memory_space<vmem>>) target(%dma_start3A_247 : memref<10112x128xf32, #tpu.memory_space<vmem_shared>>) offsets(%dma_start3A_244 : memref<48xi32, #tpu.memory_space<vmem>>) semaphore(%arg21 : memref<!tpu.dma_semaphore, #tpu.memory_space<semaphore_mem>>) {add = true}
      %mul3A_248 = arith.constant 4 : i32
      %mul3A_249 = arith.muli %mul3A_248, %scan3A_187 : i32
      %add3A_250 = arith.constant 2 : i32
      %add3A_251 = arith.addi %add3A_250, %mul3A_249 : i32
      %add3A_252 = arith.constant 2 : i32
      %add3A_253 = arith.addi %add3A_251, %add3A_252 : i32
      %dma_wait3A_254 = arith.constant 0 : i32
      %dma_wait3A_255 = tpu.memref_slice %arg8[%dma_wait3A_254] : memref<10176xi32, #tpu.memory_space<vmem>> -> memref<48xi32, #tpu.memory_space<vmem>>
      %dma_wait3A_256 = arith.constant 0 : i32
      %dma_wait3A_257 = arith.constant 0 : i32
      %dma_wait3A_258 = tpu.memref_slice %arg13[%dma_wait3A_256, %dma_wait3A_257] : memref<10112x128xf32, #tpu.memory_space<vmem_shared>> -> memref<10112x128xf32, #tpu.memory_space<vmem_shared>>
      tpu.wait_indirect_dma semaphore(%arg20 : memref<!tpu.dma_semaphore, #tpu.memory_space<semaphore_mem>>) src(%arg11 : memref<48x128xf32, #tpu.memory_space<vmem>>) dst(%dma_wait3A_258 : memref<10112x128xf32, #tpu.memory_space<vmem_shared>>)
      %add3A_259 = arith.constant 2 : i32
      %add3A_260 = arith.addi %add3A_253, %add3A_259 : i32
      %mul3A_261 = arith.constant 48 : i32
      %mul3A_262 = arith.muli %add3A_260, %mul3A_261 : i32
      %dma_start3A_263 = tpu.memref_slice %arg7[%mul3A_262] : memref<10176xi32, #tpu.memory_space<vmem>> -> memref<48xi32, #tpu.memory_space<vmem>>
      %dma_start3A_264 = arith.constant 0 : i32
      %dma_start3A_265 = arith.constant 0 : i32
      %dma_start3A_266 = tpu.memref_slice %arg2[%dma_start3A_264, %dma_start3A_265] : memref<40000x128xf32, #tpu.memory_space<hbm>> -> memref<40000x128xf32, #tpu.memory_space<hbm>>
      tpu.enqueue_indirect_dma source(%dma_start3A_266 : memref<40000x128xf32, #tpu.memory_space<hbm>>) target(%arg11 : memref<48x128xf32, #tpu.memory_space<vmem>>) offsets(%dma_start3A_263 : memref<48xi32, #tpu.memory_space<vmem>>) semaphore(%arg16 : memref<!tpu.dma_semaphore, #tpu.memory_space<semaphore_mem>>)
      %dma_wait3A_267 = arith.constant 0 : i32
      %dma_wait3A_268 = tpu.memref_slice %arg7[%dma_wait3A_267] : memref<10176xi32, #tpu.memory_space<vmem>> -> memref<48xi32, #tpu.memory_space<vmem>>
      %dma_wait3A_269 = arith.constant 0 : i32
      %dma_wait3A_270 = arith.constant 0 : i32
      %dma_wait3A_271 = tpu.memref_slice %arg2[%dma_wait3A_269, %dma_wait3A_270] : memref<40000x128xf32, #tpu.memory_space<hbm>> -> memref<40000x128xf32, #tpu.memory_space<hbm>>
      tpu.wait_indirect_dma semaphore(%arg14 : memref<!tpu.dma_semaphore, #tpu.memory_space<semaphore_mem>>) src(%dma_wait3A_271 : memref<40000x128xf32, #tpu.memory_space<hbm>>) dst(%arg9 : memref<48x128xf32, #tpu.memory_space<vmem>>)
      %mul3A_272 = arith.constant 48 : i32
      %mul3A_273 = arith.muli %add3A_253, %mul3A_272 : i32
      %dma_start3A_274 = tpu.memref_slice %arg8[%mul3A_273] : memref<10176xi32, #tpu.memory_space<vmem>> -> memref<48xi32, #tpu.memory_space<vmem>>
      %dma_start3A_275 = arith.constant 0 : i32
      %dma_start3A_276 = arith.constant 0 : i32
      %dma_start3A_277 = tpu.memref_slice %arg13[%dma_start3A_275, %dma_start3A_276] : memref<10112x128xf32, #tpu.memory_space<vmem_shared>> -> memref<10112x128xf32, #tpu.memory_space<vmem_shared>>
      tpu.enqueue_indirect_dma source(%arg9 : memref<48x128xf32, #tpu.memory_space<vmem>>) target(%dma_start3A_277 : memref<10112x128xf32, #tpu.memory_space<vmem_shared>>) offsets(%dma_start3A_274 : memref<48xi32, #tpu.memory_space<vmem>>) semaphore(%arg18 : memref<!tpu.dma_semaphore, #tpu.memory_space<semaphore_mem>>) {add = true}
      %mul3A_278 = arith.constant 4 : i32
      %mul3A_279 = arith.muli %mul3A_278, %scan3A_187 : i32
      %add3A_280 = arith.constant 2 : i32
      %add3A_281 = arith.addi %add3A_280, %mul3A_279 : i32
      %add3A_282 = arith.constant 3 : i32
      %add3A_283 = arith.addi %add3A_281, %add3A_282 : i32
      %dma_wait3A_284 = arith.constant 0 : i32
      %dma_wait3A_285 = tpu.memref_slice %arg8[%dma_wait3A_284] : memref<10176xi32, #tpu.memory_space<vmem>> -> memref<48xi32, #tpu.memory_space<vmem>>
      %dma_wait3A_286 = arith.constant 0 : i32
      %dma_wait3A_287 = arith.constant 0 : i32
      %dma_wait3A_288 = tpu.memref_slice %arg13[%dma_wait3A_286, %dma_wait3A_287] : memref<10112x128xf32, #tpu.memory_space<vmem_shared>> -> memref<10112x128xf32, #tpu.memory_space<vmem_shared>>
      tpu.wait_indirect_dma semaphore(%arg21 : memref<!tpu.dma_semaphore, #tpu.memory_space<semaphore_mem>>) src(%arg12 : memref<48x128xf32, #tpu.memory_space<vmem>>) dst(%dma_wait3A_288 : memref<10112x128xf32, #tpu.memory_space<vmem_shared>>)
      %add3A_289 = arith.constant 2 : i32
      %add3A_290 = arith.addi %add3A_283, %add3A_289 : i32
      %mul3A_291 = arith.constant 48 : i32
      %mul3A_292 = arith.muli %add3A_290, %mul3A_291 : i32
      %dma_start3A_293 = tpu.memref_slice %arg7[%mul3A_292] : memref<10176xi32, #tpu.memory_space<vmem>> -> memref<48xi32, #tpu.memory_space<vmem>>
      %dma_start3A_294 = arith.constant 0 : i32
      %dma_start3A_295 = arith.constant 0 : i32
      %dma_start3A_296 = tpu.memref_slice %arg2[%dma_start3A_294, %dma_start3A_295] : memref<40000x128xf32, #tpu.memory_space<hbm>> -> memref<40000x128xf32, #tpu.memory_space<hbm>>
      tpu.enqueue_indirect_dma source(%dma_start3A_296 : memref<40000x128xf32, #tpu.memory_space<hbm>>) target(%arg12 : memref<48x128xf32, #tpu.memory_space<vmem>>) offsets(%dma_start3A_293 : memref<48xi32, #tpu.memory_space<vmem>>) semaphore(%arg17 : memref<!tpu.dma_semaphore, #tpu.memory_space<semaphore_mem>>)
      %dma_wait3A_297 = arith.constant 0 : i32
      %dma_wait3A_298 = tpu.memref_slice %arg7[%dma_wait3A_297] : memref<10176xi32, #tpu.memory_space<vmem>> -> memref<48xi32, #tpu.memory_space<vmem>>
      %dma_wait3A_299 = arith.constant 0 : i32
      %dma_wait3A_300 = arith.constant 0 : i32
      %dma_wait3A_301 = tpu.memref_slice %arg2[%dma_wait3A_299, %dma_wait3A_300] : memref<40000x128xf32, #tpu.memory_space<hbm>> -> memref<40000x128xf32, #tpu.memory_space<hbm>>
      tpu.wait_indirect_dma semaphore(%arg15 : memref<!tpu.dma_semaphore, #tpu.memory_space<semaphore_mem>>) src(%dma_wait3A_301 : memref<40000x128xf32, #tpu.memory_space<hbm>>) dst(%arg10 : memref<48x128xf32, #tpu.memory_space<vmem>>)
      %mul3A_302 = arith.constant 48 : i32
      %mul3A_303 = arith.muli %add3A_283, %mul3A_302 : i32
      %dma_start3A_304 = tpu.memref_slice %arg8[%mul3A_303] : memref<10176xi32, #tpu.memory_space<vmem>> -> memref<48xi32, #tpu.memory_space<vmem>>
      %dma_start3A_305 = arith.constant 0 : i32
      %dma_start3A_306 = arith.constant 0 : i32
      %dma_start3A_307 = tpu.memref_slice %arg13[%dma_start3A_305, %dma_start3A_306] : memref<10112x128xf32, #tpu.memory_space<vmem_shared>> -> memref<10112x128xf32, #tpu.memory_space<vmem_shared>>
      tpu.enqueue_indirect_dma source(%arg10 : memref<48x128xf32, #tpu.memory_space<vmem>>) target(%dma_start3A_307 : memref<10112x128xf32, #tpu.memory_space<vmem_shared>>) offsets(%dma_start3A_304 : memref<48xi32, #tpu.memory_space<vmem>>) semaphore(%arg19 : memref<!tpu.dma_semaphore, #tpu.memory_space<semaphore_mem>>) {add = true}
    }
    %scan3A_141 = arith.constant 52 : i32
    %dma_wait3A_142 = arith.constant 0 : i32
    %dma_wait3A_143 = tpu.memref_slice %arg7[%dma_wait3A_142] : memref<10176xi32, #tpu.memory_space<vmem>> -> memref<48xi32, #tpu.memory_space<vmem>>
    %dma_wait3A_144 = arith.constant 0 : i32
    %dma_wait3A_145 = arith.constant 0 : i32
    %dma_wait3A_146 = tpu.memref_slice %arg2[%dma_wait3A_144, %dma_wait3A_145] : memref<40000x128xf32, #tpu.memory_space<hbm>> -> memref<40000x128xf32, #tpu.memory_space<hbm>>
    tpu.wait_indirect_dma semaphore(%arg16 : memref<!tpu.dma_semaphore, #tpu.memory_space<semaphore_mem>>) src(%dma_wait3A_146 : memref<40000x128xf32, #tpu.memory_space<hbm>>) dst(%arg11 : memref<48x128xf32, #tpu.memory_space<vmem>>)
    %dma_start3A_147 = arith.constant 10080 : i32
    %dma_start3A_148 = tpu.memref_slice %arg8[%dma_start3A_147] : memref<10176xi32, #tpu.memory_space<vmem>> -> memref<48xi32, #tpu.memory_space<vmem>>
    %dma_start3A_149 = arith.constant 0 : i32
    %dma_start3A_150 = arith.constant 0 : i32
    %dma_start3A_151 = tpu.memref_slice %arg13[%dma_start3A_149, %dma_start3A_150] : memref<10112x128xf32, #tpu.memory_space<vmem_shared>> -> memref<10112x128xf32, #tpu.memory_space<vmem_shared>>
    tpu.enqueue_indirect_dma source(%arg11 : memref<48x128xf32, #tpu.memory_space<vmem>>) target(%dma_start3A_151 : memref<10112x128xf32, #tpu.memory_space<vmem_shared>>) offsets(%dma_start3A_148 : memref<48xi32, #tpu.memory_space<vmem>>) semaphore(%arg20 : memref<!tpu.dma_semaphore, #tpu.memory_space<semaphore_mem>>) {add = true}
    %dma_wait3A_152 = arith.constant 0 : i32
    %dma_wait3A_153 = tpu.memref_slice %arg7[%dma_wait3A_152] : memref<10176xi32, #tpu.memory_space<vmem>> -> memref<48xi32, #tpu.memory_space<vmem>>
    %dma_wait3A_154 = arith.constant 0 : i32
    %dma_wait3A_155 = arith.constant 0 : i32
    %dma_wait3A_156 = tpu.memref_slice %arg2[%dma_wait3A_154, %dma_wait3A_155] : memref<40000x128xf32, #tpu.memory_space<hbm>> -> memref<40000x128xf32, #tpu.memory_space<hbm>>
    tpu.wait_indirect_dma semaphore(%arg17 : memref<!tpu.dma_semaphore, #tpu.memory_space<semaphore_mem>>) src(%dma_wait3A_156 : memref<40000x128xf32, #tpu.memory_space<hbm>>) dst(%arg12 : memref<48x128xf32, #tpu.memory_space<vmem>>)
    %dma_start3A_157 = arith.constant 10128 : i32
    %dma_start3A_158 = tpu.memref_slice %arg8[%dma_start3A_157] : memref<10176xi32, #tpu.memory_space<vmem>> -> memref<48xi32, #tpu.memory_space<vmem>>
    %dma_start3A_159 = arith.constant 0 : i32
    %dma_start3A_160 = arith.constant 0 : i32
    %dma_start3A_161 = tpu.memref_slice %arg13[%dma_start3A_159, %dma_start3A_160] : memref<10112x128xf32, #tpu.memory_space<vmem_shared>> -> memref<10112x128xf32, #tpu.memory_space<vmem_shared>>
    tpu.enqueue_indirect_dma source(%arg12 : memref<48x128xf32, #tpu.memory_space<vmem>>) target(%dma_start3A_161 : memref<10112x128xf32, #tpu.memory_space<vmem_shared>>) offsets(%dma_start3A_158 : memref<48xi32, #tpu.memory_space<vmem>>) semaphore(%arg21 : memref<!tpu.dma_semaphore, #tpu.memory_space<semaphore_mem>>) {add = true}
    %dma_wait3A_162 = arith.constant 0 : i32
    %dma_wait3A_163 = tpu.memref_slice %arg8[%dma_wait3A_162] : memref<10176xi32, #tpu.memory_space<vmem>> -> memref<48xi32, #tpu.memory_space<vmem>>
    %dma_wait3A_164 = arith.constant 0 : i32
    %dma_wait3A_165 = arith.constant 0 : i32
    %dma_wait3A_166 = tpu.memref_slice %arg13[%dma_wait3A_164, %dma_wait3A_165] : memref<10112x128xf32, #tpu.memory_space<vmem_shared>> -> memref<10112x128xf32, #tpu.memory_space<vmem_shared>>
    tpu.wait_indirect_dma semaphore(%arg18 : memref<!tpu.dma_semaphore, #tpu.memory_space<semaphore_mem>>) src(%arg9 : memref<48x128xf32, #tpu.memory_space<vmem>>) dst(%dma_wait3A_166 : memref<10112x128xf32, #tpu.memory_space<vmem_shared>>)
    %dma_wait3A_167 = arith.constant 0 : i32
    %dma_wait3A_168 = tpu.memref_slice %arg8[%dma_wait3A_167] : memref<10176xi32, #tpu.memory_space<vmem>> -> memref<48xi32, #tpu.memory_space<vmem>>
    %dma_wait3A_169 = arith.constant 0 : i32
    %dma_wait3A_170 = arith.constant 0 : i32
    %dma_wait3A_171 = tpu.memref_slice %arg13[%dma_wait3A_169, %dma_wait3A_170] : memref<10112x128xf32, #tpu.memory_space<vmem_shared>> -> memref<10112x128xf32, #tpu.memory_space<vmem_shared>>
    tpu.wait_indirect_dma semaphore(%arg19 : memref<!tpu.dma_semaphore, #tpu.memory_space<semaphore_mem>>) src(%arg10 : memref<48x128xf32, #tpu.memory_space<vmem>>) dst(%dma_wait3A_171 : memref<10112x128xf32, #tpu.memory_space<vmem_shared>>)
    %dma_wait3A_172 = arith.constant 0 : i32
    %dma_wait3A_173 = tpu.memref_slice %arg8[%dma_wait3A_172] : memref<10176xi32, #tpu.memory_space<vmem>> -> memref<48xi32, #tpu.memory_space<vmem>>
    %dma_wait3A_174 = arith.constant 0 : i32
    %dma_wait3A_175 = arith.constant 0 : i32
    %dma_wait3A_176 = tpu.memref_slice %arg13[%dma_wait3A_174, %dma_wait3A_175] : memref<10112x128xf32, #tpu.memory_space<vmem_shared>> -> memref<10112x128xf32, #tpu.memory_space<vmem_shared>>
    tpu.wait_indirect_dma semaphore(%arg20 : memref<!tpu.dma_semaphore, #tpu.memory_space<semaphore_mem>>) src(%arg11 : memref<48x128xf32, #tpu.memory_space<vmem>>) dst(%dma_wait3A_176 : memref<10112x128xf32, #tpu.memory_space<vmem_shared>>)
    %dma_wait3A_177 = arith.constant 0 : i32
    %dma_wait3A_178 = tpu.memref_slice %arg8[%dma_wait3A_177] : memref<10176xi32, #tpu.memory_space<vmem>> -> memref<48xi32, #tpu.memory_space<vmem>>
    %dma_wait3A_179 = arith.constant 0 : i32
    %dma_wait3A_180 = arith.constant 0 : i32
    %dma_wait3A_181 = tpu.memref_slice %arg13[%dma_wait3A_179, %dma_wait3A_180] : memref<10112x128xf32, #tpu.memory_space<vmem_shared>> -> memref<10112x128xf32, #tpu.memory_space<vmem_shared>>
    tpu.wait_indirect_dma semaphore(%arg21 : memref<!tpu.dma_semaphore, #tpu.memory_space<semaphore_mem>>) src(%arg12 : memref<48x128xf32, #tpu.memory_space<vmem>>) dst(%dma_wait3A_181 : memref<10112x128xf32, #tpu.memory_space<vmem_shared>>)
    %barrier3A_182 = arith.constant 0 : index
    tpu.barrier barrier_id(%barrier3A_182)
    %mul3A_183 = arith.constant 632 : i32
    %mul3A_184 = arith.muli %arg1, %mul3A_183 : i32
    %mul3A_185 = arith.constant 632 : i32
    %mul3A_186 = arith.muli %arg1, %mul3A_185 : i32
    "tpu.region"() ({
      %run_scoped3A = tpu.sem_alloc : memref<!tpu.dma_semaphore, #tpu.memory_space<semaphore_mem>>
      %dma_start3A_187 = arith.constant 0 : i32
      %dma_start3A_188 = tpu.memref_slice %arg6[%add3A_92, %mul3A_186, %dma_start3A_187] : memref<4x10112x128xf32, #tpu.memory_space<hbm>> -> memref<1x632x128xf32, #tpu.memory_space<hbm>>
      %dma_start3A_189 = tpu.memref_squeeze %dma_start3A_188 : memref<1x632x128xf32, #tpu.memory_space<hbm>> -> memref<632x128xf32, #tpu.memory_space<hbm>>
      %dma_start3A_190 = arith.constant 0 : i32
      %dma_start3A_191 = tpu.memref_slice %arg13[%mul3A_184, %dma_start3A_190] : memref<10112x128xf32, #tpu.memory_space<vmem_shared>> -> memref<632x128xf32, #tpu.memory_space<vmem_shared>>
      tpu.enqueue_dma source(%dma_start3A_191 : memref<632x128xf32, #tpu.memory_space<vmem_shared>>) target(%dma_start3A_189 : memref<632x128xf32, #tpu.memory_space<hbm>>) target_semaphore(%run_scoped3A : memref<!tpu.dma_semaphore, #tpu.memory_space<semaphore_mem>>)
      %dma_wait3A_192 = arith.constant 0 : i32
      %dma_wait3A_193 = tpu.memref_slice %arg6[%add3A_92, %mul3A_186, %dma_wait3A_192] : memref<4x10112x128xf32, #tpu.memory_space<hbm>> -> memref<1x632x128xf32, #tpu.memory_space<hbm>>
      %dma_wait3A_194 = tpu.memref_squeeze %dma_wait3A_193 : memref<1x632x128xf32, #tpu.memory_space<hbm>> -> memref<632x128xf32, #tpu.memory_space<hbm>>
      %dma_wait3A_195 = arith.constant 0 : i32
      %dma_wait3A_196 = tpu.memref_slice %arg13[%mul3A_184, %dma_wait3A_195] : memref<10112x128xf32, #tpu.memory_space<vmem_shared>> -> memref<632x128xf32, #tpu.memory_space<vmem_shared>>
      tpu.wait_dma2 semaphore(%run_scoped3A : memref<!tpu.dma_semaphore, #tpu.memory_space<semaphore_mem>>) src(%dma_wait3A_196 : memref<632x128xf32, #tpu.memory_space<vmem_shared>>) dst(%dma_wait3A_194 : memref<632x128xf32, #tpu.memory_space<hbm>>)
      tpu.yield
    }) : () -> ()
    return
  }
}

module attributes {stable_mosaic.version = 14 : i64} {
  func.func @_p12_body(%arg0: i32, %arg1: memref<4x1000x128xf32, #tpu.memory_space<vmem>>, %arg2: memref<4x1000x128xf32, #tpu.memory_space<vmem>>, %arg3: memref<1000x1xf32, #tpu.memory_space<vmem>>, %arg4: memref<1x512xf32, #tpu.memory_space<vmem>>, %arg5: memref<512x512xf32, #tpu.memory_space<vmem>>, %arg6: memref<4x1000x128xf32, #tpu.memory_space<vmem>>) attributes {dimension_semantics = [#tpu.dimension_semantics<arbitrary>], iteration_bounds = array<i64: 10>, scalar_prefetch = 0 : i64, scratch_operands = 0 : i64, tpu.core_type = #tpu.core_type<tc>, window_params = [{transform_indices = @transform_0, window_bounds = array<i64: 4, 1000, 128>}, {transform_indices = @transform_1, window_bounds = array<i64: 4, 1000, 128>}, {transform_indices = @transform_2, window_bounds = array<i64: 1000, 1>}, {pipeline_mode = #tpu.pipeline_mode<synchronous>, transform_indices = @transform_3, window_bounds = array<i64: 1, 512>}, {pipeline_mode = #tpu.pipeline_mode<synchronous>, transform_indices = @transform_4, window_bounds = array<i64: 512, 512>}, {transform_indices = @transform_5, window_bounds = array<i64: 4, 1000, 128>}]} {
    %get3A = arith.constant 0 : index
    %get3A_0 = arith.constant 0 : index
    %get3A_1 = vector.load %arg3[%get3A, %get3A_0] : memref<1000x1xf32, #tpu.memory_space<vmem>>, vector<1000x1xf32>
    %get3A_2 = arith.constant 0 : index
    %get3A_3 = arith.constant 0 : index
    %get3A_4 = arith.constant 0 : index
    %get3A_5 = vector.load %arg1[%get3A_2, %get3A_3, %get3A_4] : memref<4x1000x128xf32, #tpu.memory_space<vmem>>, vector<1x1000x128xf32>
    %get3A_6 = vector.shape_cast %get3A_5 : vector<1x1000x128xf32> to vector<1000x128xf32>
    %get3A_7 = arith.constant 0 : index
    %get3A_8 = arith.constant 0 : index
    %get3A_9 = arith.constant 0 : index
    %get3A_10 = vector.load %arg2[%get3A_7, %get3A_8, %get3A_9] : memref<4x1000x128xf32, #tpu.memory_space<vmem>>, vector<1x1000x128xf32>
    %get3A_11 = vector.shape_cast %get3A_10 : vector<1x1000x128xf32> to vector<1000x128xf32>
    %add3A = arith.addf %get3A_6, %get3A_11 : vector<1000x128xf32>
    %mul3A = vector.broadcast %get3A_1 : vector<1000x1xf32> to vector<1000x128xf32>
    %mul3A_12 = arith.mulf %mul3A, %add3A : vector<1000x128xf32>
    %get3A_13 = arith.constant 0 : index
    %get3A_14 = arith.constant 0 : index
    %get3A_15 = vector.load %arg4[%get3A_13, %get3A_14] : memref<1x512xf32, #tpu.memory_space<vmem>>, vector<1x128xf32>
    %add3A_16 = vector.broadcast %get3A_15 : vector<1x128xf32> to vector<1000x128xf32>
    %add3A_17 = arith.addf %mul3A_12, %add3A_16 : vector<1000x128xf32>
    %max3A = arith.constant 0.000000e+00 : f32
    %max3A_18 = vector.broadcast %max3A : f32 to vector<1000x128xf32>
    %max3A_19 = arith.maximumf %add3A_17, %max3A_18 : vector<1000x128xf32>
    %get3A_20 = arith.constant 1 : index
    %get3A_21 = arith.constant 0 : index
    %get3A_22 = arith.constant 0 : index
    %get3A_23 = vector.load %arg1[%get3A_20, %get3A_21, %get3A_22] : memref<4x1000x128xf32, #tpu.memory_space<vmem>>, vector<1x1000x128xf32>
    %get3A_24 = vector.shape_cast %get3A_23 : vector<1x1000x128xf32> to vector<1000x128xf32>
    %get3A_25 = arith.constant 1 : index
    %get3A_26 = arith.constant 0 : index
    %get3A_27 = arith.constant 0 : index
    %get3A_28 = vector.load %arg2[%get3A_25, %get3A_26, %get3A_27] : memref<4x1000x128xf32, #tpu.memory_space<vmem>>, vector<1x1000x128xf32>
    %get3A_29 = vector.shape_cast %get3A_28 : vector<1x1000x128xf32> to vector<1000x128xf32>
    %add3A_30 = arith.addf %get3A_24, %get3A_29 : vector<1000x128xf32>
    %mul3A_31 = vector.broadcast %get3A_1 : vector<1000x1xf32> to vector<1000x128xf32>
    %mul3A_32 = arith.mulf %mul3A_31, %add3A_30 : vector<1000x128xf32>
    %get3A_33 = arith.constant 0 : index
    %get3A_34 = arith.constant 128 : index
    %get3A_35 = vector.load %arg4[%get3A_33, %get3A_34] : memref<1x512xf32, #tpu.memory_space<vmem>>, vector<1x128xf32>
    %add3A_36 = vector.broadcast %get3A_35 : vector<1x128xf32> to vector<1000x128xf32>
    %add3A_37 = arith.addf %mul3A_32, %add3A_36 : vector<1000x128xf32>
    %max3A_38 = arith.constant 0.000000e+00 : f32
    %max3A_39 = vector.broadcast %max3A_38 : f32 to vector<1000x128xf32>
    %max3A_40 = arith.maximumf %add3A_37, %max3A_39 : vector<1000x128xf32>
    %get3A_41 = arith.constant 2 : index
    %get3A_42 = arith.constant 0 : index
    %get3A_43 = arith.constant 0 : index
    %get3A_44 = vector.load %arg1[%get3A_41, %get3A_42, %get3A_43] : memref<4x1000x128xf32, #tpu.memory_space<vmem>>, vector<1x1000x128xf32>
    %get3A_45 = vector.shape_cast %get3A_44 : vector<1x1000x128xf32> to vector<1000x128xf32>
    %get3A_46 = arith.constant 2 : index
    %get3A_47 = arith.constant 0 : index
    %get3A_48 = arith.constant 0 : index
    %get3A_49 = vector.load %arg2[%get3A_46, %get3A_47, %get3A_48] : memref<4x1000x128xf32, #tpu.memory_space<vmem>>, vector<1x1000x128xf32>
    %get3A_50 = vector.shape_cast %get3A_49 : vector<1x1000x128xf32> to vector<1000x128xf32>
    %add3A_51 = arith.addf %get3A_45, %get3A_50 : vector<1000x128xf32>
    %mul3A_52 = vector.broadcast %get3A_1 : vector<1000x1xf32> to vector<1000x128xf32>
    %mul3A_53 = arith.mulf %mul3A_52, %add3A_51 : vector<1000x128xf32>
    %get3A_54 = arith.constant 0 : index
    %get3A_55 = arith.constant 256 : index
    %get3A_56 = vector.load %arg4[%get3A_54, %get3A_55] : memref<1x512xf32, #tpu.memory_space<vmem>>, vector<1x128xf32>
    %add3A_57 = vector.broadcast %get3A_56 : vector<1x128xf32> to vector<1000x128xf32>
    %add3A_58 = arith.addf %mul3A_53, %add3A_57 : vector<1000x128xf32>
    %max3A_59 = arith.constant 0.000000e+00 : f32
    %max3A_60 = vector.broadcast %max3A_59 : f32 to vector<1000x128xf32>
    %max3A_61 = arith.maximumf %add3A_58, %max3A_60 : vector<1000x128xf32>
    %get3A_62 = arith.constant 3 : index
    %get3A_63 = arith.constant 0 : index
    %get3A_64 = arith.constant 0 : index
    %get3A_65 = vector.load %arg1[%get3A_62, %get3A_63, %get3A_64] : memref<4x1000x128xf32, #tpu.memory_space<vmem>>, vector<1x1000x128xf32>
    %get3A_66 = vector.shape_cast %get3A_65 : vector<1x1000x128xf32> to vector<1000x128xf32>
    %get3A_67 = arith.constant 3 : index
    %get3A_68 = arith.constant 0 : index
    %get3A_69 = arith.constant 0 : index
    %get3A_70 = vector.load %arg2[%get3A_67, %get3A_68, %get3A_69] : memref<4x1000x128xf32, #tpu.memory_space<vmem>>, vector<1x1000x128xf32>
    %get3A_71 = vector.shape_cast %get3A_70 : vector<1x1000x128xf32> to vector<1000x128xf32>
    %add3A_72 = arith.addf %get3A_66, %get3A_71 : vector<1000x128xf32>
    %mul3A_73 = vector.broadcast %get3A_1 : vector<1000x1xf32> to vector<1000x128xf32>
    %mul3A_74 = arith.mulf %mul3A_73, %add3A_72 : vector<1000x128xf32>
    %get3A_75 = arith.constant 0 : index
    %get3A_76 = arith.constant 384 : index
    %get3A_77 = vector.load %arg4[%get3A_75, %get3A_76] : memref<1x512xf32, #tpu.memory_space<vmem>>, vector<1x128xf32>
    %add3A_78 = vector.broadcast %get3A_77 : vector<1x128xf32> to vector<1000x128xf32>
    %add3A_79 = arith.addf %mul3A_74, %add3A_78 : vector<1000x128xf32>
    %max3A_80 = arith.constant 0.000000e+00 : f32
    %max3A_81 = vector.broadcast %max3A_80 : f32 to vector<1000x128xf32>
    %max3A_82 = arith.maximumf %add3A_79, %max3A_81 : vector<1000x128xf32>
    %concatenate3A = tpu.concatenate %max3A_19, %max3A_40, %max3A_61, %max3A_82 in 1 : vector<1000x128xf32>, vector<1000x128xf32>, vector<1000x128xf32>, vector<1000x128xf32> -> vector<1000x512xf32>
    %get3A_83 = arith.constant 0 : index
    %get3A_84 = arith.constant 0 : index
    %get3A_85 = vector.load %arg5[%get3A_83, %get3A_84] : memref<512x512xf32, #tpu.memory_space<vmem>>, vector<512x512xf32>
    %dot_general3A = arith.constant dense<0.000000e+00> : vector<1000x512xf32>
    %dot_general3A_86 = tpu.matmul %concatenate3A, %get3A_85, %dot_general3A {dimension_numbers = #tpu.dot_dimension_numbers<[1], [0], [0], [1], [0, 0, 1, 1], [], []>, transpose_lhs_hint = false} : vector<1000x512xf32>, vector<512x512xf32>, vector<1000x512xf32> -> vector<1000x512xf32>
    %mul3A_87 = vector.broadcast %get3A_1 : vector<1000x1xf32> to vector<1000x512xf32>
    %mul3A_88 = arith.mulf %dot_general3A_86, %mul3A_87 : vector<1000x512xf32>
    %slice3A = vector.extract_strided_slice %mul3A_88 {offsets = [0, 0], sizes = [1000, 128], strides = [1, 1]} : vector<1000x512xf32> to vector<1000x128xf32>
    %swap3A = arith.constant 0 : index
    %swap3A_89 = arith.constant 0 : index
    %swap3A_90 = arith.constant 0 : index
    %swap3A_91 = vector.load %arg6[%swap3A, %swap3A_89, %swap3A_90] : memref<4x1000x128xf32, #tpu.memory_space<vmem>>, vector<1x1000x128xf32>
    %swap3A_92 = vector.shape_cast %swap3A_91 : vector<1x1000x128xf32> to vector<1000x128xf32>
    %swap3A_93 = vector.shape_cast %slice3A : vector<1000x128xf32> to vector<1x1000x128xf32>
    tpu.vector_store %arg6[%swap3A, %swap3A_89, %swap3A_90], %swap3A_93 {strides = array<i32>} : memref<4x1000x128xf32, #tpu.memory_space<vmem>>, vector<1x1000x128xf32>,
    %slice3A_94 = vector.extract_strided_slice %mul3A_88 {offsets = [0, 128], sizes = [1000, 128], strides = [1, 1]} : vector<1000x512xf32> to vector<1000x128xf32>
    %swap3A_95 = arith.constant 1 : index
    %swap3A_96 = arith.constant 0 : index
    %swap3A_97 = arith.constant 0 : index
    %swap3A_98 = vector.load %arg6[%swap3A_95, %swap3A_96, %swap3A_97] : memref<4x1000x128xf32, #tpu.memory_space<vmem>>, vector<1x1000x128xf32>
    %swap3A_99 = vector.shape_cast %swap3A_98 : vector<1x1000x128xf32> to vector<1000x128xf32>
    %swap3A_100 = vector.shape_cast %slice3A_94 : vector<1000x128xf32> to vector<1x1000x128xf32>
    tpu.vector_store %arg6[%swap3A_95, %swap3A_96, %swap3A_97], %swap3A_100 {strides = array<i32>} : memref<4x1000x128xf32, #tpu.memory_space<vmem>>, vector<1x1000x128xf32>,
    %slice3A_101 = vector.extract_strided_slice %mul3A_88 {offsets = [0, 256], sizes = [1000, 128], strides = [1, 1]} : vector<1000x512xf32> to vector<1000x128xf32>
    %swap3A_102 = arith.constant 2 : index
    %swap3A_103 = arith.constant 0 : index
    %swap3A_104 = arith.constant 0 : index
    %swap3A_105 = vector.load %arg6[%swap3A_102, %swap3A_103, %swap3A_104] : memref<4x1000x128xf32, #tpu.memory_space<vmem>>, vector<1x1000x128xf32>
    %swap3A_106 = vector.shape_cast %swap3A_105 : vector<1x1000x128xf32> to vector<1000x128xf32>
    %swap3A_107 = vector.shape_cast %slice3A_101 : vector<1000x128xf32> to vector<1x1000x128xf32>
    tpu.vector_store %arg6[%swap3A_102, %swap3A_103, %swap3A_104], %swap3A_107 {strides = array<i32>} : memref<4x1000x128xf32, #tpu.memory_space<vmem>>, vector<1x1000x128xf32>,
    %slice3A_108 = vector.extract_strided_slice %mul3A_88 {offsets = [0, 384], sizes = [1000, 128], strides = [1, 1]} : vector<1000x512xf32> to vector<1000x128xf32>
    %swap3A_109 = arith.constant 3 : index
    %swap3A_110 = arith.constant 0 : index
    %swap3A_111 = arith.constant 0 : index
    %swap3A_112 = vector.load %arg6[%swap3A_109, %swap3A_110, %swap3A_111] : memref<4x1000x128xf32, #tpu.memory_space<vmem>>, vector<1x1000x128xf32>
    %swap3A_113 = vector.shape_cast %swap3A_112 : vector<1x1000x128xf32> to vector<1000x128xf32>
    %swap3A_114 = vector.shape_cast %slice3A_108 : vector<1000x128xf32> to vector<1x1000x128xf32>
    tpu.vector_store %arg6[%swap3A_109, %swap3A_110, %swap3A_111], %swap3A_114 {strides = array<i32>} : memref<4x1000x128xf32, #tpu.memory_space<vmem>>, vector<1x1000x128xf32>,
    return
  }
  func.func @transform_0(%arg0: i32) -> (i32, i32, i32) {
    %c0_i32 = arith.constant 0 : i32
    %c0_i32_0 = arith.constant 0 : i32
    %c0_i32_1 = arith.constant 0 : i32
    return %c0_i32, %arg0, %c0_i32_0 : i32, i32, i32
  }
  func.func @transform_1(%arg0: i32) -> (i32, i32, i32) {
    %c0_i32 = arith.constant 0 : i32
    %c0_i32_0 = arith.constant 0 : i32
    %c0_i32_1 = arith.constant 0 : i32
    return %c0_i32, %arg0, %c0_i32_0 : i32, i32, i32
  }
  func.func @transform_2(%arg0: i32) -> (i32, i32) {
    %c0_i32 = arith.constant 0 : i32
    %c0_i32_0 = arith.constant 0 : i32
    return %arg0, %c0_i32 : i32, i32
  }
  func.func @transform_3(%arg0: i32) -> (i32, i32) {
    %c0_i32 = arith.constant 0 : i32
    %c0_i32_0 = arith.constant 0 : i32
    %c0_i32_1 = arith.constant 0 : i32
    return %c0_i32, %c0_i32_0 : i32, i32
  }
  func.func @transform_4(%arg0: i32) -> (i32, i32) {
    %c0_i32 = arith.constant 0 : i32
    %c0_i32_0 = arith.constant 0 : i32
    %c0_i32_1 = arith.constant 0 : i32
    return %c0_i32, %c0_i32_0 : i32, i32
  }
  func.func @transform_5(%arg0: i32) -> (i32, i32, i32) {
    %c0_i32 = arith.constant 0 : i32
    %c0_i32_0 = arith.constant 0 : i32
    %c0_i32_1 = arith.constant 0 : i32
    return %c0_i32, %arg0, %c0_i32_0 : i32, i32, i32
  }
}

module attributes {stable_mosaic.version = 14 : i64} {
  func.func @_p0_body(%arg0: i32, %arg1: memref<1000x256xf32, #tpu.memory_space<vmem>>, %arg2: memref<256x512xf32, #tpu.memory_space<vmem>>, %arg3: memref<2x1000x128xf32, #tpu.memory_space<vmem>>, %arg4: memref<4x1000x128xf32, #tpu.memory_space<vmem>>, %arg5: memref<1000x1xf32, #tpu.memory_space<vmem>>) attributes {dimension_semantics = [#tpu.dimension_semantics<arbitrary>], iteration_bounds = array<i64: 10>, scalar_prefetch = 0 : i64, scratch_operands = 0 : i64, tpu.core_type = #tpu.core_type<tc>, window_params = [{transform_indices = @transform_0, window_bounds = array<i64: 1000, 256>}, {pipeline_mode = #tpu.pipeline_mode<synchronous>, transform_indices = @transform_1, window_bounds = array<i64: 256, 512>}, {transform_indices = @transform_2, window_bounds = array<i64: 2, 1000, 128>}, {transform_indices = @transform_3, window_bounds = array<i64: 4, 1000, 128>}, {transform_indices = @transform_4, window_bounds = array<i64: 1000, 1>}]} {
    %get3A = arith.constant 0 : index
    %get3A_0 = arith.constant 0 : index
    %get3A_1 = arith.constant 0 : index
    %get3A_2 = vector.load %arg3[%get3A, %get3A_0, %get3A_1] : memref<2x1000x128xf32, #tpu.memory_space<vmem>>, vector<1x1000x1xf32>
    %get3A_3 = vector.shape_cast %get3A_2 : vector<1x1000x1xf32> to vector<1000x1xf32>
    %get3A_4 = arith.constant 1 : index
    %get3A_5 = arith.constant 0 : index
    %get3A_6 = arith.constant 0 : index
    %get3A_7 = vector.load %arg3[%get3A_4, %get3A_5, %get3A_6] : memref<2x1000x128xf32, #tpu.memory_space<vmem>>, vector<1x1000x1xf32>
    %get3A_8 = vector.shape_cast %get3A_7 : vector<1x1000x1xf32> to vector<1000x1xf32>
    %add3A = arith.addf %get3A_3, %get3A_8 : vector<1000x1xf32>
    %add3A_9 = arith.constant 1.000000e+00 : f32
    %add3A_10 = vector.broadcast %add3A_9 : f32 to vector<1000x1xf32>
    %add3A_11 = arith.addf %add3A, %add3A_10 : vector<1000x1xf32>
    %rsqrt3A = math.rsqrt %add3A_11 : vector<1000x1xf32>
    %get3A_12 = arith.constant 0 : index
    %get3A_13 = arith.constant 0 : index
    %get3A_14 = vector.load %arg1[%get3A_12, %get3A_13] : memref<1000x256xf32, #tpu.memory_space<vmem>>, vector<1000x256xf32>
    %get3A_15 = arith.constant 0 : index
    %get3A_16 = arith.constant 0 : index
    %get3A_17 = vector.load %arg2[%get3A_15, %get3A_16] : memref<256x512xf32, #tpu.memory_space<vmem>>, vector<256x512xf32>
    %dot_general3A = arith.constant dense<0.000000e+00> : vector<1000x512xf32>
    %dot_general3A_18 = tpu.matmul %get3A_14, %get3A_17, %dot_general3A {dimension_numbers = #tpu.dot_dimension_numbers<[1], [0], [0], [1], [0, 0, 1, 1], [], []>, transpose_lhs_hint = false} : vector<1000x256xf32>, vector<256x512xf32>, vector<1000x512xf32> -> vector<1000x512xf32>
    %mul3A = vector.broadcast %rsqrt3A : vector<1000x1xf32> to vector<1000x512xf32>
    %mul3A_19 = arith.mulf %dot_general3A_18, %mul3A : vector<1000x512xf32>
    %swap3A = arith.constant 0 : index
    %swap3A_20 = arith.constant 0 : index
    %swap3A_21 = vector.load %arg5[%swap3A, %swap3A_20] : memref<1000x1xf32, #tpu.memory_space<vmem>>, vector<1000x1xf32>
    tpu.vector_store %arg5[%swap3A, %swap3A_20], %rsqrt3A {strides = array<i32>} : memref<1000x1xf32, #tpu.memory_space<vmem>>, vector<1000x1xf32>,
    %slice3A = vector.extract_strided_slice %mul3A_19 {offsets = [0, 0], sizes = [1000, 128], strides = [1, 1]} : vector<1000x512xf32> to vector<1000x128xf32>
    %swap3A_22 = arith.constant 0 : index
    %swap3A_23 = arith.constant 0 : index
    %swap3A_24 = arith.constant 0 : index
    %swap3A_25 = vector.load %arg4[%swap3A_22, %swap3A_23, %swap3A_24] : memref<4x1000x128xf32, #tpu.memory_space<vmem>>, vector<1x1000x128xf32>
    %swap3A_26 = vector.shape_cast %swap3A_25 : vector<1x1000x128xf32> to vector<1000x128xf32>
    %swap3A_27 = vector.shape_cast %slice3A : vector<1000x128xf32> to vector<1x1000x128xf32>
    tpu.vector_store %arg4[%swap3A_22, %swap3A_23, %swap3A_24], %swap3A_27 {strides = array<i32>} : memref<4x1000x128xf32, #tpu.memory_space<vmem>>, vector<1x1000x128xf32>,
    %slice3A_28 = vector.extract_strided_slice %mul3A_19 {offsets = [0, 128], sizes = [1000, 128], strides = [1, 1]} : vector<1000x512xf32> to vector<1000x128xf32>
    %swap3A_29 = arith.constant 1 : index
    %swap3A_30 = arith.constant 0 : index
    %swap3A_31 = arith.constant 0 : index
    %swap3A_32 = vector.load %arg4[%swap3A_29, %swap3A_30, %swap3A_31] : memref<4x1000x128xf32, #tpu.memory_space<vmem>>, vector<1x1000x128xf32>
    %swap3A_33 = vector.shape_cast %swap3A_32 : vector<1x1000x128xf32> to vector<1000x128xf32>
    %swap3A_34 = vector.shape_cast %slice3A_28 : vector<1000x128xf32> to vector<1x1000x128xf32>
    tpu.vector_store %arg4[%swap3A_29, %swap3A_30, %swap3A_31], %swap3A_34 {strides = array<i32>} : memref<4x1000x128xf32, #tpu.memory_space<vmem>>, vector<1x1000x128xf32>,
    %slice3A_35 = vector.extract_strided_slice %mul3A_19 {offsets = [0, 256], sizes = [1000, 128], strides = [1, 1]} : vector<1000x512xf32> to vector<1000x128xf32>
    %swap3A_36 = arith.constant 2 : index
    %swap3A_37 = arith.constant 0 : index
    %swap3A_38 = arith.constant 0 : index
    %swap3A_39 = vector.load %arg4[%swap3A_36, %swap3A_37, %swap3A_38] : memref<4x1000x128xf32, #tpu.memory_space<vmem>>, vector<1x1000x128xf32>
    %swap3A_40 = vector.shape_cast %swap3A_39 : vector<1x1000x128xf32> to vector<1000x128xf32>
    %swap3A_41 = vector.shape_cast %slice3A_35 : vector<1000x128xf32> to vector<1x1000x128xf32>
    tpu.vector_store %arg4[%swap3A_36, %swap3A_37, %swap3A_38], %swap3A_41 {strides = array<i32>} : memref<4x1000x128xf32, #tpu.memory_space<vmem>>, vector<1x1000x128xf32>,
    %slice3A_42 = vector.extract_strided_slice %mul3A_19 {offsets = [0, 384], sizes = [1000, 128], strides = [1, 1]} : vector<1000x512xf32> to vector<1000x128xf32>
    %swap3A_43 = arith.constant 3 : index
    %swap3A_44 = arith.constant 0 : index
    %swap3A_45 = arith.constant 0 : index
    %swap3A_46 = vector.load %arg4[%swap3A_43, %swap3A_44, %swap3A_45] : memref<4x1000x128xf32, #tpu.memory_space<vmem>>, vector<1x1000x128xf32>
    %swap3A_47 = vector.shape_cast %swap3A_46 : vector<1x1000x128xf32> to vector<1000x128xf32>
    %swap3A_48 = vector.shape_cast %slice3A_42 : vector<1000x128xf32> to vector<1x1000x128xf32>
    tpu.vector_store %arg4[%swap3A_43, %swap3A_44, %swap3A_45], %swap3A_48 {strides = array<i32>} : memref<4x1000x128xf32, #tpu.memory_space<vmem>>, vector<1x1000x128xf32>,
    return
  }
  func.func @transform_0(%arg0: i32) -> (i32, i32) {
    %c0_i32 = arith.constant 0 : i32
    %c0_i32_0 = arith.constant 0 : i32
    return %arg0, %c0_i32 : i32, i32
  }
  func.func @transform_1(%arg0: i32) -> (i32, i32) {
    %c0_i32 = arith.constant 0 : i32
    %c0_i32_0 = arith.constant 0 : i32
    %c0_i32_1 = arith.constant 0 : i32
    return %c0_i32, %c0_i32_0 : i32, i32
  }
  func.func @transform_2(%arg0: i32) -> (i32, i32, i32) {
    %c0_i32 = arith.constant 0 : i32
    %c0_i32_0 = arith.constant 0 : i32
    %c0_i32_1 = arith.constant 0 : i32
    return %c0_i32, %arg0, %c0_i32_0 : i32, i32, i32
  }
  func.func @transform_3(%arg0: i32) -> (i32, i32, i32) {
    %c0_i32 = arith.constant 0 : i32
    %c0_i32_0 = arith.constant 0 : i32
    %c0_i32_1 = arith.constant 0 : i32
    return %c0_i32, %arg0, %c0_i32_0 : i32, i32, i32
  }
  func.func @transform_4(%arg0: i32) -> (i32, i32) {
    %c0_i32 = arith.constant 0 : i32
    %c0_i32_0 = arith.constant 0 : i32
    return %arg0, %c0_i32 : i32, i32
  }
}

module attributes {stable_mosaic.version = 14 : i64} {
  func.func @_p3_body(%arg0: i32, %arg1: memref<4x1000x128xf32, #tpu.memory_space<vmem>>, %arg2: memref<4x1000x128xf32, #tpu.memory_space<vmem>>, %arg3: memref<1000x1xf32, #tpu.memory_space<vmem>>, %arg4: memref<1x512xf32, #tpu.memory_space<vmem>>, %arg5: memref<1x1x1000xi32, #tpu.memory_space<vmem>>, %arg6: memref<512x6xf32, #tpu.memory_space<vmem>>, %arg7: memref<1x6xf32, #tpu.memory_space<vmem>>, %arg8: memref<64x512xf32, #tpu.memory_space<vmem>>, %arg9: memref<64x6xf32, #tpu.memory_space<vmem>>, %arg10: memref<64x512xf32, #tpu.memory_space<vmem>>, %arg11: memref<64x128xf32, #tpu.memory_space<vmem>>) attributes {dimension_semantics = [#tpu.dimension_semantics<arbitrary>], iteration_bounds = array<i64: 10>, scalar_prefetch = 0 : i64, scratch_operands = 2 : i64, tpu.core_type = #tpu.core_type<tc>, window_params = [{transform_indices = @transform_0, window_bounds = array<i64: 4, 1000, 128>}, {transform_indices = @transform_1, window_bounds = array<i64: 4, 1000, 128>}, {transform_indices = @transform_2, window_bounds = array<i64: 1000, 1>}, {pipeline_mode = #tpu.pipeline_mode<synchronous>, transform_indices = @transform_3, window_bounds = array<i64: 1, 512>}, {transform_indices = @transform_4, window_bounds = array<i64: 1, 1, 1000>}, {pipeline_mode = #tpu.pipeline_mode<synchronous>, transform_indices = @transform_5, window_bounds = array<i64: 512, 6>}, {pipeline_mode = #tpu.pipeline_mode<synchronous>, transform_indices = @transform_6, window_bounds = array<i64: 1, 6>}, {pipeline_mode = #tpu.pipeline_mode<synchronous>, transform_indices = @transform_7, window_bounds = array<i64: 64, 512>}, {pipeline_mode = #tpu.pipeline_mode<synchronous>, transform_indices = @transform_8, window_bounds = array<i64: 64, 6>}]} {
    %get3A = arith.constant 0 : index
    %get3A_0 = arith.constant 0 : index
    %get3A_1 = vector.load %arg3[%get3A, %get3A_0] : memref<1000x1xf32, #tpu.memory_space<vmem>>, vector<1000x1xf32>
    %get3A_2 = arith.constant 0 : index
    %get3A_3 = arith.constant 0 : index
    %get3A_4 = arith.constant 0 : index
    %get3A_5 = vector.load %arg1[%get3A_2, %get3A_3, %get3A_4] : memref<4x1000x128xf32, #tpu.memory_space<vmem>>, vector<1x1000x128xf32>
    %get3A_6 = vector.shape_cast %get3A_5 : vector<1x1000x128xf32> to vector<1000x128xf32>
    %get3A_7 = arith.constant 0 : index
    %get3A_8 = arith.constant 0 : index
    %get3A_9 = arith.constant 0 : index
    %get3A_10 = vector.load %arg2[%get3A_7, %get3A_8, %get3A_9] : memref<4x1000x128xf32, #tpu.memory_space<vmem>>, vector<1x1000x128xf32>
    %get3A_11 = vector.shape_cast %get3A_10 : vector<1x1000x128xf32> to vector<1000x128xf32>
    %add3A = arith.addf %get3A_6, %get3A_11 : vector<1000x128xf32>
    %mul3A = vector.broadcast %get3A_1 : vector<1000x1xf32> to vector<1000x128xf32>
    %mul3A_12 = arith.mulf %mul3A, %add3A : vector<1000x128xf32>
    %get3A_13 = arith.constant 0 : index
    %get3A_14 = arith.constant 0 : index
    %get3A_15 = vector.load %arg4[%get3A_13, %get3A_14] : memref<1x512xf32, #tpu.memory_space<vmem>>, vector<1x128xf32>
    %add3A_16 = vector.broadcast %get3A_15 : vector<1x128xf32> to vector<1000x128xf32>
    %add3A_17 = arith.addf %mul3A_12, %add3A_16 : vector<1000x128xf32>
    %get3A_18 = arith.constant 1 : index
    %get3A_19 = arith.constant 0 : index
    %get3A_20 = arith.constant 0 : index
    %get3A_21 = vector.load %arg1[%get3A_18, %get3A_19, %get3A_20] : memref<4x1000x128xf32, #tpu.memory_space<vmem>>, vector<1x1000x128xf32>
    %get3A_22 = vector.shape_cast %get3A_21 : vector<1x1000x128xf32> to vector<1000x128xf32>
    %get3A_23 = arith.constant 1 : index
    %get3A_24 = arith.constant 0 : index
    %get3A_25 = arith.constant 0 : index
    %get3A_26 = vector.load %arg2[%get3A_23, %get3A_24, %get3A_25] : memref<4x1000x128xf32, #tpu.memory_space<vmem>>, vector<1x1000x128xf32>
    %get3A_27 = vector.shape_cast %get3A_26 : vector<1x1000x128xf32> to vector<1000x128xf32>
    %add3A_28 = arith.addf %get3A_22, %get3A_27 : vector<1000x128xf32>
    %mul3A_29 = vector.broadcast %get3A_1 : vector<1000x1xf32> to vector<1000x128xf32>
    %mul3A_30 = arith.mulf %mul3A_29, %add3A_28 : vector<1000x128xf32>
    %get3A_31 = arith.constant 0 : index
    %get3A_32 = arith.constant 128 : index
    %get3A_33 = vector.load %arg4[%get3A_31, %get3A_32] : memref<1x512xf32, #tpu.memory_space<vmem>>, vector<1x128xf32>
    %add3A_34 = vector.broadcast %get3A_33 : vector<1x128xf32> to vector<1000x128xf32>
    %add3A_35 = arith.addf %mul3A_30, %add3A_34 : vector<1000x128xf32>
    %get3A_36 = arith.constant 2 : index
    %get3A_37 = arith.constant 0 : index
    %get3A_38 = arith.constant 0 : index
    %get3A_39 = vector.load %arg1[%get3A_36, %get3A_37, %get3A_38] : memref<4x1000x128xf32, #tpu.memory_space<vmem>>, vector<1x1000x128xf32>
    %get3A_40 = vector.shape_cast %get3A_39 : vector<1x1000x128xf32> to vector<1000x128xf32>
    %get3A_41 = arith.constant 2 : index
    %get3A_42 = arith.constant 0 : index
    %get3A_43 = arith.constant 0 : index
    %get3A_44 = vector.load %arg2[%get3A_41, %get3A_42, %get3A_43] : memref<4x1000x128xf32, #tpu.memory_space<vmem>>, vector<1x1000x128xf32>
    %get3A_45 = vector.shape_cast %get3A_44 : vector<1x1000x128xf32> to vector<1000x128xf32>
    %add3A_46 = arith.addf %get3A_40, %get3A_45 : vector<1000x128xf32>
    %mul3A_47 = vector.broadcast %get3A_1 : vector<1000x1xf32> to vector<1000x128xf32>
    %mul3A_48 = arith.mulf %mul3A_47, %add3A_46 : vector<1000x128xf32>
    %get3A_49 = arith.constant 0 : index
    %get3A_50 = arith.constant 256 : index
    %get3A_51 = vector.load %arg4[%get3A_49, %get3A_50] : memref<1x512xf32, #tpu.memory_space<vmem>>, vector<1x128xf32>
    %add3A_52 = vector.broadcast %get3A_51 : vector<1x128xf32> to vector<1000x128xf32>
    %add3A_53 = arith.addf %mul3A_48, %add3A_52 : vector<1000x128xf32>
    %get3A_54 = arith.constant 3 : index
    %get3A_55 = arith.constant 0 : index
    %get3A_56 = arith.constant 0 : index
    %get3A_57 = vector.load %arg1[%get3A_54, %get3A_55, %get3A_56] : memref<4x1000x128xf32, #tpu.memory_space<vmem>>, vector<1x1000x128xf32>
    %get3A_58 = vector.shape_cast %get3A_57 : vector<1x1000x128xf32> to vector<1000x128xf32>
    %get3A_59 = arith.constant 3 : index
    %get3A_60 = arith.constant 0 : index
    %get3A_61 = arith.constant 0 : index
    %get3A_62 = vector.load %arg2[%get3A_59, %get3A_60, %get3A_61] : memref<4x1000x128xf32, #tpu.memory_space<vmem>>, vector<1x1000x128xf32>
    %get3A_63 = vector.shape_cast %get3A_62 : vector<1x1000x128xf32> to vector<1000x128xf32>
    %add3A_64 = arith.addf %get3A_58, %get3A_63 : vector<1000x128xf32>
    %mul3A_65 = vector.broadcast %get3A_1 : vector<1000x1xf32> to vector<1000x128xf32>
    %mul3A_66 = arith.mulf %mul3A_65, %add3A_64 : vector<1000x128xf32>
    %get3A_67 = arith.constant 0 : index
    %get3A_68 = arith.constant 384 : index
    %get3A_69 = vector.load %arg4[%get3A_67, %get3A_68] : memref<1x512xf32, #tpu.memory_space<vmem>>, vector<1x128xf32>
    %add3A_70 = vector.broadcast %get3A_69 : vector<1x128xf32> to vector<1000x128xf32>
    %add3A_71 = arith.addf %mul3A_66, %add3A_70 : vector<1000x128xf32>
    %concatenate3A = tpu.concatenate %add3A_17, %add3A_35, %add3A_53, %add3A_71 in 1 : vector<1000x128xf32>, vector<1000x128xf32>, vector<1000x128xf32>, vector<1000x128xf32> -> vector<1000x512xf32>
    %iota3A = tpu.iota {dimensions = array<i32: 0>} : vector<64x1000xi32>
    %get3A_72 = arith.constant 0 : index
    %get3A_73 = arith.constant 0 : index
    %get3A_74 = arith.constant 0 : index
    %get3A_75 = vector.load %arg5[%get3A_72, %get3A_73, %get3A_74] : memref<1x1x1000xi32, #tpu.memory_space<vmem>>, vector<1x1x1000xi32>
    %get3A_76 = vector.shape_cast %get3A_75 : vector<1x1x1000xi32> to vector<1x1000xi32>
    %eq3A = vector.broadcast %get3A_76 : vector<1x1000xi32> to vector<64x1000xi32>
    %eq3A_77 = arith.cmpi eq, %iota3A, %eq3A : vector<64x1000xi32>
    %jit3A = arith.constant 1.000000e+00 : f32
    %jit3A_78 = arith.constant 0.000000e+00 : f32
    %broadcast_in_dim3A = vector.broadcast %jit3A : f32 to vector<64x1000xf32>
    %broadcast_in_dim3A_79 = vector.broadcast %jit3A_78 : f32 to vector<64x1000xf32>
    %select_n3A = arith.select %eq3A_77, %broadcast_in_dim3A, %broadcast_in_dim3A_79 : vector<64x1000xi1>, vector<64x1000xf32>
    %dot_general3A = arith.constant dense<0.000000e+00> : vector<64x512xf32>
    %dot_general3A_80 = tpu.matmul %select_n3A, %concatenate3A, %dot_general3A {dimension_numbers = #tpu.dot_dimension_numbers<[1], [0], [0], [1], [0, 0, 1, 1], [], []>, transpose_lhs_hint = false} : vector<64x1000xf32>, vector<1000x512xf32>, vector<64x512xf32> -> vector<64x512xf32>
    %reduce_sum3A = arith.constant dense<0.000000e+00> : vector<64xf32>
    %reduce_sum3A_81 = vector.multi_reduction <add>, %select_n3A, %reduce_sum3A [1] : vector<64x1000xf32> to vector<64xf32>
    %broadcast_in_dim3A_82 = vector.shape_cast %reduce_sum3A_81 : vector<64xf32> to vector<64x1xf32>
    %eq3A_83 = arith.constant 0 : i32
    %eq3A_84 = arith.cmpi eq, %arg0, %eq3A_83 : i32
    %convert_element_type3A = arith.extui %eq3A_84 : i1 to i32
    %cond3A = arith.constant 0 : i32
    %cond3A_85 = arith.cmpi ne, %convert_element_type3A, %cond3A : i32
    scf.if %cond3A_85 {
      %broadcast_in_dim3A_106 = arith.constant 0.000000e+00 : f32
      %broadcast_in_dim3A_107 = vector.broadcast %broadcast_in_dim3A_106 : f32 to vector<64x512xf32>
      %swap3A_108 = arith.constant 0 : index
      %swap3A_109 = arith.constant 0 : index
      %swap3A_110 = vector.load %arg10[%swap3A_108, %swap3A_109] : memref<64x512xf32, #tpu.memory_space<vmem>>, vector<64x512xf32>
      tpu.vector_store %arg10[%swap3A_108, %swap3A_109], %broadcast_in_dim3A_107 {strides = array<i32>} : memref<64x512xf32, #tpu.memory_space<vmem>>, vector<64x512xf32>,
      %broadcast_in_dim3A_111 = arith.constant 0.000000e+00 : f32
      %broadcast_in_dim3A_112 = vector.broadcast %broadcast_in_dim3A_111 : f32 to vector<64x128xf32>
      %swap3A_113 = arith.constant 0 : index
      %swap3A_114 = arith.constant 0 : index
      %swap3A_115 = vector.load %arg11[%swap3A_113, %swap3A_114] : memref<64x128xf32, #tpu.memory_space<vmem>>, vector<64x128xf32>
      tpu.vector_store %arg11[%swap3A_113, %swap3A_114], %broadcast_in_dim3A_112 {strides = array<i32>} : memref<64x128xf32, #tpu.memory_space<vmem>>, vector<64x128xf32>,
    } else {
    }
    %get3A_86 = arith.constant 0 : index
    %get3A_87 = arith.constant 0 : index
    %get3A_88 = vector.load %arg10[%get3A_86, %get3A_87] : memref<64x512xf32, #tpu.memory_space<vmem>>, vector<64x512xf32>
    %add3A_89 = arith.addf %get3A_88, %dot_general3A_80 : vector<64x512xf32>
    %swap3A = arith.constant 0 : index
    %swap3A_90 = arith.constant 0 : index
    %swap3A_91 = vector.load %arg10[%swap3A, %swap3A_90] : memref<64x512xf32, #tpu.memory_space<vmem>>, vector<64x512xf32>
    tpu.vector_store %arg10[%swap3A, %swap3A_90], %add3A_89 {strides = array<i32>} : memref<64x512xf32, #tpu.memory_space<vmem>>, vector<64x512xf32>,
    %get3A_92 = arith.constant 0 : index
    %get3A_93 = arith.constant 0 : index
    %get3A_94 = vector.load %arg11[%get3A_92, %get3A_93] : memref<64x128xf32, #tpu.memory_space<vmem>>, vector<64x128xf32>
    %broadcast_in_dim3A_95 = vector.shape_cast %broadcast_in_dim3A_82 : vector<64x1xf32> to vector<64x1xf32>
    %broadcast_in_dim3A_96 = vector.broadcast %broadcast_in_dim3A_95 : vector<64x1xf32> to vector<64x128xf32>
    %add3A_97 = arith.addf %get3A_94, %broadcast_in_dim3A_96 : vector<64x128xf32>
    %swap3A_98 = arith.constant 0 : index
    %swap3A_99 = arith.constant 0 : index
    %swap3A_100 = vector.load %arg11[%swap3A_98, %swap3A_99] : memref<64x128xf32, #tpu.memory_space<vmem>>, vector<64x128xf32>
    tpu.vector_store %arg11[%swap3A_98, %swap3A_99], %add3A_97 {strides = array<i32>} : memref<64x128xf32, #tpu.memory_space<vmem>>, vector<64x128xf32>,
    %eq3A_101 = arith.constant 9 : i32
    %eq3A_102 = arith.cmpi eq, %arg0, %eq3A_101 : i32
    %convert_element_type3A_103 = arith.extui %eq3A_102 : i1 to i32
    %cond3A_104 = arith.constant 0 : i32
    %cond3A_105 = arith.cmpi ne, %convert_element_type3A_103, %cond3A_104 : i32
    scf.if %cond3A_105 {
      %get3A_106 = arith.constant 0 : index
      %get3A_107 = arith.constant 0 : index
      %get3A_108 = vector.load %arg11[%get3A_106, %get3A_107] : memref<64x128xf32, #tpu.memory_space<vmem>>, vector<64x1xf32>
      %get3A_109 = arith.constant 0 : index
      %get3A_110 = arith.constant 0 : index
      %get3A_111 = vector.load %arg10[%get3A_109, %get3A_110] : memref<64x512xf32, #tpu.memory_space<vmem>>, vector<64x512xf32>
      %max3A = arith.constant 1.000000e+00 : f32
      %max3A_112 = vector.broadcast %max3A : f32 to vector<64x1xf32>
      %max3A_113 = arith.maximumf %get3A_108, %max3A_112 : vector<64x1xf32>
      %div3A = vector.broadcast %max3A_113 : vector<64x1xf32> to vector<64x512xf32>
      %div3A_114 = arith.divf %get3A_111, %div3A : vector<64x512xf32>
      %swap3A_115 = arith.constant 0 : index
      %swap3A_116 = arith.constant 0 : index
      %swap3A_117 = vector.load %arg8[%swap3A_115, %swap3A_116] : memref<64x512xf32, #tpu.memory_space<vmem>>, vector<64x512xf32>
      tpu.vector_store %arg8[%swap3A_115, %swap3A_116], %div3A_114 {strides = array<i32>} : memref<64x512xf32, #tpu.memory_space<vmem>>, vector<64x512xf32>,
      %get3A_118 = arith.constant 0 : index
      %get3A_119 = arith.constant 0 : index
      %get3A_120 = vector.load %arg6[%get3A_118, %get3A_119] : memref<512x6xf32, #tpu.memory_space<vmem>>, vector<512x6xf32>
      %dot_general3A_121 = arith.constant dense<0.000000e+00> : vector<64x6xf32>
      %dot_general3A_122 = tpu.matmul %div3A_114, %get3A_120, %dot_general3A_121 {dimension_numbers = #tpu.dot_dimension_numbers<[1], [0], [0], [1], [0, 0, 1, 1], [], []>, transpose_lhs_hint = false} : vector<64x512xf32>, vector<512x6xf32>, vector<64x6xf32> -> vector<64x6xf32>
      %get3A_123 = arith.constant 0 : index
      %get3A_124 = arith.constant 0 : index
      %get3A_125 = vector.load %arg7[%get3A_123, %get3A_124] : memref<1x6xf32, #tpu.memory_space<vmem>>, vector<1x6xf32>
      %add3A_126 = vector.broadcast %get3A_125 : vector<1x6xf32> to vector<64x6xf32>
      %add3A_127 = arith.addf %dot_general3A_122, %add3A_126 : vector<64x6xf32>
      %reduce_max3A = arith.constant dense<0xFF800000> : vector<64xf32>
      %reduce_max3A_128 = vector.multi_reduction <maximumf>, %add3A_127, %reduce_max3A [1] : vector<64x6xf32> to vector<64xf32>
      %broadcast_in_dim3A_129 = vector.shape_cast %reduce_max3A_128 : vector<64xf32> to vector<64x1xf32>
      %sub3A = vector.broadcast %broadcast_in_dim3A_129 : vector<64x1xf32> to vector<64x6xf32>
      %sub3A_130 = arith.subf %add3A_127, %sub3A : vector<64x6xf32>
      %exp3A = math.exp %sub3A_130 : vector<64x6xf32>
      %sub3A_131 = vector.broadcast %broadcast_in_dim3A_129 : vector<64x1xf32> to vector<64x6xf32>
      %sub3A_132 = arith.subf %add3A_127, %sub3A_131 : vector<64x6xf32>
      %reduce_sum3A_133 = arith.constant dense<0.000000e+00> : vector<64xf32>
      %reduce_sum3A_134 = vector.multi_reduction <add>, %exp3A, %reduce_sum3A_133 [1] : vector<64x6xf32> to vector<64xf32>
      %broadcast_in_dim3A_135 = vector.shape_cast %reduce_sum3A_134 : vector<64xf32> to vector<64x1xf32>
      %log3A = math.log %broadcast_in_dim3A_135 : vector<64x1xf32>
      %sub3A_136 = vector.broadcast %log3A : vector<64x1xf32> to vector<64x6xf32>
      %sub3A_137 = arith.subf %sub3A_132, %sub3A_136 : vector<64x6xf32>
      %swap3A_138 = arith.constant 0 : index
      %swap3A_139 = arith.constant 0 : index
      %swap3A_140 = vector.load %arg9[%swap3A_138, %swap3A_139] : memref<64x6xf32, #tpu.memory_space<vmem>>, vector<64x6xf32>
      tpu.vector_store %arg9[%swap3A_138, %swap3A_139], %sub3A_137 {strides = array<i32>} : memref<64x6xf32, #tpu.memory_space<vmem>>, vector<64x6xf32>,
    } else {
    }
    return
  }
  func.func @transform_0(%arg0: i32) -> (i32, i32, i32) {
    %c0_i32 = arith.constant 0 : i32
    %c0_i32_0 = arith.constant 0 : i32
    %c0_i32_1 = arith.constant 0 : i32
    return %c0_i32, %arg0, %c0_i32_0 : i32, i32, i32
  }
  func.func @transform_1(%arg0: i32) -> (i32, i32, i32) {
    %c0_i32 = arith.constant 0 : i32
    %c0_i32_0 = arith.constant 0 : i32
    %c0_i32_1 = arith.constant 0 : i32
    return %c0_i32, %arg0, %c0_i32_0 : i32, i32, i32
  }
  func.func @transform_2(%arg0: i32) -> (i32, i32) {
    %c0_i32 = arith.constant 0 : i32
    %c0_i32_0 = arith.constant 0 : i32
    return %arg0, %c0_i32 : i32, i32
  }
  func.func @transform_3(%arg0: i32) -> (i32, i32) {
    %c0_i32 = arith.constant 0 : i32
    %c0_i32_0 = arith.constant 0 : i32
    %c0_i32_1 = arith.constant 0 : i32
    return %c0_i32, %c0_i32_0 : i32, i32
  }
  func.func @transform_4(%arg0: i32) -> (i32, i32, i32) {
    %c0_i32 = arith.constant 0 : i32
    %c0_i32_0 = arith.constant 0 : i32
    %c0_i32_1 = arith.constant 0 : i32
    return %arg0, %c0_i32, %c0_i32_0 : i32, i32, i32
  }
  func.func @transform_5(%arg0: i32) -> (i32, i32) {
    %c0_i32 = arith.constant 0 : i32
    %c0_i32_0 = arith.constant 0 : i32
    %c0_i32_1 = arith.constant 0 : i32
    return %c0_i32, %c0_i32_0 : i32, i32
  }
  func.func @transform_6(%arg0: i32) -> (i32, i32) {
    %c0_i32 = arith.constant 0 : i32
    %c0_i32_0 = arith.constant 0 : i32
    %c0_i32_1 = arith.constant 0 : i32
    return %c0_i32, %c0_i32_0 : i32, i32
  }
  func.func @transform_7(%arg0: i32) -> (i32, i32) {
    %c0_i32 = arith.constant 0 : i32
    %c0_i32_0 = arith.constant 0 : i32
    %c0_i32_1 = arith.constant 0 : i32
    return %c0_i32, %c0_i32_0 : i32, i32
  }
  func.func @transform_8(%arg0: i32) -> (i32, i32) {
    %c0_i32 = arith.constant 0 : i32
    %c0_i32_0 = arith.constant 0 : i32
    %c0_i32_1 = arith.constant 0 : i32
    return %c0_i32, %c0_i32_0 : i32, i32
  }
}

</mosaic_0001>

<sc_bundles>
// kernel: kernel.10.cloned.1.call-start
scs
__scs_entry_jumppad:
0x0: {  	(pc) =	sbr.rel $0x88, $3  }
0x1: {  	(tag) =	ssettag $0x0;
	lr =	simm.s32 $0x1  }
0x2: {  	[smem:$0x3F96] =	sst lr;
	_ =	strace $0xD0000000  }
0x3: {  	_ = 	snop  }
0x4: {  	_ = 	snop  }
0x5: {  	_ = 	snop  }
0x6: {  	_ = 	snop  }
0x7: {  	_ = 	snop  }
__scs_overlays_trampoline_lowered:
0x8: {  	[smem:$0x3FA5] =	sst s0  }
0x9: {  	[smem:$0x3FA6] =	sst s1  }
0xa: {  	[smem:$0x3FA7] =	sst s2  }
0xb: {  	[smem:$0x3FA8] =	sst s3  }
0xc: {  	[smem:$0x3FA9] =	sst s4  }
0xd: {  	[smem:$0x3FAA] =	sst s5  }
0xe: {  	[smem:$0x3FAB] =	sst s6  }
0xf: {  	[smem:$0x3FAC] =	sst s7  }
0x10: {  	[smem:$0x3FAD] =	sst s8  }
0x11: {  	[smem:$0x3FAE] =	sst s9;
	s0 =	simm.s32 @!p0 $0x0  }
0x12: {  	s1 =	sld [smem:$0x3F94];
	s0 =	simm.s32 @p0 $0x1  }
0x13: {  	[smem:$0x3FAF] =	sst s0;
	s0 =	simm.s32 @!p1 $0x0  }
0x14: {  	s2 =	sld [smem:$0x3F93];
	s0 =	simm.s32 @p1 $0x1  }
0x15: {  	[smem:$0x3FB0] =	sst s0;
	s0 =	simm.s32 @!p2 $0x0  }
0x16: {  	s3 =	sld [smem:$0x3FDB];
	s0 =	simm.s32 @p2 $0x1  }
0x17: {  	s4 =	simm.s32 $0x1BF5;
	[smem:$0x3FB2] =	sst s0  }
0x18: {  	s0 =	sld [smem:$0x3F95];
	_ =	swait.ge [sflag:s4], $0x0  }
0x19: {  	s7 =	sld [smem:$0x3F96]  }
0x1a: {  	s8 =	sadd.s32 $0xFFFFE003, lr  }
0x1b: {  	s9 =	sadd.s32 $0xFFFFFEF7, lr;
	s5 =	simm.s32 $0xFFFFFFFF;
	p2 =	slt.u32 s8, $0xFFFFF086  }
0x1c: {  	p1 =	slt.u32 s9, $0xF7A;
	s5 =	simm.s32 @!p2 $0x0  }
0x1d: {  	s5 =	simm.s32 @p1 $0x1;
	p0 =	seq.s32 s7, s2  }
0x1e: {  	s7 =	smul.u32 @!p0 $0xF7A, s2;
	p2 =	seq.s32 @!p0 s5, $0x0  }
0x1f: {  	s9 =	smul.u32 $0xF7A, s1;
	s8 =	simm.s32 @!p0 $0x1BF5;
	p2 =	por !p2, p0  }
0x20: {  	[sflag:s8] =	ssyncset.s32 @!p0 $0xFFFFF086;
	s6 =	sadd.s32 @!p0 s3, s7;
	s7 =	simm.s32 @!p0 $0x108  }
0x21: {  	s3 =	sadd.s32 s3, s9;
	s6 =	sadd.s32 @!p0 $0x88, s6;
	s7 =	simm.s32 @p2 $0x1082  }
0x22: {  	[simem:s7], [sflag:s8] =	dma.local @!p0 [hbm:s6], $0xF7A  }
0x23: {  	s9 =	sor.u32 $0xD0000000, s2;
	s6 =	simm.s32 $0x108;
	_ =	swait.ge @!p0 [sflag:s8], $0x0  }
0x24: {  	s3 =	sadd.s32 $0x88, s3;
	s6 =	simm.s32 @!p1 $0x1082;
	[sflag:s4] =	ssyncset.s32 $0xFFFFF086  }
0x25: {  	[simem:s6], [sflag:s4] =	dma.local [hbm:s3], $0xF7A  }
0x26: {  	[smem:$0x3F96] =	sst s1;
	(tag) =	ssettag s2;
	_ =	strace s9  }
0x27: {  	s1 =	sld [smem:$0x3FA6]  }
0x28: {  	s2 =	sld [smem:$0x3FA7]  }
0x29: {  	s4 =	sld [smem:$0x3FA9]  }
0x2a: {  	p0 =	seq.s32 s5, $0x0;
	s5 =	sld [smem:$0x3FAA]  }
0x2b: {  	s6 =	sld [smem:$0x3FAB]  }
0x2c: {  	s7 =	sld [smem:$0x3FAC]  }
0x2d: {  	s3 =	simm.s32 $0x108;
	s8 =	sld [smem:$0x3FAD]  }
0x2e: {  	s3 =	simm.s32 @!p0 $0x1082;
	s9 =	sld [smem:$0x3FAE]  }
0x2f: {  	lr =	sadd.s32 s0, s3;
	s0 =	sld [smem:$0x3FA5]  }
0x30: {  	s3 =	sld [smem:$0x3FA8]  }
0x31: {  	[smem:$0x3FB1] =	sst s10  }
0x32: {  	s10 =	sld [smem:$0x3FAF];
	_ =	sdelay $0x3  }
0x33: {  	p0 =	seq.s32 s10, $0x1;
	s10 =	sld [smem:$0x3FB1];
	_ =	sdelay $0x3  }
0x34: {  	[smem:$0x3FB1] =	sst s10  }
0x35: {  	s10 =	sld [smem:$0x3FB0];
	_ =	sdelay $0x3  }
0x36: {  	p1 =	seq.s32 s10, $0x1;
	s10 =	sld [smem:$0x3FB1];
	_ =	sdelay $0x3  }
0x37: {  	[smem:$0x3FB1] =	sst s10  }
0x38: {  	s10 =	sld [smem:$0x3FB2]  }
0x39: {  	_ = 	snop;
	(pc) =	sbr.ind lr, $3  }
0x3a: {  	_ = 	snop  }
0x3b: {  	_ = 	snop  }
0x3c: {  	p2 =	seq.s32 s10, $0x1;
	s10 =	sld [smem:$0x3FB1]  }
0x3d: {  	_ =	shalt  }
0x3e: {  	_ =	shalt  }
0x3f: {  	_ =	shalt  }
0x40: {  	_ =	shalt  }
0x41: {  	_ =	shalt  }
0x42: {  	_ =	shalt  }
0x43: {  	_ =	shalt  }
0x44: {  	_ =	shalt  }
0x45: {  	_ =	shalt  }
0x46: {  	_ =	shalt  }
0x47: {  	_ =	shalt  }
0x48: {  	_ =	shalt  }
0x49: {  	_ =	shalt  }
0x4a: {  	_ =	shalt  }
0x4b: {  	_ =	shalt  }
0x4c: {  	_ =	shalt  }
0x4d: {  	_ =	shalt  }
0x4e: {  	_ =	shalt  }
0x4f: {  	_ =	shalt  }
0x50: {  	_ =	shalt  }
0x51: {  	_ =	shalt  }
0x52: {  	_ =	shalt  }
0x53: {  	_ =	shalt  }
0x54: {  	_ =	shalt  }
0x55: {  	_ =	shalt  }
0x56: {  	_ =	shalt  }
0x57: {  	_ =	shalt  }
0x58: {  	_ =	shalt  }
0x59: {  	_ =	shalt  }
0x5a: {  	_ =	shalt  }
0x5b: {  	_ =	shalt  }
0x5c: {  	_ =	shalt  }
0x5d: {  	_ =	shalt  }
0x5e: {  	_ =	shalt  }
0x5f: {  	_ =	shalt  }
0x60: {  	_ =	shalt  }
0x61: {  	_ =	shalt  }
0x62: {  	_ =	shalt  }
0x63: {  	_ =	shalt  }
0x64: {  	_ =	shalt  }
0x65: {  	_ =	shalt  }
0x66: {  	_ =	shalt  }
0x67: {  	_ =	shalt  }
0x68: {  	_ =	shalt  }
0x69: {  	_ =	shalt  }
0x6a: {  	_ =	shalt  }
0x6b: {  	_ =	shalt  }
0x6c: {  	_ =	shalt  }
0x6d: {  	_ =	shalt  }
0x6e: {  	_ =	shalt  }
0x6f: {  	_ =	shalt  }
0x70: {  	_ =	shalt  }
0x71: {  	_ =	shalt  }
0x72: {  	_ =	shalt  }
0x73: {  	_ =	shalt  }
0x74: {  	_ =	shalt  }
0x75: {  	_ =	shalt  }
0x76: {  	_ =	shalt  }
0x77: {  	_ =	shalt  }
0x78: {  	_ =	shalt  }
0x79: {  	_ =	shalt  }
0x7a: {  	_ =	shalt  }
0x7b: {  	_ =	shalt  }
0x7c: {  	_ =	shalt  }
0x7d: {  	_ =	shalt  }
0x7e: {  	_ =	shalt  }
0x7f: {  	_ =	shalt  }
0x80: {  	_ =	shalt  }
0x81: {  	_ =	shalt  }
0x82: {  	_ =	shalt  }
0x83: {  	_ =	shalt  }
0x84: {  	_ =	shalt  }
0x85: {  	_ =	shalt  }
0x86: {  	_ =	shalt  }
0x87: {  	_ =	shalt  }
.Lfunc_end0:
.L_simem_size_0:
called_computation_lowered:
.L_overlay_start_0:
0x88: {  	s2 =	sld [smem:$0x3FD9]  }
0x89: {  	s3 =	sld [smem:$0x3FFE];
	_ =	sdelay $0x1  }
0x8a: {  	s1 =	srdreg.scid  }
0x8b: {  	s0 =	sand.u32 $0x1, s1  }
0x8c: {  	s14 =	sshll.u32 s0, $0xA;
	s2 =	sadd.s32 s3, s2  }
0x8d: {  	s2 =	sadd.s32 s2, s14  }
0x8e: {  	[smem:$0x3FBD] =	sst s2  }
0x8f: {  	_ = 	snop  }
0x90: {  	s2 =	sld [smem:$0x3FD0];
	_ =	sdelay $0x2  }
0x91: {  	s15 =	simm.s32 $0xA;
	s4 =	simm.s32 $0x10  }
0x92: {  	[smem:s4], [sflag:s15] =	dma.local [hbm:s2], $0x1  }
0x93: {  	_ =	swait.eq [sflag:s15], $0x1  }
0x94: {  	[sflag:s15] =	ssyncset.done $0x0  }
0x95: {  	[sflag:s15] =	ssyncadd.s32 $0xFFFFFFFF  }
0x96: {  	s16 =	sld [smem:$0x10];
	(tm) =	ssettm $0x1  }
0x97: {  	s17 =	sld [smem:$0x3FFB];
	_ =	sdelay $0x3  }
0x98: {  	_ =	strace s17  }
0x99: {  	s3 =	sld [smem:$0x3FFC];
	_ =	sdelay $0x3  }
0x9a: {  	_ =	strace s3  }
0x9b: {  	s3 =	sld [smem:$0x3FFD];
	_ =	sdelay $0x3  }
0x9c: {  	_ =	strace s3  }
0x9d: {  	_ =	strace $0x8FFFFFFF  }
0x9e: {  	s18 =	sld [smem:$0x3FDB];
	_ =	sdelay $0x1  }
0x9f: {  	s19 =	simm.s32 $_scs_section_size  }
0xa0: {  	s5 =	simm.s32 $_size__tile_overlayer_lowered;
	s6 =	simm.s32 $_tile_overlayer_lowered  }
0xa1: {  	s22 =	simm.s32 $0x1BFF;
	s21 =	sshll.u32 s6, $0x1;
	s3 =	sadd.s32 s19, s18  }
0xa2: {  	s7 =	simm.s32 $0x0;
	s20 =	sshll.u32 s5, $0x1;
	s5 =	sadd.s32 s21, s3  }
0xa3: {  	[timem:s7], [sflag:s22] =	dma.local [hbm:s5], s20  }
0xa4: {  	_ =	swait.ge [sflag:s22], s20  }
0xa5: {  	s4 =	ssub.s32 $0x0, s20;
	[sflag:s22] =	ssyncset.done $0x0  }
0xa6: {  	[sflag:s22] =	ssyncadd.s32 s4;
	_ =	sdelay $0x1  }
0xa7: {  	s23 =	simm.s32 $0x1B8B  }
0xa8: {  	_ =	swait.ge [sflag:s23], $0x1  }
0xa9: {  	[sflag:s23] =	ssyncset.done $0x0  }
0xaa: {  	s25 =	simm.s32 $0x1B8E;
	s24 =	sld [smem:$0x3FFE];
	[sflag:s23] =	ssyncadd.s32 $0xFFFFFFFF  }
0xab: {  	s26 =	simm.s32 $execute0_lowered;
	[smem:$0x3FD2] =	sst s25  }
0xac: {  	s5 =	sshll.u32 s26, $0x1;
	_ =	strace $0x80000046;
	[dreg:$0x1] =	wrdreg $0xFFFFFFFF  }
0xad: {  	s28 =	simm.s32 $_size_execute0_lowered;
	s3 =	sadd.s32 s3, s5;
	[dreg:$0x0] =	wrdreg $0x0  }
0xae: {  	s5 =	sshll.u32 s28, $0x1;
	[dreg:$0x2] =	wrdreg s3  }
0xaf: {  	[dreg:$0x3] =	wrdreg s5  }
0xb0: {  	[dreg:$0x4] =	wrdreg $0xC0  }
0xb1: {  	_ =	task [dreg:s7], $0x5FFFF  }
0xb2: {  	[dreg:$0x1] =	wrdreg $0xFFFFFFFF  }
0xb3: {  	[dreg:$0x0] =	wrdreg $0x60  }
0xb4: {  	[dreg:$0x2] =	wrdreg s24  }
0xb5: {  	[dreg:$0x3] =	wrdreg s16  }
0xb6: {  	[dreg:$0x4] =	wrdreg $0x40800  }
0xb7: {  	[dreg:$0x5] =	wrdreg $0x9  }
0xb8: {  	_ =	task.clear_ibuf [dreg:s7], $0x6FFFF;
	_ =	strace $0x90000046  }
0xb9: {  	s29 =	simm.s32 $0x9;
	_ =	strace $0x80000048  }
0xba: {  	_ =	swait.ge [sflag:s29], $0x1  }
0xbb: {  	[sflag:s29] =	ssyncadd.s32 $0xFFFFFFFF  }
0xbc: {  	_ =	strace $0x90000048  }
0xbd: {  	_ =	sfence  }
0xbe: {  	s30 =	sld [smem:$0x0];
	_ =	sdelay $0x2  }
0xbf: {  	s31 =	sshll.u32 s1, $0xD;
	s1 =	sshrl.u32 s1, $0x2  }
0xc0: {  	s3 =	sand.u32 $0x4000, s31;
	s1 =	sadd.s32 s1, s30  }
0xc1: {  	s0 =	sor.u32 s3, s0;
	s1 =	sshll.u32 s1, $0x11  }
0xc2: {  	s0 =	sor.u32 s1, s0  }
0xc3: {  	s0 =	sadd.s32 $0x8F2B, s0  }
0xc4: {  	[sflag:s0] =	ssyncadd.remote.s32 $0x1  }
0xc5: {  	_ =	sfence.sel $0xFFFF  }
0xc6: {  	[dreg:$0x0] =	wrdreg $0xFFFFFFFF;
	(pc) =	sbr.abs _section_cstart, $3  }
0xc7: {  	[dreg:$0x1] =	wrdreg $0xFFFFFFFF  }
0xc8: {  	_ =	task.clear_ibuf [dreg:s7], $0x2FFFF;
	_ =	strace $0x9FFFFFFF  }
0xc9: {  	(tm) =	ssettm $0x7FFFFFFF  }
tec
execute0_lowered:
.L_overlay_start_1:
0x0: {  	(tag) =	ssettag $0x1  }
0x1: {  	s7 =	rddreg [dreg:$0x0]  }
0x2: {  	s2 =	rddreg [dreg:$0x1]  }
0x3: {  	s0 =	srdreg.scid;
	s3 =	rddreg [dreg:$0x2]  }
0x4: {  	s1 =	stileid.u32;
	s4 =	simm.s32 $0x0;
	s14 =	simm.s32 $0x0  }
0x5: {  	s8 =	sand.u32 $0x1, s0;
	s0 =	rddreg [dreg:$0x3];
	s6 =	smul.u32 $0x13C00, s1  }
0x6: {  	[smem:$0x7FF] =	sst s4;
	s10 =	smul.u32 $0x4F000, s1;
	s12 =	sshll.u32 s1, $0x1  }
0x7: {  	s31 =	sshll.u32 s1, $0x6;
	s5 =	smul.u32 $0x13C000, s8;
	_ =	strace $0x80000047  }
0x8: {  	s29 =	ssub.s32 $0x2, s8;
	s30 =	sor.u32 s8, s12;
	s12 =	sor.u32 $0x1C01, s31  }
0x9: {  	s11 =	sshrl.u32 s29, $0x1;
	s10 =	sshrl.u32 s10, $0x2;
	s6 =	sadd.s32 s6, s5  }
0xa: {  	s5 =	sadd.s32 $0x2A00, s7;
	s11 =	ssub.s32 s29, s11;
	s13 =	sadd.s32 s10, s3  }
0xb: {  	s10 =	simm.s32 $0x80;
	s9 =	sshrl.u32 s6, $0x3;
	s6 =	sadd.s32 $0x7A00, s7  }
0xc: {  	s13 =	sshrl.u32 s13, $0x3;
	s9 =	sadd.s32 s9, s7;
	s7 =	smul.u32 $0x1400, s30  }
0xd: {  	s8 =	sadd.s32 $0xA200, s9;
	s9 =	smax.u32 s11, $0x1;
	s11 =	simm.s32 $0x1  }
.LBB2_1:
0xe: {  	[tilespmem:s10], [sflag:$0x1] =	stream.linear.gather [hbm4b:s2+s4], $0x4000, $0x38;
	[tilespmem:$0x17C80] =	vst v63  }
0xf: {  	_ =	swait.ge [sflag:s11], $0x4000  }
0x10: {  	[sflag:s11] =	ssyncset.done $0x0  }
0x11: {  	s15 =	sand.u32 $0x1C00, s4;
	[sflag:s11] =	ssyncadd.s32 $0xFFFFC000  }
0x12: {  	[spmem:s13], [sflag:s12] =	dma.local [hbm:s6], $0x2780  }
0x13: {  	s16 =	sand.u32 $0x380, s4;
	s15 =	sadd.s32 s7, s15;
	_ =	swait.ge [sflag:s11], $0x2780  }
0x14: {  	s15 =	sor.u32 s16, s15;
	[sflag:s11] =	ssyncset.done $0x0  }
0x15: {  	s15 =	sshrl.u32 s15, $0x3;
	[sflag:s11] =	ssyncadd.s32 $0xFFFFD880  }
0x16: {  	s15 =	sadd.s32 s5, s15;
	[bflag:$0x0] =	sbarrier.arrive $0xFFFF  }
0x17: {  	[tilespmem:s4], [sflag:$0x1] =	stream.linear.gather [hbm4b:s15+s4], $0x80, $0x38;
	[tilespmem:$0x17C80] =	vst v63  }
0x18: {  	_ =	swait.ge [sflag:s11], $0x80  }
0x19: {  	s30 =	simm.s32 $0x80;
	[sflag:s11] =	ssyncset.done $0x0  }
0x1a: {  	s31 =	sand.u32 $0x1C00, s30;
	[sflag:s11] =	ssyncadd.s32 $0xFFFFFF80  }
0x1b: {  	[spmem:s3] =	stream.indirect.scatter.add.f32 [tilespmem:s10], [sflag:$0x1], $0x80, s4, s10, $0xb8;
	[tilespmem:$0x17C80] =	vst v63  }
0x1c: {  	s17 =	sand.u32 $0x380, s30;
	s16 =	sadd.s32 s7, s31;
	_ =	swait.ge [sflag:s11], $0x4000  }
0x1d: {  	s16 =	sor.u32 s17, s16;
	s15 =	simm.s32 $0x100;
	[sflag:s11] =	ssyncset.done $0x0  }
.LBB2_2:
0x1e: {  	s16 =	sshrl.u32 s16, $0x3  }
0x1f: {  	[sflag:s11] =	ssyncadd.s32 $0xFFFFC000;
	s17 =	smov.u32 s15;
	s18 =	sadd.s32 $0x80, s15  }
0x20: {  	p0 =	sne.s32 s15, $0x1380;
	s15 =	sadd.s32 s5, s16  }
0x21: {  	[tilespmem:s4], [sflag:$0x1] =	stream.linear.gather [hbm4b:s15+s4], $0x80, $0x38;
	[tilespmem:$0x17C80] =	vst v63  }
0x22: {  	_ =	swait.ge [sflag:s11], $0x80  }
.Ltmp0:
0x23: {  	[sflag:s11] =	ssyncset.done $0x0;
	(pc) =	sbr.rel @p0 .LBB2_2-.Ltmp0, $4  }
0x24: {  	s15 =	sand.u32 $0x1C00, s17;
	[sflag:s11] =	ssyncadd.s32 $0xFFFFFF80  }
0x25: {  	[spmem:s3] =	stream.indirect.scatter.add.f32 [tilespmem:s10], [sflag:$0x1], $0x80, s4, s10, $0xb8;
	[tilespmem:$0x17C80] =	vst v63  }
0x26: {  	s16 =	sand.u32 $0x380, s17;
	s15 =	sadd.s32 s7, s15;
	_ =	swait.ge [sflag:s11], $0x4000  }
0x27: {  	s16 =	sor.u32 s16, s15;
	s15 =	smov.u32 s18;
	[sflag:s11] =	ssyncset.done $0x0  }
0x28: {  	s15 =	sshrl.u32 s16, $0x3  }
0x29: {  	[sflag:s11] =	ssyncadd.s32 $0xFFFFC000;
	s15 =	sadd.s32 s5, s15  }
0x2a: {  	[tilespmem:s4], [sflag:$0x1] =	stream.linear.gather [hbm4b:s15+s4], $0x80, $0x38;
	[tilespmem:$0x17C80] =	vst v63  }
0x2b: {  	_ =	swait.ge [sflag:s11], $0x80  }
0x2c: {  	[sflag:s11] =	ssyncset.done $0x0  }
0x2d: {  	[sflag:s11] =	ssyncadd.s32 $0xFFFFFF80  }
0x2e: {  	[spmem:s3] =	stream.indirect.scatter.add.f32 [tilespmem:s10], [sflag:$0x1], $0x80, s4, s10, $0xb8;
	[tilespmem:$0x17C80] =	vst v63  }
0x2f: {  	_ =	swait.ge [sflag:s11], $0x4000  }
0x30: {  	s14 =	sadd.s32 $0x1, s14;
	[sflag:s11] =	ssyncset.done $0x0  }
0x31: {  	p0 =	sne.s32 s14, s9;
	[sflag:s11] =	ssyncadd.s32 $0xFFFFC000  }
.Ltmp1:
0x32: {  	[bflag:$0x0] =	sbarrier.arrive $0xFFFF;
	(pc) =	sbr.rel @p0 .LBB2_1-.Ltmp1, $4  }
0x33: {  	[hbm:s8], [sflag:s12] =	dma.local [spmem:s13], $0x2780  }
0x34: {  	_ =	swait.ge [sflag:s11], $0x2780  }
0x35: {  	[sflag:s11] =	ssyncset.done $0x0  }
0x36: {  	[sflag:s11] =	ssyncadd.s32 $0xFFFFD880  }
0x37: {  	_ =	sfence.sel $0x180000  }
0x38: {  	[bflag:$0x0] =	sbarrier.arrive $0xFFFF  }
0x39: {  	p0 =	sne.s32 s1, $0x0;
	_ =	strace $0x90000047  }
0x3a: {  	s0 =	sadd.s32 @!p0 $0x100000, s0;
	[bflag:$0x2] =	sbarrier.arrive $0xFFFF  }
0x3b: {  	[sflag:s0] =	ssyncadd.tile.s32 @!p0 $0x1;
	_ =	shalt  }
.Lfunc_end2:
_tile_overlayer_lowered:
.L_overlay_start_2:
0x3c: {  	(tag) =	ssettag $0x2  }
0x3d: {  	s0 =	rddreg [dreg:$0x0];
	s2 =	stileid.u32  }
0x3e: {  	s1 =	rddreg [dreg:$0x1];
	p0 =	sne.s32 s2, $0x0  }
0x3f: {  	s3 =	rddreg [dreg:$0x2];
	[bflag:$0x3] =	sbarrier.arrive $0xFFFF;
	s2 =	simm.s32 @!p0 $0x1C01  }
0x40: {  	[timem:s3], [sflag:s2] =	dma.local @!p0 [hbm:s0], s1  }
0x41: {  	s0 =	simm.s32 @!p0 $0x1  }
0x42: {  	_ =	swait.ge @!p0 [sflag:s0], s1  }
0x43: {  	s1 =	ssub.s32 @!p0 $0x0, s1;
	[sflag:s0] =	ssyncset.done @!p0 $0x0  }
0x44: {  	[sflag:s0] =	ssyncadd.s32 @!p0 s1  }
0x45: {  	[bflag:$0x3] =	sbarrier.arrive $0xFFFF  }
0x46: {  	_ =	shalt  }

// kernel: kernel.13.cloned.1.call-start
scs
__scs_entry_jumppad:
0x0: {  	(pc) =	sbr.rel $0x88, $3  }
0x1: {  	(tag) =	ssettag $0x0;
	lr =	simm.s32 $0x1  }
0x2: {  	[smem:$0x3F96] =	sst lr;
	_ =	strace $0xD0000000  }
0x3: {  	_ = 	snop  }
0x4: {  	_ = 	snop  }
0x5: {  	_ = 	snop  }
0x6: {  	_ = 	snop  }
0x7: {  	_ = 	snop  }
__scs_overlays_trampoline_lowered:
0x8: {  	[smem:$0x3FA5] =	sst s0  }
0x9: {  	[smem:$0x3FA6] =	sst s1  }
0xa: {  	[smem:$0x3FA7] =	sst s2  }
0xb: {  	[smem:$0x3FA8] =	sst s3  }
0xc: {  	[smem:$0x3FA9] =	sst s4  }
0xd: {  	[smem:$0x3FAA] =	sst s5  }
0xe: {  	[smem:$0x3FAB] =	sst s6  }
0xf: {  	[smem:$0x3FAC] =	sst s7  }
0x10: {  	[smem:$0x3FAD] =	sst s8  }
0x11: {  	[smem:$0x3FAE] =	sst s9;
	s0 =	simm.s32 @!p0 $0x0  }
0x12: {  	s1 =	sld [smem:$0x3F94];
	s0 =	simm.s32 @p0 $0x1  }
0x13: {  	[smem:$0x3FAF] =	sst s0;
	s0 =	simm.s32 @!p1 $0x0  }
0x14: {  	s2 =	sld [smem:$0x3F93];
	s0 =	simm.s32 @p1 $0x1  }
0x15: {  	[smem:$0x3FB0] =	sst s0;
	s0 =	simm.s32 @!p2 $0x0  }
0x16: {  	s3 =	sld [smem:$0x3FDB];
	s0 =	simm.s32 @p2 $0x1  }
0x17: {  	s4 =	simm.s32 $0x1BF5;
	[smem:$0x3FB2] =	sst s0  }
0x18: {  	s0 =	sld [smem:$0x3F95];
	_ =	swait.ge [sflag:s4], $0x0  }
0x19: {  	s7 =	sld [smem:$0x3F96]  }
0x1a: {  	s8 =	sadd.s32 $0xFFFFE003, lr  }
0x1b: {  	s9 =	sadd.s32 $0xFFFFFEF7, lr;
	s5 =	simm.s32 $0xFFFFFFFF;
	p2 =	slt.u32 s8, $0xFFFFF086  }
0x1c: {  	p1 =	slt.u32 s9, $0xF7A;
	s5 =	simm.s32 @!p2 $0x0  }
0x1d: {  	s5 =	simm.s32 @p1 $0x1;
	p0 =	seq.s32 s7, s2  }
0x1e: {  	s7 =	smul.u32 @!p0 $0xF7A, s2;
	p2 =	seq.s32 @!p0 s5, $0x0  }
0x1f: {  	s9 =	smul.u32 $0xF7A, s1;
	s8 =	simm.s32 @!p0 $0x1BF5;
	p2 =	por !p2, p0  }
0x20: {  	[sflag:s8] =	ssyncset.s32 @!p0 $0xFFFFF086;
	s6 =	sadd.s32 @!p0 s3, s7;
	s7 =	simm.s32 @!p0 $0x108  }
0x21: {  	s3 =	sadd.s32 s3, s9;
	s6 =	sadd.s32 @!p0 $0x88, s6;
	s7 =	simm.s32 @p2 $0x1082  }
0x22: {  	[simem:s7], [sflag:s8] =	dma.local @!p0 [hbm:s6], $0xF7A  }
0x23: {  	s9 =	sor.u32 $0xD0000000, s2;
	s6 =	simm.s32 $0x108;
	_ =	swait.ge @!p0 [sflag:s8], $0x0  }
0x24: {  	s3 =	sadd.s32 $0x88, s3;
	s6 =	simm.s32 @!p1 $0x1082;
	[sflag:s4] =	ssyncset.s32 $0xFFFFF086  }
0x25: {  	[simem:s6], [sflag:s4] =	dma.local [hbm:s3], $0xF7A  }
0x26: {  	[smem:$0x3F96] =	sst s1;
	(tag) =	ssettag s2;
	_ =	strace s9  }
0x27: {  	s1 =	sld [smem:$0x3FA6]  }
0x28: {  	s2 =	sld [smem:$0x3FA7]  }
0x29: {  	s4 =	sld [smem:$0x3FA9]  }
0x2a: {  	p0 =	seq.s32 s5, $0x0;
	s5 =	sld [smem:$0x3FAA]  }
0x2b: {  	s6 =	sld [smem:$0x3FAB]  }
0x2c: {  	s7 =	sld [smem:$0x3FAC]  }
0x2d: {  	s3 =	simm.s32 $0x108;
	s8 =	sld [smem:$0x3FAD]  }
0x2e: {  	s3 =	simm.s32 @!p0 $0x1082;
	s9 =	sld [smem:$0x3FAE]  }
0x2f: {  	lr =	sadd.s32 s0, s3;
	s0 =	sld [smem:$0x3FA5]  }
0x30: {  	s3 =	sld [smem:$0x3FA8]  }
0x31: {  	[smem:$0x3FB1] =	sst s10  }
0x32: {  	s10 =	sld [smem:$0x3FAF];
	_ =	sdelay $0x3  }
0x33: {  	p0 =	seq.s32 s10, $0x1;
	s10 =	sld [smem:$0x3FB1];
	_ =	sdelay $0x3  }
0x34: {  	[smem:$0x3FB1] =	sst s10  }
0x35: {  	s10 =	sld [smem:$0x3FB0];
	_ =	sdelay $0x3  }
0x36: {  	p1 =	seq.s32 s10, $0x1;
	s10 =	sld [smem:$0x3FB1];
	_ =	sdelay $0x3  }
0x37: {  	[smem:$0x3FB1] =	sst s10  }
0x38: {  	s10 =	sld [smem:$0x3FB2]  }
0x39: {  	_ = 	snop;
	(pc) =	sbr.ind lr, $3  }
0x3a: {  	_ = 	snop  }
0x3b: {  	_ = 	snop  }
0x3c: {  	p2 =	seq.s32 s10, $0x1;
	s10 =	sld [smem:$0x3FB1]  }
0x3d: {  	_ =	shalt  }
0x3e: {  	_ =	shalt  }
0x3f: {  	_ =	shalt  }
0x40: {  	_ =	shalt  }
0x41: {  	_ =	shalt  }
0x42: {  	_ =	shalt  }
0x43: {  	_ =	shalt  }
0x44: {  	_ =	shalt  }
0x45: {  	_ =	shalt  }
0x46: {  	_ =	shalt  }
0x47: {  	_ =	shalt  }
0x48: {  	_ =	shalt  }
0x49: {  	_ =	shalt  }
0x4a: {  	_ =	shalt  }
0x4b: {  	_ =	shalt  }
0x4c: {  	_ =	shalt  }
0x4d: {  	_ =	shalt  }
0x4e: {  	_ =	shalt  }
0x4f: {  	_ =	shalt  }
0x50: {  	_ =	shalt  }
0x51: {  	_ =	shalt  }
0x52: {  	_ =	shalt  }
0x53: {  	_ =	shalt  }
0x54: {  	_ =	shalt  }
0x55: {  	_ =	shalt  }
0x56: {  	_ =	shalt  }
0x57: {  	_ =	shalt  }
0x58: {  	_ =	shalt  }
0x59: {  	_ =	shalt  }
0x5a: {  	_ =	shalt  }
0x5b: {  	_ =	shalt  }
0x5c: {  	_ =	shalt  }
0x5d: {  	_ =	shalt  }
0x5e: {  	_ =	shalt  }
0x5f: {  	_ =	shalt  }
0x60: {  	_ =	shalt  }
0x61: {  	_ =	shalt  }
0x62: {  	_ =	shalt  }
0x63: {  	_ =	shalt  }
0x64: {  	_ =	shalt  }
0x65: {  	_ =	shalt  }
0x66: {  	_ =	shalt  }
0x67: {  	_ =	shalt  }
0x68: {  	_ =	shalt  }
0x69: {  	_ =	shalt  }
0x6a: {  	_ =	shalt  }
0x6b: {  	_ =	shalt  }
0x6c: {  	_ =	shalt  }
0x6d: {  	_ =	shalt  }
0x6e: {  	_ =	shalt  }
0x6f: {  	_ =	shalt  }
0x70: {  	_ =	shalt  }
0x71: {  	_ =	shalt  }
0x72: {  	_ =	shalt  }
0x73: {  	_ =	shalt  }
0x74: {  	_ =	shalt  }
0x75: {  	_ =	shalt  }
0x76: {  	_ =	shalt  }
0x77: {  	_ =	shalt  }
0x78: {  	_ =	shalt  }
0x79: {  	_ =	shalt  }
0x7a: {  	_ =	shalt  }
0x7b: {  	_ =	shalt  }
0x7c: {  	_ =	shalt  }
0x7d: {  	_ =	shalt  }
0x7e: {  	_ =	shalt  }
0x7f: {  	_ =	shalt  }
0x80: {  	_ =	shalt  }
0x81: {  	_ =	shalt  }
0x82: {  	_ =	shalt  }
0x83: {  	_ =	shalt  }
0x84: {  	_ =	shalt  }
0x85: {  	_ =	shalt  }
0x86: {  	_ =	shalt  }
0x87: {  	_ =	shalt  }
.Lfunc_end0:
.L_simem_size_0:
called_computation.1_lowered:
.L_overlay_start_0:
0x88: {  	s2 =	sld [smem:$0x3FD9]  }
0x89: {  	s3 =	sld [smem:$0x3FFE];
	_ =	sdelay $0x1  }
0x8a: {  	s1 =	srdreg.scid  }
0x8b: {  	s0 =	sand.u32 $0x1, s1  }
0x8c: {  	s16 =	sshll.u32 s0, $0xA;
	s2 =	sadd.s32 s3, s2  }
0x8d: {  	s2 =	sadd.s32 s2, s16  }
0x8e: {  	[smem:$0x3FBD] =	sst s2  }
0x8f: {  	_ = 	snop  }
0x90: {  	(tm) =	ssettm $0x1  }
0x91: {  	s17 =	sld [smem:$0x3FFB];
	_ =	sdelay $0x3  }
0x92: {  	_ =	strace s17  }
0x93: {  	s2 =	sld [smem:$0x3FFC];
	_ =	sdelay $0x3  }
0x94: {  	_ =	strace s2  }
0x95: {  	s2 =	sld [smem:$0x3FFD];
	_ =	sdelay $0x3  }
0x96: {  	_ =	strace s2  }
0x97: {  	_ =	strace $0x8FFFFFFF  }
0x98: {  	s18 =	sld [smem:$0x3FDB];
	_ =	sdelay $0x1  }
0x99: {  	s19 =	simm.s32 $_scs_section_size  }
0x9a: {  	s4 =	simm.s32 $_size__tile_overlayer_lowered;
	s5 =	simm.s32 $_tile_overlayer_lowered  }
0x9b: {  	s22 =	simm.s32 $0x1BFF;
	s21 =	sshll.u32 s5, $0x1;
	s2 =	sadd.s32 s19, s18  }
0x9c: {  	s6 =	simm.s32 $0x0;
	s20 =	sshll.u32 s4, $0x1;
	s4 =	sadd.s32 s21, s2  }
0x9d: {  	[timem:s6], [sflag:s22] =	dma.local [hbm:s4], s20  }
0x9e: {  	_ =	swait.ge [sflag:s22], s20  }
0x9f: {  	s3 =	ssub.s32 $0x0, s20;
	[sflag:s22] =	ssyncset.done $0x0  }
0xa0: {  	[sflag:s22] =	ssyncadd.s32 s3;
	_ =	sdelay $0x1  }
0xa1: {  	s23 =	simm.s32 $0x1B8B  }
0xa2: {  	_ =	swait.ge [sflag:s23], $0x1  }
0xa3: {  	[sflag:s23] =	ssyncset.done $0x0  }
0xa4: {  	s25 =	simm.s32 $0x1B8E;
	s24 =	sld [smem:$0x3FFE];
	[sflag:s23] =	ssyncadd.s32 $0xFFFFFFFF  }
0xa5: {  	s26 =	simm.s32 $execute0_lowered;
	[smem:$0x3FD2] =	sst s25  }
0xa6: {  	s4 =	sshll.u32 s26, $0x1;
	_ =	strace $0x80000049;
	[dreg:$0x1] =	wrdreg $0xFFFFFFFF  }
0xa7: {  	s28 =	simm.s32 $_size_execute0_lowered;
	s2 =	sadd.s32 s2, s4;
	[dreg:$0x0] =	wrdreg $0x0  }
0xa8: {  	s4 =	sshll.u32 s28, $0x1;
	[dreg:$0x2] =	wrdreg s2  }
0xa9: {  	[dreg:$0x3] =	wrdreg s4  }
0xaa: {  	[dreg:$0x4] =	wrdreg $0xC0  }
0xab: {  	_ =	task [dreg:s6], $0x5FFFF  }
0xac: {  	[dreg:$0x1] =	wrdreg $0xFFFFFFFF  }
0xad: {  	[dreg:$0x0] =	wrdreg $0x60  }
0xae: {  	[dreg:$0x2] =	wrdreg s24  }
0xaf: {  	[dreg:$0x3] =	wrdreg $0xB0000  }
0xb0: {  	[dreg:$0x4] =	wrdreg $0x9  }
0xb1: {  	_ =	task.clear_ibuf [dreg:s6], $0x5FFFF;
	_ =	strace $0x90000049  }
0xb2: {  	s29 =	simm.s32 $0x9;
	_ =	strace $0x8000004B  }
0xb3: {  	_ =	swait.ge [sflag:s29], $0x1  }
0xb4: {  	[sflag:s29] =	ssyncadd.s32 $0xFFFFFFFF  }
0xb5: {  	_ =	strace $0x9000004B  }
0xb6: {  	_ =	sfence  }
0xb7: {  	s30 =	sld [smem:$0x0];
	_ =	sdelay $0x2  }
0xb8: {  	s31 =	sshll.u32 s1, $0xD;
	s1 =	sshrl.u32 s1, $0x2  }
0xb9: {  	s3 =	sand.u32 $0x4000, s31;
	s1 =	sadd.s32 s1, s30  }
0xba: {  	s0 =	sor.u32 s3, s0;
	s1 =	sshll.u32 s1, $0x11  }
0xbb: {  	s0 =	sor.u32 s1, s0  }
0xbc: {  	s0 =	sadd.s32 $0x8F2B, s0  }
0xbd: {  	[sflag:s0] =	ssyncadd.remote.s32 $0x1  }
0xbe: {  	_ =	sfence.sel $0xFFFF  }
0xbf: {  	[dreg:$0x0] =	wrdreg $0xFFFFFFFF;
	(pc) =	sbr.abs _section_cstart, $3  }
0xc0: {  	[dreg:$0x1] =	wrdreg $0xFFFFFFFF  }
0xc1: {  	_ =	task.clear_ibuf [dreg:s6], $0x2FFFF;
	_ =	strace $0x9FFFFFFF  }
0xc2: {  	(tm) =	ssettm $0x7FFFFFFF  }
0xc3: {  	_ =	shalt  }
tec
execute0_lowered:
.L_overlay_start_1:
0x0: {  	(tag) =	ssettag $0x1  }
0x1: {  	s0 =	rddreg [dreg:$0x0]  }
0x2: {  	s2 =	rddreg [dreg:$0x1];
	s16 =	stileid.u32;
	s3 =	simm.s32 $0x0  }
0x3: {  	s6 =	srdreg.scid;
	s14 =	simm.s32 $0x2800;
	s15 =	simm.s32 $0x9  }
0x4: {  	s28 =	simm.s32 $0x2830;
	s29 =	simm.s32 $0x5;
	s30 =	simm.s32 $0x3  }
0x5: {  	s31 =	simm.s32 $0x6;
	s1 =	sshrl.u32 s16, $0x3;
	[smem:$0x7FF] =	sst s3  }
0x6: {  	s17 =	sshll.u32 s16, $0x7;
	s4 =	sadd.s32 $0x72200, s0;
	s12 =	smul.u32 $0x4F000, s16  }
0x7: {  	s7 =	sadd.s32 $0x5E200, s0;
	s6 =	sand.u32 $0x1, s6;
	s18 =	smul.u32 $0x13C00, s16  }
0x8: {  	s26 =	sshll.u32 s16, $0x6;
	s1 =	smul.u32 $0x14000, s1;
	_ =	strace $0x8000004A  }
0x9: {  	s3 =	sand.u32 $0x380, s17;
	s9 =	ssub.s32 $0x2, s6;
	s10 =	smul.u32 $0x28000, s6  }
0xa: {  	s13 =	smul.u32 $0x13C000, s6;
	s6 =	sor.u32 $0x2, s6;
	s16 =	sor.u32 $0x1C09, s26  }
0xb: {  	s26 =	simm.s32 $0x2;
	s11 =	sshrl.u32 s9, $0x1;
	s20 =	smul.u32 $0x28000, s6  }
0xc: {  	s12 =	sshrl.u32 s12, $0x2;
	s6 =	smul.u32 $0x13C000, s6;
	s5 =	sor.u32 s3, s1  }
0xd: {  	s9 =	ssub.s32 s9, s11;
	s10 =	sadd.s32 s10, s1;
	s21 =	sadd.s32 s12, s2  }
0xe: {  	s22 =	sadd.s32 s18, s13;
	s12 =	simm.s32 $0x80;
	s13 =	simm.s32 $0x400  }
0xf: {  	s5 =	sshrl.u32 s5, $0x3;
	s19 =	sor.u32 s3, s10;
	s1 =	sadd.s32 s1, s20  }
0x10: {  	s23 =	sadd.s32 s18, s6;
	s24 =	sshrl.u32 s22, $0x3;
	s25 =	smax.u32 s9, $0x1  }
0x11: {  	s17 =	sshrl.u32 s21, $0x3;
	s18 =	simm.s32 $0x30;
	s20 =	simm.s32 $0x6800  }
0x12: {  	s21 =	simm.s32 $0x60;
	s22 =	simm.s32 $0x8000;
	s8 =	sadd.s32 s5, s0  }
0x13: {  	s5 =	sadd.s32 $0x7A00, s0;
	s0 =	sadd.s32 $0x10E600, s0;
	s1 =	sor.u32 s3, s1  }
0x14: {  	s3 =	sshrl.u32 s23, $0x3;
	[dreg:$0x8] =	wrdreg s25;
	s23 =	simm.s32 $0x1  }
0x15: {  	s25 =	simm.s32 $0x9800;
	s8 =	sadd.s32 $0x59200, s8;
	s1 =	sshrl.u32 s1, $0x3  }
0x16: {  	s6 =	sadd.s32 s0, s24;
	s0 =	sadd.s32 s0, s3;
	[dreg:$0x3] =	wrdreg s8  }
0x17: {  	s24 =	simm.s32 $0x90;
	s3 =	simm.s32 $0x8;
	[dreg:$0x5] =	wrdreg s6  }
0x18: {  	s8 =	sshrl.u32 s19, $0x3;
	s1 =	sadd.s32 s7, s1;
	[dreg:$0x7] =	wrdreg s0  }
0x19: {  	s19 =	simm.s32 $0x5000;
	s0 =	simm.s32 $0x4;
	s6 =	simm.s32 $0x4F60  }
0x1a: {  	s8 =	sadd.s32 s7, s8;
	[dreg:$0x6] =	wrdreg s1;
	s1 =	simm.s32 $0x7  }
0x1b: {  	s7 =	simm.s32 $0x4F90;
	[dreg:$0x4] =	wrdreg s8;
	s8 =	simm.s32 $0x0  }
.LBB2_1:
0x1c: {  	s9 =	rddreg [dreg:$0x3]  }
0x1d: {  	[tilespmem:s14], [sflag:$0x9] =	stream.strided.gather [hbm4b:s9+s12], $0x2800, s13, s12, $0x38;
	[tilespmem:$0x1EC00] =	vst v63  }
0x1e: {  	_ =	swait.ge [sflag:s15], $0x2800  }
0x1f: {  	[sflag:s15] =	ssyncset.done $0x0  }
0x20: {  	s11 =	simm.s32 $0x0;
	s10 =	rddreg [dreg:$0x4];
	[sflag:s15] =	ssyncadd.s32 $0xFFFFD800  }
0x21: {  	[tilespmem:s11], [sflag:$0x9] =	stream.strided.gather [hbm4b:s10+s12], $0x2800, s13, s12, $0x38;
	[tilespmem:$0x1EC00] =	vst v63  }
0x22: {  	_ =	swait.ge [sflag:s15], $0x2800  }
0x23: {  	[sflag:s15] =	ssyncset.done $0x0  }
0x24: {  	[sflag:s15] =	ssyncadd.s32 $0xFFFFD800  }
0x25: {  	[spmem:s17], [sflag:s16] =	dma.local [hbm:s5], $0x2780  }
0x26: {  	_ =	swait.ge [sflag:s15], $0x2780  }
0x27: {  	[sflag:s15] =	ssyncset.done $0x0  }
0x28: {  	[sflag:s15] =	ssyncadd.s32 $0xFFFFD880  }
0x29: {  	[bflag:$0x0] =	sbarrier.arrive $0xFFFF  }
0x2a: {  	[tilespmem:s19], [sflag:$0x1] =	stream.indirect.gather [hbm4b:s4+s18], $0x80, s11, s18, $0xb8;
	[tilespmem:$0x1EC00] =	vst v63  }
0x2b: {  	_ = 	snop  }
0x2c: {  	[tilespmem:s20], [sflag:$0x2] =	stream.indirect.gather [hbm4b:s4+s18], $0x80, s18, s18, $0xb8;
	[tilespmem:$0x1EC00] =	vst v63  }
0x2d: {  	_ = 	snop  }
0x2e: {  	[tilespmem:s22], [sflag:$0x3] =	stream.indirect.gather [hbm4b:s4+s18], $0x80, s21, s18, $0xb8;
	[tilespmem:$0x1EC00] =	vst v63  }
0x2f: {  	_ =	swait.ge [sflag:s23], $0x1800  }
0x30: {  	[sflag:s23] =	ssyncset.done $0x0  }
0x31: {  	[sflag:s23] =	ssyncadd.s32 $0xFFFFE800  }
0x32: {  	[spmem:s2] =	stream.indirect.scatter.add.f32 [tilespmem:s19], [sflag:$0x5], $0x80, s14, s18, $0xb8;
	[tilespmem:$0x1EC00] =	vst v63  }
0x33: {  	_ = 	snop  }
0x34: {  	[tilespmem:s25], [sflag:$0x4] =	stream.indirect.gather [hbm4b:s4+s18], $0x80, s24, s18, $0xb8;
	[tilespmem:$0x1EC00] =	vst v63  }
0x35: {  	_ =	swait.ge [sflag:s26], $0x1800  }
0x36: {  	[sflag:s26] =	ssyncset.done $0x0  }
0x37: {  	[sflag:s26] =	ssyncadd.s32 $0xFFFFE800  }
0x38: {  	[spmem:s2] =	stream.indirect.scatter.add.f32 [tilespmem:s20], [sflag:$0x6], $0x80, s28, s18, $0xb8;
	[tilespmem:$0x1EC00] =	vst v63  }
0x39: {  	_ =	swait.ge [sflag:s29], $0x1800  }
0x3a: {  	[sflag:s29] =	ssyncset.done $0x0  }
0x3b: {  	s11 =	simm.s32 $0xC0;
	[sflag:s29] =	ssyncadd.s32 $0xFFFFE800  }
0x3c: {  	[tilespmem:s19], [sflag:$0x1] =	stream.indirect.gather [hbm4b:s4+s18], $0x80, s11, s18, $0xb8;
	[tilespmem:$0x1EC00] =	vst v63  }
0x3d: {  	_ =	swait.ge [sflag:s30], $0x1800  }
0x3e: {  	[sflag:s30] =	ssyncset.done $0x0  }
0x3f: {  	s10 =	simm.s32 $0x2860;
	[sflag:s30] =	ssyncadd.s32 $0xFFFFE800  }
0x40: {  	[spmem:s2] =	stream.indirect.scatter.add.f32 [tilespmem:s22], [sflag:$0x7], $0x80, s10, s18, $0xb8;
	[tilespmem:$0x1EC00] =	vst v63  }
0x41: {  	_ =	swait.ge [sflag:s31], $0x1800  }
0x42: {  	[sflag:s31] =	ssyncset.done $0x0  }
0x43: {  	s11 =	simm.s32 $0xF0;
	[sflag:s31] =	ssyncadd.s32 $0xFFFFE800  }
0x44: {  	[tilespmem:s20], [sflag:$0x2] =	stream.indirect.gather [hbm4b:s4+s18], $0x80, s11, s18, $0xb8;
	[tilespmem:$0x1EC00] =	vst v63  }
0x45: {  	_ =	swait.ge [sflag:s0], $0x1800  }
0x46: {  	[sflag:s0] =	ssyncset.done $0x0  }
0x47: {  	s10 =	simm.s32 $0x2890;
	[sflag:s0] =	ssyncadd.s32 $0xFFFFE800  }
0x48: {  	[spmem:s2] =	stream.indirect.scatter.add.f32 [tilespmem:s25], [sflag:$0x8], $0x80, s10, s18, $0xb8;
	[tilespmem:$0x1EC00] =	vst v63  }
0x49: {  	_ =	swait.ge [sflag:s1], $0x1800  }
0x4a: {  	[sflag:s1] =	ssyncset.done $0x0  }
0x4b: {  	s11 =	simm.s32 $0x120;
	[sflag:s1] =	ssyncadd.s32 $0xFFFFE800  }
0x4c: {  	[tilespmem:s22], [sflag:$0x3] =	stream.indirect.gather [hbm4b:s4+s18], $0x80, s11, s18, $0xb8;
	[tilespmem:$0x1EC00] =	vst v63  }
0x4d: {  	_ =	swait.ge [sflag:s23], $0x1800  }
0x4e: {  	[sflag:s23] =	ssyncset.done $0x0  }
0x4f: {  	s10 =	simm.s32 $0x28C0;
	[sflag:s23] =	ssyncadd.s32 $0xFFFFE800  }
0x50: {  	[spmem:s2] =	stream.indirect.scatter.add.f32 [tilespmem:s19], [sflag:$0x5], $0x80, s10, s18, $0xb8;
	[tilespmem:$0x1EC00] =	vst v63  }
0x51: {  	_ =	swait.ge [sflag:s3], $0x1800  }
0x52: {  	[sflag:s3] =	ssyncset.done $0x0  }
0x53: {  	s11 =	simm.s32 $0x150;
	[sflag:s3] =	ssyncadd.s32 $0xFFFFE800  }
0x54: {  	[tilespmem:s25], [sflag:$0x4] =	stream.indirect.gather [hbm4b:s4+s18], $0x80, s11, s18, $0xb8;
	[tilespmem:$0x1EC00] =	vst v63  }
0x55: {  	_ =	swait.ge [sflag:s26], $0x1800  }
0x56: {  	[sflag:s26] =	ssyncset.done $0x0  }
0x57: {  	s9 =	simm.s32 $0x300;
	s10 =	simm.s32 $0x28F0;
	[sflag:s26] =	ssyncadd.s32 $0xFFFFE800  }
.LBB2_2:
0x58: {  	[spmem:s2] =	stream.indirect.scatter.add.f32 [tilespmem:s20], [sflag:$0x6], $0x80, s10, s18, $0xb8;
	[tilespmem:$0x1EC00] =	vst v63  }
0x59: {  	s10 =	smov.u32 s9  }
0x5a: {  	p0 =	sne.s32 s9, $0x9900;
	s9 =	sadd.s32 $0x300, s9;
	_ =	swait.ge [sflag:s29], $0x1800  }
0x5b: {  	s10 =	sshra.s32 s10, $0x2;
	[sflag:s29] =	ssyncset.done $0x0  }
0x5c: {  	s11 =	sadd.s32 $0xC0, s10;
	[sflag:s29] =	ssyncadd.s32 $0xFFFFE800  }
0x5d: {  	[tilespmem:s19], [sflag:$0x1] =	stream.indirect.gather [hbm4b:s4+s18], $0x80, s11, s18, $0xb8;
	[tilespmem:$0x1EC00] =	vst v63  }
0x5e: {  	_ =	swait.ge [sflag:s30], $0x1800  }
0x5f: {  	[sflag:s30] =	ssyncset.done $0x0  }
0x60: {  	s11 =	sadd.s32 $0x2860, s10;
	[sflag:s30] =	ssyncadd.s32 $0xFFFFE800  }
0x61: {  	[spmem:s2] =	stream.indirect.scatter.add.f32 [tilespmem:s22], [sflag:$0x7], $0x80, s11, s18, $0xb8;
	[tilespmem:$0x1EC00] =	vst v63  }
0x62: {  	_ =	swait.ge [sflag:s31], $0x1800  }
0x63: {  	[sflag:s31] =	ssyncset.done $0x0  }
0x64: {  	s11 =	sadd.s32 $0xF0, s10;
	[sflag:s31] =	ssyncadd.s32 $0xFFFFE800  }
0x65: {  	[tilespmem:s20], [sflag:$0x2] =	stream.indirect.gather [hbm4b:s4+s18], $0x80, s11, s18, $0xb8;
	[tilespmem:$0x1EC00] =	vst v63  }
0x66: {  	_ =	swait.ge [sflag:s0], $0x1800  }
0x67: {  	[sflag:s0] =	ssyncset.done $0x0  }
0x68: {  	s11 =	sadd.s32 $0x2890, s10;
	[sflag:s0] =	ssyncadd.s32 $0xFFFFE800  }
0x69: {  	[spmem:s2] =	stream.indirect.scatter.add.f32 [tilespmem:s25], [sflag:$0x8], $0x80, s11, s18, $0xb8;
	[tilespmem:$0x1EC00] =	vst v63  }
0x6a: {  	_ =	swait.ge [sflag:s1], $0x1800  }
0x6b: {  	[sflag:s1] =	ssyncset.done $0x0  }
0x6c: {  	s11 =	sadd.s32 $0x120, s10;
	[sflag:s1] =	ssyncadd.s32 $0xFFFFE800  }
0x6d: {  	[tilespmem:s22], [sflag:$0x3] =	stream.indirect.gather [hbm4b:s4+s18], $0x80, s11, s18, $0xb8;
	[tilespmem:$0x1EC00] =	vst v63  }
0x6e: {  	_ =	swait.ge [sflag:s23], $0x1800  }
0x6f: {  	[sflag:s23] =	ssyncset.done $0x0  }
0x70: {  	s11 =	sadd.s32 $0x28C0, s10;
	[sflag:s23] =	ssyncadd.s32 $0xFFFFE800  }
0x71: {  	[spmem:s2] =	stream.indirect.scatter.add.f32 [tilespmem:s19], [sflag:$0x5], $0x80, s11, s18, $0xb8;
	[tilespmem:$0x1EC00] =	vst v63  }
0x72: {  	_ =	swait.ge [sflag:s3], $0x1800  }
0x73: {  	[sflag:s3] =	ssyncset.done $0x0  }
.Ltmp0:
0x74: {  	s11 =	sadd.s32 $0x150, s10;
	[sflag:s3] =	ssyncadd.s32 $0xFFFFE800;
	(pc) =	sbr.rel @p0 .LBB2_2-.Ltmp0, $4  }
0x75: {  	[tilespmem:s25], [sflag:$0x4] =	stream.indirect.gather [hbm4b:s4+s18], $0x80, s11, s18, $0xb8;
	[tilespmem:$0x1EC00] =	vst v63  }
0x76: {  	_ =	swait.ge [sflag:s26], $0x1800  }
0x77: {  	[sflag:s26] =	ssyncset.done $0x0  }
0x78: {  	s10 =	sadd.s32 $0x28F0, s10;
	[sflag:s26] =	ssyncadd.s32 $0xFFFFE800  }
0x79: {  	[spmem:s2] =	stream.indirect.scatter.add.f32 [tilespmem:s20], [sflag:$0x6], $0x80, s10, s18, $0xb8;
	[tilespmem:$0x1EC00] =	vst v63  }
0x7a: {  	_ =	swait.ge [sflag:s30], $0x1800  }
0x7b: {  	[sflag:s30] =	ssyncset.done $0x0  }
0x7c: {  	[sflag:s30] =	ssyncadd.s32 $0xFFFFE800  }
0x7d: {  	[spmem:s2] =	stream.indirect.scatter.add.f32 [tilespmem:s22], [sflag:$0x7], $0x80, s6, s18, $0xb8;
	[tilespmem:$0x1EC00] =	vst v63  }
0x7e: {  	_ =	swait.ge [sflag:s0], $0x1800  }
0x7f: {  	[sflag:s0] =	ssyncset.done $0x0  }
0x80: {  	[sflag:s0] =	ssyncadd.s32 $0xFFFFE800  }
0x81: {  	[spmem:s2] =	stream.indirect.scatter.add.f32 [tilespmem:s25], [sflag:$0x8], $0x80, s7, s18, $0xb8;
	[tilespmem:$0x1EC00] =	vst v63  }
0x82: {  	_ =	swait.ge [sflag:s29], $0x1800  }
0x83: {  	[sflag:s29] =	ssyncset.done $0x0  }
0x84: {  	[sflag:s29] =	ssyncadd.s32 $0xFFFFE800  }
0x85: {  	_ =	swait.ge [sflag:s31], $0x1800  }
0x86: {  	[sflag:s31] =	ssyncset.done $0x0  }
0x87: {  	[sflag:s31] =	ssyncadd.s32 $0xFFFFE800  }
0x88: {  	_ =	swait.ge [sflag:s1], $0x1800  }
0x89: {  	[sflag:s1] =	ssyncset.done $0x0  }
0x8a: {  	[sflag:s1] =	ssyncadd.s32 $0xFFFFE800  }
0x8b: {  	_ =	swait.ge [sflag:s3], $0x1800  }
0x8c: {  	[sflag:s3] =	ssyncset.done $0x0  }
0x8d: {  	[sflag:s3] =	ssyncadd.s32 $0xFFFFE800  }
0x8e: {  	[bflag:$0x0] =	sbarrier.arrive $0xFFFF  }
0x8f: {  	s9 =	rddreg [dreg:$0x5]  }
0x90: {  	[hbm:s9], [sflag:s16] =	dma.local [spmem:s17], $0x2780  }
0x91: {  	_ =	swait.ge [sflag:s15], $0x2780  }
0x92: {  	[sflag:s15] =	ssyncset.done $0x0  }
0x93: {  	[sflag:s15] =	ssyncadd.s32 $0xFFFFD880  }
0x94: {  	[bflag:$0x0] =	sbarrier.arrive $0xFFFF  }
0x95: {  	s9 =	simm.s32 $0x0;
	s11 =	rddreg [dreg:$0x6]  }
0x96: {  	[tilespmem:s9], [sflag:$0x9] =	stream.strided.gather [hbm4b:s11+s12], $0x2800, s13, s12, $0x38;
	[tilespmem:$0x1EC00] =	vst v63  }
0x97: {  	_ =	swait.ge [sflag:s15], $0x2800  }
0x98: {  	[sflag:s15] =	ssyncset.done $0x0  }
0x99: {  	[sflag:s15] =	ssyncadd.s32 $0xFFFFD800  }
0x9a: {  	[spmem:s17], [sflag:s16] =	dma.local [hbm:s5], $0x2780  }
0x9b: {  	_ =	swait.ge [sflag:s15], $0x2780  }
0x9c: {  	[sflag:s15] =	ssyncset.done $0x0  }
0x9d: {  	[sflag:s15] =	ssyncadd.s32 $0xFFFFD880  }
0x9e: {  	[bflag:$0x0] =	sbarrier.arrive $0xFFFF  }
0x9f: {  	[tilespmem:s19], [sflag:$0x1] =	stream.indirect.gather [hbm4b:s4+s18], $0x80, s9, s18, $0xb8;
	[tilespmem:$0x1EC00] =	vst v63  }
0xa0: {  	_ = 	snop  }
0xa1: {  	[tilespmem:s20], [sflag:$0x2] =	stream.indirect.gather [hbm4b:s4+s18], $0x80, s18, s18, $0xb8;
	[tilespmem:$0x1EC00] =	vst v63  }
0xa2: {  	_ = 	snop  }
0xa3: {  	[tilespmem:s22], [sflag:$0x3] =	stream.indirect.gather [hbm4b:s4+s18], $0x80, s21, s18, $0xb8;
	[tilespmem:$0x1EC00] =	vst v63  }
0xa4: {  	_ =	swait.ge [sflag:s23], $0x1800  }
0xa5: {  	[sflag:s23] =	ssyncset.done $0x0  }
0xa6: {  	[sflag:s23] =	ssyncadd.s32 $0xFFFFE800  }
0xa7: {  	[spmem:s2] =	stream.indirect.scatter.add.f32 [tilespmem:s19], [sflag:$0x5], $0x80, s14, s18, $0xb8;
	[tilespmem:$0x1EC00] =	vst v63  }
0xa8: {  	_ = 	snop  }
0xa9: {  	[tilespmem:s25], [sflag:$0x4] =	stream.indirect.gather [hbm4b:s4+s18], $0x80, s24, s18, $0xb8;
	[tilespmem:$0x1EC00] =	vst v63  }
0xaa: {  	_ =	swait.ge [sflag:s26], $0x1800  }
0xab: {  	[sflag:s26] =	ssyncset.done $0x0  }
0xac: {  	[sflag:s26] =	ssyncadd.s32 $0xFFFFE800  }
0xad: {  	[spmem:s2] =	stream.indirect.scatter.add.f32 [tilespmem:s20], [sflag:$0x6], $0x80, s28, s18, $0xb8;
	[tilespmem:$0x1EC00] =	vst v63  }
0xae: {  	_ =	swait.ge [sflag:s29], $0x1800  }
0xaf: {  	[sflag:s29] =	ssyncset.done $0x0  }
0xb0: {  	s11 =	simm.s32 $0xC0;
	[sflag:s29] =	ssyncadd.s32 $0xFFFFE800  }
0xb1: {  	[tilespmem:s19], [sflag:$0x1] =	stream.indirect.gather [hbm4b:s4+s18], $0x80, s11, s18, $0xb8;
	[tilespmem:$0x1EC00] =	vst v63  }
0xb2: {  	_ =	swait.ge [sflag:s30], $0x1800  }
0xb3: {  	[sflag:s30] =	ssyncset.done $0x0  }
0xb4: {  	s10 =	simm.s32 $0x2860;
	[sflag:s30] =	ssyncadd.s32 $0xFFFFE800  }
0xb5: {  	[spmem:s2] =	stream.indirect.scatter.add.f32 [tilespmem:s22], [sflag:$0x7], $0x80, s10, s18, $0xb8;
	[tilespmem:$0x1EC00] =	vst v63  }
0xb6: {  	_ =	swait.ge [sflag:s31], $0x1800  }
0xb7: {  	[sflag:s31] =	ssyncset.done $0x0  }
0xb8: {  	s11 =	simm.s32 $0xF0;
	[sflag:s31] =	ssyncadd.s32 $0xFFFFE800  }
0xb9: {  	[tilespmem:s20], [sflag:$0x2] =	stream.indirect.gather [hbm4b:s4+s18], $0x80, s11, s18, $0xb8;
	[tilespmem:$0x1EC00] =	vst v63  }
0xba: {  	_ =	swait.ge [sflag:s0], $0x1800  }
0xbb: {  	[sflag:s0] =	ssyncset.done $0x0  }
0xbc: {  	s10 =	simm.s32 $0x2890;
	[sflag:s0] =	ssyncadd.s32 $0xFFFFE800  }
0xbd: {  	[spmem:s2] =	stream.indirect.scatter.add.f32 [tilespmem:s25], [sflag:$0x8], $0x80, s10, s18, $0xb8;
	[tilespmem:$0x1EC00] =	vst v63  }
0xbe: {  	_ =	swait.ge [sflag:s1], $0x1800  }
0xbf: {  	[sflag:s1] =	ssyncset.done $0x0  }
0xc0: {  	s11 =	simm.s32 $0x120;
	[sflag:s1] =	ssyncadd.s32 $0xFFFFE800  }
0xc1: {  	[tilespmem:s22], [sflag:$0x3] =	stream.indirect.gather [hbm4b:s4+s18], $0x80, s11, s18, $0xb8;
	[tilespmem:$0x1EC00] =	vst v63  }
0xc2: {  	_ =	swait.ge [sflag:s23], $0x1800  }
0xc3: {  	[sflag:s23] =	ssyncset.done $0x0  }
0xc4: {  	s10 =	simm.s32 $0x28C0;
	[sflag:s23] =	ssyncadd.s32 $0xFFFFE800  }
0xc5: {  	[spmem:s2] =	stream.indirect.scatter.add.f32 [tilespmem:s19], [sflag:$0x5], $0x80, s10, s18, $0xb8;
	[tilespmem:$0x1EC00] =	vst v63  }
0xc6: {  	_ =	swait.ge [sflag:s3], $0x1800  }
0xc7: {  	[sflag:s3] =	ssyncset.done $0x0  }
0xc8: {  	s11 =	simm.s32 $0x150;
	[sflag:s3] =	ssyncadd.s32 $0xFFFFE800  }
0xc9: {  	[tilespmem:s25], [sflag:$0x4] =	stream.indirect.gather [hbm4b:s4+s18], $0x80, s11, s18, $0xb8;
	[tilespmem:$0x1EC00] =	vst v63  }
0xca: {  	_ =	swait.ge [sflag:s26], $0x1800  }
0xcb: {  	[sflag:s26] =	ssyncset.done $0x0  }
0xcc: {  	s9 =	simm.s32 $0x300;
	s10 =	simm.s32 $0x28F0;
	[sflag:s26] =	ssyncadd.s32 $0xFFFFE800  }
.LBB2_4:
0xcd: {  	[spmem:s2] =	stream.indirect.scatter.add.f32 [tilespmem:s20], [sflag:$0x6], $0x80, s10, s18, $0xb8;
	[tilespmem:$0x1EC00] =	vst v63  }
0xce: {  	s10 =	smov.u32 s9  }
0xcf: {  	p0 =	sne.s32 s9, $0x9900;
	s9 =	sadd.s32 $0x300, s9;
	_ =	swait.ge [sflag:s29], $0x1800  }
0xd0: {  	s10 =	sshra.s32 s10, $0x2;
	[sflag:s29] =	ssyncset.done $0x0  }
0xd1: {  	s11 =	sadd.s32 $0xC0, s10;
	[sflag:s29] =	ssyncadd.s32 $0xFFFFE800  }
0xd2: {  	[tilespmem:s19], [sflag:$0x1] =	stream.indirect.gather [hbm4b:s4+s18], $0x80, s11, s18, $0xb8;
	[tilespmem:$0x1EC00] =	vst v63  }
0xd3: {  	_ =	swait.ge [sflag:s30], $0x1800  }
0xd4: {  	[sflag:s30] =	ssyncset.done $0x0  }
0xd5: {  	s11 =	sadd.s32 $0x2860, s10;
	[sflag:s30] =	ssyncadd.s32 $0xFFFFE800  }
0xd6: {  	[spmem:s2] =	stream.indirect.scatter.add.f32 [tilespmem:s22], [sflag:$0x7], $0x80, s11, s18, $0xb8;
	[tilespmem:$0x1EC00] =	vst v63  }
0xd7: {  	_ =	swait.ge [sflag:s31], $0x1800  }
0xd8: {  	[sflag:s31] =	ssyncset.done $0x0  }
0xd9: {  	s11 =	sadd.s32 $0xF0, s10;
	[sflag:s31] =	ssyncadd.s32 $0xFFFFE800  }
0xda: {  	[tilespmem:s20], [sflag:$0x2] =	stream.indirect.gather [hbm4b:s4+s18], $0x80, s11, s18, $0xb8;
	[tilespmem:$0x1EC00] =	vst v63  }
0xdb: {  	_ =	swait.ge [sflag:s0], $0x1800  }
0xdc: {  	[sflag:s0] =	ssyncset.done $0x0  }
0xdd: {  	s11 =	sadd.s32 $0x2890, s10;
	[sflag:s0] =	ssyncadd.s32 $0xFFFFE800  }
0xde: {  	[spmem:s2] =	stream.indirect.scatter.add.f32 [tilespmem:s25], [sflag:$0x8], $0x80, s11, s18, $0xb8;
	[tilespmem:$0x1EC00] =	vst v63  }
0xdf: {  	_ =	swait.ge [sflag:s1], $0x1800  }
0xe0: {  	[sflag:s1] =	ssyncset.done $0x0  }
0xe1: {  	s11 =	sadd.s32 $0x120, s10;
	[sflag:s1] =	ssyncadd.s32 $0xFFFFE800  }
0xe2: {  	[tilespmem:s22], [sflag:$0x3] =	stream.indirect.gather [hbm4b:s4+s18], $0x80, s11, s18, $0xb8;
	[tilespmem:$0x1EC00] =	vst v63  }
0xe3: {  	_ =	swait.ge [sflag:s23], $0x1800  }
0xe4: {  	[sflag:s23] =	ssyncset.done $0x0  }
0xe5: {  	s11 =	sadd.s32 $0x28C0, s10;
	[sflag:s23] =	ssyncadd.s32 $0xFFFFE800  }
0xe6: {  	[spmem:s2] =	stream.indirect.scatter.add.f32 [tilespmem:s19], [sflag:$0x5], $0x80, s11, s18, $0xb8;
	[tilespmem:$0x1EC00] =	vst v63  }
0xe7: {  	_ =	swait.ge [sflag:s3], $0x1800  }
0xe8: {  	[sflag:s3] =	ssyncset.done $0x0  }
.Ltmp1:
0xe9: {  	s11 =	sadd.s32 $0x150, s10;
	[sflag:s3] =	ssyncadd.s32 $0xFFFFE800;
	(pc) =	sbr.rel @p0 .LBB2_4-.Ltmp1, $4  }
0xea: {  	[tilespmem:s25], [sflag:$0x4] =	stream.indirect.gather [hbm4b:s4+s18], $0x80, s11, s18, $0xb8;
	[tilespmem:$0x1EC00] =	vst v63  }
0xeb: {  	_ =	swait.ge [sflag:s26], $0x1800  }
0xec: {  	[sflag:s26] =	ssyncset.done $0x0  }
0xed: {  	s10 =	sadd.s32 $0x28F0, s10;
	[sflag:s26] =	ssyncadd.s32 $0xFFFFE800  }
0xee: {  	[spmem:s2] =	stream.indirect.scatter.add.f32 [tilespmem:s20], [sflag:$0x6], $0x80, s10, s18, $0xb8;
	[tilespmem:$0x1EC00] =	vst v63  }
0xef: {  	_ =	swait.ge [sflag:s30], $0x1800  }
0xf0: {  	[sflag:s30] =	ssyncset.done $0x0  }
0xf1: {  	[sflag:s30] =	ssyncadd.s32 $0xFFFFE800  }
0xf2: {  	[spmem:s2] =	stream.indirect.scatter.add.f32 [tilespmem:s22], [sflag:$0x7], $0x80, s6, s18, $0xb8;
	[tilespmem:$0x1EC00] =	vst v63  }
0xf3: {  	_ =	swait.ge [sflag:s0], $0x1800  }
0xf4: {  	[sflag:s0] =	ssyncset.done $0x0  }
0xf5: {  	[sflag:s0] =	ssyncadd.s32 $0xFFFFE800  }
0xf6: {  	[spmem:s2] =	stream.indirect.scatter.add.f32 [tilespmem:s25], [sflag:$0x8], $0x80, s7, s18, $0xb8;
	[tilespmem:$0x1EC00] =	vst v63  }
0xf7: {  	_ =	swait.ge [sflag:s29], $0x1800  }
0xf8: {  	[sflag:s29] =	ssyncset.done $0x0  }
0xf9: {  	[sflag:s29] =	ssyncadd.s32 $0xFFFFE800  }
0xfa: {  	_ =	swait.ge [sflag:s31], $0x1800  }
0xfb: {  	[sflag:s31] =	ssyncset.done $0x0  }
0xfc: {  	[sflag:s31] =	ssyncadd.s32 $0xFFFFE800  }
0xfd: {  	_ =	swait.ge [sflag:s1], $0x1800  }
0xfe: {  	[sflag:s1] =	ssyncset.done $0x0  }
0xff: {  	[sflag:s1] =	ssyncadd.s32 $0xFFFFE800  }
0x100: {  	_ =	swait.ge [sflag:s3], $0x1800  }
0x101: {  	[sflag:s3] =	ssyncset.done $0x0  }
0x102: {  	[sflag:s3] =	ssyncadd.s32 $0xFFFFE800  }
0x103: {  	[bflag:$0x0] =	sbarrier.arrive $0xFFFF  }
0x104: {  	s9 =	rddreg [dreg:$0x7]  }
0x105: {  	[hbm:s9], [sflag:s16] =	dma.local [spmem:s17], $0x2780  }
0x106: {  	_ =	swait.ge [sflag:s15], $0x2780  }
0x107: {  	s8 =	sadd.s32 $0x1, s8;
	s11 =	rddreg [dreg:$0x8]  }
0x108: {  	p0 =	sne.s32 s8, s11  }
.Ltmp2:
0x109: {  	_ = 	snop;
	(pc) =	sbr.rel @p0 .LBB2_1-.Ltmp2, $3  }
0x10a: {  	_ =	sdelay $0x1  }
0x10b: {  	[sflag:s15] =	ssyncset.done $0x0  }
0x10c: {  	[sflag:s15] =	ssyncadd.s32 $0xFFFFD880  }
0x10d: {  	_ =	sfence.sel $0x180000  }
0x10e: {  	[bflag:$0x0] =	sbarrier.arrive $0xFFFF  }
0x10f: {  	_ =	strace $0x9000004A  }
0x110: {  	s0 =	stileid.u32;
	[bflag:$0x2] =	sbarrier.arrive $0xFFFF  }
0x111: {  	p0 =	sne.s32 s0, $0x0;
	s0 =	rddreg [dreg:$0x2]  }
0x112: {  	s0 =	sadd.s32 @!p0 $0x100000, s0  }
0x113: {  	[sflag:s0] =	ssyncadd.tile.s32 @!p0 $0x1;
	_ =	shalt  }
.Lfunc_end2:
_tile_overlayer_lowered:
.L_overlay_start_2:
0x114: {  	(tag) =	ssettag $0x2  }
0x115: {  	s0 =	rddreg [dreg:$0x0];
	s2 =	stileid.u32  }
0x116: {  	s1 =	rddreg [dreg:$0x1];
	p0 =	sne.s32 s2, $0x0  }
0x117: {  	s3 =	rddreg [dreg:$0x2];
	[bflag:$0x3] =	sbarrier.arrive $0xFFFF;
	s2 =	simm.s32 @!p0 $0x1C09  }
0x118: {  	[timem:s3], [sflag:s2] =	dma.local @!p0 [hbm:s0], s1  }
0x119: {  	s0 =	simm.s32 @!p0 $0x9  }
0x11a: {  	_ =	swait.ge @!p0 [sflag:s0], s1  }
0x11b: {  	s1 =	ssub.s32 @!p0 $0x0, s1;
	[sflag:s0] =	ssyncset.done @!p0 $0x0  }
0x11c: {  	[sflag:s0] =	ssyncadd.s32 @!p0 s1  }
0x11d: {  	[bflag:$0x3] =	sbarrier.arrive $0xFFFF  }
0x11e: {  	_ =	shalt  }

// kernel: kernel.16.cloned.1.call-start
scs
__scs_entry_jumppad:
0x0: {  	(pc) =	sbr.rel $0x88, $3  }
0x1: {  	(tag) =	ssettag $0x0;
	lr =	simm.s32 $0x1  }
0x2: {  	[smem:$0x3F96] =	sst lr;
	_ =	strace $0xD0000000  }
0x3: {  	_ = 	snop  }
0x4: {  	_ = 	snop  }
0x5: {  	_ = 	snop  }
0x6: {  	_ = 	snop  }
0x7: {  	_ = 	snop  }
__scs_overlays_trampoline_lowered:
0x8: {  	[smem:$0x3FA5] =	sst s0  }
0x9: {  	[smem:$0x3FA6] =	sst s1  }
0xa: {  	[smem:$0x3FA7] =	sst s2  }
0xb: {  	[smem:$0x3FA8] =	sst s3  }
0xc: {  	[smem:$0x3FA9] =	sst s4  }
0xd: {  	[smem:$0x3FAA] =	sst s5  }
0xe: {  	[smem:$0x3FAB] =	sst s6  }
0xf: {  	[smem:$0x3FAC] =	sst s7  }
0x10: {  	[smem:$0x3FAD] =	sst s8  }
0x11: {  	[smem:$0x3FAE] =	sst s9;
	s0 =	simm.s32 @!p0 $0x0  }
0x12: {  	s1 =	sld [smem:$0x3F94];
	s0 =	simm.s32 @p0 $0x1  }
0x13: {  	[smem:$0x3FAF] =	sst s0;
	s0 =	simm.s32 @!p1 $0x0  }
0x14: {  	s2 =	sld [smem:$0x3F93];
	s0 =	simm.s32 @p1 $0x1  }
0x15: {  	[smem:$0x3FB0] =	sst s0;
	s0 =	simm.s32 @!p2 $0x0  }
0x16: {  	s3 =	sld [smem:$0x3FDB];
	s0 =	simm.s32 @p2 $0x1  }
0x17: {  	s4 =	simm.s32 $0x1BF5;
	[smem:$0x3FB2] =	sst s0  }
0x18: {  	s0 =	sld [smem:$0x3F95];
	_ =	swait.ge [sflag:s4], $0x0  }
0x19: {  	s7 =	sld [smem:$0x3F96]  }
0x1a: {  	s8 =	sadd.s32 $0xFFFFE003, lr  }
0x1b: {  	s9 =	sadd.s32 $0xFFFFFEF7, lr;
	s5 =	simm.s32 $0xFFFFFFFF;
	p2 =	slt.u32 s8, $0xFFFFF086  }
0x1c: {  	p1 =	slt.u32 s9, $0xF7A;
	s5 =	simm.s32 @!p2 $0x0  }
0x1d: {  	s5 =	simm.s32 @p1 $0x1;
	p0 =	seq.s32 s7, s2  }
0x1e: {  	s7 =	smul.u32 @!p0 $0xF7A, s2;
	p2 =	seq.s32 @!p0 s5, $0x0  }
0x1f: {  	s9 =	smul.u32 $0xF7A, s1;
	s8 =	simm.s32 @!p0 $0x1BF5;
	p2 =	por !p2, p0  }
0x20: {  	[sflag:s8] =	ssyncset.s32 @!p0 $0xFFFFF086;
	s6 =	sadd.s32 @!p0 s3, s7;
	s7 =	simm.s32 @!p0 $0x108  }
0x21: {  	s3 =	sadd.s32 s3, s9;
	s6 =	sadd.s32 @!p0 $0x88, s6;
	s7 =	simm.s32 @p2 $0x1082  }
0x22: {  	[simem:s7], [sflag:s8] =	dma.local @!p0 [hbm:s6], $0xF7A  }
0x23: {  	s9 =	sor.u32 $0xD0000000, s2;
	s6 =	simm.s32 $0x108;
	_ =	swait.ge @!p0 [sflag:s8], $0x0  }
0x24: {  	s3 =	sadd.s32 $0x88, s3;
	s6 =	simm.s32 @!p1 $0x1082;
	[sflag:s4] =	ssyncset.s32 $0xFFFFF086  }
0x25: {  	[simem:s6], [sflag:s4] =	dma.local [hbm:s3], $0xF7A  }
0x26: {  	[smem:$0x3F96] =	sst s1;
	(tag) =	ssettag s2;
	_ =	strace s9  }
0x27: {  	s1 =	sld [smem:$0x3FA6]  }
0x28: {  	s2 =	sld [smem:$0x3FA7]  }
0x29: {  	s4 =	sld [smem:$0x3FA9]  }
0x2a: {  	p0 =	seq.s32 s5, $0x0;
	s5 =	sld [smem:$0x3FAA]  }
0x2b: {  	s6 =	sld [smem:$0x3FAB]  }
0x2c: {  	s7 =	sld [smem:$0x3FAC]  }
0x2d: {  	s3 =	simm.s32 $0x108;
	s8 =	sld [smem:$0x3FAD]  }
0x2e: {  	s3 =	simm.s32 @!p0 $0x1082;
	s9 =	sld [smem:$0x3FAE]  }
0x2f: {  	lr =	sadd.s32 s0, s3;
	s0 =	sld [smem:$0x3FA5]  }
0x30: {  	s3 =	sld [smem:$0x3FA8]  }
0x31: {  	[smem:$0x3FB1] =	sst s10  }
0x32: {  	s10 =	sld [smem:$0x3FAF];
	_ =	sdelay $0x3  }
0x33: {  	p0 =	seq.s32 s10, $0x1;
	s10 =	sld [smem:$0x3FB1];
	_ =	sdelay $0x3  }
0x34: {  	[smem:$0x3FB1] =	sst s10  }
0x35: {  	s10 =	sld [smem:$0x3FB0];
	_ =	sdelay $0x3  }
0x36: {  	p1 =	seq.s32 s10, $0x1;
	s10 =	sld [smem:$0x3FB1];
	_ =	sdelay $0x3  }
0x37: {  	[smem:$0x3FB1] =	sst s10  }
0x38: {  	s10 =	sld [smem:$0x3FB2]  }
0x39: {  	_ = 	snop;
	(pc) =	sbr.ind lr, $3  }
0x3a: {  	_ = 	snop  }
0x3b: {  	_ = 	snop  }
0x3c: {  	p2 =	seq.s32 s10, $0x1;
	s10 =	sld [smem:$0x3FB1]  }
0x3d: {  	_ =	shalt  }
0x3e: {  	_ =	shalt  }
0x3f: {  	_ =	shalt  }
0x40: {  	_ =	shalt  }
0x41: {  	_ =	shalt  }
0x42: {  	_ =	shalt  }
0x43: {  	_ =	shalt  }
0x44: {  	_ =	shalt  }
0x45: {  	_ =	shalt  }
0x46: {  	_ =	shalt  }
0x47: {  	_ =	shalt  }
0x48: {  	_ =	shalt  }
0x49: {  	_ =	shalt  }
0x4a: {  	_ =	shalt  }
0x4b: {  	_ =	shalt  }
0x4c: {  	_ =	shalt  }
0x4d: {  	_ =	shalt  }
0x4e: {  	_ =	shalt  }
0x4f: {  	_ =	shalt  }
0x50: {  	_ =	shalt  }
0x51: {  	_ =	shalt  }
0x52: {  	_ =	shalt  }
0x53: {  	_ =	shalt  }
0x54: {  	_ =	shalt  }
0x55: {  	_ =	shalt  }
0x56: {  	_ =	shalt  }
0x57: {  	_ =	shalt  }
0x58: {  	_ =	shalt  }
0x59: {  	_ =	shalt  }
0x5a: {  	_ =	shalt  }
0x5b: {  	_ =	shalt  }
0x5c: {  	_ =	shalt  }
0x5d: {  	_ =	shalt  }
0x5e: {  	_ =	shalt  }
0x5f: {  	_ =	shalt  }
0x60: {  	_ =	shalt  }
0x61: {  	_ =	shalt  }
0x62: {  	_ =	shalt  }
0x63: {  	_ =	shalt  }
0x64: {  	_ =	shalt  }
0x65: {  	_ =	shalt  }
0x66: {  	_ =	shalt  }
0x67: {  	_ =	shalt  }
0x68: {  	_ =	shalt  }
0x69: {  	_ =	shalt  }
0x6a: {  	_ =	shalt  }
0x6b: {  	_ =	shalt  }
0x6c: {  	_ =	shalt  }
0x6d: {  	_ =	shalt  }
0x6e: {  	_ =	shalt  }
0x6f: {  	_ =	shalt  }
0x70: {  	_ =	shalt  }
0x71: {  	_ =	shalt  }
0x72: {  	_ =	shalt  }
0x73: {  	_ =	shalt  }
0x74: {  	_ =	shalt  }
0x75: {  	_ =	shalt  }
0x76: {  	_ =	shalt  }
0x77: {  	_ =	shalt  }
0x78: {  	_ =	shalt  }
0x79: {  	_ =	shalt  }
0x7a: {  	_ =	shalt  }
0x7b: {  	_ =	shalt  }
0x7c: {  	_ =	shalt  }
0x7d: {  	_ =	shalt  }
0x7e: {  	_ =	shalt  }
0x7f: {  	_ =	shalt  }
0x80: {  	_ =	shalt  }
0x81: {  	_ =	shalt  }
0x82: {  	_ =	shalt  }
0x83: {  	_ =	shalt  }
0x84: {  	_ =	shalt  }
0x85: {  	_ =	shalt  }
0x86: {  	_ =	shalt  }
0x87: {  	_ =	shalt  }
.Lfunc_end0:
.L_simem_size_0:
called_computation.2_lowered:
.L_overlay_start_0:
0x88: {  	s2 =	sld [smem:$0x3FD9]  }
0x89: {  	s3 =	sld [smem:$0x3FFE];
	_ =	sdelay $0x1  }
0x8a: {  	s1 =	srdreg.scid  }
0x8b: {  	s0 =	sand.u32 $0x1, s1  }
0x8c: {  	s16 =	sshll.u32 s0, $0xA;
	s2 =	sadd.s32 s3, s2  }
0x8d: {  	s2 =	sadd.s32 s2, s16  }
0x8e: {  	[smem:$0x3FBD] =	sst s2  }
0x8f: {  	_ = 	snop  }
0x90: {  	(tm) =	ssettm $0x1  }
0x91: {  	s17 =	sld [smem:$0x3FFB];
	_ =	sdelay $0x3  }
0x92: {  	_ =	strace s17  }
0x93: {  	s2 =	sld [smem:$0x3FFC];
	_ =	sdelay $0x3  }
0x94: {  	_ =	strace s2  }
0x95: {  	s2 =	sld [smem:$0x3FFD];
	_ =	sdelay $0x3  }
0x96: {  	_ =	strace s2  }
0x97: {  	_ =	strace $0x8FFFFFFF  }
0x98: {  	s18 =	sld [smem:$0x3FDB];
	_ =	sdelay $0x1  }
0x99: {  	s19 =	simm.s32 $_scs_section_size  }
0x9a: {  	s4 =	simm.s32 $_size__tile_overlayer_lowered;
	s5 =	simm.s32 $_tile_overlayer_lowered  }
0x9b: {  	s22 =	simm.s32 $0x1BFF;
	s21 =	sshll.u32 s5, $0x1;
	s2 =	sadd.s32 s19, s18  }
0x9c: {  	s6 =	simm.s32 $0x0;
	s20 =	sshll.u32 s4, $0x1;
	s4 =	sadd.s32 s21, s2  }
0x9d: {  	[timem:s6], [sflag:s22] =	dma.local [hbm:s4], s20  }
0x9e: {  	_ =	swait.ge [sflag:s22], s20  }
0x9f: {  	s3 =	ssub.s32 $0x0, s20;
	[sflag:s22] =	ssyncset.done $0x0  }
0xa0: {  	[sflag:s22] =	ssyncadd.s32 s3;
	_ =	sdelay $0x1  }
0xa1: {  	s23 =	simm.s32 $0x1B8B  }
0xa2: {  	_ =	swait.ge [sflag:s23], $0x1  }
0xa3: {  	[sflag:s23] =	ssyncset.done $0x0  }
0xa4: {  	s25 =	simm.s32 $0x1B8E;
	s24 =	sld [smem:$0x3FFE];
	[sflag:s23] =	ssyncadd.s32 $0xFFFFFFFF  }
0xa5: {  	s26 =	simm.s32 $execute0_lowered;
	[smem:$0x3FD2] =	sst s25  }
0xa6: {  	s4 =	sshll.u32 s26, $0x1;
	_ =	strace $0x8000004C;
	[dreg:$0x1] =	wrdreg $0xFFFFFFFF  }
0xa7: {  	s28 =	simm.s32 $_size_execute0_lowered;
	s2 =	sadd.s32 s2, s4;
	[dreg:$0x0] =	wrdreg $0x0  }
0xa8: {  	s4 =	sshll.u32 s28, $0x1;
	[dreg:$0x2] =	wrdreg s2  }
0xa9: {  	[dreg:$0x3] =	wrdreg s4  }
0xaa: {  	[dreg:$0x4] =	wrdreg $0xC0  }
0xab: {  	_ =	task [dreg:s6], $0x5FFFF  }
0xac: {  	[dreg:$0x1] =	wrdreg $0xFFFFFFFF  }
0xad: {  	[dreg:$0x0] =	wrdreg $0x60  }
0xae: {  	[dreg:$0x2] =	wrdreg s24  }
0xaf: {  	[dreg:$0x3] =	wrdreg $0xB0000  }
0xb0: {  	[dreg:$0x4] =	wrdreg $0x9  }
0xb1: {  	_ =	task.clear_ibuf [dreg:s6], $0x5FFFF;
	_ =	strace $0x9000004C  }
0xb2: {  	s29 =	simm.s32 $0x9;
	_ =	strace $0x8000004E  }
0xb3: {  	_ =	swait.ge [sflag:s29], $0x1  }
0xb4: {  	[sflag:s29] =	ssyncadd.s32 $0xFFFFFFFF  }
0xb5: {  	_ =	strace $0x9000004E  }
0xb6: {  	_ =	sfence  }
0xb7: {  	s30 =	sld [smem:$0x0];
	_ =	sdelay $0x2  }
0xb8: {  	s31 =	sshll.u32 s1, $0xD;
	s1 =	sshrl.u32 s1, $0x2  }
0xb9: {  	s3 =	sand.u32 $0x4000, s31;
	s1 =	sadd.s32 s1, s30  }
0xba: {  	s0 =	sor.u32 s3, s0;
	s1 =	sshll.u32 s1, $0x11  }
0xbb: {  	s0 =	sor.u32 s1, s0  }
0xbc: {  	s0 =	sadd.s32 $0x8F2B, s0  }
0xbd: {  	[sflag:s0] =	ssyncadd.remote.s32 $0x1  }
0xbe: {  	_ =	sfence.sel $0xFFFF  }
0xbf: {  	[dreg:$0x0] =	wrdreg $0xFFFFFFFF;
	(pc) =	sbr.abs _section_cstart, $3  }
0xc0: {  	[dreg:$0x1] =	wrdreg $0xFFFFFFFF  }
0xc1: {  	_ =	task.clear_ibuf [dreg:s6], $0x2FFFF;
	_ =	strace $0x9FFFFFFF  }
0xc2: {  	(tm) =	ssettm $0x7FFFFFFF  }
0xc3: {  	_ =	shalt  }
tec
execute0_lowered:
.L_overlay_start_1:
0x0: {  	(tag) =	ssettag $0x1  }
0x1: {  	s0 =	rddreg [dreg:$0x0]  }
0x2: {  	s2 =	rddreg [dreg:$0x1];
	s16 =	stileid.u32;
	s3 =	simm.s32 $0x0  }
0x3: {  	s6 =	srdreg.scid;
	s14 =	simm.s32 $0x2800;
	s15 =	simm.s32 $0x9  }
0x4: {  	s28 =	simm.s32 $0x2830;
	s29 =	simm.s32 $0x5;
	s30 =	simm.s32 $0x3  }
0x5: {  	s31 =	simm.s32 $0x6;
	s1 =	sshrl.u32 s16, $0x3;
	[smem:$0x7FF] =	sst s3  }
0x6: {  	s17 =	sshll.u32 s16, $0x7;
	s4 =	sadd.s32 $0x1AC600, s0;
	s12 =	smul.u32 $0x4F000, s16  }
0x7: {  	s7 =	sadd.s32 $0x5E200, s0;
	s6 =	sand.u32 $0x1, s6;
	s18 =	smul.u32 $0x13C00, s16  }
0x8: {  	s26 =	sshll.u32 s16, $0x6;
	s1 =	smul.u32 $0x14000, s1;
	_ =	strace $0x8000004D  }
0x9: {  	s3 =	sand.u32 $0x380, s17;
	s9 =	ssub.s32 $0x2, s6;
	s10 =	smul.u32 $0x28000, s6  }
0xa: {  	s13 =	smul.u32 $0x13C000, s6;
	s6 =	sor.u32 $0x2, s6;
	s16 =	sor.u32 $0x1C09, s26  }
0xb: {  	s26 =	simm.s32 $0x2;
	s11 =	sshrl.u32 s9, $0x1;
	s20 =	smul.u32 $0x28000, s6  }
0xc: {  	s12 =	sshrl.u32 s12, $0x2;
	s6 =	smul.u32 $0x13C000, s6;
	s5 =	sor.u32 s3, s1  }
0xd: {  	s9 =	ssub.s32 s9, s11;
	s10 =	sadd.s32 s10, s1;
	s21 =	sadd.s32 s12, s2  }
0xe: {  	s22 =	sadd.s32 s18, s13;
	s12 =	simm.s32 $0x80;
	s13 =	simm.s32 $0x400  }
0xf: {  	s5 =	sshrl.u32 s5, $0x3;
	s19 =	sor.u32 s3, s10;
	s1 =	sadd.s32 s1, s20  }
0x10: {  	s23 =	sadd.s32 s18, s6;
	s24 =	sshrl.u32 s22, $0x3;
	s25 =	smax.u32 s9, $0x1  }
0x11: {  	s17 =	sshrl.u32 s21, $0x3;
	s18 =	simm.s32 $0x30;
	s20 =	simm.s32 $0x6800  }
0x12: {  	s21 =	simm.s32 $0x60;
	s22 =	simm.s32 $0x8000;
	s8 =	sadd.s32 s5, s0  }
0x13: {  	s5 =	sadd.s32 $0x7A00, s0;
	s0 =	sadd.s32 $0x72200, s0;
	s1 =	sor.u32 s3, s1  }
0x14: {  	s3 =	sshrl.u32 s23, $0x3;
	[dreg:$0x8] =	wrdreg s25;
	s23 =	simm.s32 $0x1  }
0x15: {  	s25 =	simm.s32 $0x9800;
	s8 =	sadd.s32 $0x59200, s8;
	s1 =	sshrl.u32 s1, $0x3  }
0x16: {  	s6 =	sadd.s32 s0, s24;
	s0 =	sadd.s32 s0, s3;
	[dreg:$0x3] =	wrdreg s8  }
0x17: {  	s24 =	simm.s32 $0x90;
	s3 =	simm.s32 $0x8;
	[dreg:$0x5] =	wrdreg s6  }
0x18: {  	s8 =	sshrl.u32 s19, $0x3;
	s1 =	sadd.s32 s7, s1;
	[dreg:$0x7] =	wrdreg s0  }
0x19: {  	s19 =	simm.s32 $0x5000;
	s0 =	simm.s32 $0x4;
	s6 =	simm.s32 $0x4F60  }
0x1a: {  	s8 =	sadd.s32 s7, s8;
	[dreg:$0x6] =	wrdreg s1;
	s1 =	simm.s32 $0x7  }
0x1b: {  	s7 =	simm.s32 $0x4F90;
	[dreg:$0x4] =	wrdreg s8;
	s8 =	simm.s32 $0x0  }
.LBB2_1:
0x1c: {  	s9 =	rddreg [dreg:$0x3]  }
0x1d: {  	[tilespmem:s14], [sflag:$0x9] =	stream.strided.gather [hbm4b:s9+s12], $0x2800, s13, s12, $0x38;
	[tilespmem:$0x1EC00] =	vst v63  }
0x1e: {  	_ =	swait.ge [sflag:s15], $0x2800  }
0x1f: {  	[sflag:s15] =	ssyncset.done $0x0  }
0x20: {  	s11 =	simm.s32 $0x0;
	s10 =	rddreg [dreg:$0x4];
	[sflag:s15] =	ssyncadd.s32 $0xFFFFD800  }
0x21: {  	[tilespmem:s11], [sflag:$0x9] =	stream.strided.gather [hbm4b:s10+s12], $0x2800, s13, s12, $0x38;
	[tilespmem:$0x1EC00] =	vst v63  }
0x22: {  	_ =	swait.ge [sflag:s15], $0x2800  }
0x23: {  	[sflag:s15] =	ssyncset.done $0x0  }
0x24: {  	[sflag:s15] =	ssyncadd.s32 $0xFFFFD800  }
0x25: {  	[spmem:s17], [sflag:s16] =	dma.local [hbm:s5], $0x2780  }
0x26: {  	_ =	swait.ge [sflag:s15], $0x2780  }
0x27: {  	[sflag:s15] =	ssyncset.done $0x0  }
0x28: {  	[sflag:s15] =	ssyncadd.s32 $0xFFFFD880  }
0x29: {  	[bflag:$0x0] =	sbarrier.arrive $0xFFFF  }
0x2a: {  	[tilespmem:s19], [sflag:$0x1] =	stream.indirect.gather [hbm4b:s4+s18], $0x80, s11, s18, $0xb8;
	[tilespmem:$0x1EC00] =	vst v63  }
0x2b: {  	_ = 	snop  }
0x2c: {  	[tilespmem:s20], [sflag:$0x2] =	stream.indirect.gather [hbm4b:s4+s18], $0x80, s18, s18, $0xb8;
	[tilespmem:$0x1EC00] =	vst v63  }
0x2d: {  	_ = 	snop  }
0x2e: {  	[tilespmem:s22], [sflag:$0x3] =	stream.indirect.gather [hbm4b:s4+s18], $0x80, s21, s18, $0xb8;
	[tilespmem:$0x1EC00] =	vst v63  }
0x2f: {  	_ =	swait.ge [sflag:s23], $0x1800  }
0x30: {  	[sflag:s23] =	ssyncset.done $0x0  }
0x31: {  	[sflag:s23] =	ssyncadd.s32 $0xFFFFE800  }
0x32: {  	[spmem:s2] =	stream.indirect.scatter.add.f32 [tilespmem:s19], [sflag:$0x5], $0x80, s14, s18, $0xb8;
	[tilespmem:$0x1EC00] =	vst v63  }
0x33: {  	_ = 	snop  }
0x34: {  	[tilespmem:s25], [sflag:$0x4] =	stream.indirect.gather [hbm4b:s4+s18], $0x80, s24, s18, $0xb8;
	[tilespmem:$0x1EC00] =	vst v63  }
0x35: {  	_ =	swait.ge [sflag:s26], $0x1800  }
0x36: {  	[sflag:s26] =	ssyncset.done $0x0  }
0x37: {  	[sflag:s26] =	ssyncadd.s32 $0xFFFFE800  }
0x38: {  	[spmem:s2] =	stream.indirect.scatter.add.f32 [tilespmem:s20], [sflag:$0x6], $0x80, s28, s18, $0xb8;
	[tilespmem:$0x1EC00] =	vst v63  }
0x39: {  	_ =	swait.ge [sflag:s29], $0x1800  }
0x3a: {  	[sflag:s29] =	ssyncset.done $0x0  }
0x3b: {  	s11 =	simm.s32 $0xC0;
	[sflag:s29] =	ssyncadd.s32 $0xFFFFE800  }
0x3c: {  	[tilespmem:s19], [sflag:$0x1] =	stream.indirect.gather [hbm4b:s4+s18], $0x80, s11, s18, $0xb8;
	[tilespmem:$0x1EC00] =	vst v63  }
0x3d: {  	_ =	swait.ge [sflag:s30], $0x1800  }
0x3e: {  	[sflag:s30] =	ssyncset.done $0x0  }
0x3f: {  	s10 =	simm.s32 $0x2860;
	[sflag:s30] =	ssyncadd.s32 $0xFFFFE800  }
0x40: {  	[spmem:s2] =	stream.indirect.scatter.add.f32 [tilespmem:s22], [sflag:$0x7], $0x80, s10, s18, $0xb8;
	[tilespmem:$0x1EC00] =	vst v63  }
0x41: {  	_ =	swait.ge [sflag:s31], $0x1800  }
0x42: {  	[sflag:s31] =	ssyncset.done $0x0  }
0x43: {  	s11 =	simm.s32 $0xF0;
	[sflag:s31] =	ssyncadd.s32 $0xFFFFE800  }
0x44: {  	[tilespmem:s20], [sflag:$0x2] =	stream.indirect.gather [hbm4b:s4+s18], $0x80, s11, s18, $0xb8;
	[tilespmem:$0x1EC00] =	vst v63  }
0x45: {  	_ =	swait.ge [sflag:s0], $0x1800  }
0x46: {  	[sflag:s0] =	ssyncset.done $0x0  }
0x47: {  	s10 =	simm.s32 $0x2890;
	[sflag:s0] =	ssyncadd.s32 $0xFFFFE800  }
0x48: {  	[spmem:s2] =	stream.indirect.scatter.add.f32 [tilespmem:s25], [sflag:$0x8], $0x80, s10, s18, $0xb8;
	[tilespmem:$0x1EC00] =	vst v63  }
0x49: {  	_ =	swait.ge [sflag:s1], $0x1800  }
0x4a: {  	[sflag:s1] =	ssyncset.done $0x0  }
0x4b: {  	s11 =	simm.s32 $0x120;
	[sflag:s1] =	ssyncadd.s32 $0xFFFFE800  }
0x4c: {  	[tilespmem:s22], [sflag:$0x3] =	stream.indirect.gather [hbm4b:s4+s18], $0x80, s11, s18, $0xb8;
	[tilespmem:$0x1EC00] =	vst v63  }
0x4d: {  	_ =	swait.ge [sflag:s23], $0x1800  }
0x4e: {  	[sflag:s23] =	ssyncset.done $0x0  }
0x4f: {  	s10 =	simm.s32 $0x28C0;
	[sflag:s23] =	ssyncadd.s32 $0xFFFFE800  }
0x50: {  	[spmem:s2] =	stream.indirect.scatter.add.f32 [tilespmem:s19], [sflag:$0x5], $0x80, s10, s18, $0xb8;
	[tilespmem:$0x1EC00] =	vst v63  }
0x51: {  	_ =	swait.ge [sflag:s3], $0x1800  }
0x52: {  	[sflag:s3] =	ssyncset.done $0x0  }
0x53: {  	s11 =	simm.s32 $0x150;
	[sflag:s3] =	ssyncadd.s32 $0xFFFFE800  }
0x54: {  	[tilespmem:s25], [sflag:$0x4] =	stream.indirect.gather [hbm4b:s4+s18], $0x80, s11, s18, $0xb8;
	[tilespmem:$0x1EC00] =	vst v63  }
0x55: {  	_ =	swait.ge [sflag:s26], $0x1800  }
0x56: {  	[sflag:s26] =	ssyncset.done $0x0  }
0x57: {  	s9 =	simm.s32 $0x300;
	s10 =	simm.s32 $0x28F0;
	[sflag:s26] =	ssyncadd.s32 $0xFFFFE800  }
.LBB2_2:
0x58: {  	[spmem:s2] =	stream.indirect.scatter.add.f32 [tilespmem:s20], [sflag:$0x6], $0x80, s10, s18, $0xb8;
	[tilespmem:$0x1EC00] =	vst v63  }
0x59: {  	s10 =	smov.u32 s9  }
0x5a: {  	p0 =	sne.s32 s9, $0x9900;
	s9 =	sadd.s32 $0x300, s9;
	_ =	swait.ge [sflag:s29], $0x1800  }
0x5b: {  	s10 =	sshra.s32 s10, $0x2;
	[sflag:s29] =	ssyncset.done $0x0  }
0x5c: {  	s11 =	sadd.s32 $0xC0, s10;
	[sflag:s29] =	ssyncadd.s32 $0xFFFFE800  }
0x5d: {  	[tilespmem:s19], [sflag:$0x1] =	stream.indirect.gather [hbm4b:s4+s18], $0x80, s11, s18, $0xb8;
	[tilespmem:$0x1EC00] =	vst v63  }
0x5e: {  	_ =	swait.ge [sflag:s30], $0x1800  }
0x5f: {  	[sflag:s30] =	ssyncset.done $0x0  }
0x60: {  	s11 =	sadd.s32 $0x2860, s10;
	[sflag:s30] =	ssyncadd.s32 $0xFFFFE800  }
0x61: {  	[spmem:s2] =	stream.indirect.scatter.add.f32 [tilespmem:s22], [sflag:$0x7], $0x80, s11, s18, $0xb8;
	[tilespmem:$0x1EC00] =	vst v63  }
0x62: {  	_ =	swait.ge [sflag:s31], $0x1800  }
0x63: {  	[sflag:s31] =	ssyncset.done $0x0  }
0x64: {  	s11 =	sadd.s32 $0xF0, s10;
	[sflag:s31] =	ssyncadd.s32 $0xFFFFE800  }
0x65: {  	[tilespmem:s20], [sflag:$0x2] =	stream.indirect.gather [hbm4b:s4+s18], $0x80, s11, s18, $0xb8;
	[tilespmem:$0x1EC00] =	vst v63  }
0x66: {  	_ =	swait.ge [sflag:s0], $0x1800  }
0x67: {  	[sflag:s0] =	ssyncset.done $0x0  }
0x68: {  	s11 =	sadd.s32 $0x2890, s10;
	[sflag:s0] =	ssyncadd.s32 $0xFFFFE800  }
0x69: {  	[spmem:s2] =	stream.indirect.scatter.add.f32 [tilespmem:s25], [sflag:$0x8], $0x80, s11, s18, $0xb8;
	[tilespmem:$0x1EC00] =	vst v63  }
0x6a: {  	_ =	swait.ge [sflag:s1], $0x1800  }
0x6b: {  	[sflag:s1] =	ssyncset.done $0x0  }
0x6c: {  	s11 =	sadd.s32 $0x120, s10;
	[sflag:s1] =	ssyncadd.s32 $0xFFFFE800  }
0x6d: {  	[tilespmem:s22], [sflag:$0x3] =	stream.indirect.gather [hbm4b:s4+s18], $0x80, s11, s18, $0xb8;
	[tilespmem:$0x1EC00] =	vst v63  }
0x6e: {  	_ =	swait.ge [sflag:s23], $0x1800  }
0x6f: {  	[sflag:s23] =	ssyncset.done $0x0  }
0x70: {  	s11 =	sadd.s32 $0x28C0, s10;
	[sflag:s23] =	ssyncadd.s32 $0xFFFFE800  }
0x71: {  	[spmem:s2] =	stream.indirect.scatter.add.f32 [tilespmem:s19], [sflag:$0x5], $0x80, s11, s18, $0xb8;
	[tilespmem:$0x1EC00] =	vst v63  }
0x72: {  	_ =	swait.ge [sflag:s3], $0x1800  }
0x73: {  	[sflag:s3] =	ssyncset.done $0x0  }
.Ltmp0:
0x74: {  	s11 =	sadd.s32 $0x150, s10;
	[sflag:s3] =	ssyncadd.s32 $0xFFFFE800;
	(pc) =	sbr.rel @p0 .LBB2_2-.Ltmp0, $4  }
0x75: {  	[tilespmem:s25], [sflag:$0x4] =	stream.indirect.gather [hbm4b:s4+s18], $0x80, s11, s18, $0xb8;
	[tilespmem:$0x1EC00] =	vst v63  }
0x76: {  	_ =	swait.ge [sflag:s26], $0x1800  }
0x77: {  	[sflag:s26] =	ssyncset.done $0x0  }
0x78: {  	s10 =	sadd.s32 $0x28F0, s10;
	[sflag:s26] =	ssyncadd.s32 $0xFFFFE800  }
0x79: {  	[spmem:s2] =	stream.indirect.scatter.add.f32 [tilespmem:s20], [sflag:$0x6], $0x80, s10, s18, $0xb8;
	[tilespmem:$0x1EC00] =	vst v63  }
0x7a: {  	_ =	swait.ge [sflag:s30], $0x1800  }
0x7b: {  	[sflag:s30] =	ssyncset.done $0x0  }
0x7c: {  	[sflag:s30] =	ssyncadd.s32 $0xFFFFE800  }
0x7d: {  	[spmem:s2] =	stream.indirect.scatter.add.f32 [tilespmem:s22], [sflag:$0x7], $0x80, s6, s18, $0xb8;
	[tilespmem:$0x1EC00] =	vst v63  }
0x7e: {  	_ =	swait.ge [sflag:s0], $0x1800  }
0x7f: {  	[sflag:s0] =	ssyncset.done $0x0  }
0x80: {  	[sflag:s0] =	ssyncadd.s32 $0xFFFFE800  }
0x81: {  	[spmem:s2] =	stream.indirect.scatter.add.f32 [tilespmem:s25], [sflag:$0x8], $0x80, s7, s18, $0xb8;
	[tilespmem:$0x1EC00] =	vst v63  }
0x82: {  	_ =	swait.ge [sflag:s29], $0x1800  }
0x83: {  	[sflag:s29] =	ssyncset.done $0x0  }
0x84: {  	[sflag:s29] =	ssyncadd.s32 $0xFFFFE800  }
0x85: {  	_ =	swait.ge [sflag:s31], $0x1800  }
0x86: {  	[sflag:s31] =	ssyncset.done $0x0  }
0x87: {  	[sflag:s31] =	ssyncadd.s32 $0xFFFFE800  }
0x88: {  	_ =	swait.ge [sflag:s1], $0x1800  }
0x89: {  	[sflag:s1] =	ssyncset.done $0x0  }
0x8a: {  	[sflag:s1] =	ssyncadd.s32 $0xFFFFE800  }
0x8b: {  	_ =	swait.ge [sflag:s3], $0x1800  }
0x8c: {  	[sflag:s3] =	ssyncset.done $0x0  }
0x8d: {  	[sflag:s3] =	ssyncadd.s32 $0xFFFFE800  }
0x8e: {  	[bflag:$0x0] =	sbarrier.arrive $0xFFFF  }
0x8f: {  	s9 =	rddreg [dreg:$0x5]  }
0x90: {  	[hbm:s9], [sflag:s16] =	dma.local [spmem:s17], $0x2780  }
0x91: {  	_ =	swait.ge [sflag:s15], $0x2780  }
0x92: {  	[sflag:s15] =	ssyncset.done $0x0  }
0x93: {  	[sflag:s15] =	ssyncadd.s32 $0xFFFFD880  }
0x94: {  	[bflag:$0x0] =	sbarrier.arrive $0xFFFF  }
0x95: {  	s9 =	simm.s32 $0x0;
	s11 =	rddreg [dreg:$0x6]  }
0x96: {  	[tilespmem:s9], [sflag:$0x9] =	stream.strided.gather [hbm4b:s11+s12], $0x2800, s13, s12, $0x38;
	[tilespmem:$0x1EC00] =	vst v63  }
0x97: {  	_ =	swait.ge [sflag:s15], $0x2800  }
0x98: {  	[sflag:s15] =	ssyncset.done $0x0  }
0x99: {  	[sflag:s15] =	ssyncadd.s32 $0xFFFFD800  }
0x9a: {  	[spmem:s17], [sflag:s16] =	dma.local [hbm:s5], $0x2780  }
0x9b: {  	_ =	swait.ge [sflag:s15], $0x2780  }
0x9c: {  	[sflag:s15] =	ssyncset.done $0x0  }
0x9d: {  	[sflag:s15] =	ssyncadd.s32 $0xFFFFD880  }
0x9e: {  	[bflag:$0x0] =	sbarrier.arrive $0xFFFF  }
0x9f: {  	[tilespmem:s19], [sflag:$0x1] =	stream.indirect.gather [hbm4b:s4+s18], $0x80, s9, s18, $0xb8;
	[tilespmem:$0x1EC00] =	vst v63  }
0xa0: {  	_ = 	snop  }
0xa1: {  	[tilespmem:s20], [sflag:$0x2] =	stream.indirect.gather [hbm4b:s4+s18], $0x80, s18, s18, $0xb8;
	[tilespmem:$0x1EC00] =	vst v63  }
0xa2: {  	_ = 	snop  }
0xa3: {  	[tilespmem:s22], [sflag:$0x3] =	stream.indirect.gather [hbm4b:s4+s18], $0x80, s21, s18, $0xb8;
	[tilespmem:$0x1EC00] =	vst v63  }
0xa4: {  	_ =	swait.ge [sflag:s23], $0x1800  }
0xa5: {  	[sflag:s23] =	ssyncset.done $0x0  }
0xa6: {  	[sflag:s23] =	ssyncadd.s32 $0xFFFFE800  }
0xa7: {  	[spmem:s2] =	stream.indirect.scatter.add.f32 [tilespmem:s19], [sflag:$0x5], $0x80, s14, s18, $0xb8;
	[tilespmem:$0x1EC00] =	vst v63  }
0xa8: {  	_ = 	snop  }
0xa9: {  	[tilespmem:s25], [sflag:$0x4] =	stream.indirect.gather [hbm4b:s4+s18], $0x80, s24, s18, $0xb8;
	[tilespmem:$0x1EC00] =	vst v63  }
0xaa: {  	_ =	swait.ge [sflag:s26], $0x1800  }
0xab: {  	[sflag:s26] =	ssyncset.done $0x0  }
0xac: {  	[sflag:s26] =	ssyncadd.s32 $0xFFFFE800  }
0xad: {  	[spmem:s2] =	stream.indirect.scatter.add.f32 [tilespmem:s20], [sflag:$0x6], $0x80, s28, s18, $0xb8;
	[tilespmem:$0x1EC00] =	vst v63  }
0xae: {  	_ =	swait.ge [sflag:s29], $0x1800  }
0xaf: {  	[sflag:s29] =	ssyncset.done $0x0  }
0xb0: {  	s11 =	simm.s32 $0xC0;
	[sflag:s29] =	ssyncadd.s32 $0xFFFFE800  }
0xb1: {  	[tilespmem:s19], [sflag:$0x1] =	stream.indirect.gather [hbm4b:s4+s18], $0x80, s11, s18, $0xb8;
	[tilespmem:$0x1EC00] =	vst v63  }
0xb2: {  	_ =	swait.ge [sflag:s30], $0x1800  }
0xb3: {  	[sflag:s30] =	ssyncset.done $0x0  }
0xb4: {  	s10 =	simm.s32 $0x2860;
	[sflag:s30] =	ssyncadd.s32 $0xFFFFE800  }
0xb5: {  	[spmem:s2] =	stream.indirect.scatter.add.f32 [tilespmem:s22], [sflag:$0x7], $0x80, s10, s18, $0xb8;
	[tilespmem:$0x1EC00] =	vst v63  }
0xb6: {  	_ =	swait.ge [sflag:s31], $0x1800  }
0xb7: {  	[sflag:s31] =	ssyncset.done $0x0  }
0xb8: {  	s11 =	simm.s32 $0xF0;
	[sflag:s31] =	ssyncadd.s32 $0xFFFFE800  }
0xb9: {  	[tilespmem:s20], [sflag:$0x2] =	stream.indirect.gather [hbm4b:s4+s18], $0x80, s11, s18, $0xb8;
	[tilespmem:$0x1EC00] =	vst v63  }
0xba: {  	_ =	swait.ge [sflag:s0], $0x1800  }
0xbb: {  	[sflag:s0] =	ssyncset.done $0x0  }
0xbc: {  	s10 =	simm.s32 $0x2890;
	[sflag:s0] =	ssyncadd.s32 $0xFFFFE800  }
0xbd: {  	[spmem:s2] =	stream.indirect.scatter.add.f32 [tilespmem:s25], [sflag:$0x8], $0x80, s10, s18, $0xb8;
	[tilespmem:$0x1EC00] =	vst v63  }
0xbe: {  	_ =	swait.ge [sflag:s1], $0x1800  }
0xbf: {  	[sflag:s1] =	ssyncset.done $0x0  }
0xc0: {  	s11 =	simm.s32 $0x120;
	[sflag:s1] =	ssyncadd.s32 $0xFFFFE800  }
0xc1: {  	[tilespmem:s22], [sflag:$0x3] =	stream.indirect.gather [hbm4b:s4+s18], $0x80, s11, s18, $0xb8;
	[tilespmem:$0x1EC00] =	vst v63  }
0xc2: {  	_ =	swait.ge [sflag:s23], $0x1800  }
0xc3: {  	[sflag:s23] =	ssyncset.done $0x0  }
0xc4: {  	s10 =	simm.s32 $0x28C0;
	[sflag:s23] =	ssyncadd.s32 $0xFFFFE800  }
0xc5: {  	[spmem:s2] =	stream.indirect.scatter.add.f32 [tilespmem:s19], [sflag:$0x5], $0x80, s10, s18, $0xb8;
	[tilespmem:$0x1EC00] =	vst v63  }
0xc6: {  	_ =	swait.ge [sflag:s3], $0x1800  }
0xc7: {  	[sflag:s3] =	ssyncset.done $0x0  }
0xc8: {  	s11 =	simm.s32 $0x150;
	[sflag:s3] =	ssyncadd.s32 $0xFFFFE800  }
0xc9: {  	[tilespmem:s25], [sflag:$0x4] =	stream.indirect.gather [hbm4b:s4+s18], $0x80, s11, s18, $0xb8;
	[tilespmem:$0x1EC00] =	vst v63  }
0xca: {  	_ =	swait.ge [sflag:s26], $0x1800  }
0xcb: {  	[sflag:s26] =	ssyncset.done $0x0  }
0xcc: {  	s9 =	simm.s32 $0x300;
	s10 =	simm.s32 $0x28F0;
	[sflag:s26] =	ssyncadd.s32 $0xFFFFE800  }
.LBB2_4:
0xcd: {  	[spmem:s2] =	stream.indirect.scatter.add.f32 [tilespmem:s20], [sflag:$0x6], $0x80, s10, s18, $0xb8;
	[tilespmem:$0x1EC00] =	vst v63  }
0xce: {  	s10 =	smov.u32 s9  }
0xcf: {  	p0 =	sne.s32 s9, $0x9900;
	s9 =	sadd.s32 $0x300, s9;
	_ =	swait.ge [sflag:s29], $0x1800  }
0xd0: {  	s10 =	sshra.s32 s10, $0x2;
	[sflag:s29] =	ssyncset.done $0x0  }
0xd1: {  	s11 =	sadd.s32 $0xC0, s10;
	[sflag:s29] =	ssyncadd.s32 $0xFFFFE800  }
0xd2: {  	[tilespmem:s19], [sflag:$0x1] =	stream.indirect.gather [hbm4b:s4+s18], $0x80, s11, s18, $0xb8;
	[tilespmem:$0x1EC00] =	vst v63  }
0xd3: {  	_ =	swait.ge [sflag:s30], $0x1800  }
0xd4: {  	[sflag:s30] =	ssyncset.done $0x0  }
0xd5: {  	s11 =	sadd.s32 $0x2860, s10;
	[sflag:s30] =	ssyncadd.s32 $0xFFFFE800  }
0xd6: {  	[spmem:s2] =	stream.indirect.scatter.add.f32 [tilespmem:s22], [sflag:$0x7], $0x80, s11, s18, $0xb8;
	[tilespmem:$0x1EC00] =	vst v63  }
0xd7: {  	_ =	swait.ge [sflag:s31], $0x1800  }
0xd8: {  	[sflag:s31] =	ssyncset.done $0x0  }
0xd9: {  	s11 =	sadd.s32 $0xF0, s10;
	[sflag:s31] =	ssyncadd.s32 $0xFFFFE800  }
0xda: {  	[tilespmem:s20], [sflag:$0x2] =	stream.indirect.gather [hbm4b:s4+s18], $0x80, s11, s18, $0xb8;
	[tilespmem:$0x1EC00] =	vst v63  }
0xdb: {  	_ =	swait.ge [sflag:s0], $0x1800  }
0xdc: {  	[sflag:s0] =	ssyncset.done $0x0  }
0xdd: {  	s11 =	sadd.s32 $0x2890, s10;
	[sflag:s0] =	ssyncadd.s32 $0xFFFFE800  }
0xde: {  	[spmem:s2] =	stream.indirect.scatter.add.f32 [tilespmem:s25], [sflag:$0x8], $0x80, s11, s18, $0xb8;
	[tilespmem:$0x1EC00] =	vst v63  }
0xdf: {  	_ =	swait.ge [sflag:s1], $0x1800  }
0xe0: {  	[sflag:s1] =	ssyncset.done $0x0  }
0xe1: {  	s11 =	sadd.s32 $0x120, s10;
	[sflag:s1] =	ssyncadd.s32 $0xFFFFE800  }
0xe2: {  	[tilespmem:s22], [sflag:$0x3] =	stream.indirect.gather [hbm4b:s4+s18], $0x80, s11, s18, $0xb8;
	[tilespmem:$0x1EC00] =	vst v63  }
0xe3: {  	_ =	swait.ge [sflag:s23], $0x1800  }
0xe4: {  	[sflag:s23] =	ssyncset.done $0x0  }
0xe5: {  	s11 =	sadd.s32 $0x28C0, s10;
	[sflag:s23] =	ssyncadd.s32 $0xFFFFE800  }
0xe6: {  	[spmem:s2] =	stream.indirect.scatter.add.f32 [tilespmem:s19], [sflag:$0x5], $0x80, s11, s18, $0xb8;
	[tilespmem:$0x1EC00] =	vst v63  }
0xe7: {  	_ =	swait.ge [sflag:s3], $0x1800  }
0xe8: {  	[sflag:s3] =	ssyncset.done $0x0  }
.Ltmp1:
0xe9: {  	s11 =	sadd.s32 $0x150, s10;
	[sflag:s3] =	ssyncadd.s32 $0xFFFFE800;
	(pc) =	sbr.rel @p0 .LBB2_4-.Ltmp1, $4  }
0xea: {  	[tilespmem:s25], [sflag:$0x4] =	stream.indirect.gather [hbm4b:s4+s18], $0x80, s11, s18, $0xb8;
	[tilespmem:$0x1EC00] =	vst v63  }
0xeb: {  	_ =	swait.ge [sflag:s26], $0x1800  }
0xec: {  	[sflag:s26] =	ssyncset.done $0x0  }
0xed: {  	s10 =	sadd.s32 $0x28F0, s10;
	[sflag:s26] =	ssyncadd.s32 $0xFFFFE800  }
0xee: {  	[spmem:s2] =	stream.indirect.scatter.add.f32 [tilespmem:s20], [sflag:$0x6], $0x80, s10, s18, $0xb8;
	[tilespmem:$0x1EC00] =	vst v63  }
0xef: {  	_ =	swait.ge [sflag:s30], $0x1800  }
0xf0: {  	[sflag:s30] =	ssyncset.done $0x0  }
0xf1: {  	[sflag:s30] =	ssyncadd.s32 $0xFFFFE800  }
0xf2: {  	[spmem:s2] =	stream.indirect.scatter.add.f32 [tilespmem:s22], [sflag:$0x7], $0x80, s6, s18, $0xb8;
	[tilespmem:$0x1EC00] =	vst v63  }
0xf3: {  	_ =	swait.ge [sflag:s0], $0x1800  }
0xf4: {  	[sflag:s0] =	ssyncset.done $0x0  }
0xf5: {  	[sflag:s0] =	ssyncadd.s32 $0xFFFFE800  }
0xf6: {  	[spmem:s2] =	stream.indirect.scatter.add.f32 [tilespmem:s25], [sflag:$0x8], $0x80, s7, s18, $0xb8;
	[tilespmem:$0x1EC00] =	vst v63  }
0xf7: {  	_ =	swait.ge [sflag:s29], $0x1800  }
0xf8: {  	[sflag:s29] =	ssyncset.done $0x0  }
0xf9: {  	[sflag:s29] =	ssyncadd.s32 $0xFFFFE800  }
0xfa: {  	_ =	swait.ge [sflag:s31], $0x1800  }
0xfb: {  	[sflag:s31] =	ssyncset.done $0x0  }
0xfc: {  	[sflag:s31] =	ssyncadd.s32 $0xFFFFE800  }
0xfd: {  	_ =	swait.ge [sflag:s1], $0x1800  }
0xfe: {  	[sflag:s1] =	ssyncset.done $0x0  }
0xff: {  	[sflag:s1] =	ssyncadd.s32 $0xFFFFE800  }
0x100: {  	_ =	swait.ge [sflag:s3], $0x1800  }
0x101: {  	[sflag:s3] =	ssyncset.done $0x0  }
0x102: {  	[sflag:s3] =	ssyncadd.s32 $0xFFFFE800  }
0x103: {  	[bflag:$0x0] =	sbarrier.arrive $0xFFFF  }
0x104: {  	s9 =	rddreg [dreg:$0x7]  }
0x105: {  	[hbm:s9], [sflag:s16] =	dma.local [spmem:s17], $0x2780  }
0x106: {  	_ =	swait.ge [sflag:s15], $0x2780  }
0x107: {  	s8 =	sadd.s32 $0x1, s8;
	s11 =	rddreg [dreg:$0x8]  }
0x108: {  	p0 =	sne.s32 s8, s11  }
.Ltmp2:
0x109: {  	_ = 	snop;
	(pc) =	sbr.rel @p0 .LBB2_1-.Ltmp2, $3  }
0x10a: {  	_ =	sdelay $0x1  }
0x10b: {  	[sflag:s15] =	ssyncset.done $0x0  }
0x10c: {  	[sflag:s15] =	ssyncadd.s32 $0xFFFFD880  }
0x10d: {  	_ =	sfence.sel $0x180000  }
0x10e: {  	[bflag:$0x0] =	sbarrier.arrive $0xFFFF  }
0x10f: {  	_ =	strace $0x9000004D  }
0x110: {  	s0 =	stileid.u32;
	[bflag:$0x2] =	sbarrier.arrive $0xFFFF  }
0x111: {  	p0 =	sne.s32 s0, $0x0;
	s0 =	rddreg [dreg:$0x2]  }
0x112: {  	s0 =	sadd.s32 @!p0 $0x100000, s0  }
0x113: {  	[sflag:s0] =	ssyncadd.tile.s32 @!p0 $0x1;
	_ =	shalt  }
.Lfunc_end2:
_tile_overlayer_lowered:
.L_overlay_start_2:
0x114: {  	(tag) =	ssettag $0x2  }
0x115: {  	s0 =	rddreg [dreg:$0x0];
	s2 =	stileid.u32  }
0x116: {  	s1 =	rddreg [dreg:$0x1];
	p0 =	sne.s32 s2, $0x0  }
0x117: {  	s3 =	rddreg [dreg:$0x2];
	[bflag:$0x3] =	sbarrier.arrive $0xFFFF;
	s2 =	simm.s32 @!p0 $0x1C09  }
0x118: {  	[timem:s3], [sflag:s2] =	dma.local @!p0 [hbm:s0], s1  }
0x119: {  	s0 =	simm.s32 @!p0 $0x9  }
0x11a: {  	_ =	swait.ge @!p0 [sflag:s0], s1  }
0x11b: {  	s1 =	ssub.s32 @!p0 $0x0, s1;
	[sflag:s0] =	ssyncset.done @!p0 $0x0  }
0x11c: {  	[sflag:s0] =	ssyncadd.s32 @!p0 s1  }
0x11d: {  	[bflag:$0x3] =	sbarrier.arrive $0xFFFF  }
0x11e: {  	_ =	shalt  }

// kernel: kernel.19.cloned.1.call-start
scs
__scs_entry_jumppad:
0x0: {  	(pc) =	sbr.rel $0x88, $3  }
0x1: {  	(tag) =	ssettag $0x0;
	lr =	simm.s32 $0x1  }
0x2: {  	[smem:$0x3F96] =	sst lr;
	_ =	strace $0xD0000000  }
0x3: {  	_ = 	snop  }
0x4: {  	_ = 	snop  }
0x5: {  	_ = 	snop  }
0x6: {  	_ = 	snop  }
0x7: {  	_ = 	snop  }
__scs_overlays_trampoline_lowered:
0x8: {  	[smem:$0x3FA5] =	sst s0  }
0x9: {  	[smem:$0x3FA6] =	sst s1  }
0xa: {  	[smem:$0x3FA7] =	sst s2  }
0xb: {  	[smem:$0x3FA8] =	sst s3  }
0xc: {  	[smem:$0x3FA9] =	sst s4  }
0xd: {  	[smem:$0x3FAA] =	sst s5  }
0xe: {  	[smem:$0x3FAB] =	sst s6  }
0xf: {  	[smem:$0x3FAC] =	sst s7  }
0x10: {  	[smem:$0x3FAD] =	sst s8  }
0x11: {  	[smem:$0x3FAE] =	sst s9;
	s0 =	simm.s32 @!p0 $0x0  }
0x12: {  	s1 =	sld [smem:$0x3F94];
	s0 =	simm.s32 @p0 $0x1  }
0x13: {  	[smem:$0x3FAF] =	sst s0;
	s0 =	simm.s32 @!p1 $0x0  }
0x14: {  	s2 =	sld [smem:$0x3F93];
	s0 =	simm.s32 @p1 $0x1  }
0x15: {  	[smem:$0x3FB0] =	sst s0;
	s0 =	simm.s32 @!p2 $0x0  }
0x16: {  	s3 =	sld [smem:$0x3FDB];
	s0 =	simm.s32 @p2 $0x1  }
0x17: {  	s4 =	simm.s32 $0x1BF5;
	[smem:$0x3FB2] =	sst s0  }
0x18: {  	s0 =	sld [smem:$0x3F95];
	_ =	swait.ge [sflag:s4], $0x0  }
0x19: {  	s7 =	sld [smem:$0x3F96]  }
0x1a: {  	s8 =	sadd.s32 $0xFFFFE003, lr  }
0x1b: {  	s9 =	sadd.s32 $0xFFFFFEF7, lr;
	s5 =	simm.s32 $0xFFFFFFFF;
	p2 =	slt.u32 s8, $0xFFFFF086  }
0x1c: {  	p1 =	slt.u32 s9, $0xF7A;
	s5 =	simm.s32 @!p2 $0x0  }
0x1d: {  	s5 =	simm.s32 @p1 $0x1;
	p0 =	seq.s32 s7, s2  }
0x1e: {  	s7 =	smul.u32 @!p0 $0xF7A, s2;
	p2 =	seq.s32 @!p0 s5, $0x0  }
0x1f: {  	s9 =	smul.u32 $0xF7A, s1;
	s8 =	simm.s32 @!p0 $0x1BF5;
	p2 =	por !p2, p0  }
0x20: {  	[sflag:s8] =	ssyncset.s32 @!p0 $0xFFFFF086;
	s6 =	sadd.s32 @!p0 s3, s7;
	s7 =	simm.s32 @!p0 $0x108  }
0x21: {  	s3 =	sadd.s32 s3, s9;
	s6 =	sadd.s32 @!p0 $0x88, s6;
	s7 =	simm.s32 @p2 $0x1082  }
0x22: {  	[simem:s7], [sflag:s8] =	dma.local @!p0 [hbm:s6], $0xF7A  }
0x23: {  	s9 =	sor.u32 $0xD0000000, s2;
	s6 =	simm.s32 $0x108;
	_ =	swait.ge @!p0 [sflag:s8], $0x0  }
0x24: {  	s3 =	sadd.s32 $0x88, s3;
	s6 =	simm.s32 @!p1 $0x1082;
	[sflag:s4] =	ssyncset.s32 $0xFFFFF086  }
0x25: {  	[simem:s6], [sflag:s4] =	dma.local [hbm:s3], $0xF7A  }
0x26: {  	[smem:$0x3F96] =	sst s1;
	(tag) =	ssettag s2;
	_ =	strace s9  }
0x27: {  	s1 =	sld [smem:$0x3FA6]  }
0x28: {  	s2 =	sld [smem:$0x3FA7]  }
0x29: {  	s4 =	sld [smem:$0x3FA9]  }
0x2a: {  	p0 =	seq.s32 s5, $0x0;
	s5 =	sld [smem:$0x3FAA]  }
0x2b: {  	s6 =	sld [smem:$0x3FAB]  }
0x2c: {  	s7 =	sld [smem:$0x3FAC]  }
0x2d: {  	s3 =	simm.s32 $0x108;
	s8 =	sld [smem:$0x3FAD]  }
0x2e: {  	s3 =	simm.s32 @!p0 $0x1082;
	s9 =	sld [smem:$0x3FAE]  }
0x2f: {  	lr =	sadd.s32 s0, s3;
	s0 =	sld [smem:$0x3FA5]  }
0x30: {  	s3 =	sld [smem:$0x3FA8]  }
0x31: {  	[smem:$0x3FB1] =	sst s10  }
0x32: {  	s10 =	sld [smem:$0x3FAF];
	_ =	sdelay $0x3  }
0x33: {  	p0 =	seq.s32 s10, $0x1;
	s10 =	sld [smem:$0x3FB1];
	_ =	sdelay $0x3  }
0x34: {  	[smem:$0x3FB1] =	sst s10  }
0x35: {  	s10 =	sld [smem:$0x3FB0];
	_ =	sdelay $0x3  }
0x36: {  	p1 =	seq.s32 s10, $0x1;
	s10 =	sld [smem:$0x3FB1];
	_ =	sdelay $0x3  }
0x37: {  	[smem:$0x3FB1] =	sst s10  }
0x38: {  	s10 =	sld [smem:$0x3FB2]  }
0x39: {  	_ = 	snop;
	(pc) =	sbr.ind lr, $3  }
0x3a: {  	_ = 	snop  }
0x3b: {  	_ = 	snop  }
0x3c: {  	p2 =	seq.s32 s10, $0x1;
	s10 =	sld [smem:$0x3FB1]  }
0x3d: {  	_ =	shalt  }
0x3e: {  	_ =	shalt  }
0x3f: {  	_ =	shalt  }
0x40: {  	_ =	shalt  }
0x41: {  	_ =	shalt  }
0x42: {  	_ =	shalt  }
0x43: {  	_ =	shalt  }
0x44: {  	_ =	shalt  }
0x45: {  	_ =	shalt  }
0x46: {  	_ =	shalt  }
0x47: {  	_ =	shalt  }
0x48: {  	_ =	shalt  }
0x49: {  	_ =	shalt  }
0x4a: {  	_ =	shalt  }
0x4b: {  	_ =	shalt  }
0x4c: {  	_ =	shalt  }
0x4d: {  	_ =	shalt  }
0x4e: {  	_ =	shalt  }
0x4f: {  	_ =	shalt  }
0x50: {  	_ =	shalt  }
0x51: {  	_ =	shalt  }
0x52: {  	_ =	shalt  }
0x53: {  	_ =	shalt  }
0x54: {  	_ =	shalt  }
0x55: {  	_ =	shalt  }
0x56: {  	_ =	shalt  }
0x57: {  	_ =	shalt  }
0x58: {  	_ =	shalt  }
0x59: {  	_ =	shalt  }
0x5a: {  	_ =	shalt  }
0x5b: {  	_ =	shalt  }
0x5c: {  	_ =	shalt  }
0x5d: {  	_ =	shalt  }
0x5e: {  	_ =	shalt  }
0x5f: {  	_ =	shalt  }
0x60: {  	_ =	shalt  }
0x61: {  	_ =	shalt  }
0x62: {  	_ =	shalt  }
0x63: {  	_ =	shalt  }
0x64: {  	_ =	shalt  }
0x65: {  	_ =	shalt  }
0x66: {  	_ =	shalt  }
0x67: {  	_ =	shalt  }
0x68: {  	_ =	shalt  }
0x69: {  	_ =	shalt  }
0x6a: {  	_ =	shalt  }
0x6b: {  	_ =	shalt  }
0x6c: {  	_ =	shalt  }
0x6d: {  	_ =	shalt  }
0x6e: {  	_ =	shalt  }
0x6f: {  	_ =	shalt  }
0x70: {  	_ =	shalt  }
0x71: {  	_ =	shalt  }
0x72: {  	_ =	shalt  }
0x73: {  	_ =	shalt  }
0x74: {  	_ =	shalt  }
0x75: {  	_ =	shalt  }
0x76: {  	_ =	shalt  }
0x77: {  	_ =	shalt  }
0x78: {  	_ =	shalt  }
0x79: {  	_ =	shalt  }
0x7a: {  	_ =	shalt  }
0x7b: {  	_ =	shalt  }
0x7c: {  	_ =	shalt  }
0x7d: {  	_ =	shalt  }
0x7e: {  	_ =	shalt  }
0x7f: {  	_ =	shalt  }
0x80: {  	_ =	shalt  }
0x81: {  	_ =	shalt  }
0x82: {  	_ =	shalt  }
0x83: {  	_ =	shalt  }
0x84: {  	_ =	shalt  }
0x85: {  	_ =	shalt  }
0x86: {  	_ =	shalt  }
0x87: {  	_ =	shalt  }
.Lfunc_end0:
.L_simem_size_0:
called_computation.3_lowered:
.L_overlay_start_0:
0x88: {  	s2 =	sld [smem:$0x3FD9]  }
0x89: {  	s3 =	sld [smem:$0x3FFE];
	_ =	sdelay $0x1  }
0x8a: {  	s1 =	srdreg.scid  }
0x8b: {  	s0 =	sand.u32 $0x1, s1  }
0x8c: {  	s16 =	sshll.u32 s0, $0xA;
	s2 =	sadd.s32 s3, s2  }
0x8d: {  	s2 =	sadd.s32 s2, s16  }
0x8e: {  	[smem:$0x3FBD] =	sst s2  }
0x8f: {  	_ = 	snop  }
0x90: {  	(tm) =	ssettm $0x1  }
0x91: {  	s17 =	sld [smem:$0x3FFB];
	_ =	sdelay $0x3  }
0x92: {  	_ =	strace s17  }
0x93: {  	s2 =	sld [smem:$0x3FFC];
	_ =	sdelay $0x3  }
0x94: {  	_ =	strace s2  }
0x95: {  	s2 =	sld [smem:$0x3FFD];
	_ =	sdelay $0x3  }
0x96: {  	_ =	strace s2  }
0x97: {  	_ =	strace $0x8FFFFFFF  }
0x98: {  	s18 =	sld [smem:$0x3FDB];
	_ =	sdelay $0x1  }
0x99: {  	s19 =	simm.s32 $_scs_section_size  }
0x9a: {  	s4 =	simm.s32 $_size__tile_overlayer_lowered;
	s5 =	simm.s32 $_tile_overlayer_lowered  }
0x9b: {  	s22 =	simm.s32 $0x1BFF;
	s21 =	sshll.u32 s5, $0x1;
	s2 =	sadd.s32 s19, s18  }
0x9c: {  	s6 =	simm.s32 $0x0;
	s20 =	sshll.u32 s4, $0x1;
	s4 =	sadd.s32 s21, s2  }
0x9d: {  	[timem:s6], [sflag:s22] =	dma.local [hbm:s4], s20  }
0x9e: {  	_ =	swait.ge [sflag:s22], s20  }
0x9f: {  	s3 =	ssub.s32 $0x0, s20;
	[sflag:s22] =	ssyncset.done $0x0  }
0xa0: {  	[sflag:s22] =	ssyncadd.s32 s3;
	_ =	sdelay $0x1  }
0xa1: {  	s23 =	simm.s32 $0x1B8B  }
0xa2: {  	_ =	swait.ge [sflag:s23], $0x1  }
0xa3: {  	[sflag:s23] =	ssyncset.done $0x0  }
0xa4: {  	s25 =	simm.s32 $0x1B8E;
	s24 =	sld [smem:$0x3FFE];
	[sflag:s23] =	ssyncadd.s32 $0xFFFFFFFF  }
0xa5: {  	s26 =	simm.s32 $execute0_lowered;
	[smem:$0x3FD2] =	sst s25  }
0xa6: {  	s4 =	sshll.u32 s26, $0x1;
	_ =	strace $0x8000004F;
	[dreg:$0x1] =	wrdreg $0xFFFFFFFF  }
0xa7: {  	s28 =	simm.s32 $_size_execute0_lowered;
	s2 =	sadd.s32 s2, s4;
	[dreg:$0x0] =	wrdreg $0x0  }
0xa8: {  	s4 =	sshll.u32 s28, $0x1;
	[dreg:$0x2] =	wrdreg s2  }
0xa9: {  	[dreg:$0x3] =	wrdreg s4  }
0xaa: {  	[dreg:$0x4] =	wrdreg $0xC0  }
0xab: {  	_ =	task [dreg:s6], $0x5FFFF  }
0xac: {  	[dreg:$0x1] =	wrdreg $0xFFFFFFFF  }
0xad: {  	[dreg:$0x0] =	wrdreg $0x60  }
0xae: {  	[dreg:$0x2] =	wrdreg s24  }
0xaf: {  	[dreg:$0x3] =	wrdreg $0xB0000  }
0xb0: {  	[dreg:$0x4] =	wrdreg $0x9  }
0xb1: {  	_ =	task.clear_ibuf [dreg:s6], $0x5FFFF;
	_ =	strace $0x9000004F  }
0xb2: {  	s29 =	simm.s32 $0x9;
	_ =	strace $0x80000051  }
0xb3: {  	_ =	swait.ge [sflag:s29], $0x1  }
0xb4: {  	[sflag:s29] =	ssyncadd.s32 $0xFFFFFFFF  }
0xb5: {  	_ =	strace $0x90000051  }
0xb6: {  	_ =	sfence  }
0xb7: {  	s30 =	sld [smem:$0x0];
	_ =	sdelay $0x2  }
0xb8: {  	s31 =	sshll.u32 s1, $0xD;
	s1 =	sshrl.u32 s1, $0x2  }
0xb9: {  	s3 =	sand.u32 $0x4000, s31;
	s1 =	sadd.s32 s1, s30  }
0xba: {  	s0 =	sor.u32 s3, s0;
	s1 =	sshll.u32 s1, $0x11  }
0xbb: {  	s0 =	sor.u32 s1, s0  }
0xbc: {  	s0 =	sadd.s32 $0x8F2B, s0  }
0xbd: {  	[sflag:s0] =	ssyncadd.remote.s32 $0x1  }
0xbe: {  	_ =	sfence.sel $0xFFFF  }
0xbf: {  	[dreg:$0x0] =	wrdreg $0xFFFFFFFF;
	(pc) =	sbr.abs _section_cstart, $3  }
0xc0: {  	[dreg:$0x1] =	wrdreg $0xFFFFFFFF  }
0xc1: {  	_ =	task.clear_ibuf [dreg:s6], $0x2FFFF;
	_ =	strace $0x9FFFFFFF  }
0xc2: {  	(tm) =	ssettm $0x7FFFFFFF  }
0xc3: {  	_ =	shalt  }
tec
execute0_lowered:
.L_overlay_start_1:
0x0: {  	(tag) =	ssettag $0x1  }
0x1: {  	s0 =	rddreg [dreg:$0x0]  }
0x2: {  	s2 =	rddreg [dreg:$0x1];
	s16 =	stileid.u32;
	s3 =	simm.s32 $0x0  }
0x3: {  	s6 =	srdreg.scid;
	s14 =	simm.s32 $0x2800;
	s15 =	simm.s32 $0x9  }
0x4: {  	s28 =	simm.s32 $0x2830;
	s29 =	simm.s32 $0x5;
	s30 =	simm.s32 $0x3  }
0x5: {  	s31 =	simm.s32 $0x6;
	s1 =	sshrl.u32 s16, $0x3;
	[smem:$0x7FF] =	sst s3  }
0x6: {  	s17 =	sshll.u32 s16, $0x7;
	s4 =	sadd.s32 $0x110200, s0;
	s12 =	smul.u32 $0x4F000, s16  }
0x7: {  	s7 =	sadd.s32 $0x5E200, s0;
	s6 =	sand.u32 $0x1, s6;
	s18 =	smul.u32 $0x13C00, s16  }
0x8: {  	s26 =	sshll.u32 s16, $0x6;
	s1 =	smul.u32 $0x14000, s1;
	_ =	strace $0x80000050  }
0x9: {  	s3 =	sand.u32 $0x380, s17;
	s9 =	ssub.s32 $0x2, s6;
	s10 =	smul.u32 $0x28000, s6  }
0xa: {  	s13 =	smul.u32 $0x13C000, s6;
	s6 =	sor.u32 $0x2, s6;
	s16 =	sor.u32 $0x1C09, s26  }
0xb: {  	s26 =	simm.s32 $0x2;
	s11 =	sshrl.u32 s9, $0x1;
	s20 =	smul.u32 $0x28000, s6  }
0xc: {  	s12 =	sshrl.u32 s12, $0x2;
	s6 =	smul.u32 $0x13C000, s6;
	s5 =	sor.u32 s3, s1  }
0xd: {  	s9 =	ssub.s32 s9, s11;
	s10 =	sadd.s32 s10, s1;
	s21 =	sadd.s32 s12, s2  }
0xe: {  	s22 =	sadd.s32 s18, s13;
	s12 =	simm.s32 $0x80;
	s13 =	simm.s32 $0x400  }
0xf: {  	s5 =	sshrl.u32 s5, $0x3;
	s19 =	sor.u32 s3, s10;
	s1 =	sadd.s32 s1, s20  }
0x10: {  	s23 =	sadd.s32 s18, s6;
	s24 =	sshrl.u32 s22, $0x3;
	s25 =	smax.u32 s9, $0x1  }
0x11: {  	s17 =	sshrl.u32 s21, $0x3;
	s18 =	simm.s32 $0x30;
	s20 =	simm.s32 $0x6800  }
0x12: {  	s21 =	simm.s32 $0x60;
	s22 =	simm.s32 $0x8000;
	s8 =	sadd.s32 s5, s0  }
0x13: {  	s5 =	sadd.s32 $0x7A00, s0;
	s0 =	sadd.s32 $0x72200, s0;
	s1 =	sor.u32 s3, s1  }
0x14: {  	s3 =	sshrl.u32 s23, $0x3;
	[dreg:$0x8] =	wrdreg s25;
	s23 =	simm.s32 $0x1  }
0x15: {  	s25 =	simm.s32 $0x9800;
	s8 =	sadd.s32 $0x59200, s8;
	s1 =	sshrl.u32 s1, $0x3  }
0x16: {  	s6 =	sadd.s32 s0, s24;
	s0 =	sadd.s32 s0, s3;
	[dreg:$0x3] =	wrdreg s8  }
0x17: {  	s24 =	simm.s32 $0x90;
	s3 =	simm.s32 $0x8;
	[dreg:$0x5] =	wrdreg s6  }
0x18: {  	s8 =	sshrl.u32 s19, $0x3;
	s1 =	sadd.s32 s7, s1;
	[dreg:$0x7] =	wrdreg s0  }
0x19: {  	s19 =	simm.s32 $0x5000;
	s0 =	simm.s32 $0x4;
	s6 =	simm.s32 $0x4F60  }
0x1a: {  	s8 =	sadd.s32 s7, s8;
	[dreg:$0x6] =	wrdreg s1;
	s1 =	simm.s32 $0x7  }
0x1b: {  	s7 =	simm.s32 $0x4F90;
	[dreg:$0x4] =	wrdreg s8;
	s8 =	simm.s32 $0x0  }
.LBB2_1:
0x1c: {  	s9 =	rddreg [dreg:$0x3]  }
0x1d: {  	[tilespmem:s14], [sflag:$0x9] =	stream.strided.gather [hbm4b:s9+s12], $0x2800, s13, s12, $0x38;
	[tilespmem:$0x1EC00] =	vst v63  }
0x1e: {  	_ =	swait.ge [sflag:s15], $0x2800  }
0x1f: {  	[sflag:s15] =	ssyncset.done $0x0  }
0x20: {  	s11 =	simm.s32 $0x0;
	s10 =	rddreg [dreg:$0x4];
	[sflag:s15] =	ssyncadd.s32 $0xFFFFD800  }
0x21: {  	[tilespmem:s11], [sflag:$0x9] =	stream.strided.gather [hbm4b:s10+s12], $0x2800, s13, s12, $0x38;
	[tilespmem:$0x1EC00] =	vst v63  }
0x22: {  	_ =	swait.ge [sflag:s15], $0x2800  }
0x23: {  	[sflag:s15] =	ssyncset.done $0x0  }
0x24: {  	[sflag:s15] =	ssyncadd.s32 $0xFFFFD800  }
0x25: {  	[spmem:s17], [sflag:s16] =	dma.local [hbm:s5], $0x2780  }
0x26: {  	_ =	swait.ge [sflag:s15], $0x2780  }
0x27: {  	[sflag:s15] =	ssyncset.done $0x0  }
0x28: {  	[sflag:s15] =	ssyncadd.s32 $0xFFFFD880  }
0x29: {  	[bflag:$0x0] =	sbarrier.arrive $0xFFFF  }
0x2a: {  	[tilespmem:s19], [sflag:$0x1] =	stream.indirect.gather [hbm4b:s4+s18], $0x80, s11, s18, $0xb8;
	[tilespmem:$0x1EC00] =	vst v63  }
0x2b: {  	_ = 	snop  }
0x2c: {  	[tilespmem:s20], [sflag:$0x2] =	stream.indirect.gather [hbm4b:s4+s18], $0x80, s18, s18, $0xb8;
	[tilespmem:$0x1EC00] =	vst v63  }
0x2d: {  	_ = 	snop  }
0x2e: {  	[tilespmem:s22], [sflag:$0x3] =	stream.indirect.gather [hbm4b:s4+s18], $0x80, s21, s18, $0xb8;
	[tilespmem:$0x1EC00] =	vst v63  }
0x2f: {  	_ =	swait.ge [sflag:s23], $0x1800  }
0x30: {  	[sflag:s23] =	ssyncset.done $0x0  }
0x31: {  	[sflag:s23] =	ssyncadd.s32 $0xFFFFE800  }
0x32: {  	[spmem:s2] =	stream.indirect.scatter.add.f32 [tilespmem:s19], [sflag:$0x5], $0x80, s14, s18, $0xb8;
	[tilespmem:$0x1EC00] =	vst v63  }
0x33: {  	_ = 	snop  }
0x34: {  	[tilespmem:s25], [sflag:$0x4] =	stream.indirect.gather [hbm4b:s4+s18], $0x80, s24, s18, $0xb8;
	[tilespmem:$0x1EC00] =	vst v63  }
0x35: {  	_ =	swait.ge [sflag:s26], $0x1800  }
0x36: {  	[sflag:s26] =	ssyncset.done $0x0  }
0x37: {  	[sflag:s26] =	ssyncadd.s32 $0xFFFFE800  }
0x38: {  	[spmem:s2] =	stream.indirect.scatter.add.f32 [tilespmem:s20], [sflag:$0x6], $0x80, s28, s18, $0xb8;
	[tilespmem:$0x1EC00] =	vst v63  }
0x39: {  	_ =	swait.ge [sflag:s29], $0x1800  }
0x3a: {  	[sflag:s29] =	ssyncset.done $0x0  }
0x3b: {  	s11 =	simm.s32 $0xC0;
	[sflag:s29] =	ssyncadd.s32 $0xFFFFE800  }
0x3c: {  	[tilespmem:s19], [sflag:$0x1] =	stream.indirect.gather [hbm4b:s4+s18], $0x80, s11, s18, $0xb8;
	[tilespmem:$0x1EC00] =	vst v63  }
0x3d: {  	_ =	swait.ge [sflag:s30], $0x1800  }
0x3e: {  	[sflag:s30] =	ssyncset.done $0x0  }
0x3f: {  	s10 =	simm.s32 $0x2860;
	[sflag:s30] =	ssyncadd.s32 $0xFFFFE800  }
0x40: {  	[spmem:s2] =	stream.indirect.scatter.add.f32 [tilespmem:s22], [sflag:$0x7], $0x80, s10, s18, $0xb8;
	[tilespmem:$0x1EC00] =	vst v63  }
0x41: {  	_ =	swait.ge [sflag:s31], $0x1800  }
0x42: {  	[sflag:s31] =	ssyncset.done $0x0  }
0x43: {  	s11 =	simm.s32 $0xF0;
	[sflag:s31] =	ssyncadd.s32 $0xFFFFE800  }
0x44: {  	[tilespmem:s20], [sflag:$0x2] =	stream.indirect.gather [hbm4b:s4+s18], $0x80, s11, s18, $0xb8;
	[tilespmem:$0x1EC00] =	vst v63  }
0x45: {  	_ =	swait.ge [sflag:s0], $0x1800  }
0x46: {  	[sflag:s0] =	ssyncset.done $0x0  }
0x47: {  	s10 =	simm.s32 $0x2890;
	[sflag:s0] =	ssyncadd.s32 $0xFFFFE800  }
0x48: {  	[spmem:s2] =	stream.indirect.scatter.add.f32 [tilespmem:s25], [sflag:$0x8], $0x80, s10, s18, $0xb8;
	[tilespmem:$0x1EC00] =	vst v63  }
0x49: {  	_ =	swait.ge [sflag:s1], $0x1800  }
0x4a: {  	[sflag:s1] =	ssyncset.done $0x0  }
0x4b: {  	s11 =	simm.s32 $0x120;
	[sflag:s1] =	ssyncadd.s32 $0xFFFFE800  }
0x4c: {  	[tilespmem:s22], [sflag:$0x3] =	stream.indirect.gather [hbm4b:s4+s18], $0x80, s11, s18, $0xb8;
	[tilespmem:$0x1EC00] =	vst v63  }
0x4d: {  	_ =	swait.ge [sflag:s23], $0x1800  }
0x4e: {  	[sflag:s23] =	ssyncset.done $0x0  }
0x4f: {  	s10 =	simm.s32 $0x28C0;
	[sflag:s23] =	ssyncadd.s32 $0xFFFFE800  }
0x50: {  	[spmem:s2] =	stream.indirect.scatter.add.f32 [tilespmem:s19], [sflag:$0x5], $0x80, s10, s18, $0xb8;
	[tilespmem:$0x1EC00] =	vst v63  }
0x51: {  	_ =	swait.ge [sflag:s3], $0x1800  }
0x52: {  	[sflag:s3] =	ssyncset.done $0x0  }
0x53: {  	s11 =	simm.s32 $0x150;
	[sflag:s3] =	ssyncadd.s32 $0xFFFFE800  }
0x54: {  	[tilespmem:s25], [sflag:$0x4] =	stream.indirect.gather [hbm4b:s4+s18], $0x80, s11, s18, $0xb8;
	[tilespmem:$0x1EC00] =	vst v63  }
0x55: {  	_ =	swait.ge [sflag:s26], $0x1800  }
0x56: {  	[sflag:s26] =	ssyncset.done $0x0  }
0x57: {  	s9 =	simm.s32 $0x300;
	s10 =	simm.s32 $0x28F0;
	[sflag:s26] =	ssyncadd.s32 $0xFFFFE800  }
.LBB2_2:
0x58: {  	[spmem:s2] =	stream.indirect.scatter.add.f32 [tilespmem:s20], [sflag:$0x6], $0x80, s10, s18, $0xb8;
	[tilespmem:$0x1EC00] =	vst v63  }
0x59: {  	s10 =	smov.u32 s9  }
0x5a: {  	p0 =	sne.s32 s9, $0x9900;
	s9 =	sadd.s32 $0x300, s9;
	_ =	swait.ge [sflag:s29], $0x1800  }
0x5b: {  	s10 =	sshra.s32 s10, $0x2;
	[sflag:s29] =	ssyncset.done $0x0  }
0x5c: {  	s11 =	sadd.s32 $0xC0, s10;
	[sflag:s29] =	ssyncadd.s32 $0xFFFFE800  }
0x5d: {  	[tilespmem:s19], [sflag:$0x1] =	stream.indirect.gather [hbm4b:s4+s18], $0x80, s11, s18, $0xb8;
	[tilespmem:$0x1EC00] =	vst v63  }
0x5e: {  	_ =	swait.ge [sflag:s30], $0x1800  }
0x5f: {  	[sflag:s30] =	ssyncset.done $0x0  }
0x60: {  	s11 =	sadd.s32 $0x2860, s10;
	[sflag:s30] =	ssyncadd.s32 $0xFFFFE800  }
0x61: {  	[spmem:s2] =	stream.indirect.scatter.add.f32 [tilespmem:s22], [sflag:$0x7], $0x80, s11, s18, $0xb8;
	[tilespmem:$0x1EC00] =	vst v63  }
0x62: {  	_ =	swait.ge [sflag:s31], $0x1800  }
0x63: {  	[sflag:s31] =	ssyncset.done $0x0  }
0x64: {  	s11 =	sadd.s32 $0xF0, s10;
	[sflag:s31] =	ssyncadd.s32 $0xFFFFE800  }
0x65: {  	[tilespmem:s20], [sflag:$0x2] =	stream.indirect.gather [hbm4b:s4+s18], $0x80, s11, s18, $0xb8;
	[tilespmem:$0x1EC00] =	vst v63  }
0x66: {  	_ =	swait.ge [sflag:s0], $0x1800  }
0x67: {  	[sflag:s0] =	ssyncset.done $0x0  }
0x68: {  	s11 =	sadd.s32 $0x2890, s10;
	[sflag:s0] =	ssyncadd.s32 $0xFFFFE800  }
0x69: {  	[spmem:s2] =	stream.indirect.scatter.add.f32 [tilespmem:s25], [sflag:$0x8], $0x80, s11, s18, $0xb8;
	[tilespmem:$0x1EC00] =	vst v63  }
0x6a: {  	_ =	swait.ge [sflag:s1], $0x1800  }
0x6b: {  	[sflag:s1] =	ssyncset.done $0x0  }
0x6c: {  	s11 =	sadd.s32 $0x120, s10;
	[sflag:s1] =	ssyncadd.s32 $0xFFFFE800  }
0x6d: {  	[tilespmem:s22], [sflag:$0x3] =	stream.indirect.gather [hbm4b:s4+s18], $0x80, s11, s18, $0xb8;
	[tilespmem:$0x1EC00] =	vst v63  }
0x6e: {  	_ =	swait.ge [sflag:s23], $0x1800  }
0x6f: {  	[sflag:s23] =	ssyncset.done $0x0  }
0x70: {  	s11 =	sadd.s32 $0x28C0, s10;
	[sflag:s23] =	ssyncadd.s32 $0xFFFFE800  }
0x71: {  	[spmem:s2] =	stream.indirect.scatter.add.f32 [tilespmem:s19], [sflag:$0x5], $0x80, s11, s18, $0xb8;
	[tilespmem:$0x1EC00] =	vst v63  }
0x72: {  	_ =	swait.ge [sflag:s3], $0x1800  }
0x73: {  	[sflag:s3] =	ssyncset.done $0x0  }
.Ltmp0:
0x74: {  	s11 =	sadd.s32 $0x150, s10;
	[sflag:s3] =	ssyncadd.s32 $0xFFFFE800;
	(pc) =	sbr.rel @p0 .LBB2_2-.Ltmp0, $4  }
0x75: {  	[tilespmem:s25], [sflag:$0x4] =	stream.indirect.gather [hbm4b:s4+s18], $0x80, s11, s18, $0xb8;
	[tilespmem:$0x1EC00] =	vst v63  }
0x76: {  	_ =	swait.ge [sflag:s26], $0x1800  }
0x77: {  	[sflag:s26] =	ssyncset.done $0x0  }
0x78: {  	s10 =	sadd.s32 $0x28F0, s10;
	[sflag:s26] =	ssyncadd.s32 $0xFFFFE800  }
0x79: {  	[spmem:s2] =	stream.indirect.scatter.add.f32 [tilespmem:s20], [sflag:$0x6], $0x80, s10, s18, $0xb8;
	[tilespmem:$0x1EC00] =	vst v63  }
0x7a: {  	_ =	swait.ge [sflag:s30], $0x1800  }
0x7b: {  	[sflag:s30] =	ssyncset.done $0x0  }
0x7c: {  	[sflag:s30] =	ssyncadd.s32 $0xFFFFE800  }
0x7d: {  	[spmem:s2] =	stream.indirect.scatter.add.f32 [tilespmem:s22], [sflag:$0x7], $0x80, s6, s18, $0xb8;
	[tilespmem:$0x1EC00] =	vst v63  }
0x7e: {  	_ =	swait.ge [sflag:s0], $0x1800  }
0x7f: {  	[sflag:s0] =	ssyncset.done $0x0  }
0x80: {  	[sflag:s0] =	ssyncadd.s32 $0xFFFFE800  }
0x81: {  	[spmem:s2] =	stream.indirect.scatter.add.f32 [tilespmem:s25], [sflag:$0x8], $0x80, s7, s18, $0xb8;
	[tilespmem:$0x1EC00] =	vst v63  }
0x82: {  	_ =	swait.ge [sflag:s29], $0x1800  }
0x83: {  	[sflag:s29] =	ssyncset.done $0x0  }
0x84: {  	[sflag:s29] =	ssyncadd.s32 $0xFFFFE800  }
0x85: {  	_ =	swait.ge [sflag:s31], $0x1800  }
0x86: {  	[sflag:s31] =	ssyncset.done $0x0  }
0x87: {  	[sflag:s31] =	ssyncadd.s32 $0xFFFFE800  }
0x88: {  	_ =	swait.ge [sflag:s1], $0x1800  }
0x89: {  	[sflag:s1] =	ssyncset.done $0x0  }
0x8a: {  	[sflag:s1] =	ssyncadd.s32 $0xFFFFE800  }
0x8b: {  	_ =	swait.ge [sflag:s3], $0x1800  }
0x8c: {  	[sflag:s3] =	ssyncset.done $0x0  }
0x8d: {  	[sflag:s3] =	ssyncadd.s32 $0xFFFFE800  }
0x8e: {  	[bflag:$0x0] =	sbarrier.arrive $0xFFFF  }
0x8f: {  	s9 =	rddreg [dreg:$0x5]  }
0x90: {  	[hbm:s9], [sflag:s16] =	dma.local [spmem:s17], $0x2780  }
0x91: {  	_ =	swait.ge [sflag:s15], $0x2780  }
0x92: {  	[sflag:s15] =	ssyncset.done $0x0  }
0x93: {  	[sflag:s15] =	ssyncadd.s32 $0xFFFFD880  }
0x94: {  	[bflag:$0x0] =	sbarrier.arrive $0xFFFF  }
0x95: {  	s9 =	simm.s32 $0x0;
	s11 =	rddreg [dreg:$0x6]  }
0x96: {  	[tilespmem:s9], [sflag:$0x9] =	stream.strided.gather [hbm4b:s11+s12], $0x2800, s13, s12, $0x38;
	[tilespmem:$0x1EC00] =	vst v63  }
0x97: {  	_ =	swait.ge [sflag:s15], $0x2800  }
0x98: {  	[sflag:s15] =	ssyncset.done $0x0  }
0x99: {  	[sflag:s15] =	ssyncadd.s32 $0xFFFFD800  }
0x9a: {  	[spmem:s17], [sflag:s16] =	dma.local [hbm:s5], $0x2780  }
0x9b: {  	_ =	swait.ge [sflag:s15], $0x2780  }
0x9c: {  	[sflag:s15] =	ssyncset.done $0x0  }
0x9d: {  	[sflag:s15] =	ssyncadd.s32 $0xFFFFD880  }
0x9e: {  	[bflag:$0x0] =	sbarrier.arrive $0xFFFF  }
0x9f: {  	[tilespmem:s19], [sflag:$0x1] =	stream.indirect.gather [hbm4b:s4+s18], $0x80, s9, s18, $0xb8;
	[tilespmem:$0x1EC00] =	vst v63  }
0xa0: {  	_ = 	snop  }
0xa1: {  	[tilespmem:s20], [sflag:$0x2] =	stream.indirect.gather [hbm4b:s4+s18], $0x80, s18, s18, $0xb8;
	[tilespmem:$0x1EC00] =	vst v63  }
0xa2: {  	_ = 	snop  }
0xa3: {  	[tilespmem:s22], [sflag:$0x3] =	stream.indirect.gather [hbm4b:s4+s18], $0x80, s21, s18, $0xb8;
	[tilespmem:$0x1EC00] =	vst v63  }
0xa4: {  	_ =	swait.ge [sflag:s23], $0x1800  }
0xa5: {  	[sflag:s23] =	ssyncset.done $0x0  }
0xa6: {  	[sflag:s23] =	ssyncadd.s32 $0xFFFFE800  }
0xa7: {  	[spmem:s2] =	stream.indirect.scatter.add.f32 [tilespmem:s19], [sflag:$0x5], $0x80, s14, s18, $0xb8;
	[tilespmem:$0x1EC00] =	vst v63  }
0xa8: {  	_ = 	snop  }
0xa9: {  	[tilespmem:s25], [sflag:$0x4] =	stream.indirect.gather [hbm4b:s4+s18], $0x80, s24, s18, $0xb8;
	[tilespmem:$0x1EC00] =	vst v63  }
0xaa: {  	_ =	swait.ge [sflag:s26], $0x1800  }
0xab: {  	[sflag:s26] =	ssyncset.done $0x0  }
0xac: {  	[sflag:s26] =	ssyncadd.s32 $0xFFFFE800  }
0xad: {  	[spmem:s2] =	stream.indirect.scatter.add.f32 [tilespmem:s20], [sflag:$0x6], $0x80, s28, s18, $0xb8;
	[tilespmem:$0x1EC00] =	vst v63  }
0xae: {  	_ =	swait.ge [sflag:s29], $0x1800  }
0xaf: {  	[sflag:s29] =	ssyncset.done $0x0  }
0xb0: {  	s11 =	simm.s32 $0xC0;
	[sflag:s29] =	ssyncadd.s32 $0xFFFFE800  }
0xb1: {  	[tilespmem:s19], [sflag:$0x1] =	stream.indirect.gather [hbm4b:s4+s18], $0x80, s11, s18, $0xb8;
	[tilespmem:$0x1EC00] =	vst v63  }
0xb2: {  	_ =	swait.ge [sflag:s30], $0x1800  }
0xb3: {  	[sflag:s30] =	ssyncset.done $0x0  }
0xb4: {  	s10 =	simm.s32 $0x2860;
	[sflag:s30] =	ssyncadd.s32 $0xFFFFE800  }
0xb5: {  	[spmem:s2] =	stream.indirect.scatter.add.f32 [tilespmem:s22], [sflag:$0x7], $0x80, s10, s18, $0xb8;
	[tilespmem:$0x1EC00] =	vst v63  }
0xb6: {  	_ =	swait.ge [sflag:s31], $0x1800  }
0xb7: {  	[sflag:s31] =	ssyncset.done $0x0  }
0xb8: {  	s11 =	simm.s32 $0xF0;
	[sflag:s31] =	ssyncadd.s32 $0xFFFFE800  }
0xb9: {  	[tilespmem:s20], [sflag:$0x2] =	stream.indirect.gather [hbm4b:s4+s18], $0x80, s11, s18, $0xb8;
	[tilespmem:$0x1EC00] =	vst v63  }
0xba: {  	_ =	swait.ge [sflag:s0], $0x1800  }
0xbb: {  	[sflag:s0] =	ssyncset.done $0x0  }
0xbc: {  	s10 =	simm.s32 $0x2890;
	[sflag:s0] =	ssyncadd.s32 $0xFFFFE800  }
0xbd: {  	[spmem:s2] =	stream.indirect.scatter.add.f32 [tilespmem:s25], [sflag:$0x8], $0x80, s10, s18, $0xb8;
	[tilespmem:$0x1EC00] =	vst v63  }
0xbe: {  	_ =	swait.ge [sflag:s1], $0x1800  }
0xbf: {  	[sflag:s1] =	ssyncset.done $0x0  }
0xc0: {  	s11 =	simm.s32 $0x120;
	[sflag:s1] =	ssyncadd.s32 $0xFFFFE800  }
0xc1: {  	[tilespmem:s22], [sflag:$0x3] =	stream.indirect.gather [hbm4b:s4+s18], $0x80, s11, s18, $0xb8;
	[tilespmem:$0x1EC00] =	vst v63  }
0xc2: {  	_ =	swait.ge [sflag:s23], $0x1800  }
0xc3: {  	[sflag:s23] =	ssyncset.done $0x0  }
0xc4: {  	s10 =	simm.s32 $0x28C0;
	[sflag:s23] =	ssyncadd.s32 $0xFFFFE800  }
0xc5: {  	[spmem:s2] =	stream.indirect.scatter.add.f32 [tilespmem:s19], [sflag:$0x5], $0x80, s10, s18, $0xb8;
	[tilespmem:$0x1EC00] =	vst v63  }
0xc6: {  	_ =	swait.ge [sflag:s3], $0x1800  }
0xc7: {  	[sflag:s3] =	ssyncset.done $0x0  }
0xc8: {  	s11 =	simm.s32 $0x150;
	[sflag:s3] =	ssyncadd.s32 $0xFFFFE800  }
0xc9: {  	[tilespmem:s25], [sflag:$0x4] =	stream.indirect.gather [hbm4b:s4+s18], $0x80, s11, s18, $0xb8;
	[tilespmem:$0x1EC00] =	vst v63  }
0xca: {  	_ =	swait.ge [sflag:s26], $0x1800  }
0xcb: {  	[sflag:s26] =	ssyncset.done $0x0  }
0xcc: {  	s9 =	simm.s32 $0x300;
	s10 =	simm.s32 $0x28F0;
	[sflag:s26] =	ssyncadd.s32 $0xFFFFE800  }
.LBB2_4:
0xcd: {  	[spmem:s2] =	stream.indirect.scatter.add.f32 [tilespmem:s20], [sflag:$0x6], $0x80, s10, s18, $0xb8;
	[tilespmem:$0x1EC00] =	vst v63  }
0xce: {  	s10 =	smov.u32 s9  }
0xcf: {  	p0 =	sne.s32 s9, $0x9900;
	s9 =	sadd.s32 $0x300, s9;
	_ =	swait.ge [sflag:s29], $0x1800  }
0xd0: {  	s10 =	sshra.s32 s10, $0x2;
	[sflag:s29] =	ssyncset.done $0x0  }
0xd1: {  	s11 =	sadd.s32 $0xC0, s10;
	[sflag:s29] =	ssyncadd.s32 $0xFFFFE800  }
0xd2: {  	[tilespmem:s19], [sflag:$0x1] =	stream.indirect.gather [hbm4b:s4+s18], $0x80, s11, s18, $0xb8;
	[tilespmem:$0x1EC00] =	vst v63  }
0xd3: {  	_ =	swait.ge [sflag:s30], $0x1800  }
0xd4: {  	[sflag:s30] =	ssyncset.done $0x0  }
0xd5: {  	s11 =	sadd.s32 $0x2860, s10;
	[sflag:s30] =	ssyncadd.s32 $0xFFFFE800  }
0xd6: {  	[spmem:s2] =	stream.indirect.scatter.add.f32 [tilespmem:s22], [sflag:$0x7], $0x80, s11, s18, $0xb8;
	[tilespmem:$0x1EC00] =	vst v63  }
0xd7: {  	_ =	swait.ge [sflag:s31], $0x1800  }
0xd8: {  	[sflag:s31] =	ssyncset.done $0x0  }
0xd9: {  	s11 =	sadd.s32 $0xF0, s10;
	[sflag:s31] =	ssyncadd.s32 $0xFFFFE800  }
0xda: {  	[tilespmem:s20], [sflag:$0x2] =	stream.indirect.gather [hbm4b:s4+s18], $0x80, s11, s18, $0xb8;
	[tilespmem:$0x1EC00] =	vst v63  }
0xdb: {  	_ =	swait.ge [sflag:s0], $0x1800  }
0xdc: {  	[sflag:s0] =	ssyncset.done $0x0  }
0xdd: {  	s11 =	sadd.s32 $0x2890, s10;
	[sflag:s0] =	ssyncadd.s32 $0xFFFFE800  }
0xde: {  	[spmem:s2] =	stream.indirect.scatter.add.f32 [tilespmem:s25], [sflag:$0x8], $0x80, s11, s18, $0xb8;
	[tilespmem:$0x1EC00] =	vst v63  }
0xdf: {  	_ =	swait.ge [sflag:s1], $0x1800  }
0xe0: {  	[sflag:s1] =	ssyncset.done $0x0  }
0xe1: {  	s11 =	sadd.s32 $0x120, s10;
	[sflag:s1] =	ssyncadd.s32 $0xFFFFE800  }
0xe2: {  	[tilespmem:s22], [sflag:$0x3] =	stream.indirect.gather [hbm4b:s4+s18], $0x80, s11, s18, $0xb8;
	[tilespmem:$0x1EC00] =	vst v63  }
0xe3: {  	_ =	swait.ge [sflag:s23], $0x1800  }
0xe4: {  	[sflag:s23] =	ssyncset.done $0x0  }
0xe5: {  	s11 =	sadd.s32 $0x28C0, s10;
	[sflag:s23] =	ssyncadd.s32 $0xFFFFE800  }
0xe6: {  	[spmem:s2] =	stream.indirect.scatter.add.f32 [tilespmem:s19], [sflag:$0x5], $0x80, s11, s18, $0xb8;
	[tilespmem:$0x1EC00] =	vst v63  }
0xe7: {  	_ =	swait.ge [sflag:s3], $0x1800  }
0xe8: {  	[sflag:s3] =	ssyncset.done $0x0  }
.Ltmp1:
0xe9: {  	s11 =	sadd.s32 $0x150, s10;
	[sflag:s3] =	ssyncadd.s32 $0xFFFFE800;
	(pc) =	sbr.rel @p0 .LBB2_4-.Ltmp1, $4  }
0xea: {  	[tilespmem:s25], [sflag:$0x4] =	stream.indirect.gather [hbm4b:s4+s18], $0x80, s11, s18, $0xb8;
	[tilespmem:$0x1EC00] =	vst v63  }
0xeb: {  	_ =	swait.ge [sflag:s26], $0x1800  }
0xec: {  	[sflag:s26] =	ssyncset.done $0x0  }
0xed: {  	s10 =	sadd.s32 $0x28F0, s10;
	[sflag:s26] =	ssyncadd.s32 $0xFFFFE800  }
0xee: {  	[spmem:s2] =	stream.indirect.scatter.add.f32 [tilespmem:s20], [sflag:$0x6], $0x80, s10, s18, $0xb8;
	[tilespmem:$0x1EC00] =	vst v63  }
0xef: {  	_ =	swait.ge [sflag:s30], $0x1800  }
0xf0: {  	[sflag:s30] =	ssyncset.done $0x0  }
0xf1: {  	[sflag:s30] =	ssyncadd.s32 $0xFFFFE800  }
0xf2: {  	[spmem:s2] =	stream.indirect.scatter.add.f32 [tilespmem:s22], [sflag:$0x7], $0x80, s6, s18, $0xb8;
	[tilespmem:$0x1EC00] =	vst v63  }
0xf3: {  	_ =	swait.ge [sflag:s0], $0x1800  }
0xf4: {  	[sflag:s0] =	ssyncset.done $0x0  }
0xf5: {  	[sflag:s0] =	ssyncadd.s32 $0xFFFFE800  }
0xf6: {  	[spmem:s2] =	stream.indirect.scatter.add.f32 [tilespmem:s25], [sflag:$0x8], $0x80, s7, s18, $0xb8;
	[tilespmem:$0x1EC00] =	vst v63  }
0xf7: {  	_ =	swait.ge [sflag:s29], $0x1800  }
0xf8: {  	[sflag:s29] =	ssyncset.done $0x0  }
0xf9: {  	[sflag:s29] =	ssyncadd.s32 $0xFFFFE800  }
0xfa: {  	_ =	swait.ge [sflag:s31], $0x1800  }
0xfb: {  	[sflag:s31] =	ssyncset.done $0x0  }
0xfc: {  	[sflag:s31] =	ssyncadd.s32 $0xFFFFE800  }
0xfd: {  	_ =	swait.ge [sflag:s1], $0x1800  }
0xfe: {  	[sflag:s1] =	ssyncset.done $0x0  }
0xff: {  	[sflag:s1] =	ssyncadd.s32 $0xFFFFE800  }
0x100: {  	_ =	swait.ge [sflag:s3], $0x1800  }
0x101: {  	[sflag:s3] =	ssyncset.done $0x0  }
0x102: {  	[sflag:s3] =	ssyncadd.s32 $0xFFFFE800  }
0x103: {  	[bflag:$0x0] =	sbarrier.arrive $0xFFFF  }
0x104: {  	s9 =	rddreg [dreg:$0x7]  }
0x105: {  	[hbm:s9], [sflag:s16] =	dma.local [spmem:s17], $0x2780  }
0x106: {  	_ =	swait.ge [sflag:s15], $0x2780  }
0x107: {  	s8 =	sadd.s32 $0x1, s8;
	s11 =	rddreg [dreg:$0x8]  }
0x108: {  	p0 =	sne.s32 s8, s11  }
.Ltmp2:
0x109: {  	_ = 	snop;
	(pc) =	sbr.rel @p0 .LBB2_1-.Ltmp2, $3  }
0x10a: {  	_ =	sdelay $0x1  }
0x10b: {  	[sflag:s15] =	ssyncset.done $0x0  }
0x10c: {  	[sflag:s15] =	ssyncadd.s32 $0xFFFFD880  }
0x10d: {  	_ =	sfence.sel $0x180000  }
0x10e: {  	[bflag:$0x0] =	sbarrier.arrive $0xFFFF  }
0x10f: {  	_ =	strace $0x90000050  }
0x110: {  	s0 =	stileid.u32;
	[bflag:$0x2] =	sbarrier.arrive $0xFFFF  }
0x111: {  	p0 =	sne.s32 s0, $0x0;
	s0 =	rddreg [dreg:$0x2]  }
0x112: {  	s0 =	sadd.s32 @!p0 $0x100000, s0  }
0x113: {  	[sflag:s0] =	ssyncadd.tile.s32 @!p0 $0x1;
	_ =	shalt  }
.Lfunc_end2:
_tile_overlayer_lowered:
.L_overlay_start_2:
0x114: {  	(tag) =	ssettag $0x2  }
0x115: {  	s0 =	rddreg [dreg:$0x0];
	s2 =	stileid.u32  }
0x116: {  	s1 =	rddreg [dreg:$0x1];
	p0 =	sne.s32 s2, $0x0  }
0x117: {  	s3 =	rddreg [dreg:$0x2];
	[bflag:$0x3] =	sbarrier.arrive $0xFFFF;
	s2 =	simm.s32 @!p0 $0x1C09  }
0x118: {  	[timem:s3], [sflag:s2] =	dma.local @!p0 [hbm:s0], s1  }
0x119: {  	s0 =	simm.s32 @!p0 $0x9  }
0x11a: {  	_ =	swait.ge @!p0 [sflag:s0], s1  }
0x11b: {  	s1 =	ssub.s32 @!p0 $0x0, s1;
	[sflag:s0] =	ssyncset.done @!p0 $0x0  }
0x11c: {  	[sflag:s0] =	ssyncadd.s32 @!p0 s1  }
0x11d: {  	[bflag:$0x3] =	sbarrier.arrive $0xFFFF  }
0x11e: {  	_ =	shalt  }

</sc_bundles>
